<compile_context>
chip_gen: v7x
topology: tpu7x:2x2x1
jax: 0.10.2.dev20260603
libtpu: 0.0.44.dev20260713+nightly
codegen_flags: <defaults>
</compile_context>

<pallas_src>
import functools
import numpy as np
import jax
import jax.numpy as jnp
from jax import lax
from jax.experimental import pallas as pl
from jax.experimental.pallas import tpu as pltpu
from jax.experimental.pallas import tpu_sc as plsc

_MASKING_RATE = 0.4
_MSK_SCALAR = 0.0
_CHUNK = 256
_SC_WORKERS = 32
_SC_ROWS_PER_CHUNK = 16


def _mask_kernel(n_mask, r_ref, m_ref, k16_ref):
    i = pl.program_id(0)
    t = r_ref.shape[1]
    r = r_ref[0, :]
    rows = r_ref[0, pl.ds(i * _CHUNK, _CHUNK)]
    rj = r[None, :]
    rt = rows[:, None]
    jidx = lax.broadcasted_iota(jnp.int32, (_CHUNK, t), 1)
    tidx = i * _CHUNK + lax.broadcasted_iota(jnp.int32, (_CHUNK, t), 0)
    before = (rj < rt) | ((rj == rt) & (jidx < tidx))
    ranks = jnp.sum(before.astype(jnp.int32), axis=1, keepdims=True)
    masked = ranks < n_mask
    keep = jnp.where(masked, 0.0, 1.0)
    m_ref[0, :] = 1.0 - keep[:, 0]
    k16_ref[...] = jnp.broadcast_to(keep, (_CHUNK, 16))


def _tc_select_kernel(n_mask, r_ref, x1_ref, x2_ref, o1_ref, o2_ref):
    ti = pl.program_id(1)
    t = r_ref.shape[1]
    tb = x1_ref.shape[1]
    r = r_ref[0, :]
    rows = r_ref[0, pl.ds(ti * tb, tb)]
    rj = r[None, :]
    rt = rows[:, None]
    jidx = lax.broadcasted_iota(jnp.int32, (tb, t), 1)
    tidx = ti * tb + lax.broadcasted_iota(jnp.int32, (tb, t), 0)
    before = (rj < rt) | ((rj == rt) & (jidx < tidx))
    ranks = jnp.sum(before.astype(jnp.int32), axis=1, keepdims=True)
    masked = ranks < n_mask
    o1_ref[0] = jnp.where(masked, _MSK_SCALAR, x1_ref[0])
    o2_ref[0] = jnp.where(masked, _MSK_SCALAR, x2_ref[0])


def _sc_select_body(n_rows, t, f, x_ref, k16_ref, o_ref,
                    xin0, xin1, xout0, xout1, kbuf,
                    si0, si1, so0, so1):
    cc = lax.axis_index("c")
    ss = lax.axis_index("s")
    wid = ss * 2 + cc
    rpw = n_rows // _SC_WORKERS
    c = _SC_ROWS_PER_CHUNK
    nchunks = rpw // c
    base_row = wid * rpw
    t0 = lax.rem(base_row, t)
    pltpu.sync_copy(k16_ref.at[pl.ds(t0 * 16, rpw * 16)], kbuf)

    xins = (xin0, xin1)
    xouts = (xout0, xout1)
    sis = (si0, si1)
    sos = (so0, so1)

    def fill(g, b):
        return pltpu.make_async_copy(
            x_ref.at[pl.ds(base_row + g * c, c), :], xins[b], sis[b])

    def drain(g, b):
        return pltpu.make_async_copy(
            xouts[b], o_ref.at[pl.ds(base_row + g * c, c), :], sos[b])

    def compute(g, b):
        xin = xins[b]
        xout = xouts[b]

        def row_body(i2, carry):
            kv = kbuf[pl.ds((g * c + i2) * 16, 16)]
            for p in range(f // 16):
                xout[i2, pl.ds(p * 16, 16)] = xin[i2, pl.ds(p * 16, 16)] * kv
            return carry

        lax.fori_loop(0, c, row_body, 0)

    fill(0, 0).start()
    fill(1, 1).start()
    for b in range(2):
        fill(b, b).wait()
        compute(b, b)
        drain(b, b).start()
        fill(b + 2, b).start()

    def outer(g2, carry):
        for b in range(2):
            g = g2 * 2 + b
            fill(g, b).wait()
            drain(g - 2, b).wait()
            compute(g, b)
            drain(g, b).start()

            @pl.when(g + 2 < nchunks)
            def _():
                fill(g + 2, b).start()

        return carry

    lax.fori_loop(1, nchunks // 2, outer, 0)
    drain(nchunks - 2, 0).wait()
    drain(nchunks - 1, 1).wait()


def kernel(x_tre, x_sea, x_res):
    b, t, f = x_tre.shape
    n_mask = int(np.ceil(t * _MASKING_RATE))
    rk = jax.random.key(42)
    r = jax.random.uniform(rk, (t,), minval=0.0, maxval=1.0)

    mask, keep16 = pl.pallas_call(
        functools.partial(_mask_kernel, n_mask),
        grid=(t // _CHUNK,),
        in_specs=[pl.BlockSpec((1, t), lambda i: (0, 0))],
        out_specs=[pl.BlockSpec((1, _CHUNK), lambda i: (0, i)),
                   pl.BlockSpec((_CHUNK, 16), lambda i: (i, 0))],
        out_shape=[jax.ShapeDtypeStruct((1, t), jnp.float32),
                   jax.ShapeDtypeStruct((t, 16), jnp.float32)],
    )(r[None, :])

    n_rows = b * t
    c = _SC_ROWS_PER_CHUNK
    mesh = plsc.VectorSubcoreMesh(core_axis_name="c", subcore_axis_name="s")
    sc_select = pl.kernel(
        functools.partial(_sc_select_body, n_rows, t, f),
        out_type=jax.ShapeDtypeStruct((n_rows, f), jnp.float32),
        mesh=mesh,
        scratch_types=[
            pltpu.VMEM((c, f), jnp.float32),
            pltpu.VMEM((c, f), jnp.float32),
            pltpu.VMEM((c, f), jnp.float32),
            pltpu.VMEM((c, f), jnp.float32),
            pltpu.VMEM((n_rows // _SC_WORKERS * 16,), jnp.float32),
            pltpu.SemaphoreType.DMA,
            pltpu.SemaphoreType.DMA,
            pltpu.SemaphoreType.DMA,
            pltpu.SemaphoreType.DMA,
        ],
        compiler_params=pltpu.CompilerParams(use_tc_tiling_on_sc=True),
        cost_estimate=pl.CostEstimate(
            flops=n_rows * f,
            bytes_accessed=2 * n_rows * f * 4,
            transcendentals=0,
        ),
    )
    z_res = sc_select(x_res.reshape(n_rows, f), keep16.reshape(t * 16))
    z_res = z_res.reshape(b, t, f)

    m = (mask[0] != 0.0)[None, :, None]
    z_tre = jnp.where(m, _MSK_SCALAR, x_tre)
    z_sea = jnp.where(m, _MSK_SCALAR, x_sea)

    return (z_tre, z_sea, z_res, mask[0] != 0.0)

# --- scband reference (transcript-rebuilt; emitter-appended) ---
"""Pipeline reference for scband-patch-masker-17051020165372 (READ-ONLY COPY).

The authoritative reference and input builder live on the scoring server;
editing this copy changes nothing except your own understanding.
"""

import jax, jax.numpy as jnp
import numpy as np

MASKING_RATE = 0.4
MSK_SCALAR = 0.0


def setup_inputs(seed: int = 0) -> dict:
    key = jax.random.key(seed)
    k1, k2, k3 = jax.random.split(key, 3)
    B, T, F = 4, 4096, 1024
    x_tre = jax.random.normal(k1, (B, T, F), dtype=jnp.float32)
    x_sea = jax.random.normal(k2, (B, T, F), dtype=jnp.float32)
    x_res = jax.random.normal(k3, (B, T, F), dtype=jnp.float32)
    return {"x_tre": x_tre, "x_sea": x_sea, "x_res": x_res}


def reference(x_tre, x_sea, x_res):
    T = x_tre.shape[1]
    n_mask = int(np.ceil(T * MASKING_RATE))
    # random patch selection (fixed key stands in for tf.random.uniform inside call)
    rk = jax.random.key(42)
    random_tensor = jax.random.uniform(rk, (T,), minval=0.0, maxval=1.0)
    sorted_indices = jnp.argsort(random_tensor)
    indices_to_mask = sorted_indices[:n_mask]
    z_masks = jnp.zeros((T,), dtype=bool).at[indices_to_mask].set(True)
    # masked replacement tensors (zeros_like + msk_scalar)
    y_tre = jnp.zeros_like(x_tre) + MSK_SCALAR
    y_sea = jnp.zeros_like(x_sea) + MSK_SCALAR
    y_res = jnp.zeros_like(x_res) + MSK_SCALAR
    m = z_masks[None, :, None]
    z_tre = jnp.where(m, y_tre, x_tre)
    z_sea = jnp.where(m, y_sea, x_sea)
    z_res = jnp.where(m, y_res, x_res)
    return (z_tre, z_sea, z_res, z_masks)

if __name__ == "__main__":
    import jax
    _d = setup_inputs()
    print(jax.jit(kernel)(*tuple(_d.values())))

</pallas_src>

<mosaic_0001>
#map = affine_map<(d0, d1) -> (0, 0)>
#map1 = affine_map<(d0, d1) -> (0)>
module attributes {stable_mosaic.version = 14 : i64} {
  func.func @_sc_select_body(%arg0: i32, %arg1: i32, %arg2: memref<16384x1024xf32, #tpu.memory_space<hbm>>, %arg3: memref<65536xf32, #tpu.memory_space<hbm>>, %arg4: memref<16384x1024xf32, #tpu.memory_space<hbm>>, %arg5: memref<16x1024xf32, #tpu.memory_space<vmem>>, %arg6: memref<16x1024xf32, #tpu.memory_space<vmem>>, %arg7: memref<16x1024xf32, #tpu.memory_space<vmem>>, %arg8: memref<16x1024xf32, #tpu.memory_space<vmem>>, %arg9: memref<8192xf32, #tpu.memory_space<vmem>>, %arg10: memref<!tpu.dma_semaphore, #tpu.memory_space<semaphore_mem>>, %arg11: memref<!tpu.dma_semaphore, #tpu.memory_space<semaphore_mem>>, %arg12: memref<!tpu.dma_semaphore, #tpu.memory_space<semaphore_mem>>, %arg13: memref<!tpu.dma_semaphore, #tpu.memory_space<semaphore_mem>>) attributes {dimension_semantics = [#tpu.dimension_semantics<core_parallel>, #tpu.dimension_semantics<subcore_parallel>], iteration_bounds = array<i64: 2, 16>, scalar_prefetch = 0 : i64, scratch_operands = 9 : i64, tpu.core_type = #tpu.core_type<sc_vector_subcore>, window_params = [{transform_indices = #map}, {transform_indices = #map1}, {transform_indices = #map}]} {
    %mul3A = arith.constant 2 : i32
    %mul3A_0 = arith.muli %arg1, %mul3A : i32
    %add3A = arith.addi %mul3A_0, %arg0 : i32
    %mul3A_1 = arith.constant 512 : i32
    %mul3A_2 = arith.muli %add3A, %mul3A_1 : i32
    %rem3A = arith.constant 4096 : i32
    %rem3A_3 = arith.remsi %mul3A_2, %rem3A : i32
    %mul3A_4 = arith.constant 16 : i32
    %mul3A_5 = arith.muli %rem3A_3, %mul3A_4 : i32
    "tpu.region"() ({
      %run_scoped3A = tpu.sem_alloc : memref<!tpu.dma_semaphore, #tpu.memory_space<semaphore_mem>>
      %dma_start3A_81 = tpu.memref_slice %arg3[%mul3A_5] : memref<65536xf32, #tpu.memory_space<hbm>> -> memref<8192xf32, #tpu.memory_space<hbm>>
      %dma_start3A_82 = tpu.memref_slice %arg3[%mul3A_5] : memref<65536xf32, #tpu.memory_space<hbm>> -> memref<8192xf32, #tpu.memory_space<hbm>>
      tpu.enqueue_dma source(%dma_start3A_82 : memref<8192xf32, #tpu.memory_space<hbm>>) target(%arg9 : memref<8192xf32, #tpu.memory_space<vmem>>) target_semaphore(%run_scoped3A : memref<!tpu.dma_semaphore, #tpu.memory_space<semaphore_mem>>)
      %dma_wait3A_83 = tpu.memref_slice %arg3[%mul3A_5] : memref<65536xf32, #tpu.memory_space<hbm>> -> memref<8192xf32, #tpu.memory_space<hbm>>
      %dma_wait3A_84 = tpu.memref_slice %arg3[%mul3A_5] : memref<65536xf32, #tpu.memory_space<hbm>> -> memref<8192xf32, #tpu.memory_space<hbm>>
      tpu.wait_dma2 semaphore(%run_scoped3A : memref<!tpu.dma_semaphore, #tpu.memory_space<semaphore_mem>>) src(%dma_wait3A_84 : memref<8192xf32, #tpu.memory_space<hbm>>) dst(%arg9 : memref<8192xf32, #tpu.memory_space<vmem>>)
      tpu.yield
    }) : () -> ()
    %add3A_6 = arith.constant 0 : i32
    %add3A_7 = arith.addi %mul3A_2, %add3A_6 : i32
    %dma_start3A = arith.constant 0 : i32
    %dma_start3A_8 = tpu.memref_slice %arg2[%add3A_7, %dma_start3A] : memref<16384x1024xf32, #tpu.memory_space<hbm>> -> memref<16x1024xf32, #tpu.memory_space<hbm>>
    %dma_start3A_9 = arith.constant 0 : i32
    %dma_start3A_10 = tpu.memref_slice %arg2[%add3A_7, %dma_start3A_9] : memref<16384x1024xf32, #tpu.memory_space<hbm>> -> memref<16x1024xf32, #tpu.memory_space<hbm>>
    tpu.enqueue_dma source(%dma_start3A_10 : memref<16x1024xf32, #tpu.memory_space<hbm>>) target(%arg5 : memref<16x1024xf32, #tpu.memory_space<vmem>>) target_semaphore(%arg10 : memref<!tpu.dma_semaphore, #tpu.memory_space<semaphore_mem>>)
    %add3A_11 = arith.constant 16 : i32
    %add3A_12 = arith.addi %mul3A_2, %add3A_11 : i32
    %dma_start3A_13 = arith.constant 0 : i32
    %dma_start3A_14 = tpu.memref_slice %arg2[%add3A_12, %dma_start3A_13] : memref<16384x1024xf32, #tpu.memory_space<hbm>> -> memref<16x1024xf32, #tpu.memory_space<hbm>>
    %dma_start3A_15 = arith.constant 0 : i32
    %dma_start3A_16 = tpu.memref_slice %arg2[%add3A_12, %dma_start3A_15] : memref<16384x1024xf32, #tpu.memory_space<hbm>> -> memref<16x1024xf32, #tpu.memory_space<hbm>>
    tpu.enqueue_dma source(%dma_start3A_16 : memref<16x1024xf32, #tpu.memory_space<hbm>>) target(%arg6 : memref<16x1024xf32, #tpu.memory_space<vmem>>) target_semaphore(%arg11 : memref<!tpu.dma_semaphore, #tpu.memory_space<semaphore_mem>>)
    %add3A_17 = arith.constant 0 : i32
    %add3A_18 = arith.addi %mul3A_2, %add3A_17 : i32
    %dma_wait3A = arith.constant 0 : i32
    %dma_wait3A_19 = tpu.memref_slice %arg2[%add3A_18, %dma_wait3A] : memref<16384x1024xf32, #tpu.memory_space<hbm>> -> memref<16x1024xf32, #tpu.memory_space<hbm>>
    %dma_wait3A_20 = arith.constant 0 : i32
    %dma_wait3A_21 = tpu.memref_slice %arg2[%add3A_18, %dma_wait3A_20] : memref<16384x1024xf32, #tpu.memory_space<hbm>> -> memref<16x1024xf32, #tpu.memory_space<hbm>>
    tpu.wait_dma2 semaphore(%arg10 : memref<!tpu.dma_semaphore, #tpu.memory_space<semaphore_mem>>) src(%dma_wait3A_21 : memref<16x1024xf32, #tpu.memory_space<hbm>>) dst(%arg5 : memref<16x1024xf32, #tpu.memory_space<vmem>>)
    %scan3A = arith.constant 0 : i32
    %scan3A_22 = arith.constant 0 : i32
    %scan3A_23 = arith.constant 16 : i32
    %scan3A_24 = arith.addi %scan3A_22, %scan3A_23 : i32
    %scan3A_25 = arith.constant 1 : i32
    scf.for %scan3A_81 = %scan3A_22 to %scan3A_24 step %scan3A_25  : i32 {
      %add3A_82 = arith.constant 0 : i32
      %add3A_83 = arith.addi %add3A_82, %scan3A_81 : i32
      %mul3A_84 = arith.constant 16 : i32
      %mul3A_85 = arith.muli %add3A_83, %mul3A_84 : i32
      %get3A = arith.index_cast %mul3A_85 : i32 to index
      %get3A_86 = tpu.vector_load %arg9[%get3A] {strides = array<i32>} : memref<8192xf32, #tpu.memory_space<vmem>>, vector<16xf32>,
      %get3A_87 = vector.shape_cast %get3A_86 : vector<16xf32> to vector<16xf32>
      %get3A_88 = arith.index_cast %scan3A_81 : i32 to index
      %get3A_89 = arith.constant 0 : index
      %get3A_90 = tpu.vector_load %arg5[%get3A_88, %get3A_89] {strides = array<i32>} : memref<16x1024xf32, #tpu.memory_space<vmem>>, vector<1x16xf32>,
      %get3A_91 = vector.shape_cast %get3A_90 : vector<1x16xf32> to vector<16xf32>
      %mul3A_92 = arith.mulf %get3A_91, %get3A_87 : vector<16xf32>
      %swap3A = arith.index_cast %scan3A_81 : i32 to index
      %swap3A_93 = arith.constant 0 : index
      %swap3A_94 = tpu.vector_load %arg7[%swap3A, %swap3A_93] {strides = array<i32>} : memref<16x1024xf32, #tpu.memory_space<vmem>>, vector<1x16xf32>,
      %swap3A_95 = vector.shape_cast %swap3A_94 : vector<1x16xf32> to vector<16xf32>
      %swap3A_96 = vector.shape_cast %mul3A_92 : vector<16xf32> to vector<1x16xf32>
      tpu.vector_store %arg7[%swap3A, %swap3A_93], %swap3A_96 {strides = array<i32>} : memref<16x1024xf32, #tpu.memory_space<vmem>>, vector<1x16xf32>,
      %get3A_97 = arith.index_cast %scan3A_81 : i32 to index
      %get3A_98 = arith.constant 16 : index
      %get3A_99 = tpu.vector_load %arg5[%get3A_97, %get3A_98] {strides = array<i32>} : memref<16x1024xf32, #tpu.memory_space<vmem>>, vector<1x16xf32>,
      %get3A_100 = vector.shape_cast %get3A_99 : vector<1x16xf32> to vector<16xf32>
      %mul3A_101 = arith.mulf %get3A_100, %get3A_87 : vector<16xf32>
      %swap3A_102 = arith.index_cast %scan3A_81 : i32 to index
      %swap3A_103 = arith.constant 16 : index
      %swap3A_104 = tpu.vector_load %arg7[%swap3A_102, %swap3A_103] {strides = array<i32>} : memref<16x1024xf32, #tpu.memory_space<vmem>>, vector<1x16xf32>,
      %swap3A_105 = vector.shape_cast %swap3A_104 : vector<1x16xf32> to vector<16xf32>
      %swap3A_106 = vector.shape_cast %mul3A_101 : vector<16xf32> to vector<1x16xf32>
      tpu.vector_store %arg7[%swap3A_102, %swap3A_103], %swap3A_106 {strides = array<i32>} : memref<16x1024xf32, #tpu.memory_space<vmem>>, vector<1x16xf32>,
      %get3A_107 = arith.index_cast %scan3A_81 : i32 to index
      %get3A_108 = arith.constant 32 : index
      %get3A_109 = tpu.vector_load %arg5[%get3A_107, %get3A_108] {strides = array<i32>} : memref<16x1024xf32, #tpu.memory_space<vmem>>, vector<1x16xf32>,
      %get3A_110 = vector.shape_cast %get3A_109 : vector<1x16xf32> to vector<16xf32>
      %mul3A_111 = arith.mulf %get3A_110, %get3A_87 : vector<16xf32>
      %swap3A_112 = arith.index_cast %scan3A_81 : i32 to index
      %swap3A_113 = arith.constant 32 : index
      %swap3A_114 = tpu.vector_load %arg7[%swap3A_112, %swap3A_113] {strides = array<i32>} : memref<16x1024xf32, #tpu.memory_space<vmem>>, vector<1x16xf32>,
      %swap3A_115 = vector.shape_cast %swap3A_114 : vector<1x16xf32> to vector<16xf32>
      %swap3A_116 = vector.shape_cast %mul3A_111 : vector<16xf32> to vector<1x16xf32>
      tpu.vector_store %arg7[%swap3A_112, %swap3A_113], %swap3A_116 {strides = array<i32>} : memref<16x1024xf32, #tpu.memory_space<vmem>>, vector<1x16xf32>,
      %get3A_117 = arith.index_cast %scan3A_81 : i32 to index
      %get3A_118 = arith.constant 48 : index
      %get3A_119 = tpu.vector_load %arg5[%get3A_117, %get3A_118] {strides = array<i32>} : memref<16x1024xf32, #tpu.memory_space<vmem>>, vector<1x16xf32>,
      %get3A_120 = vector.shape_cast %get3A_119 : vector<1x16xf32> to vector<16xf32>
      %mul3A_121 = arith.mulf %get3A_120, %get3A_87 : vector<16xf32>
      %swap3A_122 = arith.index_cast %scan3A_81 : i32 to index
      %swap3A_123 = arith.constant 48 : index
      %swap3A_124 = tpu.vector_load %arg7[%swap3A_122, %swap3A_123] {strides = array<i32>} : memref<16x1024xf32, #tpu.memory_space<vmem>>, vector<1x16xf32>,
      %swap3A_125 = vector.shape_cast %swap3A_124 : vector<1x16xf32> to vector<16xf32>
      %swap3A_126 = vector.shape_cast %mul3A_121 : vector<16xf32> to vector<1x16xf32>
      tpu.vector_store %arg7[%swap3A_122, %swap3A_123], %swap3A_126 {strides = array<i32>} : memref<16x1024xf32, #tpu.memory_space<vmem>>, vector<1x16xf32>,
      %get3A_127 = arith.index_cast %scan3A_81 : i32 to index
      %get3A_128 = arith.constant 64 : index
      %get3A_129 = tpu.vector_load %arg5[%get3A_127, %get3A_128] {strides = array<i32>} : memref<16x1024xf32, #tpu.memory_space<vmem>>, vector<1x16xf32>,
      %get3A_130 = vector.shape_cast %get3A_129 : vector<1x16xf32> to vector<16xf32>
      %mul3A_131 = arith.mulf %get3A_130, %get3A_87 : vector<16xf32>
      %swap3A_132 = arith.index_cast %scan3A_81 : i32 to index
      %swap3A_133 = arith.constant 64 : index
      %swap3A_134 = tpu.vector_load %arg7[%swap3A_132, %swap3A_133] {strides = array<i32>} : memref<16x1024xf32, #tpu.memory_space<vmem>>, vector<1x16xf32>,
      %swap3A_135 = vector.shape_cast %swap3A_134 : vector<1x16xf32> to vector<16xf32>
      %swap3A_136 = vector.shape_cast %mul3A_131 : vector<16xf32> to vector<1x16xf32>
      tpu.vector_store %arg7[%swap3A_132, %swap3A_133], %swap3A_136 {strides = array<i32>} : memref<16x1024xf32, #tpu.memory_space<vmem>>, vector<1x16xf32>,
      %get3A_137 = arith.index_cast %scan3A_81 : i32 to index
      %get3A_138 = arith.constant 80 : index
      %get3A_139 = tpu.vector_load %arg5[%get3A_137, %get3A_138] {strides = array<i32>} : memref<16x1024xf32, #tpu.memory_space<vmem>>, vector<1x16xf32>,
      %get3A_140 = vector.shape_cast %get3A_139 : vector<1x16xf32> to vector<16xf32>
      %mul3A_141 = arith.mulf %get3A_140, %get3A_87 : vector<16xf32>
      %swap3A_142 = arith.index_cast %scan3A_81 : i32 to index
      %swap3A_143 = arith.constant 80 : index
      %swap3A_144 = tpu.vector_load %arg7[%swap3A_142, %swap3A_143] {strides = array<i32>} : memref<16x1024xf32, #tpu.memory_space<vmem>>, vector<1x16xf32>,
      %swap3A_145 = vector.shape_cast %swap3A_144 : vector<1x16xf32> to vector<16xf32>
      %swap3A_146 = vector.shape_cast %mul3A_141 : vector<16xf32> to vector<1x16xf32>
      tpu.vector_store %arg7[%swap3A_142, %swap3A_143], %swap3A_146 {strides = array<i32>} : memref<16x1024xf32, #tpu.memory_space<vmem>>, vector<1x16xf32>,
      %get3A_147 = arith.index_cast %scan3A_81 : i32 to index
      %get3A_148 = arith.constant 96 : index
      %get3A_149 = tpu.vector_load %arg5[%get3A_147, %get3A_148] {strides = array<i32>} : memref<16x1024xf32, #tpu.memory_space<vmem>>, vector<1x16xf32>,
      %get3A_150 = vector.shape_cast %get3A_149 : vector<1x16xf32> to vector<16xf32>
      %mul3A_151 = arith.mulf %get3A_150, %get3A_87 : vector<16xf32>
      %swap3A_152 = arith.index_cast %scan3A_81 : i32 to index
      %swap3A_153 = arith.constant 96 : index
      %swap3A_154 = tpu.vector_load %arg7[%swap3A_152, %swap3A_153] {strides = array<i32>} : memref<16x1024xf32, #tpu.memory_space<vmem>>, vector<1x16xf32>,
      %swap3A_155 = vector.shape_cast %swap3A_154 : vector<1x16xf32> to vector<16xf32>
      %swap3A_156 = vector.shape_cast %mul3A_151 : vector<16xf32> to vector<1x16xf32>
      tpu.vector_store %arg7[%swap3A_152, %swap3A_153], %swap3A_156 {strides = array<i32>} : memref<16x1024xf32, #tpu.memory_space<vmem>>, vector<1x16xf32>,
      %get3A_157 = arith.index_cast %scan3A_81 : i32 to index
      %get3A_158 = arith.constant 112 : index
      %get3A_159 = tpu.vector_load %arg5[%get3A_157, %get3A_158] {strides = array<i32>} : memref<16x1024xf32, #tpu.memory_space<vmem>>, vector<1x16xf32>,
      %get3A_160 = vector.shape_cast %get3A_159 : vector<1x16xf32> to vector<16xf32>
      %mul3A_161 = arith.mulf %get3A_160, %get3A_87 : vector<16xf32>
      %swap3A_162 = arith.index_cast %scan3A_81 : i32 to index
      %swap3A_163 = arith.constant 112 : index
      %swap3A_164 = tpu.vector_load %arg7[%swap3A_162, %swap3A_163] {strides = array<i32>} : memref<16x1024xf32, #tpu.memory_space<vmem>>, vector<1x16xf32>,
      %swap3A_165 = vector.shape_cast %swap3A_164 : vector<1x16xf32> to vector<16xf32>
      %swap3A_166 = vector.shape_cast %mul3A_161 : vector<16xf32> to vector<1x16xf32>
      tpu.vector_store %arg7[%swap3A_162, %swap3A_163], %swap3A_166 {strides = array<i32>} : memref<16x1024xf32, #tpu.memory_space<vmem>>, vector<1x16xf32>,
      %get3A_167 = arith.index_cast %scan3A_81 : i32 to index
      %get3A_168 = arith.constant 128 : index
      %get3A_169 = tpu.vector_load %arg5[%get3A_167, %get3A_168] {strides = array<i32>} : memref<16x1024xf32, #tpu.memory_space<vmem>>, vector<1x16xf32>,
      %get3A_170 = vector.shape_cast %get3A_169 : vector<1x16xf32> to vector<16xf32>
      %mul3A_171 = arith.mulf %get3A_170, %get3A_87 : vector<16xf32>
      %swap3A_172 = arith.index_cast %scan3A_81 : i32 to index
      %swap3A_173 = arith.constant 128 : index
      %swap3A_174 = tpu.vector_load %arg7[%swap3A_172, %swap3A_173] {strides = array<i32>} : memref<16x1024xf32, #tpu.memory_space<vmem>>, vector<1x16xf32>,
      %swap3A_175 = vector.shape_cast %swap3A_174 : vector<1x16xf32> to vector<16xf32>
      %swap3A_176 = vector.shape_cast %mul3A_171 : vector<16xf32> to vector<1x16xf32>
      tpu.vector_store %arg7[%swap3A_172, %swap3A_173], %swap3A_176 {strides = array<i32>} : memref<16x1024xf32, #tpu.memory_space<vmem>>, vector<1x16xf32>,
      %get3A_177 = arith.index_cast %scan3A_81 : i32 to index
      %get3A_178 = arith.constant 144 : index
      %get3A_179 = tpu.vector_load %arg5[%get3A_177, %get3A_178] {strides = array<i32>} : memref<16x1024xf32, #tpu.memory_space<vmem>>, vector<1x16xf32>,
      %get3A_180 = vector.shape_cast %get3A_179 : vector<1x16xf32> to vector<16xf32>
      %mul3A_181 = arith.mulf %get3A_180, %get3A_87 : vector<16xf32>
      %swap3A_182 = arith.index_cast %scan3A_81 : i32 to index
      %swap3A_183 = arith.constant 144 : index
      %swap3A_184 = tpu.vector_load %arg7[%swap3A_182, %swap3A_183] {strides = array<i32>} : memref<16x1024xf32, #tpu.memory_space<vmem>>, vector<1x16xf32>,
      %swap3A_185 = vector.shape_cast %swap3A_184 : vector<1x16xf32> to vector<16xf32>
      %swap3A_186 = vector.shape_cast %mul3A_181 : vector<16xf32> to vector<1x16xf32>
      tpu.vector_store %arg7[%swap3A_182, %swap3A_183], %swap3A_186 {strides = array<i32>} : memref<16x1024xf32, #tpu.memory_space<vmem>>, vector<1x16xf32>,
      %get3A_187 = arith.index_cast %scan3A_81 : i32 to index
      %get3A_188 = arith.constant 160 : index
      %get3A_189 = tpu.vector_load %arg5[%get3A_187, %get3A_188] {strides = array<i32>} : memref<16x1024xf32, #tpu.memory_space<vmem>>, vector<1x16xf32>,
      %get3A_190 = vector.shape_cast %get3A_189 : vector<1x16xf32> to vector<16xf32>
      %mul3A_191 = arith.mulf %get3A_190, %get3A_87 : vector<16xf32>
      %swap3A_192 = arith.index_cast %scan3A_81 : i32 to index
      %swap3A_193 = arith.constant 160 : index
      %swap3A_194 = tpu.vector_load %arg7[%swap3A_192, %swap3A_193] {strides = array<i32>} : memref<16x1024xf32, #tpu.memory_space<vmem>>, vector<1x16xf32>,
      %swap3A_195 = vector.shape_cast %swap3A_194 : vector<1x16xf32> to vector<16xf32>
      %swap3A_196 = vector.shape_cast %mul3A_191 : vector<16xf32> to vector<1x16xf32>
      tpu.vector_store %arg7[%swap3A_192, %swap3A_193], %swap3A_196 {strides = array<i32>} : memref<16x1024xf32, #tpu.memory_space<vmem>>, vector<1x16xf32>,
      %get3A_197 = arith.index_cast %scan3A_81 : i32 to index
      %get3A_198 = arith.constant 176 : index
      %get3A_199 = tpu.vector_load %arg5[%get3A_197, %get3A_198] {strides = array<i32>} : memref<16x1024xf32, #tpu.memory_space<vmem>>, vector<1x16xf32>,
      %get3A_200 = vector.shape_cast %get3A_199 : vector<1x16xf32> to vector<16xf32>
      %mul3A_201 = arith.mulf %get3A_200, %get3A_87 : vector<16xf32>
      %swap3A_202 = arith.index_cast %scan3A_81 : i32 to index
      %swap3A_203 = arith.constant 176 : index
      %swap3A_204 = tpu.vector_load %arg7[%swap3A_202, %swap3A_203] {strides = array<i32>} : memref<16x1024xf32, #tpu.memory_space<vmem>>, vector<1x16xf32>,
      %swap3A_205 = vector.shape_cast %swap3A_204 : vector<1x16xf32> to vector<16xf32>
      %swap3A_206 = vector.shape_cast %mul3A_201 : vector<16xf32> to vector<1x16xf32>
      tpu.vector_store %arg7[%swap3A_202, %swap3A_203], %swap3A_206 {strides = array<i32>} : memref<16x1024xf32, #tpu.memory_space<vmem>>, vector<1x16xf32>,
      %get3A_207 = arith.index_cast %scan3A_81 : i32 to index
      %get3A_208 = arith.constant 192 : index
      %get3A_209 = tpu.vector_load %arg5[%get3A_207, %get3A_208] {strides = array<i32>} : memref<16x1024xf32, #tpu.memory_space<vmem>>, vector<1x16xf32>,
      %get3A_210 = vector.shape_cast %get3A_209 : vector<1x16xf32> to vector<16xf32>
      %mul3A_211 = arith.mulf %get3A_210, %get3A_87 : vector<16xf32>
      %swap3A_212 = arith.index_cast %scan3A_81 : i32 to index
      %swap3A_213 = arith.constant 192 : index
      %swap3A_214 = tpu.vector_load %arg7[%swap3A_212, %swap3A_213] {strides = array<i32>} : memref<16x1024xf32, #tpu.memory_space<vmem>>, vector<1x16xf32>,
      %swap3A_215 = vector.shape_cast %swap3A_214 : vector<1x16xf32> to vector<16xf32>
      %swap3A_216 = vector.shape_cast %mul3A_211 : vector<16xf32> to vector<1x16xf32>
      tpu.vector_store %arg7[%swap3A_212, %swap3A_213], %swap3A_216 {strides = array<i32>} : memref<16x1024xf32, #tpu.memory_space<vmem>>, vector<1x16xf32>,
      %get3A_217 = arith.index_cast %scan3A_81 : i32 to index
      %get3A_218 = arith.constant 208 : index
      %get3A_219 = tpu.vector_load %arg5[%get3A_217, %get3A_218] {strides = array<i32>} : memref<16x1024xf32, #tpu.memory_space<vmem>>, vector<1x16xf32>,
      %get3A_220 = vector.shape_cast %get3A_219 : vector<1x16xf32> to vector<16xf32>
      %mul3A_221 = arith.mulf %get3A_220, %get3A_87 : vector<16xf32>
      %swap3A_222 = arith.index_cast %scan3A_81 : i32 to index
      %swap3A_223 = arith.constant 208 : index
      %swap3A_224 = tpu.vector_load %arg7[%swap3A_222, %swap3A_223] {strides = array<i32>} : memref<16x1024xf32, #tpu.memory_space<vmem>>, vector<1x16xf32>,
      %swap3A_225 = vector.shape_cast %swap3A_224 : vector<1x16xf32> to vector<16xf32>
      %swap3A_226 = vector.shape_cast %mul3A_221 : vector<16xf32> to vector<1x16xf32>
      tpu.vector_store %arg7[%swap3A_222, %swap3A_223], %swap3A_226 {strides = array<i32>} : memref<16x1024xf32, #tpu.memory_space<vmem>>, vector<1x16xf32>,
      %get3A_227 = arith.index_cast %scan3A_81 : i32 to index
      %get3A_228 = arith.constant 224 : index
      %get3A_229 = tpu.vector_load %arg5[%get3A_227, %get3A_228] {strides = array<i32>} : memref<16x1024xf32, #tpu.memory_space<vmem>>, vector<1x16xf32>,
      %get3A_230 = vector.shape_cast %get3A_229 : vector<1x16xf32> to vector<16xf32>
      %mul3A_231 = arith.mulf %get3A_230, %get3A_87 : vector<16xf32>
      %swap3A_232 = arith.index_cast %scan3A_81 : i32 to index
      %swap3A_233 = arith.constant 224 : index
      %swap3A_234 = tpu.vector_load %arg7[%swap3A_232, %swap3A_233] {strides = array<i32>} : memref<16x1024xf32, #tpu.memory_space<vmem>>, vector<1x16xf32>,
      %swap3A_235 = vector.shape_cast %swap3A_234 : vector<1x16xf32> to vector<16xf32>
      %swap3A_236 = vector.shape_cast %mul3A_231 : vector<16xf32> to vector<1x16xf32>
      tpu.vector_store %arg7[%swap3A_232, %swap3A_233], %swap3A_236 {strides = array<i32>} : memref<16x1024xf32, #tpu.memory_space<vmem>>, vector<1x16xf32>,
      %get3A_237 = arith.index_cast %scan3A_81 : i32 to index
      %get3A_238 = arith.constant 240 : index
      %get3A_239 = tpu.vector_load %arg5[%get3A_237, %get3A_238] {strides = array<i32>} : memref<16x1024xf32, #tpu.memory_space<vmem>>, vector<1x16xf32>,
      %get3A_240 = vector.shape_cast %get3A_239 : vector<1x16xf32> to vector<16xf32>
      %mul3A_241 = arith.mulf %get3A_240, %get3A_87 : vector<16xf32>
      %swap3A_242 = arith.index_cast %scan3A_81 : i32 to index
      %swap3A_243 = arith.constant 240 : index
      %swap3A_244 = tpu.vector_load %arg7[%swap3A_242, %swap3A_243] {strides = array<i32>} : memref<16x1024xf32, #tpu.memory_space<vmem>>, vector<1x16xf32>,
      %swap3A_245 = vector.shape_cast %swap3A_244 : vector<1x16xf32> to vector<16xf32>
      %swap3A_246 = vector.shape_cast %mul3A_241 : vector<16xf32> to vector<1x16xf32>
      tpu.vector_store %arg7[%swap3A_242, %swap3A_243], %swap3A_246 {strides = array<i32>} : memref<16x1024xf32, #tpu.memory_space<vmem>>, vector<1x16xf32>,
      %get3A_247 = arith.index_cast %scan3A_81 : i32 to index
      %get3A_248 = arith.constant 256 : index
      %get3A_249 = tpu.vector_load %arg5[%get3A_247, %get3A_248] {strides = array<i32>} : memref<16x1024xf32, #tpu.memory_space<vmem>>, vector<1x16xf32>,
      %get3A_250 = vector.shape_cast %get3A_249 : vector<1x16xf32> to vector<16xf32>
      %mul3A_251 = arith.mulf %get3A_250, %get3A_87 : vector<16xf32>
      %swap3A_252 = arith.index_cast %scan3A_81 : i32 to index
      %swap3A_253 = arith.constant 256 : index
      %swap3A_254 = tpu.vector_load %arg7[%swap3A_252, %swap3A_253] {strides = array<i32>} : memref<16x1024xf32, #tpu.memory_space<vmem>>, vector<1x16xf32>,
      %swap3A_255 = vector.shape_cast %swap3A_254 : vector<1x16xf32> to vector<16xf32>
      %swap3A_256 = vector.shape_cast %mul3A_251 : vector<16xf32> to vector<1x16xf32>
      tpu.vector_store %arg7[%swap3A_252, %swap3A_253], %swap3A_256 {strides = array<i32>} : memref<16x1024xf32, #tpu.memory_space<vmem>>, vector<1x16xf32>,
      %get3A_257 = arith.index_cast %scan3A_81 : i32 to index
      %get3A_258 = arith.constant 272 : index
      %get3A_259 = tpu.vector_load %arg5[%get3A_257, %get3A_258] {strides = array<i32>} : memref<16x1024xf32, #tpu.memory_space<vmem>>, vector<1x16xf32>,
      %get3A_260 = vector.shape_cast %get3A_259 : vector<1x16xf32> to vector<16xf32>
      %mul3A_261 = arith.mulf %get3A_260, %get3A_87 : vector<16xf32>
      %swap3A_262 = arith.index_cast %scan3A_81 : i32 to index
      %swap3A_263 = arith.constant 272 : index
      %swap3A_264 = tpu.vector_load %arg7[%swap3A_262, %swap3A_263] {strides = array<i32>} : memref<16x1024xf32, #tpu.memory_space<vmem>>, vector<1x16xf32>,
      %swap3A_265 = vector.shape_cast %swap3A_264 : vector<1x16xf32> to vector<16xf32>
      %swap3A_266 = vector.shape_cast %mul3A_261 : vector<16xf32> to vector<1x16xf32>
      tpu.vector_store %arg7[%swap3A_262, %swap3A_263], %swap3A_266 {strides = array<i32>} : memref<16x1024xf32, #tpu.memory_space<vmem>>, vector<1x16xf32>,
      %get3A_267 = arith.index_cast %scan3A_81 : i32 to index
      %get3A_268 = arith.constant 288 : index
      %get3A_269 = tpu.vector_load %arg5[%get3A_267, %get3A_268] {strides = array<i32>} : memref<16x1024xf32, #tpu.memory_space<vmem>>, vector<1x16xf32>,
      %get3A_270 = vector.shape_cast %get3A_269 : vector<1x16xf32> to vector<16xf32>
      %mul3A_271 = arith.mulf %get3A_270, %get3A_87 : vector<16xf32>
      %swap3A_272 = arith.index_cast %scan3A_81 : i32 to index
      %swap3A_273 = arith.constant 288 : index
      %swap3A_274 = tpu.vector_load %arg7[%swap3A_272, %swap3A_273] {strides = array<i32>} : memref<16x1024xf32, #tpu.memory_space<vmem>>, vector<1x16xf32>,
      %swap3A_275 = vector.shape_cast %swap3A_274 : vector<1x16xf32> to vector<16xf32>
      %swap3A_276 = vector.shape_cast %mul3A_271 : vector<16xf32> to vector<1x16xf32>
      tpu.vector_store %arg7[%swap3A_272, %swap3A_273], %swap3A_276 {strides = array<i32>} : memref<16x1024xf32, #tpu.memory_space<vmem>>, vector<1x16xf32>,
      %get3A_277 = arith.index_cast %scan3A_81 : i32 to index
      %get3A_278 = arith.constant 304 : index
      %get3A_279 = tpu.vector_load %arg5[%get3A_277, %get3A_278] {strides = array<i32>} : memref<16x1024xf32, #tpu.memory_space<vmem>>, vector<1x16xf32>,
      %get3A_280 = vector.shape_cast %get3A_279 : vector<1x16xf32> to vector<16xf32>
      %mul3A_281 = arith.mulf %get3A_280, %get3A_87 : vector<16xf32>
      %swap3A_282 = arith.index_cast %scan3A_81 : i32 to index
      %swap3A_283 = arith.constant 304 : index
      %swap3A_284 = tpu.vector_load %arg7[%swap3A_282, %swap3A_283] {strides = array<i32>} : memref<16x1024xf32, #tpu.memory_space<vmem>>, vector<1x16xf32>,
      %swap3A_285 = vector.shape_cast %swap3A_284 : vector<1x16xf32> to vector<16xf32>
      %swap3A_286 = vector.shape_cast %mul3A_281 : vector<16xf32> to vector<1x16xf32>
      tpu.vector_store %arg7[%swap3A_282, %swap3A_283], %swap3A_286 {strides = array<i32>} : memref<16x1024xf32, #tpu.memory_space<vmem>>, vector<1x16xf32>,
      %get3A_287 = arith.index_cast %scan3A_81 : i32 to index
      %get3A_288 = arith.constant 320 : index
      %get3A_289 = tpu.vector_load %arg5[%get3A_287, %get3A_288] {strides = array<i32>} : memref<16x1024xf32, #tpu.memory_space<vmem>>, vector<1x16xf32>,
      %get3A_290 = vector.shape_cast %get3A_289 : vector<1x16xf32> to vector<16xf32>
      %mul3A_291 = arith.mulf %get3A_290, %get3A_87 : vector<16xf32>
      %swap3A_292 = arith.index_cast %scan3A_81 : i32 to index
      %swap3A_293 = arith.constant 320 : index
      %swap3A_294 = tpu.vector_load %arg7[%swap3A_292, %swap3A_293] {strides = array<i32>} : memref<16x1024xf32, #tpu.memory_space<vmem>>, vector<1x16xf32>,
      %swap3A_295 = vector.shape_cast %swap3A_294 : vector<1x16xf32> to vector<16xf32>
      %swap3A_296 = vector.shape_cast %mul3A_291 : vector<16xf32> to vector<1x16xf32>
      tpu.vector_store %arg7[%swap3A_292, %swap3A_293], %swap3A_296 {strides = array<i32>} : memref<16x1024xf32, #tpu.memory_space<vmem>>, vector<1x16xf32>,
      %get3A_297 = arith.index_cast %scan3A_81 : i32 to index
      %get3A_298 = arith.constant 336 : index
      %get3A_299 = tpu.vector_load %arg5[%get3A_297, %get3A_298] {strides = array<i32>} : memref<16x1024xf32, #tpu.memory_space<vmem>>, vector<1x16xf32>,
      %get3A_300 = vector.shape_cast %get3A_299 : vector<1x16xf32> to vector<16xf32>
      %mul3A_301 = arith.mulf %get3A_300, %get3A_87 : vector<16xf32>
      %swap3A_302 = arith.index_cast %scan3A_81 : i32 to index
      %swap3A_303 = arith.constant 336 : index
      %swap3A_304 = tpu.vector_load %arg7[%swap3A_302, %swap3A_303] {strides = array<i32>} : memref<16x1024xf32, #tpu.memory_space<vmem>>, vector<1x16xf32>,
      %swap3A_305 = vector.shape_cast %swap3A_304 : vector<1x16xf32> to vector<16xf32>
      %swap3A_306 = vector.shape_cast %mul3A_301 : vector<16xf32> to vector<1x16xf32>
      tpu.vector_store %arg7[%swap3A_302, %swap3A_303], %swap3A_306 {strides = array<i32>} : memref<16x1024xf32, #tpu.memory_space<vmem>>, vector<1x16xf32>,
      %get3A_307 = arith.index_cast %scan3A_81 : i32 to index
      %get3A_308 = arith.constant 352 : index
      %get3A_309 = tpu.vector_load %arg5[%get3A_307, %get3A_308] {strides = array<i32>} : memref<16x1024xf32, #tpu.memory_space<vmem>>, vector<1x16xf32>,
      %get3A_310 = vector.shape_cast %get3A_309 : vector<1x16xf32> to vector<16xf32>
      %mul3A_311 = arith.mulf %get3A_310, %get3A_87 : vector<16xf32>
      %swap3A_312 = arith.index_cast %scan3A_81 : i32 to index
      %swap3A_313 = arith.constant 352 : index
      %swap3A_314 = tpu.vector_load %arg7[%swap3A_312, %swap3A_313] {strides = array<i32>} : memref<16x1024xf32, #tpu.memory_space<vmem>>, vector<1x16xf32>,
      %swap3A_315 = vector.shape_cast %swap3A_314 : vector<1x16xf32> to vector<16xf32>
      %swap3A_316 = vector.shape_cast %mul3A_311 : vector<16xf32> to vector<1x16xf32>
      tpu.vector_store %arg7[%swap3A_312, %swap3A_313], %swap3A_316 {strides = array<i32>} : memref<16x1024xf32, #tpu.memory_space<vmem>>, vector<1x16xf32>,
      %get3A_317 = arith.index_cast %scan3A_81 : i32 to index
      %get3A_318 = arith.constant 368 : index
      %get3A_319 = tpu.vector_load %arg5[%get3A_317, %get3A_318] {strides = array<i32>} : memref<16x1024xf32, #tpu.memory_space<vmem>>, vector<1x16xf32>,
      %get3A_320 = vector.shape_cast %get3A_319 : vector<1x16xf32> to vector<16xf32>
      %mul3A_321 = arith.mulf %get3A_320, %get3A_87 : vector<16xf32>
      %swap3A_322 = arith.index_cast %scan3A_81 : i32 to index
      %swap3A_323 = arith.constant 368 : index
      %swap3A_324 = tpu.vector_load %arg7[%swap3A_322, %swap3A_323] {strides = array<i32>} : memref<16x1024xf32, #tpu.memory_space<vmem>>, vector<1x16xf32>,
      %swap3A_325 = vector.shape_cast %swap3A_324 : vector<1x16xf32> to vector<16xf32>
      %swap3A_326 = vector.shape_cast %mul3A_321 : vector<16xf32> to vector<1x16xf32>
      tpu.vector_store %arg7[%swap3A_322, %swap3A_323], %swap3A_326 {strides = array<i32>} : memref<16x1024xf32, #tpu.memory_space<vmem>>, vector<1x16xf32>,
      %get3A_327 = arith.index_cast %scan3A_81 : i32 to index
      %get3A_328 = arith.constant 384 : index
      %get3A_329 = tpu.vector_load %arg5[%get3A_327, %get3A_328] {strides = array<i32>} : memref<16x1024xf32, #tpu.memory_space<vmem>>, vector<1x16xf32>,
      %get3A_330 = vector.shape_cast %get3A_329 : vector<1x16xf32> to vector<16xf32>
      %mul3A_331 = arith.mulf %get3A_330, %get3A_87 : vector<16xf32>
      %swap3A_332 = arith.index_cast %scan3A_81 : i32 to index
      %swap3A_333 = arith.constant 384 : index
      %swap3A_334 = tpu.vector_load %arg7[%swap3A_332, %swap3A_333] {strides = array<i32>} : memref<16x1024xf32, #tpu.memory_space<vmem>>, vector<1x16xf32>,
      %swap3A_335 = vector.shape_cast %swap3A_334 : vector<1x16xf32> to vector<16xf32>
      %swap3A_336 = vector.shape_cast %mul3A_331 : vector<16xf32> to vector<1x16xf32>
      tpu.vector_store %arg7[%swap3A_332, %swap3A_333], %swap3A_336 {strides = array<i32>} : memref<16x1024xf32, #tpu.memory_space<vmem>>, vector<1x16xf32>,
      %get3A_337 = arith.index_cast %scan3A_81 : i32 to index
      %get3A_338 = arith.constant 400 : index
      %get3A_339 = tpu.vector_load %arg5[%get3A_337, %get3A_338] {strides = array<i32>} : memref<16x1024xf32, #tpu.memory_space<vmem>>, vector<1x16xf32>,
      %get3A_340 = vector.shape_cast %get3A_339 : vector<1x16xf32> to vector<16xf32>
      %mul3A_341 = arith.mulf %get3A_340, %get3A_87 : vector<16xf32>
      %swap3A_342 = arith.index_cast %scan3A_81 : i32 to index
      %swap3A_343 = arith.constant 400 : index
      %swap3A_344 = tpu.vector_load %arg7[%swap3A_342, %swap3A_343] {strides = array<i32>} : memref<16x1024xf32, #tpu.memory_space<vmem>>, vector<1x16xf32>,
      %swap3A_345 = vector.shape_cast %swap3A_344 : vector<1x16xf32> to vector<16xf32>
      %swap3A_346 = vector.shape_cast %mul3A_341 : vector<16xf32> to vector<1x16xf32>
      tpu.vector_store %arg7[%swap3A_342, %swap3A_343], %swap3A_346 {strides = array<i32>} : memref<16x1024xf32, #tpu.memory_space<vmem>>, vector<1x16xf32>,
      %get3A_347 = arith.index_cast %scan3A_81 : i32 to index
      %get3A_348 = arith.constant 416 : index
      %get3A_349 = tpu.vector_load %arg5[%get3A_347, %get3A_348] {strides = array<i32>} : memref<16x1024xf32, #tpu.memory_space<vmem>>, vector<1x16xf32>,
      %get3A_350 = vector.shape_cast %get3A_349 : vector<1x16xf32> to vector<16xf32>
      %mul3A_351 = arith.mulf %get3A_350, %get3A_87 : vector<16xf32>
      %swap3A_352 = arith.index_cast %scan3A_81 : i32 to index
      %swap3A_353 = arith.constant 416 : index
      %swap3A_354 = tpu.vector_load %arg7[%swap3A_352, %swap3A_353] {strides = array<i32>} : memref<16x1024xf32, #tpu.memory_space<vmem>>, vector<1x16xf32>,
      %swap3A_355 = vector.shape_cast %swap3A_354 : vector<1x16xf32> to vector<16xf32>
      %swap3A_356 = vector.shape_cast %mul3A_351 : vector<16xf32> to vector<1x16xf32>
      tpu.vector_store %arg7[%swap3A_352, %swap3A_353], %swap3A_356 {strides = array<i32>} : memref<16x1024xf32, #tpu.memory_space<vmem>>, vector<1x16xf32>,
      %get3A_357 = arith.index_cast %scan3A_81 : i32 to index
      %get3A_358 = arith.constant 432 : index
      %get3A_359 = tpu.vector_load %arg5[%get3A_357, %get3A_358] {strides = array<i32>} : memref<16x1024xf32, #tpu.memory_space<vmem>>, vector<1x16xf32>,
      %get3A_360 = vector.shape_cast %get3A_359 : vector<1x16xf32> to vector<16xf32>
      %mul3A_361 = arith.mulf %get3A_360, %get3A_87 : vector<16xf32>
      %swap3A_362 = arith.index_cast %scan3A_81 : i32 to index
      %swap3A_363 = arith.constant 432 : index
      %swap3A_364 = tpu.vector_load %arg7[%swap3A_362, %swap3A_363] {strides = array<i32>} : memref<16x1024xf32, #tpu.memory_space<vmem>>, vector<1x16xf32>,
      %swap3A_365 = vector.shape_cast %swap3A_364 : vector<1x16xf32> to vector<16xf32>
      %swap3A_366 = vector.shape_cast %mul3A_361 : vector<16xf32> to vector<1x16xf32>
      tpu.vector_store %arg7[%swap3A_362, %swap3A_363], %swap3A_366 {strides = array<i32>} : memref<16x1024xf32, #tpu.memory_space<vmem>>, vector<1x16xf32>,
      %get3A_367 = arith.index_cast %scan3A_81 : i32 to index
      %get3A_368 = arith.constant 448 : index
      %get3A_369 = tpu.vector_load %arg5[%get3A_367, %get3A_368] {strides = array<i32>} : memref<16x1024xf32, #tpu.memory_space<vmem>>, vector<1x16xf32>,
      %get3A_370 = vector.shape_cast %get3A_369 : vector<1x16xf32> to vector<16xf32>
      %mul3A_371 = arith.mulf %get3A_370, %get3A_87 : vector<16xf32>
      %swap3A_372 = arith.index_cast %scan3A_81 : i32 to index
      %swap3A_373 = arith.constant 448 : index
      %swap3A_374 = tpu.vector_load %arg7[%swap3A_372, %swap3A_373] {strides = array<i32>} : memref<16x1024xf32, #tpu.memory_space<vmem>>, vector<1x16xf32>,
      %swap3A_375 = vector.shape_cast %swap3A_374 : vector<1x16xf32> to vector<16xf32>
      %swap3A_376 = vector.shape_cast %mul3A_371 : vector<16xf32> to vector<1x16xf32>
      tpu.vector_store %arg7[%swap3A_372, %swap3A_373], %swap3A_376 {strides = array<i32>} : memref<16x1024xf32, #tpu.memory_space<vmem>>, vector<1x16xf32>,
      %get3A_377 = arith.index_cast %scan3A_81 : i32 to index
      %get3A_378 = arith.constant 464 : index
      %get3A_379 = tpu.vector_load %arg5[%get3A_377, %get3A_378] {strides = array<i32>} : memref<16x1024xf32, #tpu.memory_space<vmem>>, vector<1x16xf32>,
      %get3A_380 = vector.shape_cast %get3A_379 : vector<1x16xf32> to vector<16xf32>
      %mul3A_381 = arith.mulf %get3A_380, %get3A_87 : vector<16xf32>
      %swap3A_382 = arith.index_cast %scan3A_81 : i32 to index
      %swap3A_383 = arith.constant 464 : index
      %swap3A_384 = tpu.vector_load %arg7[%swap3A_382, %swap3A_383] {strides = array<i32>} : memref<16x1024xf32, #tpu.memory_space<vmem>>, vector<1x16xf32>,
      %swap3A_385 = vector.shape_cast %swap3A_384 : vector<1x16xf32> to vector<16xf32>
      %swap3A_386 = vector.shape_cast %mul3A_381 : vector<16xf32> to vector<1x16xf32>
      tpu.vector_store %arg7[%swap3A_382, %swap3A_383], %swap3A_386 {strides = array<i32>} : memref<16x1024xf32, #tpu.memory_space<vmem>>, vector<1x16xf32>,
      %get3A_387 = arith.index_cast %scan3A_81 : i32 to index
      %get3A_388 = arith.constant 480 : index
      %get3A_389 = tpu.vector_load %arg5[%get3A_387, %get3A_388] {strides = array<i32>} : memref<16x1024xf32, #tpu.memory_space<vmem>>, vector<1x16xf32>,
      %get3A_390 = vector.shape_cast %get3A_389 : vector<1x16xf32> to vector<16xf32>
      %mul3A_391 = arith.mulf %get3A_390, %get3A_87 : vector<16xf32>
      %swap3A_392 = arith.index_cast %scan3A_81 : i32 to index
      %swap3A_393 = arith.constant 480 : index
      %swap3A_394 = tpu.vector_load %arg7[%swap3A_392, %swap3A_393] {strides = array<i32>} : memref<16x1024xf32, #tpu.memory_space<vmem>>, vector<1x16xf32>,
      %swap3A_395 = vector.shape_cast %swap3A_394 : vector<1x16xf32> to vector<16xf32>
      %swap3A_396 = vector.shape_cast %mul3A_391 : vector<16xf32> to vector<1x16xf32>
      tpu.vector_store %arg7[%swap3A_392, %swap3A_393], %swap3A_396 {strides = array<i32>} : memref<16x1024xf32, #tpu.memory_space<vmem>>, vector<1x16xf32>,
      %get3A_397 = arith.index_cast %scan3A_81 : i32 to index
      %get3A_398 = arith.constant 496 : index
      %get3A_399 = tpu.vector_load %arg5[%get3A_397, %get3A_398] {strides = array<i32>} : memref<16x1024xf32, #tpu.memory_space<vmem>>, vector<1x16xf32>,
      %get3A_400 = vector.shape_cast %get3A_399 : vector<1x16xf32> to vector<16xf32>
      %mul3A_401 = arith.mulf %get3A_400, %get3A_87 : vector<16xf32>
      %swap3A_402 = arith.index_cast %scan3A_81 : i32 to index
      %swap3A_403 = arith.constant 496 : index
      %swap3A_404 = tpu.vector_load %arg7[%swap3A_402, %swap3A_403] {strides = array<i32>} : memref<16x1024xf32, #tpu.memory_space<vmem>>, vector<1x16xf32>,
      %swap3A_405 = vector.shape_cast %swap3A_404 : vector<1x16xf32> to vector<16xf32>
      %swap3A_406 = vector.shape_cast %mul3A_401 : vector<16xf32> to vector<1x16xf32>
      tpu.vector_store %arg7[%swap3A_402, %swap3A_403], %swap3A_406 {strides = array<i32>} : memref<16x1024xf32, #tpu.memory_space<vmem>>, vector<1x16xf32>,
      %get3A_407 = arith.index_cast %scan3A_81 : i32 to index
      %get3A_408 = arith.constant 512 : index
      %get3A_409 = tpu.vector_load %arg5[%get3A_407, %get3A_408] {strides = array<i32>} : memref<16x1024xf32, #tpu.memory_space<vmem>>, vector<1x16xf32>,
      %get3A_410 = vector.shape_cast %get3A_409 : vector<1x16xf32> to vector<16xf32>
      %mul3A_411 = arith.mulf %get3A_410, %get3A_87 : vector<16xf32>
      %swap3A_412 = arith.index_cast %scan3A_81 : i32 to index
      %swap3A_413 = arith.constant 512 : index
      %swap3A_414 = tpu.vector_load %arg7[%swap3A_412, %swap3A_413] {strides = array<i32>} : memref<16x1024xf32, #tpu.memory_space<vmem>>, vector<1x16xf32>,
      %swap3A_415 = vector.shape_cast %swap3A_414 : vector<1x16xf32> to vector<16xf32>
      %swap3A_416 = vector.shape_cast %mul3A_411 : vector<16xf32> to vector<1x16xf32>
      tpu.vector_store %arg7[%swap3A_412, %swap3A_413], %swap3A_416 {strides = array<i32>} : memref<16x1024xf32, #tpu.memory_space<vmem>>, vector<1x16xf32>,
      %get3A_417 = arith.index_cast %scan3A_81 : i32 to index
      %get3A_418 = arith.constant 528 : index
      %get3A_419 = tpu.vector_load %arg5[%get3A_417, %get3A_418] {strides = array<i32>} : memref<16x1024xf32, #tpu.memory_space<vmem>>, vector<1x16xf32>,
      %get3A_420 = vector.shape_cast %get3A_419 : vector<1x16xf32> to vector<16xf32>
      %mul3A_421 = arith.mulf %get3A_420, %get3A_87 : vector<16xf32>
      %swap3A_422 = arith.index_cast %scan3A_81 : i32 to index
      %swap3A_423 = arith.constant 528 : index
      %swap3A_424 = tpu.vector_load %arg7[%swap3A_422, %swap3A_423] {strides = array<i32>} : memref<16x1024xf32, #tpu.memory_space<vmem>>, vector<1x16xf32>,
      %swap3A_425 = vector.shape_cast %swap3A_424 : vector<1x16xf32> to vector<16xf32>
      %swap3A_426 = vector.shape_cast %mul3A_421 : vector<16xf32> to vector<1x16xf32>
      tpu.vector_store %arg7[%swap3A_422, %swap3A_423], %swap3A_426 {strides = array<i32>} : memref<16x1024xf32, #tpu.memory_space<vmem>>, vector<1x16xf32>,
      %get3A_427 = arith.index_cast %scan3A_81 : i32 to index
      %get3A_428 = arith.constant 544 : index
      %get3A_429 = tpu.vector_load %arg5[%get3A_427, %get3A_428] {strides = array<i32>} : memref<16x1024xf32, #tpu.memory_space<vmem>>, vector<1x16xf32>,
      %get3A_430 = vector.shape_cast %get3A_429 : vector<1x16xf32> to vector<16xf32>
      %mul3A_431 = arith.mulf %get3A_430, %get3A_87 : vector<16xf32>
      %swap3A_432 = arith.index_cast %scan3A_81 : i32 to index
      %swap3A_433 = arith.constant 544 : index
      %swap3A_434 = tpu.vector_load %arg7[%swap3A_432, %swap3A_433] {strides = array<i32>} : memref<16x1024xf32, #tpu.memory_space<vmem>>, vector<1x16xf32>,
      %swap3A_435 = vector.shape_cast %swap3A_434 : vector<1x16xf32> to vector<16xf32>
      %swap3A_436 = vector.shape_cast %mul3A_431 : vector<16xf32> to vector<1x16xf32>
      tpu.vector_store %arg7[%swap3A_432, %swap3A_433], %swap3A_436 {strides = array<i32>} : memref<16x1024xf32, #tpu.memory_space<vmem>>, vector<1x16xf32>,
      %get3A_437 = arith.index_cast %scan3A_81 : i32 to index
      %get3A_438 = arith.constant 560 : index
      %get3A_439 = tpu.vector_load %arg5[%get3A_437, %get3A_438] {strides = array<i32>} : memref<16x1024xf32, #tpu.memory_space<vmem>>, vector<1x16xf32>,
      %get3A_440 = vector.shape_cast %get3A_439 : vector<1x16xf32> to vector<16xf32>
      %mul3A_441 = arith.mulf %get3A_440, %get3A_87 : vector<16xf32>
      %swap3A_442 = arith.index_cast %scan3A_81 : i32 to index
      %swap3A_443 = arith.constant 560 : index
      %swap3A_444 = tpu.vector_load %arg7[%swap3A_442, %swap3A_443] {strides = array<i32>} : memref<16x1024xf32, #tpu.memory_space<vmem>>, vector<1x16xf32>,
      %swap3A_445 = vector.shape_cast %swap3A_444 : vector<1x16xf32> to vector<16xf32>
      %swap3A_446 = vector.shape_cast %mul3A_441 : vector<16xf32> to vector<1x16xf32>
      tpu.vector_store %arg7[%swap3A_442, %swap3A_443], %swap3A_446 {strides = array<i32>} : memref<16x1024xf32, #tpu.memory_space<vmem>>, vector<1x16xf32>,
      %get3A_447 = arith.index_cast %scan3A_81 : i32 to index
      %get3A_448 = arith.constant 576 : index
      %get3A_449 = tpu.vector_load %arg5[%get3A_447, %get3A_448] {strides = array<i32>} : memref<16x1024xf32, #tpu.memory_space<vmem>>, vector<1x16xf32>,
      %get3A_450 = vector.shape_cast %get3A_449 : vector<1x16xf32> to vector<16xf32>
      %mul3A_451 = arith.mulf %get3A_450, %get3A_87 : vector<16xf32>
      %swap3A_452 = arith.index_cast %scan3A_81 : i32 to index
      %swap3A_453 = arith.constant 576 : index
      %swap3A_454 = tpu.vector_load %arg7[%swap3A_452, %swap3A_453] {strides = array<i32>} : memref<16x1024xf32, #tpu.memory_space<vmem>>, vector<1x16xf32>,
      %swap3A_455 = vector.shape_cast %swap3A_454 : vector<1x16xf32> to vector<16xf32>
      %swap3A_456 = vector.shape_cast %mul3A_451 : vector<16xf32> to vector<1x16xf32>
      tpu.vector_store %arg7[%swap3A_452, %swap3A_453], %swap3A_456 {strides = array<i32>} : memref<16x1024xf32, #tpu.memory_space<vmem>>, vector<1x16xf32>,
      %get3A_457 = arith.index_cast %scan3A_81 : i32 to index
      %get3A_458 = arith.constant 592 : index
      %get3A_459 = tpu.vector_load %arg5[%get3A_457, %get3A_458] {strides = array<i32>} : memref<16x1024xf32, #tpu.memory_space<vmem>>, vector<1x16xf32>,
      %get3A_460 = vector.shape_cast %get3A_459 : vector<1x16xf32> to vector<16xf32>
      %mul3A_461 = arith.mulf %get3A_460, %get3A_87 : vector<16xf32>
      %swap3A_462 = arith.index_cast %scan3A_81 : i32 to index
      %swap3A_463 = arith.constant 592 : index
      %swap3A_464 = tpu.vector_load %arg7[%swap3A_462, %swap3A_463] {strides = array<i32>} : memref<16x1024xf32, #tpu.memory_space<vmem>>, vector<1x16xf32>,
      %swap3A_465 = vector.shape_cast %swap3A_464 : vector<1x16xf32> to vector<16xf32>
      %swap3A_466 = vector.shape_cast %mul3A_461 : vector<16xf32> to vector<1x16xf32>
      tpu.vector_store %arg7[%swap3A_462, %swap3A_463], %swap3A_466 {strides = array<i32>} : memref<16x1024xf32, #tpu.memory_space<vmem>>, vector<1x16xf32>,
      %get3A_467 = arith.index_cast %scan3A_81 : i32 to index
      %get3A_468 = arith.constant 608 : index
      %get3A_469 = tpu.vector_load %arg5[%get3A_467, %get3A_468] {strides = array<i32>} : memref<16x1024xf32, #tpu.memory_space<vmem>>, vector<1x16xf32>,
      %get3A_470 = vector.shape_cast %get3A_469 : vector<1x16xf32> to vector<16xf32>
      %mul3A_471 = arith.mulf %get3A_470, %get3A_87 : vector<16xf32>
      %swap3A_472 = arith.index_cast %scan3A_81 : i32 to index
      %swap3A_473 = arith.constant 608 : index
      %swap3A_474 = tpu.vector_load %arg7[%swap3A_472, %swap3A_473] {strides = array<i32>} : memref<16x1024xf32, #tpu.memory_space<vmem>>, vector<1x16xf32>,
      %swap3A_475 = vector.shape_cast %swap3A_474 : vector<1x16xf32> to vector<16xf32>
      %swap3A_476 = vector.shape_cast %mul3A_471 : vector<16xf32> to vector<1x16xf32>
      tpu.vector_store %arg7[%swap3A_472, %swap3A_473], %swap3A_476 {strides = array<i32>} : memref<16x1024xf32, #tpu.memory_space<vmem>>, vector<1x16xf32>,
      %get3A_477 = arith.index_cast %scan3A_81 : i32 to index
      %get3A_478 = arith.constant 624 : index
      %get3A_479 = tpu.vector_load %arg5[%get3A_477, %get3A_478] {strides = array<i32>} : memref<16x1024xf32, #tpu.memory_space<vmem>>, vector<1x16xf32>,
      %get3A_480 = vector.shape_cast %get3A_479 : vector<1x16xf32> to vector<16xf32>
      %mul3A_481 = arith.mulf %get3A_480, %get3A_87 : vector<16xf32>
      %swap3A_482 = arith.index_cast %scan3A_81 : i32 to index
      %swap3A_483 = arith.constant 624 : index
      %swap3A_484 = tpu.vector_load %arg7[%swap3A_482, %swap3A_483] {strides = array<i32>} : memref<16x1024xf32, #tpu.memory_space<vmem>>, vector<1x16xf32>,
      %swap3A_485 = vector.shape_cast %swap3A_484 : vector<1x16xf32> to vector<16xf32>
      %swap3A_486 = vector.shape_cast %mul3A_481 : vector<16xf32> to vector<1x16xf32>
      tpu.vector_store %arg7[%swap3A_482, %swap3A_483], %swap3A_486 {strides = array<i32>} : memref<16x1024xf32, #tpu.memory_space<vmem>>, vector<1x16xf32>,
      %get3A_487 = arith.index_cast %scan3A_81 : i32 to index
      %get3A_488 = arith.constant 640 : index
      %get3A_489 = tpu.vector_load %arg5[%get3A_487, %get3A_488] {strides = array<i32>} : memref<16x1024xf32, #tpu.memory_space<vmem>>, vector<1x16xf32>,
      %get3A_490 = vector.shape_cast %get3A_489 : vector<1x16xf32> to vector<16xf32>
      %mul3A_491 = arith.mulf %get3A_490, %get3A_87 : vector<16xf32>
      %swap3A_492 = arith.index_cast %scan3A_81 : i32 to index
      %swap3A_493 = arith.constant 640 : index
      %swap3A_494 = tpu.vector_load %arg7[%swap3A_492, %swap3A_493] {strides = array<i32>} : memref<16x1024xf32, #tpu.memory_space<vmem>>, vector<1x16xf32>,
      %swap3A_495 = vector.shape_cast %swap3A_494 : vector<1x16xf32> to vector<16xf32>
      %swap3A_496 = vector.shape_cast %mul3A_491 : vector<16xf32> to vector<1x16xf32>
      tpu.vector_store %arg7[%swap3A_492, %swap3A_493], %swap3A_496 {strides = array<i32>} : memref<16x1024xf32, #tpu.memory_space<vmem>>, vector<1x16xf32>,
      %get3A_497 = arith.index_cast %scan3A_81 : i32 to index
      %get3A_498 = arith.constant 656 : index
      %get3A_499 = tpu.vector_load %arg5[%get3A_497, %get3A_498] {strides = array<i32>} : memref<16x1024xf32, #tpu.memory_space<vmem>>, vector<1x16xf32>,
      %get3A_500 = vector.shape_cast %get3A_499 : vector<1x16xf32> to vector<16xf32>
      %mul3A_501 = arith.mulf %get3A_500, %get3A_87 : vector<16xf32>
      %swap3A_502 = arith.index_cast %scan3A_81 : i32 to index
      %swap3A_503 = arith.constant 656 : index
      %swap3A_504 = tpu.vector_load %arg7[%swap3A_502, %swap3A_503] {strides = array<i32>} : memref<16x1024xf32, #tpu.memory_space<vmem>>, vector<1x16xf32>,
      %swap3A_505 = vector.shape_cast %swap3A_504 : vector<1x16xf32> to vector<16xf32>
      %swap3A_506 = vector.shape_cast %mul3A_501 : vector<16xf32> to vector<1x16xf32>
      tpu.vector_store %arg7[%swap3A_502, %swap3A_503], %swap3A_506 {strides = array<i32>} : memref<16x1024xf32, #tpu.memory_space<vmem>>, vector<1x16xf32>,
      %get3A_507 = arith.index_cast %scan3A_81 : i32 to index
      %get3A_508 = arith.constant 672 : index
      %get3A_509 = tpu.vector_load %arg5[%get3A_507, %get3A_508] {strides = array<i32>} : memref<16x1024xf32, #tpu.memory_space<vmem>>, vector<1x16xf32>,
      %get3A_510 = vector.shape_cast %get3A_509 : vector<1x16xf32> to vector<16xf32>
      %mul3A_511 = arith.mulf %get3A_510, %get3A_87 : vector<16xf32>
      %swap3A_512 = arith.index_cast %scan3A_81 : i32 to index
      %swap3A_513 = arith.constant 672 : index
      %swap3A_514 = tpu.vector_load %arg7[%swap3A_512, %swap3A_513] {strides = array<i32>} : memref<16x1024xf32, #tpu.memory_space<vmem>>, vector<1x16xf32>,
      %swap3A_515 = vector.shape_cast %swap3A_514 : vector<1x16xf32> to vector<16xf32>
      %swap3A_516 = vector.shape_cast %mul3A_511 : vector<16xf32> to vector<1x16xf32>
      tpu.vector_store %arg7[%swap3A_512, %swap3A_513], %swap3A_516 {strides = array<i32>} : memref<16x1024xf32, #tpu.memory_space<vmem>>, vector<1x16xf32>,
      %get3A_517 = arith.index_cast %scan3A_81 : i32 to index
      %get3A_518 = arith.constant 688 : index
      %get3A_519 = tpu.vector_load %arg5[%get3A_517, %get3A_518] {strides = array<i32>} : memref<16x1024xf32, #tpu.memory_space<vmem>>, vector<1x16xf32>,
      %get3A_520 = vector.shape_cast %get3A_519 : vector<1x16xf32> to vector<16xf32>
      %mul3A_521 = arith.mulf %get3A_520, %get3A_87 : vector<16xf32>
      %swap3A_522 = arith.index_cast %scan3A_81 : i32 to index
      %swap3A_523 = arith.constant 688 : index
      %swap3A_524 = tpu.vector_load %arg7[%swap3A_522, %swap3A_523] {strides = array<i32>} : memref<16x1024xf32, #tpu.memory_space<vmem>>, vector<1x16xf32>,
      %swap3A_525 = vector.shape_cast %swap3A_524 : vector<1x16xf32> to vector<16xf32>
      %swap3A_526 = vector.shape_cast %mul3A_521 : vector<16xf32> to vector<1x16xf32>
      tpu.vector_store %arg7[%swap3A_522, %swap3A_523], %swap3A_526 {strides = array<i32>} : memref<16x1024xf32, #tpu.memory_space<vmem>>, vector<1x16xf32>,
      %get3A_527 = arith.index_cast %scan3A_81 : i32 to index
      %get3A_528 = arith.constant 704 : index
      %get3A_529 = tpu.vector_load %arg5[%get3A_527, %get3A_528] {strides = array<i32>} : memref<16x1024xf32, #tpu.memory_space<vmem>>, vector<1x16xf32>,
      %get3A_530 = vector.shape_cast %get3A_529 : vector<1x16xf32> to vector<16xf32>
      %mul3A_531 = arith.mulf %get3A_530, %get3A_87 : vector<16xf32>
      %swap3A_532 = arith.index_cast %scan3A_81 : i32 to index
      %swap3A_533 = arith.constant 704 : index
      %swap3A_534 = tpu.vector_load %arg7[%swap3A_532, %swap3A_533] {strides = array<i32>} : memref<16x1024xf32, #tpu.memory_space<vmem>>, vector<1x16xf32>,
      %swap3A_535 = vector.shape_cast %swap3A_534 : vector<1x16xf32> to vector<16xf32>
      %swap3A_536 = vector.shape_cast %mul3A_531 : vector<16xf32> to vector<1x16xf32>
      tpu.vector_store %arg7[%swap3A_532, %swap3A_533], %swap3A_536 {strides = array<i32>} : memref<16x1024xf32, #tpu.memory_space<vmem>>, vector<1x16xf32>,
      %get3A_537 = arith.index_cast %scan3A_81 : i32 to index
      %get3A_538 = arith.constant 720 : index
      %get3A_539 = tpu.vector_load %arg5[%get3A_537, %get3A_538] {strides = array<i32>} : memref<16x1024xf32, #tpu.memory_space<vmem>>, vector<1x16xf32>,
      %get3A_540 = vector.shape_cast %get3A_539 : vector<1x16xf32> to vector<16xf32>
      %mul3A_541 = arith.mulf %get3A_540, %get3A_87 : vector<16xf32>
      %swap3A_542 = arith.index_cast %scan3A_81 : i32 to index
      %swap3A_543 = arith.constant 720 : index
      %swap3A_544 = tpu.vector_load %arg7[%swap3A_542, %swap3A_543] {strides = array<i32>} : memref<16x1024xf32, #tpu.memory_space<vmem>>, vector<1x16xf32>,
      %swap3A_545 = vector.shape_cast %swap3A_544 : vector<1x16xf32> to vector<16xf32>
      %swap3A_546 = vector.shape_cast %mul3A_541 : vector<16xf32> to vector<1x16xf32>
      tpu.vector_store %arg7[%swap3A_542, %swap3A_543], %swap3A_546 {strides = array<i32>} : memref<16x1024xf32, #tpu.memory_space<vmem>>, vector<1x16xf32>,
      %get3A_547 = arith.index_cast %scan3A_81 : i32 to index
      %get3A_548 = arith.constant 736 : index
      %get3A_549 = tpu.vector_load %arg5[%get3A_547, %get3A_548] {strides = array<i32>} : memref<16x1024xf32, #tpu.memory_space<vmem>>, vector<1x16xf32>,
      %get3A_550 = vector.shape_cast %get3A_549 : vector<1x16xf32> to vector<16xf32>
      %mul3A_551 = arith.mulf %get3A_550, %get3A_87 : vector<16xf32>
      %swap3A_552 = arith.index_cast %scan3A_81 : i32 to index
      %swap3A_553 = arith.constant 736 : index
      %swap3A_554 = tpu.vector_load %arg7[%swap3A_552, %swap3A_553] {strides = array<i32>} : memref<16x1024xf32, #tpu.memory_space<vmem>>, vector<1x16xf32>,
      %swap3A_555 = vector.shape_cast %swap3A_554 : vector<1x16xf32> to vector<16xf32>
      %swap3A_556 = vector.shape_cast %mul3A_551 : vector<16xf32> to vector<1x16xf32>
      tpu.vector_store %arg7[%swap3A_552, %swap3A_553], %swap3A_556 {strides = array<i32>} : memref<16x1024xf32, #tpu.memory_space<vmem>>, vector<1x16xf32>,
      %get3A_557 = arith.index_cast %scan3A_81 : i32 to index
      %get3A_558 = arith.constant 752 : index
      %get3A_559 = tpu.vector_load %arg5[%get3A_557, %get3A_558] {strides = array<i32>} : memref<16x1024xf32, #tpu.memory_space<vmem>>, vector<1x16xf32>,
      %get3A_560 = vector.shape_cast %get3A_559 : vector<1x16xf32> to vector<16xf32>
      %mul3A_561 = arith.mulf %get3A_560, %get3A_87 : vector<16xf32>
      %swap3A_562 = arith.index_cast %scan3A_81 : i32 to index
      %swap3A_563 = arith.constant 752 : index
      %swap3A_564 = tpu.vector_load %arg7[%swap3A_562, %swap3A_563] {strides = array<i32>} : memref<16x1024xf32, #tpu.memory_space<vmem>>, vector<1x16xf32>,
      %swap3A_565 = vector.shape_cast %swap3A_564 : vector<1x16xf32> to vector<16xf32>
      %swap3A_566 = vector.shape_cast %mul3A_561 : vector<16xf32> to vector<1x16xf32>
      tpu.vector_store %arg7[%swap3A_562, %swap3A_563], %swap3A_566 {strides = array<i32>} : memref<16x1024xf32, #tpu.memory_space<vmem>>, vector<1x16xf32>,
      %get3A_567 = arith.index_cast %scan3A_81 : i32 to index
      %get3A_568 = arith.constant 768 : index
      %get3A_569 = tpu.vector_load %arg5[%get3A_567, %get3A_568] {strides = array<i32>} : memref<16x1024xf32, #tpu.memory_space<vmem>>, vector<1x16xf32>,
      %get3A_570 = vector.shape_cast %get3A_569 : vector<1x16xf32> to vector<16xf32>
      %mul3A_571 = arith.mulf %get3A_570, %get3A_87 : vector<16xf32>
      %swap3A_572 = arith.index_cast %scan3A_81 : i32 to index
      %swap3A_573 = arith.constant 768 : index
      %swap3A_574 = tpu.vector_load %arg7[%swap3A_572, %swap3A_573] {strides = array<i32>} : memref<16x1024xf32, #tpu.memory_space<vmem>>, vector<1x16xf32>,
      %swap3A_575 = vector.shape_cast %swap3A_574 : vector<1x16xf32> to vector<16xf32>
      %swap3A_576 = vector.shape_cast %mul3A_571 : vector<16xf32> to vector<1x16xf32>
      tpu.vector_store %arg7[%swap3A_572, %swap3A_573], %swap3A_576 {strides = array<i32>} : memref<16x1024xf32, #tpu.memory_space<vmem>>, vector<1x16xf32>,
      %get3A_577 = arith.index_cast %scan3A_81 : i32 to index
      %get3A_578 = arith.constant 784 : index
      %get3A_579 = tpu.vector_load %arg5[%get3A_577, %get3A_578] {strides = array<i32>} : memref<16x1024xf32, #tpu.memory_space<vmem>>, vector<1x16xf32>,
      %get3A_580 = vector.shape_cast %get3A_579 : vector<1x16xf32> to vector<16xf32>
      %mul3A_581 = arith.mulf %get3A_580, %get3A_87 : vector<16xf32>
      %swap3A_582 = arith.index_cast %scan3A_81 : i32 to index
      %swap3A_583 = arith.constant 784 : index
      %swap3A_584 = tpu.vector_load %arg7[%swap3A_582, %swap3A_583] {strides = array<i32>} : memref<16x1024xf32, #tpu.memory_space<vmem>>, vector<1x16xf32>,
      %swap3A_585 = vector.shape_cast %swap3A_584 : vector<1x16xf32> to vector<16xf32>
      %swap3A_586 = vector.shape_cast %mul3A_581 : vector<16xf32> to vector<1x16xf32>
      tpu.vector_store %arg7[%swap3A_582, %swap3A_583], %swap3A_586 {strides = array<i32>} : memref<16x1024xf32, #tpu.memory_space<vmem>>, vector<1x16xf32>,
      %get3A_587 = arith.index_cast %scan3A_81 : i32 to index
      %get3A_588 = arith.constant 800 : index
      %get3A_589 = tpu.vector_load %arg5[%get3A_587, %get3A_588] {strides = array<i32>} : memref<16x1024xf32, #tpu.memory_space<vmem>>, vector<1x16xf32>,
      %get3A_590 = vector.shape_cast %get3A_589 : vector<1x16xf32> to vector<16xf32>
      %mul3A_591 = arith.mulf %get3A_590, %get3A_87 : vector<16xf32>
      %swap3A_592 = arith.index_cast %scan3A_81 : i32 to index
      %swap3A_593 = arith.constant 800 : index
      %swap3A_594 = tpu.vector_load %arg7[%swap3A_592, %swap3A_593] {strides = array<i32>} : memref<16x1024xf32, #tpu.memory_space<vmem>>, vector<1x16xf32>,
      %swap3A_595 = vector.shape_cast %swap3A_594 : vector<1x16xf32> to vector<16xf32>
      %swap3A_596 = vector.shape_cast %mul3A_591 : vector<16xf32> to vector<1x16xf32>
      tpu.vector_store %arg7[%swap3A_592, %swap3A_593], %swap3A_596 {strides = array<i32>} : memref<16x1024xf32, #tpu.memory_space<vmem>>, vector<1x16xf32>,
      %get3A_597 = arith.index_cast %scan3A_81 : i32 to index
      %get3A_598 = arith.constant 816 : index
      %get3A_599 = tpu.vector_load %arg5[%get3A_597, %get3A_598] {strides = array<i32>} : memref<16x1024xf32, #tpu.memory_space<vmem>>, vector<1x16xf32>,
      %get3A_600 = vector.shape_cast %get3A_599 : vector<1x16xf32> to vector<16xf32>
      %mul3A_601 = arith.mulf %get3A_600, %get3A_87 : vector<16xf32>
      %swap3A_602 = arith.index_cast %scan3A_81 : i32 to index
      %swap3A_603 = arith.constant 816 : index
      %swap3A_604 = tpu.vector_load %arg7[%swap3A_602, %swap3A_603] {strides = array<i32>} : memref<16x1024xf32, #tpu.memory_space<vmem>>, vector<1x16xf32>,
      %swap3A_605 = vector.shape_cast %swap3A_604 : vector<1x16xf32> to vector<16xf32>
      %swap3A_606 = vector.shape_cast %mul3A_601 : vector<16xf32> to vector<1x16xf32>
      tpu.vector_store %arg7[%swap3A_602, %swap3A_603], %swap3A_606 {strides = array<i32>} : memref<16x1024xf32, #tpu.memory_space<vmem>>, vector<1x16xf32>,
      %get3A_607 = arith.index_cast %scan3A_81 : i32 to index
      %get3A_608 = arith.constant 832 : index
      %get3A_609 = tpu.vector_load %arg5[%get3A_607, %get3A_608] {strides = array<i32>} : memref<16x1024xf32, #tpu.memory_space<vmem>>, vector<1x16xf32>,
      %get3A_610 = vector.shape_cast %get3A_609 : vector<1x16xf32> to vector<16xf32>
      %mul3A_611 = arith.mulf %get3A_610, %get3A_87 : vector<16xf32>
      %swap3A_612 = arith.index_cast %scan3A_81 : i32 to index
      %swap3A_613 = arith.constant 832 : index
      %swap3A_614 = tpu.vector_load %arg7[%swap3A_612, %swap3A_613] {strides = array<i32>} : memref<16x1024xf32, #tpu.memory_space<vmem>>, vector<1x16xf32>,
      %swap3A_615 = vector.shape_cast %swap3A_614 : vector<1x16xf32> to vector<16xf32>
      %swap3A_616 = vector.shape_cast %mul3A_611 : vector<16xf32> to vector<1x16xf32>
      tpu.vector_store %arg7[%swap3A_612, %swap3A_613], %swap3A_616 {strides = array<i32>} : memref<16x1024xf32, #tpu.memory_space<vmem>>, vector<1x16xf32>,
      %get3A_617 = arith.index_cast %scan3A_81 : i32 to index
      %get3A_618 = arith.constant 848 : index
      %get3A_619 = tpu.vector_load %arg5[%get3A_617, %get3A_618] {strides = array<i32>} : memref<16x1024xf32, #tpu.memory_space<vmem>>, vector<1x16xf32>,
      %get3A_620 = vector.shape_cast %get3A_619 : vector<1x16xf32> to vector<16xf32>
      %mul3A_621 = arith.mulf %get3A_620, %get3A_87 : vector<16xf32>
      %swap3A_622 = arith.index_cast %scan3A_81 : i32 to index
      %swap3A_623 = arith.constant 848 : index
      %swap3A_624 = tpu.vector_load %arg7[%swap3A_622, %swap3A_623] {strides = array<i32>} : memref<16x1024xf32, #tpu.memory_space<vmem>>, vector<1x16xf32>,
      %swap3A_625 = vector.shape_cast %swap3A_624 : vector<1x16xf32> to vector<16xf32>
      %swap3A_626 = vector.shape_cast %mul3A_621 : vector<16xf32> to vector<1x16xf32>
      tpu.vector_store %arg7[%swap3A_622, %swap3A_623], %swap3A_626 {strides = array<i32>} : memref<16x1024xf32, #tpu.memory_space<vmem>>, vector<1x16xf32>,
      %get3A_627 = arith.index_cast %scan3A_81 : i32 to index
      %get3A_628 = arith.constant 864 : index
      %get3A_629 = tpu.vector_load %arg5[%get3A_627, %get3A_628] {strides = array<i32>} : memref<16x1024xf32, #tpu.memory_space<vmem>>, vector<1x16xf32>,
      %get3A_630 = vector.shape_cast %get3A_629 : vector<1x16xf32> to vector<16xf32>
      %mul3A_631 = arith.mulf %get3A_630, %get3A_87 : vector<16xf32>
      %swap3A_632 = arith.index_cast %scan3A_81 : i32 to index
      %swap3A_633 = arith.constant 864 : index
      %swap3A_634 = tpu.vector_load %arg7[%swap3A_632, %swap3A_633] {strides = array<i32>} : memref<16x1024xf32, #tpu.memory_space<vmem>>, vector<1x16xf32>,
      %swap3A_635 = vector.shape_cast %swap3A_634 : vector<1x16xf32> to vector<16xf32>
      %swap3A_636 = vector.shape_cast %mul3A_631 : vector<16xf32> to vector<1x16xf32>
      tpu.vector_store %arg7[%swap3A_632, %swap3A_633], %swap3A_636 {strides = array<i32>} : memref<16x1024xf32, #tpu.memory_space<vmem>>, vector<1x16xf32>,
      %get3A_637 = arith.index_cast %scan3A_81 : i32 to index
      %get3A_638 = arith.constant 880 : index
      %get3A_639 = tpu.vector_load %arg5[%get3A_637, %get3A_638] {strides = array<i32>} : memref<16x1024xf32, #tpu.memory_space<vmem>>, vector<1x16xf32>,
      %get3A_640 = vector.shape_cast %get3A_639 : vector<1x16xf32> to vector<16xf32>
      %mul3A_641 = arith.mulf %get3A_640, %get3A_87 : vector<16xf32>
      %swap3A_642 = arith.index_cast %scan3A_81 : i32 to index
      %swap3A_643 = arith.constant 880 : index
      %swap3A_644 = tpu.vector_load %arg7[%swap3A_642, %swap3A_643] {strides = array<i32>} : memref<16x1024xf32, #tpu.memory_space<vmem>>, vector<1x16xf32>,
      %swap3A_645 = vector.shape_cast %swap3A_644 : vector<1x16xf32> to vector<16xf32>
      %swap3A_646 = vector.shape_cast %mul3A_641 : vector<16xf32> to vector<1x16xf32>
      tpu.vector_store %arg7[%swap3A_642, %swap3A_643], %swap3A_646 {strides = array<i32>} : memref<16x1024xf32, #tpu.memory_space<vmem>>, vector<1x16xf32>,
      %get3A_647 = arith.index_cast %scan3A_81 : i32 to index
      %get3A_648 = arith.constant 896 : index
      %get3A_649 = tpu.vector_load %arg5[%get3A_647, %get3A_648] {strides = array<i32>} : memref<16x1024xf32, #tpu.memory_space<vmem>>, vector<1x16xf32>,
      %get3A_650 = vector.shape_cast %get3A_649 : vector<1x16xf32> to vector<16xf32>
      %mul3A_651 = arith.mulf %get3A_650, %get3A_87 : vector<16xf32>
      %swap3A_652 = arith.index_cast %scan3A_81 : i32 to index
      %swap3A_653 = arith.constant 896 : index
      %swap3A_654 = tpu.vector_load %arg7[%swap3A_652, %swap3A_653] {strides = array<i32>} : memref<16x1024xf32, #tpu.memory_space<vmem>>, vector<1x16xf32>,
      %swap3A_655 = vector.shape_cast %swap3A_654 : vector<1x16xf32> to vector<16xf32>
      %swap3A_656 = vector.shape_cast %mul3A_651 : vector<16xf32> to vector<1x16xf32>
      tpu.vector_store %arg7[%swap3A_652, %swap3A_653], %swap3A_656 {strides = array<i32>} : memref<16x1024xf32, #tpu.memory_space<vmem>>, vector<1x16xf32>,
      %get3A_657 = arith.index_cast %scan3A_81 : i32 to index
      %get3A_658 = arith.constant 912 : index
      %get3A_659 = tpu.vector_load %arg5[%get3A_657, %get3A_658] {strides = array<i32>} : memref<16x1024xf32, #tpu.memory_space<vmem>>, vector<1x16xf32>,
      %get3A_660 = vector.shape_cast %get3A_659 : vector<1x16xf32> to vector<16xf32>
      %mul3A_661 = arith.mulf %get3A_660, %get3A_87 : vector<16xf32>
      %swap3A_662 = arith.index_cast %scan3A_81 : i32 to index
      %swap3A_663 = arith.constant 912 : index
      %swap3A_664 = tpu.vector_load %arg7[%swap3A_662, %swap3A_663] {strides = array<i32>} : memref<16x1024xf32, #tpu.memory_space<vmem>>, vector<1x16xf32>,
      %swap3A_665 = vector.shape_cast %swap3A_664 : vector<1x16xf32> to vector<16xf32>
      %swap3A_666 = vector.shape_cast %mul3A_661 : vector<16xf32> to vector<1x16xf32>
      tpu.vector_store %arg7[%swap3A_662, %swap3A_663], %swap3A_666 {strides = array<i32>} : memref<16x1024xf32, #tpu.memory_space<vmem>>, vector<1x16xf32>,
      %get3A_667 = arith.index_cast %scan3A_81 : i32 to index
      %get3A_668 = arith.constant 928 : index
      %get3A_669 = tpu.vector_load %arg5[%get3A_667, %get3A_668] {strides = array<i32>} : memref<16x1024xf32, #tpu.memory_space<vmem>>, vector<1x16xf32>,
      %get3A_670 = vector.shape_cast %get3A_669 : vector<1x16xf32> to vector<16xf32>
      %mul3A_671 = arith.mulf %get3A_670, %get3A_87 : vector<16xf32>
      %swap3A_672 = arith.index_cast %scan3A_81 : i32 to index
      %swap3A_673 = arith.constant 928 : index
      %swap3A_674 = tpu.vector_load %arg7[%swap3A_672, %swap3A_673] {strides = array<i32>} : memref<16x1024xf32, #tpu.memory_space<vmem>>, vector<1x16xf32>,
      %swap3A_675 = vector.shape_cast %swap3A_674 : vector<1x16xf32> to vector<16xf32>
      %swap3A_676 = vector.shape_cast %mul3A_671 : vector<16xf32> to vector<1x16xf32>
      tpu.vector_store %arg7[%swap3A_672, %swap3A_673], %swap3A_676 {strides = array<i32>} : memref<16x1024xf32, #tpu.memory_space<vmem>>, vector<1x16xf32>,
      %get3A_677 = arith.index_cast %scan3A_81 : i32 to index
      %get3A_678 = arith.constant 944 : index
      %get3A_679 = tpu.vector_load %arg5[%get3A_677, %get3A_678] {strides = array<i32>} : memref<16x1024xf32, #tpu.memory_space<vmem>>, vector<1x16xf32>,
      %get3A_680 = vector.shape_cast %get3A_679 : vector<1x16xf32> to vector<16xf32>
      %mul3A_681 = arith.mulf %get3A_680, %get3A_87 : vector<16xf32>
      %swap3A_682 = arith.index_cast %scan3A_81 : i32 to index
      %swap3A_683 = arith.constant 944 : index
      %swap3A_684 = tpu.vector_load %arg7[%swap3A_682, %swap3A_683] {strides = array<i32>} : memref<16x1024xf32, #tpu.memory_space<vmem>>, vector<1x16xf32>,
      %swap3A_685 = vector.shape_cast %swap3A_684 : vector<1x16xf32> to vector<16xf32>
      %swap3A_686 = vector.shape_cast %mul3A_681 : vector<16xf32> to vector<1x16xf32>
      tpu.vector_store %arg7[%swap3A_682, %swap3A_683], %swap3A_686 {strides = array<i32>} : memref<16x1024xf32, #tpu.memory_space<vmem>>, vector<1x16xf32>,
      %get3A_687 = arith.index_cast %scan3A_81 : i32 to index
      %get3A_688 = arith.constant 960 : index
      %get3A_689 = tpu.vector_load %arg5[%get3A_687, %get3A_688] {strides = array<i32>} : memref<16x1024xf32, #tpu.memory_space<vmem>>, vector<1x16xf32>,
      %get3A_690 = vector.shape_cast %get3A_689 : vector<1x16xf32> to vector<16xf32>
      %mul3A_691 = arith.mulf %get3A_690, %get3A_87 : vector<16xf32>
      %swap3A_692 = arith.index_cast %scan3A_81 : i32 to index
      %swap3A_693 = arith.constant 960 : index
      %swap3A_694 = tpu.vector_load %arg7[%swap3A_692, %swap3A_693] {strides = array<i32>} : memref<16x1024xf32, #tpu.memory_space<vmem>>, vector<1x16xf32>,
      %swap3A_695 = vector.shape_cast %swap3A_694 : vector<1x16xf32> to vector<16xf32>
      %swap3A_696 = vector.shape_cast %mul3A_691 : vector<16xf32> to vector<1x16xf32>
      tpu.vector_store %arg7[%swap3A_692, %swap3A_693], %swap3A_696 {strides = array<i32>} : memref<16x1024xf32, #tpu.memory_space<vmem>>, vector<1x16xf32>,
      %get3A_697 = arith.index_cast %scan3A_81 : i32 to index
      %get3A_698 = arith.constant 976 : index
      %get3A_699 = tpu.vector_load %arg5[%get3A_697, %get3A_698] {strides = array<i32>} : memref<16x1024xf32, #tpu.memory_space<vmem>>, vector<1x16xf32>,
      %get3A_700 = vector.shape_cast %get3A_699 : vector<1x16xf32> to vector<16xf32>
      %mul3A_701 = arith.mulf %get3A_700, %get3A_87 : vector<16xf32>
      %swap3A_702 = arith.index_cast %scan3A_81 : i32 to index
      %swap3A_703 = arith.constant 976 : index
      %swap3A_704 = tpu.vector_load %arg7[%swap3A_702, %swap3A_703] {strides = array<i32>} : memref<16x1024xf32, #tpu.memory_space<vmem>>, vector<1x16xf32>,
      %swap3A_705 = vector.shape_cast %swap3A_704 : vector<1x16xf32> to vector<16xf32>
      %swap3A_706 = vector.shape_cast %mul3A_701 : vector<16xf32> to vector<1x16xf32>
      tpu.vector_store %arg7[%swap3A_702, %swap3A_703], %swap3A_706 {strides = array<i32>} : memref<16x1024xf32, #tpu.memory_space<vmem>>, vector<1x16xf32>,
      %get3A_707 = arith.index_cast %scan3A_81 : i32 to index
      %get3A_708 = arith.constant 992 : index
      %get3A_709 = tpu.vector_load %arg5[%get3A_707, %get3A_708] {strides = array<i32>} : memref<16x1024xf32, #tpu.memory_space<vmem>>, vector<1x16xf32>,
      %get3A_710 = vector.shape_cast %get3A_709 : vector<1x16xf32> to vector<16xf32>
      %mul3A_711 = arith.mulf %get3A_710, %get3A_87 : vector<16xf32>
      %swap3A_712 = arith.index_cast %scan3A_81 : i32 to index
      %swap3A_713 = arith.constant 992 : index
      %swap3A_714 = tpu.vector_load %arg7[%swap3A_712, %swap3A_713] {strides = array<i32>} : memref<16x1024xf32, #tpu.memory_space<vmem>>, vector<1x16xf32>,
      %swap3A_715 = vector.shape_cast %swap3A_714 : vector<1x16xf32> to vector<16xf32>
      %swap3A_716 = vector.shape_cast %mul3A_711 : vector<16xf32> to vector<1x16xf32>
      tpu.vector_store %arg7[%swap3A_712, %swap3A_713], %swap3A_716 {strides = array<i32>} : memref<16x1024xf32, #tpu.memory_space<vmem>>, vector<1x16xf32>,
      %get3A_717 = arith.index_cast %scan3A_81 : i32 to index
      %get3A_718 = arith.constant 1008 : index
      %get3A_719 = tpu.vector_load %arg5[%get3A_717, %get3A_718] {strides = array<i32>} : memref<16x1024xf32, #tpu.memory_space<vmem>>, vector<1x16xf32>,
      %get3A_720 = vector.shape_cast %get3A_719 : vector<1x16xf32> to vector<16xf32>
      %mul3A_721 = arith.mulf %get3A_720, %get3A_87 : vector<16xf32>
      %swap3A_722 = arith.index_cast %scan3A_81 : i32 to index
      %swap3A_723 = arith.constant 1008 : index
      %swap3A_724 = tpu.vector_load %arg7[%swap3A_722, %swap3A_723] {strides = array<i32>} : memref<16x1024xf32, #tpu.memory_space<vmem>>, vector<1x16xf32>,
      %swap3A_725 = vector.shape_cast %swap3A_724 : vector<1x16xf32> to vector<16xf32>
      %swap3A_726 = vector.shape_cast %mul3A_721 : vector<16xf32> to vector<1x16xf32>
      tpu.vector_store %arg7[%swap3A_722, %swap3A_723], %swap3A_726 {strides = array<i32>} : memref<16x1024xf32, #tpu.memory_space<vmem>>, vector<1x16xf32>,
    }
    %scan3A_26 = arith.constant 16 : i32
    %add3A_27 = arith.constant 0 : i32
    %add3A_28 = arith.addi %mul3A_2, %add3A_27 : i32
    %dma_start3A_29 = arith.constant 0 : i32
    %dma_start3A_30 = tpu.memref_slice %arg4[%add3A_28, %dma_start3A_29] : memref<16384x1024xf32, #tpu.memory_space<hbm>> -> memref<16x1024xf32, #tpu.memory_space<hbm>>
    %dma_start3A_31 = arith.constant 0 : i32
    %dma_start3A_32 = tpu.memref_slice %arg4[%add3A_28, %dma_start3A_31] : memref<16384x1024xf32, #tpu.memory_space<hbm>> -> memref<16x1024xf32, #tpu.memory_space<hbm>>
    tpu.enqueue_dma source(%arg7 : memref<16x1024xf32, #tpu.memory_space<vmem>>) target(%dma_start3A_32 : memref<16x1024xf32, #tpu.memory_space<hbm>>) target_semaphore(%arg12 : memref<!tpu.dma_semaphore, #tpu.memory_space<semaphore_mem>>)
    %add3A_33 = arith.constant 32 : i32
    %add3A_34 = arith.addi %mul3A_2, %add3A_33 : i32
    %dma_start3A_35 = arith.constant 0 : i32
    %dma_start3A_36 = tpu.memref_slice %arg2[%add3A_34, %dma_start3A_35] : memref<16384x1024xf32, #tpu.memory_space<hbm>> -> memref<16x1024xf32, #tpu.memory_space<hbm>>
    %dma_start3A_37 = arith.constant 0 : i32
    %dma_start3A_38 = tpu.memref_slice %arg2[%add3A_34, %dma_start3A_37] : memref<16384x1024xf32, #tpu.memory_space<hbm>> -> memref<16x1024xf32, #tpu.memory_space<hbm>>
    tpu.enqueue_dma source(%dma_start3A_38 : memref<16x1024xf32, #tpu.memory_space<hbm>>) target(%arg5 : memref<16x1024xf32, #tpu.memory_space<vmem>>) target_semaphore(%arg10 : memref<!tpu.dma_semaphore, #tpu.memory_space<semaphore_mem>>)
    %add3A_39 = arith.constant 16 : i32
    %add3A_40 = arith.addi %mul3A_2, %add3A_39 : i32
    %dma_wait3A_41 = arith.constant 0 : i32
    %dma_wait3A_42 = tpu.memref_slice %arg2[%add3A_40, %dma_wait3A_41] : memref<16384x1024xf32, #tpu.memory_space<hbm>> -> memref<16x1024xf32, #tpu.memory_space<hbm>>
    %dma_wait3A_43 = arith.constant 0 : i32
    %dma_wait3A_44 = tpu.memref_slice %arg2[%add3A_40, %dma_wait3A_43] : memref<16384x1024xf32, #tpu.memory_space<hbm>> -> memref<16x1024xf32, #tpu.memory_space<hbm>>
    tpu.wait_dma2 semaphore(%arg11 : memref<!tpu.dma_semaphore, #tpu.memory_space<semaphore_mem>>) src(%dma_wait3A_44 : memref<16x1024xf32, #tpu.memory_space<hbm>>) dst(%arg6 : memref<16x1024xf32, #tpu.memory_space<vmem>>)
    %scan3A_45 = arith.constant 0 : i32
    %scan3A_46 = arith.constant 0 : i32
    %scan3A_47 = arith.constant 16 : i32
    %scan3A_48 = arith.addi %scan3A_46, %scan3A_47 : i32
    %scan3A_49 = arith.constant 1 : i32
    scf.for %scan3A_81 = %scan3A_46 to %scan3A_48 step %scan3A_49  : i32 {
      %add3A_82 = arith.constant 16 : i32
      %add3A_83 = arith.addi %add3A_82, %scan3A_81 : i32
      %mul3A_84 = arith.constant 16 : i32
      %mul3A_85 = arith.muli %add3A_83, %mul3A_84 : i32
      %get3A = arith.index_cast %mul3A_85 : i32 to index
      %get3A_86 = tpu.vector_load %arg9[%get3A] {strides = array<i32>} : memref<8192xf32, #tpu.memory_space<vmem>>, vector<16xf32>,
      %get3A_87 = vector.shape_cast %get3A_86 : vector<16xf32> to vector<16xf32>
      %get3A_88 = arith.index_cast %scan3A_81 : i32 to index
      %get3A_89 = arith.constant 0 : index
      %get3A_90 = tpu.vector_load %arg6[%get3A_88, %get3A_89] {strides = array<i32>} : memref<16x1024xf32, #tpu.memory_space<vmem>>, vector<1x16xf32>,
      %get3A_91 = vector.shape_cast %get3A_90 : vector<1x16xf32> to vector<16xf32>
      %mul3A_92 = arith.mulf %get3A_91, %get3A_87 : vector<16xf32>
      %swap3A = arith.index_cast %scan3A_81 : i32 to index
      %swap3A_93 = arith.constant 0 : index
      %swap3A_94 = tpu.vector_load %arg8[%swap3A, %swap3A_93] {strides = array<i32>} : memref<16x1024xf32, #tpu.memory_space<vmem>>, vector<1x16xf32>,
      %swap3A_95 = vector.shape_cast %swap3A_94 : vector<1x16xf32> to vector<16xf32>
      %swap3A_96 = vector.shape_cast %mul3A_92 : vector<16xf32> to vector<1x16xf32>
      tpu.vector_store %arg8[%swap3A, %swap3A_93], %swap3A_96 {strides = array<i32>} : memref<16x1024xf32, #tpu.memory_space<vmem>>, vector<1x16xf32>,
      %get3A_97 = arith.index_cast %scan3A_81 : i32 to index
      %get3A_98 = arith.constant 16 : index
      %get3A_99 = tpu.vector_load %arg6[%get3A_97, %get3A_98] {strides = array<i32>} : memref<16x1024xf32, #tpu.memory_space<vmem>>, vector<1x16xf32>,
      %get3A_100 = vector.shape_cast %get3A_99 : vector<1x16xf32> to vector<16xf32>
      %mul3A_101 = arith.mulf %get3A_100, %get3A_87 : vector<16xf32>
      %swap3A_102 = arith.index_cast %scan3A_81 : i32 to index
      %swap3A_103 = arith.constant 16 : index
      %swap3A_104 = tpu.vector_load %arg8[%swap3A_102, %swap3A_103] {strides = array<i32>} : memref<16x1024xf32, #tpu.memory_space<vmem>>, vector<1x16xf32>,
      %swap3A_105 = vector.shape_cast %swap3A_104 : vector<1x16xf32> to vector<16xf32>
      %swap3A_106 = vector.shape_cast %mul3A_101 : vector<16xf32> to vector<1x16xf32>
      tpu.vector_store %arg8[%swap3A_102, %swap3A_103], %swap3A_106 {strides = array<i32>} : memref<16x1024xf32, #tpu.memory_space<vmem>>, vector<1x16xf32>,
      %get3A_107 = arith.index_cast %scan3A_81 : i32 to index
      %get3A_108 = arith.constant 32 : index
      %get3A_109 = tpu.vector_load %arg6[%get3A_107, %get3A_108] {strides = array<i32>} : memref<16x1024xf32, #tpu.memory_space<vmem>>, vector<1x16xf32>,
      %get3A_110 = vector.shape_cast %get3A_109 : vector<1x16xf32> to vector<16xf32>
      %mul3A_111 = arith.mulf %get3A_110, %get3A_87 : vector<16xf32>
      %swap3A_112 = arith.index_cast %scan3A_81 : i32 to index
      %swap3A_113 = arith.constant 32 : index
      %swap3A_114 = tpu.vector_load %arg8[%swap3A_112, %swap3A_113] {strides = array<i32>} : memref<16x1024xf32, #tpu.memory_space<vmem>>, vector<1x16xf32>,
      %swap3A_115 = vector.shape_cast %swap3A_114 : vector<1x16xf32> to vector<16xf32>
      %swap3A_116 = vector.shape_cast %mul3A_111 : vector<16xf32> to vector<1x16xf32>
      tpu.vector_store %arg8[%swap3A_112, %swap3A_113], %swap3A_116 {strides = array<i32>} : memref<16x1024xf32, #tpu.memory_space<vmem>>, vector<1x16xf32>,
      %get3A_117 = arith.index_cast %scan3A_81 : i32 to index
      %get3A_118 = arith.constant 48 : index
      %get3A_119 = tpu.vector_load %arg6[%get3A_117, %get3A_118] {strides = array<i32>} : memref<16x1024xf32, #tpu.memory_space<vmem>>, vector<1x16xf32>,
      %get3A_120 = vector.shape_cast %get3A_119 : vector<1x16xf32> to vector<16xf32>
      %mul3A_121 = arith.mulf %get3A_120, %get3A_87 : vector<16xf32>
      %swap3A_122 = arith.index_cast %scan3A_81 : i32 to index
      %swap3A_123 = arith.constant 48 : index
      %swap3A_124 = tpu.vector_load %arg8[%swap3A_122, %swap3A_123] {strides = array<i32>} : memref<16x1024xf32, #tpu.memory_space<vmem>>, vector<1x16xf32>,
      %swap3A_125 = vector.shape_cast %swap3A_124 : vector<1x16xf32> to vector<16xf32>
      %swap3A_126 = vector.shape_cast %mul3A_121 : vector<16xf32> to vector<1x16xf32>
      tpu.vector_store %arg8[%swap3A_122, %swap3A_123], %swap3A_126 {strides = array<i32>} : memref<16x1024xf32, #tpu.memory_space<vmem>>, vector<1x16xf32>,
      %get3A_127 = arith.index_cast %scan3A_81 : i32 to index
      %get3A_128 = arith.constant 64 : index
      %get3A_129 = tpu.vector_load %arg6[%get3A_127, %get3A_128] {strides = array<i32>} : memref<16x1024xf32, #tpu.memory_space<vmem>>, vector<1x16xf32>,
      %get3A_130 = vector.shape_cast %get3A_129 : vector<1x16xf32> to vector<16xf32>
      %mul3A_131 = arith.mulf %get3A_130, %get3A_87 : vector<16xf32>
      %swap3A_132 = arith.index_cast %scan3A_81 : i32 to index
      %swap3A_133 = arith.constant 64 : index
      %swap3A_134 = tpu.vector_load %arg8[%swap3A_132, %swap3A_133] {strides = array<i32>} : memref<16x1024xf32, #tpu.memory_space<vmem>>, vector<1x16xf32>,
      %swap3A_135 = vector.shape_cast %swap3A_134 : vector<1x16xf32> to vector<16xf32>
      %swap3A_136 = vector.shape_cast %mul3A_131 : vector<16xf32> to vector<1x16xf32>
      tpu.vector_store %arg8[%swap3A_132, %swap3A_133], %swap3A_136 {strides = array<i32>} : memref<16x1024xf32, #tpu.memory_space<vmem>>, vector<1x16xf32>,
      %get3A_137 = arith.index_cast %scan3A_81 : i32 to index
      %get3A_138 = arith.constant 80 : index
      %get3A_139 = tpu.vector_load %arg6[%get3A_137, %get3A_138] {strides = array<i32>} : memref<16x1024xf32, #tpu.memory_space<vmem>>, vector<1x16xf32>,
      %get3A_140 = vector.shape_cast %get3A_139 : vector<1x16xf32> to vector<16xf32>
      %mul3A_141 = arith.mulf %get3A_140, %get3A_87 : vector<16xf32>
      %swap3A_142 = arith.index_cast %scan3A_81 : i32 to index
      %swap3A_143 = arith.constant 80 : index
      %swap3A_144 = tpu.vector_load %arg8[%swap3A_142, %swap3A_143] {strides = array<i32>} : memref<16x1024xf32, #tpu.memory_space<vmem>>, vector<1x16xf32>,
      %swap3A_145 = vector.shape_cast %swap3A_144 : vector<1x16xf32> to vector<16xf32>
      %swap3A_146 = vector.shape_cast %mul3A_141 : vector<16xf32> to vector<1x16xf32>
      tpu.vector_store %arg8[%swap3A_142, %swap3A_143], %swap3A_146 {strides = array<i32>} : memref<16x1024xf32, #tpu.memory_space<vmem>>, vector<1x16xf32>,
      %get3A_147 = arith.index_cast %scan3A_81 : i32 to index
      %get3A_148 = arith.constant 96 : index
      %get3A_149 = tpu.vector_load %arg6[%get3A_147, %get3A_148] {strides = array<i32>} : memref<16x1024xf32, #tpu.memory_space<vmem>>, vector<1x16xf32>,
      %get3A_150 = vector.shape_cast %get3A_149 : vector<1x16xf32> to vector<16xf32>
      %mul3A_151 = arith.mulf %get3A_150, %get3A_87 : vector<16xf32>
      %swap3A_152 = arith.index_cast %scan3A_81 : i32 to index
      %swap3A_153 = arith.constant 96 : index
      %swap3A_154 = tpu.vector_load %arg8[%swap3A_152, %swap3A_153] {strides = array<i32>} : memref<16x1024xf32, #tpu.memory_space<vmem>>, vector<1x16xf32>,
      %swap3A_155 = vector.shape_cast %swap3A_154 : vector<1x16xf32> to vector<16xf32>
      %swap3A_156 = vector.shape_cast %mul3A_151 : vector<16xf32> to vector<1x16xf32>
      tpu.vector_store %arg8[%swap3A_152, %swap3A_153], %swap3A_156 {strides = array<i32>} : memref<16x1024xf32, #tpu.memory_space<vmem>>, vector<1x16xf32>,
      %get3A_157 = arith.index_cast %scan3A_81 : i32 to index
      %get3A_158 = arith.constant 112 : index
      %get3A_159 = tpu.vector_load %arg6[%get3A_157, %get3A_158] {strides = array<i32>} : memref<16x1024xf32, #tpu.memory_space<vmem>>, vector<1x16xf32>,
      %get3A_160 = vector.shape_cast %get3A_159 : vector<1x16xf32> to vector<16xf32>
      %mul3A_161 = arith.mulf %get3A_160, %get3A_87 : vector<16xf32>
      %swap3A_162 = arith.index_cast %scan3A_81 : i32 to index
      %swap3A_163 = arith.constant 112 : index
      %swap3A_164 = tpu.vector_load %arg8[%swap3A_162, %swap3A_163] {strides = array<i32>} : memref<16x1024xf32, #tpu.memory_space<vmem>>, vector<1x16xf32>,
      %swap3A_165 = vector.shape_cast %swap3A_164 : vector<1x16xf32> to vector<16xf32>
      %swap3A_166 = vector.shape_cast %mul3A_161 : vector<16xf32> to vector<1x16xf32>
      tpu.vector_store %arg8[%swap3A_162, %swap3A_163], %swap3A_166 {strides = array<i32>} : memref<16x1024xf32, #tpu.memory_space<vmem>>, vector<1x16xf32>,
      %get3A_167 = arith.index_cast %scan3A_81 : i32 to index
      %get3A_168 = arith.constant 128 : index
      %get3A_169 = tpu.vector_load %arg6[%get3A_167, %get3A_168] {strides = array<i32>} : memref<16x1024xf32, #tpu.memory_space<vmem>>, vector<1x16xf32>,
      %get3A_170 = vector.shape_cast %get3A_169 : vector<1x16xf32> to vector<16xf32>
      %mul3A_171 = arith.mulf %get3A_170, %get3A_87 : vector<16xf32>
      %swap3A_172 = arith.index_cast %scan3A_81 : i32 to index
      %swap3A_173 = arith.constant 128 : index
      %swap3A_174 = tpu.vector_load %arg8[%swap3A_172, %swap3A_173] {strides = array<i32>} : memref<16x1024xf32, #tpu.memory_space<vmem>>, vector<1x16xf32>,
      %swap3A_175 = vector.shape_cast %swap3A_174 : vector<1x16xf32> to vector<16xf32>
      %swap3A_176 = vector.shape_cast %mul3A_171 : vector<16xf32> to vector<1x16xf32>
      tpu.vector_store %arg8[%swap3A_172, %swap3A_173], %swap3A_176 {strides = array<i32>} : memref<16x1024xf32, #tpu.memory_space<vmem>>, vector<1x16xf32>,
      %get3A_177 = arith.index_cast %scan3A_81 : i32 to index
      %get3A_178 = arith.constant 144 : index
      %get3A_179 = tpu.vector_load %arg6[%get3A_177, %get3A_178] {strides = array<i32>} : memref<16x1024xf32, #tpu.memory_space<vmem>>, vector<1x16xf32>,
      %get3A_180 = vector.shape_cast %get3A_179 : vector<1x16xf32> to vector<16xf32>
      %mul3A_181 = arith.mulf %get3A_180, %get3A_87 : vector<16xf32>
      %swap3A_182 = arith.index_cast %scan3A_81 : i32 to index
      %swap3A_183 = arith.constant 144 : index
      %swap3A_184 = tpu.vector_load %arg8[%swap3A_182, %swap3A_183] {strides = array<i32>} : memref<16x1024xf32, #tpu.memory_space<vmem>>, vector<1x16xf32>,
      %swap3A_185 = vector.shape_cast %swap3A_184 : vector<1x16xf32> to vector<16xf32>
      %swap3A_186 = vector.shape_cast %mul3A_181 : vector<16xf32> to vector<1x16xf32>
      tpu.vector_store %arg8[%swap3A_182, %swap3A_183], %swap3A_186 {strides = array<i32>} : memref<16x1024xf32, #tpu.memory_space<vmem>>, vector<1x16xf32>,
      %get3A_187 = arith.index_cast %scan3A_81 : i32 to index
      %get3A_188 = arith.constant 160 : index
      %get3A_189 = tpu.vector_load %arg6[%get3A_187, %get3A_188] {strides = array<i32>} : memref<16x1024xf32, #tpu.memory_space<vmem>>, vector<1x16xf32>,
      %get3A_190 = vector.shape_cast %get3A_189 : vector<1x16xf32> to vector<16xf32>
      %mul3A_191 = arith.mulf %get3A_190, %get3A_87 : vector<16xf32>
      %swap3A_192 = arith.index_cast %scan3A_81 : i32 to index
      %swap3A_193 = arith.constant 160 : index
      %swap3A_194 = tpu.vector_load %arg8[%swap3A_192, %swap3A_193] {strides = array<i32>} : memref<16x1024xf32, #tpu.memory_space<vmem>>, vector<1x16xf32>,
      %swap3A_195 = vector.shape_cast %swap3A_194 : vector<1x16xf32> to vector<16xf32>
      %swap3A_196 = vector.shape_cast %mul3A_191 : vector<16xf32> to vector<1x16xf32>
      tpu.vector_store %arg8[%swap3A_192, %swap3A_193], %swap3A_196 {strides = array<i32>} : memref<16x1024xf32, #tpu.memory_space<vmem>>, vector<1x16xf32>,
      %get3A_197 = arith.index_cast %scan3A_81 : i32 to index
      %get3A_198 = arith.constant 176 : index
      %get3A_199 = tpu.vector_load %arg6[%get3A_197, %get3A_198] {strides = array<i32>} : memref<16x1024xf32, #tpu.memory_space<vmem>>, vector<1x16xf32>,
      %get3A_200 = vector.shape_cast %get3A_199 : vector<1x16xf32> to vector<16xf32>
      %mul3A_201 = arith.mulf %get3A_200, %get3A_87 : vector<16xf32>
      %swap3A_202 = arith.index_cast %scan3A_81 : i32 to index
      %swap3A_203 = arith.constant 176 : index
      %swap3A_204 = tpu.vector_load %arg8[%swap3A_202, %swap3A_203] {strides = array<i32>} : memref<16x1024xf32, #tpu.memory_space<vmem>>, vector<1x16xf32>,
      %swap3A_205 = vector.shape_cast %swap3A_204 : vector<1x16xf32> to vector<16xf32>
      %swap3A_206 = vector.shape_cast %mul3A_201 : vector<16xf32> to vector<1x16xf32>
      tpu.vector_store %arg8[%swap3A_202, %swap3A_203], %swap3A_206 {strides = array<i32>} : memref<16x1024xf32, #tpu.memory_space<vmem>>, vector<1x16xf32>,
      %get3A_207 = arith.index_cast %scan3A_81 : i32 to index
      %get3A_208 = arith.constant 192 : index
      %get3A_209 = tpu.vector_load %arg6[%get3A_207, %get3A_208] {strides = array<i32>} : memref<16x1024xf32, #tpu.memory_space<vmem>>, vector<1x16xf32>,
      %get3A_210 = vector.shape_cast %get3A_209 : vector<1x16xf32> to vector<16xf32>
      %mul3A_211 = arith.mulf %get3A_210, %get3A_87 : vector<16xf32>
      %swap3A_212 = arith.index_cast %scan3A_81 : i32 to index
      %swap3A_213 = arith.constant 192 : index
      %swap3A_214 = tpu.vector_load %arg8[%swap3A_212, %swap3A_213] {strides = array<i32>} : memref<16x1024xf32, #tpu.memory_space<vmem>>, vector<1x16xf32>,
      %swap3A_215 = vector.shape_cast %swap3A_214 : vector<1x16xf32> to vector<16xf32>
      %swap3A_216 = vector.shape_cast %mul3A_211 : vector<16xf32> to vector<1x16xf32>
      tpu.vector_store %arg8[%swap3A_212, %swap3A_213], %swap3A_216 {strides = array<i32>} : memref<16x1024xf32, #tpu.memory_space<vmem>>, vector<1x16xf32>,
      %get3A_217 = arith.index_cast %scan3A_81 : i32 to index
      %get3A_218 = arith.constant 208 : index
      %get3A_219 = tpu.vector_load %arg6[%get3A_217, %get3A_218] {strides = array<i32>} : memref<16x1024xf32, #tpu.memory_space<vmem>>, vector<1x16xf32>,
      %get3A_220 = vector.shape_cast %get3A_219 : vector<1x16xf32> to vector<16xf32>
      %mul3A_221 = arith.mulf %get3A_220, %get3A_87 : vector<16xf32>
      %swap3A_222 = arith.index_cast %scan3A_81 : i32 to index
      %swap3A_223 = arith.constant 208 : index
      %swap3A_224 = tpu.vector_load %arg8[%swap3A_222, %swap3A_223] {strides = array<i32>} : memref<16x1024xf32, #tpu.memory_space<vmem>>, vector<1x16xf32>,
      %swap3A_225 = vector.shape_cast %swap3A_224 : vector<1x16xf32> to vector<16xf32>
      %swap3A_226 = vector.shape_cast %mul3A_221 : vector<16xf32> to vector<1x16xf32>
      tpu.vector_store %arg8[%swap3A_222, %swap3A_223], %swap3A_226 {strides = array<i32>} : memref<16x1024xf32, #tpu.memory_space<vmem>>, vector<1x16xf32>,
      %get3A_227 = arith.index_cast %scan3A_81 : i32 to index
      %get3A_228 = arith.constant 224 : index
      %get3A_229 = tpu.vector_load %arg6[%get3A_227, %get3A_228] {strides = array<i32>} : memref<16x1024xf32, #tpu.memory_space<vmem>>, vector<1x16xf32>,
      %get3A_230 = vector.shape_cast %get3A_229 : vector<1x16xf32> to vector<16xf32>
      %mul3A_231 = arith.mulf %get3A_230, %get3A_87 : vector<16xf32>
      %swap3A_232 = arith.index_cast %scan3A_81 : i32 to index
      %swap3A_233 = arith.constant 224 : index
      %swap3A_234 = tpu.vector_load %arg8[%swap3A_232, %swap3A_233] {strides = array<i32>} : memref<16x1024xf32, #tpu.memory_space<vmem>>, vector<1x16xf32>,
      %swap3A_235 = vector.shape_cast %swap3A_234 : vector<1x16xf32> to vector<16xf32>
      %swap3A_236 = vector.shape_cast %mul3A_231 : vector<16xf32> to vector<1x16xf32>
      tpu.vector_store %arg8[%swap3A_232, %swap3A_233], %swap3A_236 {strides = array<i32>} : memref<16x1024xf32, #tpu.memory_space<vmem>>, vector<1x16xf32>,
      %get3A_237 = arith.index_cast %scan3A_81 : i32 to index
      %get3A_238 = arith.constant 240 : index
      %get3A_239 = tpu.vector_load %arg6[%get3A_237, %get3A_238] {strides = array<i32>} : memref<16x1024xf32, #tpu.memory_space<vmem>>, vector<1x16xf32>,
      %get3A_240 = vector.shape_cast %get3A_239 : vector<1x16xf32> to vector<16xf32>
      %mul3A_241 = arith.mulf %get3A_240, %get3A_87 : vector<16xf32>
      %swap3A_242 = arith.index_cast %scan3A_81 : i32 to index
      %swap3A_243 = arith.constant 240 : index
      %swap3A_244 = tpu.vector_load %arg8[%swap3A_242, %swap3A_243] {strides = array<i32>} : memref<16x1024xf32, #tpu.memory_space<vmem>>, vector<1x16xf32>,
      %swap3A_245 = vector.shape_cast %swap3A_244 : vector<1x16xf32> to vector<16xf32>
      %swap3A_246 = vector.shape_cast %mul3A_241 : vector<16xf32> to vector<1x16xf32>
      tpu.vector_store %arg8[%swap3A_242, %swap3A_243], %swap3A_246 {strides = array<i32>} : memref<16x1024xf32, #tpu.memory_space<vmem>>, vector<1x16xf32>,
      %get3A_247 = arith.index_cast %scan3A_81 : i32 to index
      %get3A_248 = arith.constant 256 : index
      %get3A_249 = tpu.vector_load %arg6[%get3A_247, %get3A_248] {strides = array<i32>} : memref<16x1024xf32, #tpu.memory_space<vmem>>, vector<1x16xf32>,
      %get3A_250 = vector.shape_cast %get3A_249 : vector<1x16xf32> to vector<16xf32>
      %mul3A_251 = arith.mulf %get3A_250, %get3A_87 : vector<16xf32>
      %swap3A_252 = arith.index_cast %scan3A_81 : i32 to index
      %swap3A_253 = arith.constant 256 : index
      %swap3A_254 = tpu.vector_load %arg8[%swap3A_252, %swap3A_253] {strides = array<i32>} : memref<16x1024xf32, #tpu.memory_space<vmem>>, vector<1x16xf32>,
      %swap3A_255 = vector.shape_cast %swap3A_254 : vector<1x16xf32> to vector<16xf32>
      %swap3A_256 = vector.shape_cast %mul3A_251 : vector<16xf32> to vector<1x16xf32>
      tpu.vector_store %arg8[%swap3A_252, %swap3A_253], %swap3A_256 {strides = array<i32>} : memref<16x1024xf32, #tpu.memory_space<vmem>>, vector<1x16xf32>,
      %get3A_257 = arith.index_cast %scan3A_81 : i32 to index
      %get3A_258 = arith.constant 272 : index
      %get3A_259 = tpu.vector_load %arg6[%get3A_257, %get3A_258] {strides = array<i32>} : memref<16x1024xf32, #tpu.memory_space<vmem>>, vector<1x16xf32>,
      %get3A_260 = vector.shape_cast %get3A_259 : vector<1x16xf32> to vector<16xf32>
      %mul3A_261 = arith.mulf %get3A_260, %get3A_87 : vector<16xf32>
      %swap3A_262 = arith.index_cast %scan3A_81 : i32 to index
      %swap3A_263 = arith.constant 272 : index
      %swap3A_264 = tpu.vector_load %arg8[%swap3A_262, %swap3A_263] {strides = array<i32>} : memref<16x1024xf32, #tpu.memory_space<vmem>>, vector<1x16xf32>,
      %swap3A_265 = vector.shape_cast %swap3A_264 : vector<1x16xf32> to vector<16xf32>
      %swap3A_266 = vector.shape_cast %mul3A_261 : vector<16xf32> to vector<1x16xf32>
      tpu.vector_store %arg8[%swap3A_262, %swap3A_263], %swap3A_266 {strides = array<i32>} : memref<16x1024xf32, #tpu.memory_space<vmem>>, vector<1x16xf32>,
      %get3A_267 = arith.index_cast %scan3A_81 : i32 to index
      %get3A_268 = arith.constant 288 : index
      %get3A_269 = tpu.vector_load %arg6[%get3A_267, %get3A_268] {strides = array<i32>} : memref<16x1024xf32, #tpu.memory_space<vmem>>, vector<1x16xf32>,
      %get3A_270 = vector.shape_cast %get3A_269 : vector<1x16xf32> to vector<16xf32>
      %mul3A_271 = arith.mulf %get3A_270, %get3A_87 : vector<16xf32>
      %swap3A_272 = arith.index_cast %scan3A_81 : i32 to index
      %swap3A_273 = arith.constant 288 : index
      %swap3A_274 = tpu.vector_load %arg8[%swap3A_272, %swap3A_273] {strides = array<i32>} : memref<16x1024xf32, #tpu.memory_space<vmem>>, vector<1x16xf32>,
      %swap3A_275 = vector.shape_cast %swap3A_274 : vector<1x16xf32> to vector<16xf32>
      %swap3A_276 = vector.shape_cast %mul3A_271 : vector<16xf32> to vector<1x16xf32>
      tpu.vector_store %arg8[%swap3A_272, %swap3A_273], %swap3A_276 {strides = array<i32>} : memref<16x1024xf32, #tpu.memory_space<vmem>>, vector<1x16xf32>,
      %get3A_277 = arith.index_cast %scan3A_81 : i32 to index
      %get3A_278 = arith.constant 304 : index
      %get3A_279 = tpu.vector_load %arg6[%get3A_277, %get3A_278] {strides = array<i32>} : memref<16x1024xf32, #tpu.memory_space<vmem>>, vector<1x16xf32>,
      %get3A_280 = vector.shape_cast %get3A_279 : vector<1x16xf32> to vector<16xf32>
      %mul3A_281 = arith.mulf %get3A_280, %get3A_87 : vector<16xf32>
      %swap3A_282 = arith.index_cast %scan3A_81 : i32 to index
      %swap3A_283 = arith.constant 304 : index
      %swap3A_284 = tpu.vector_load %arg8[%swap3A_282, %swap3A_283] {strides = array<i32>} : memref<16x1024xf32, #tpu.memory_space<vmem>>, vector<1x16xf32>,
      %swap3A_285 = vector.shape_cast %swap3A_284 : vector<1x16xf32> to vector<16xf32>
      %swap3A_286 = vector.shape_cast %mul3A_281 : vector<16xf32> to vector<1x16xf32>
      tpu.vector_store %arg8[%swap3A_282, %swap3A_283], %swap3A_286 {strides = array<i32>} : memref<16x1024xf32, #tpu.memory_space<vmem>>, vector<1x16xf32>,
      %get3A_287 = arith.index_cast %scan3A_81 : i32 to index
      %get3A_288 = arith.constant 320 : index
      %get3A_289 = tpu.vector_load %arg6[%get3A_287, %get3A_288] {strides = array<i32>} : memref<16x1024xf32, #tpu.memory_space<vmem>>, vector<1x16xf32>,
      %get3A_290 = vector.shape_cast %get3A_289 : vector<1x16xf32> to vector<16xf32>
      %mul3A_291 = arith.mulf %get3A_290, %get3A_87 : vector<16xf32>
      %swap3A_292 = arith.index_cast %scan3A_81 : i32 to index
      %swap3A_293 = arith.constant 320 : index
      %swap3A_294 = tpu.vector_load %arg8[%swap3A_292, %swap3A_293] {strides = array<i32>} : memref<16x1024xf32, #tpu.memory_space<vmem>>, vector<1x16xf32>,
      %swap3A_295 = vector.shape_cast %swap3A_294 : vector<1x16xf32> to vector<16xf32>
      %swap3A_296 = vector.shape_cast %mul3A_291 : vector<16xf32> to vector<1x16xf32>
      tpu.vector_store %arg8[%swap3A_292, %swap3A_293], %swap3A_296 {strides = array<i32>} : memref<16x1024xf32, #tpu.memory_space<vmem>>, vector<1x16xf32>,
      %get3A_297 = arith.index_cast %scan3A_81 : i32 to index
      %get3A_298 = arith.constant 336 : index
      %get3A_299 = tpu.vector_load %arg6[%get3A_297, %get3A_298] {strides = array<i32>} : memref<16x1024xf32, #tpu.memory_space<vmem>>, vector<1x16xf32>,
      %get3A_300 = vector.shape_cast %get3A_299 : vector<1x16xf32> to vector<16xf32>
      %mul3A_301 = arith.mulf %get3A_300, %get3A_87 : vector<16xf32>
      %swap3A_302 = arith.index_cast %scan3A_81 : i32 to index
      %swap3A_303 = arith.constant 336 : index
      %swap3A_304 = tpu.vector_load %arg8[%swap3A_302, %swap3A_303] {strides = array<i32>} : memref<16x1024xf32, #tpu.memory_space<vmem>>, vector<1x16xf32>,
      %swap3A_305 = vector.shape_cast %swap3A_304 : vector<1x16xf32> to vector<16xf32>
      %swap3A_306 = vector.shape_cast %mul3A_301 : vector<16xf32> to vector<1x16xf32>
      tpu.vector_store %arg8[%swap3A_302, %swap3A_303], %swap3A_306 {strides = array<i32>} : memref<16x1024xf32, #tpu.memory_space<vmem>>, vector<1x16xf32>,
      %get3A_307 = arith.index_cast %scan3A_81 : i32 to index
      %get3A_308 = arith.constant 352 : index
      %get3A_309 = tpu.vector_load %arg6[%get3A_307, %get3A_308] {strides = array<i32>} : memref<16x1024xf32, #tpu.memory_space<vmem>>, vector<1x16xf32>,
      %get3A_310 = vector.shape_cast %get3A_309 : vector<1x16xf32> to vector<16xf32>
      %mul3A_311 = arith.mulf %get3A_310, %get3A_87 : vector<16xf32>
      %swap3A_312 = arith.index_cast %scan3A_81 : i32 to index
      %swap3A_313 = arith.constant 352 : index
      %swap3A_314 = tpu.vector_load %arg8[%swap3A_312, %swap3A_313] {strides = array<i32>} : memref<16x1024xf32, #tpu.memory_space<vmem>>, vector<1x16xf32>,
      %swap3A_315 = vector.shape_cast %swap3A_314 : vector<1x16xf32> to vector<16xf32>
      %swap3A_316 = vector.shape_cast %mul3A_311 : vector<16xf32> to vector<1x16xf32>
      tpu.vector_store %arg8[%swap3A_312, %swap3A_313], %swap3A_316 {strides = array<i32>} : memref<16x1024xf32, #tpu.memory_space<vmem>>, vector<1x16xf32>,
      %get3A_317 = arith.index_cast %scan3A_81 : i32 to index
      %get3A_318 = arith.constant 368 : index
      %get3A_319 = tpu.vector_load %arg6[%get3A_317, %get3A_318] {strides = array<i32>} : memref<16x1024xf32, #tpu.memory_space<vmem>>, vector<1x16xf32>,
      %get3A_320 = vector.shape_cast %get3A_319 : vector<1x16xf32> to vector<16xf32>
      %mul3A_321 = arith.mulf %get3A_320, %get3A_87 : vector<16xf32>
      %swap3A_322 = arith.index_cast %scan3A_81 : i32 to index
      %swap3A_323 = arith.constant 368 : index
      %swap3A_324 = tpu.vector_load %arg8[%swap3A_322, %swap3A_323] {strides = array<i32>} : memref<16x1024xf32, #tpu.memory_space<vmem>>, vector<1x16xf32>,
      %swap3A_325 = vector.shape_cast %swap3A_324 : vector<1x16xf32> to vector<16xf32>
      %swap3A_326 = vector.shape_cast %mul3A_321 : vector<16xf32> to vector<1x16xf32>
      tpu.vector_store %arg8[%swap3A_322, %swap3A_323], %swap3A_326 {strides = array<i32>} : memref<16x1024xf32, #tpu.memory_space<vmem>>, vector<1x16xf32>,
      %get3A_327 = arith.index_cast %scan3A_81 : i32 to index
      %get3A_328 = arith.constant 384 : index
      %get3A_329 = tpu.vector_load %arg6[%get3A_327, %get3A_328] {strides = array<i32>} : memref<16x1024xf32, #tpu.memory_space<vmem>>, vector<1x16xf32>,
      %get3A_330 = vector.shape_cast %get3A_329 : vector<1x16xf32> to vector<16xf32>
      %mul3A_331 = arith.mulf %get3A_330, %get3A_87 : vector<16xf32>
      %swap3A_332 = arith.index_cast %scan3A_81 : i32 to index
      %swap3A_333 = arith.constant 384 : index
      %swap3A_334 = tpu.vector_load %arg8[%swap3A_332, %swap3A_333] {strides = array<i32>} : memref<16x1024xf32, #tpu.memory_space<vmem>>, vector<1x16xf32>,
      %swap3A_335 = vector.shape_cast %swap3A_334 : vector<1x16xf32> to vector<16xf32>
      %swap3A_336 = vector.shape_cast %mul3A_331 : vector<16xf32> to vector<1x16xf32>
      tpu.vector_store %arg8[%swap3A_332, %swap3A_333], %swap3A_336 {strides = array<i32>} : memref<16x1024xf32, #tpu.memory_space<vmem>>, vector<1x16xf32>,
      %get3A_337 = arith.index_cast %scan3A_81 : i32 to index
      %get3A_338 = arith.constant 400 : index
      %get3A_339 = tpu.vector_load %arg6[%get3A_337, %get3A_338] {strides = array<i32>} : memref<16x1024xf32, #tpu.memory_space<vmem>>, vector<1x16xf32>,
      %get3A_340 = vector.shape_cast %get3A_339 : vector<1x16xf32> to vector<16xf32>
      %mul3A_341 = arith.mulf %get3A_340, %get3A_87 : vector<16xf32>
      %swap3A_342 = arith.index_cast %scan3A_81 : i32 to index
      %swap3A_343 = arith.constant 400 : index
      %swap3A_344 = tpu.vector_load %arg8[%swap3A_342, %swap3A_343] {strides = array<i32>} : memref<16x1024xf32, #tpu.memory_space<vmem>>, vector<1x16xf32>,
      %swap3A_345 = vector.shape_cast %swap3A_344 : vector<1x16xf32> to vector<16xf32>
      %swap3A_346 = vector.shape_cast %mul3A_341 : vector<16xf32> to vector<1x16xf32>
      tpu.vector_store %arg8[%swap3A_342, %swap3A_343], %swap3A_346 {strides = array<i32>} : memref<16x1024xf32, #tpu.memory_space<vmem>>, vector<1x16xf32>,
      %get3A_347 = arith.index_cast %scan3A_81 : i32 to index
      %get3A_348 = arith.constant 416 : index
      %get3A_349 = tpu.vector_load %arg6[%get3A_347, %get3A_348] {strides = array<i32>} : memref<16x1024xf32, #tpu.memory_space<vmem>>, vector<1x16xf32>,
      %get3A_350 = vector.shape_cast %get3A_349 : vector<1x16xf32> to vector<16xf32>
      %mul3A_351 = arith.mulf %get3A_350, %get3A_87 : vector<16xf32>
      %swap3A_352 = arith.index_cast %scan3A_81 : i32 to index
      %swap3A_353 = arith.constant 416 : index
      %swap3A_354 = tpu.vector_load %arg8[%swap3A_352, %swap3A_353] {strides = array<i32>} : memref<16x1024xf32, #tpu.memory_space<vmem>>, vector<1x16xf32>,
      %swap3A_355 = vector.shape_cast %swap3A_354 : vector<1x16xf32> to vector<16xf32>
      %swap3A_356 = vector.shape_cast %mul3A_351 : vector<16xf32> to vector<1x16xf32>
      tpu.vector_store %arg8[%swap3A_352, %swap3A_353], %swap3A_356 {strides = array<i32>} : memref<16x1024xf32, #tpu.memory_space<vmem>>, vector<1x16xf32>,
      %get3A_357 = arith.index_cast %scan3A_81 : i32 to index
      %get3A_358 = arith.constant 432 : index
      %get3A_359 = tpu.vector_load %arg6[%get3A_357, %get3A_358] {strides = array<i32>} : memref<16x1024xf32, #tpu.memory_space<vmem>>, vector<1x16xf32>,
      %get3A_360 = vector.shape_cast %get3A_359 : vector<1x16xf32> to vector<16xf32>
      %mul3A_361 = arith.mulf %get3A_360, %get3A_87 : vector<16xf32>
      %swap3A_362 = arith.index_cast %scan3A_81 : i32 to index
      %swap3A_363 = arith.constant 432 : index
      %swap3A_364 = tpu.vector_load %arg8[%swap3A_362, %swap3A_363] {strides = array<i32>} : memref<16x1024xf32, #tpu.memory_space<vmem>>, vector<1x16xf32>,
      %swap3A_365 = vector.shape_cast %swap3A_364 : vector<1x16xf32> to vector<16xf32>
      %swap3A_366 = vector.shape_cast %mul3A_361 : vector<16xf32> to vector<1x16xf32>
      tpu.vector_store %arg8[%swap3A_362, %swap3A_363], %swap3A_366 {strides = array<i32>} : memref<16x1024xf32, #tpu.memory_space<vmem>>, vector<1x16xf32>,
      %get3A_367 = arith.index_cast %scan3A_81 : i32 to index
      %get3A_368 = arith.constant 448 : index
      %get3A_369 = tpu.vector_load %arg6[%get3A_367, %get3A_368] {strides = array<i32>} : memref<16x1024xf32, #tpu.memory_space<vmem>>, vector<1x16xf32>,
      %get3A_370 = vector.shape_cast %get3A_369 : vector<1x16xf32> to vector<16xf32>
      %mul3A_371 = arith.mulf %get3A_370, %get3A_87 : vector<16xf32>
      %swap3A_372 = arith.index_cast %scan3A_81 : i32 to index
      %swap3A_373 = arith.constant 448 : index
      %swap3A_374 = tpu.vector_load %arg8[%swap3A_372, %swap3A_373] {strides = array<i32>} : memref<16x1024xf32, #tpu.memory_space<vmem>>, vector<1x16xf32>,
      %swap3A_375 = vector.shape_cast %swap3A_374 : vector<1x16xf32> to vector<16xf32>
      %swap3A_376 = vector.shape_cast %mul3A_371 : vector<16xf32> to vector<1x16xf32>
      tpu.vector_store %arg8[%swap3A_372, %swap3A_373], %swap3A_376 {strides = array<i32>} : memref<16x1024xf32, #tpu.memory_space<vmem>>, vector<1x16xf32>,
      %get3A_377 = arith.index_cast %scan3A_81 : i32 to index
      %get3A_378 = arith.constant 464 : index
      %get3A_379 = tpu.vector_load %arg6[%get3A_377, %get3A_378] {strides = array<i32>} : memref<16x1024xf32, #tpu.memory_space<vmem>>, vector<1x16xf32>,
      %get3A_380 = vector.shape_cast %get3A_379 : vector<1x16xf32> to vector<16xf32>
      %mul3A_381 = arith.mulf %get3A_380, %get3A_87 : vector<16xf32>
      %swap3A_382 = arith.index_cast %scan3A_81 : i32 to index
      %swap3A_383 = arith.constant 464 : index
      %swap3A_384 = tpu.vector_load %arg8[%swap3A_382, %swap3A_383] {strides = array<i32>} : memref<16x1024xf32, #tpu.memory_space<vmem>>, vector<1x16xf32>,
      %swap3A_385 = vector.shape_cast %swap3A_384 : vector<1x16xf32> to vector<16xf32>
      %swap3A_386 = vector.shape_cast %mul3A_381 : vector<16xf32> to vector<1x16xf32>
      tpu.vector_store %arg8[%swap3A_382, %swap3A_383], %swap3A_386 {strides = array<i32>} : memref<16x1024xf32, #tpu.memory_space<vmem>>, vector<1x16xf32>,
      %get3A_387 = arith.index_cast %scan3A_81 : i32 to index
      %get3A_388 = arith.constant 480 : index
      %get3A_389 = tpu.vector_load %arg6[%get3A_387, %get3A_388] {strides = array<i32>} : memref<16x1024xf32, #tpu.memory_space<vmem>>, vector<1x16xf32>,
      %get3A_390 = vector.shape_cast %get3A_389 : vector<1x16xf32> to vector<16xf32>
      %mul3A_391 = arith.mulf %get3A_390, %get3A_87 : vector<16xf32>
      %swap3A_392 = arith.index_cast %scan3A_81 : i32 to index
      %swap3A_393 = arith.constant 480 : index
      %swap3A_394 = tpu.vector_load %arg8[%swap3A_392, %swap3A_393] {strides = array<i32>} : memref<16x1024xf32, #tpu.memory_space<vmem>>, vector<1x16xf32>,
      %swap3A_395 = vector.shape_cast %swap3A_394 : vector<1x16xf32> to vector<16xf32>
      %swap3A_396 = vector.shape_cast %mul3A_391 : vector<16xf32> to vector<1x16xf32>
      tpu.vector_store %arg8[%swap3A_392, %swap3A_393], %swap3A_396 {strides = array<i32>} : memref<16x1024xf32, #tpu.memory_space<vmem>>, vector<1x16xf32>,
      %get3A_397 = arith.index_cast %scan3A_81 : i32 to index
      %get3A_398 = arith.constant 496 : index
      %get3A_399 = tpu.vector_load %arg6[%get3A_397, %get3A_398] {strides = array<i32>} : memref<16x1024xf32, #tpu.memory_space<vmem>>, vector<1x16xf32>,
      %get3A_400 = vector.shape_cast %get3A_399 : vector<1x16xf32> to vector<16xf32>
      %mul3A_401 = arith.mulf %get3A_400, %get3A_87 : vector<16xf32>
      %swap3A_402 = arith.index_cast %scan3A_81 : i32 to index
      %swap3A_403 = arith.constant 496 : index
      %swap3A_404 = tpu.vector_load %arg8[%swap3A_402, %swap3A_403] {strides = array<i32>} : memref<16x1024xf32, #tpu.memory_space<vmem>>, vector<1x16xf32>,
      %swap3A_405 = vector.shape_cast %swap3A_404 : vector<1x16xf32> to vector<16xf32>
      %swap3A_406 = vector.shape_cast %mul3A_401 : vector<16xf32> to vector<1x16xf32>
      tpu.vector_store %arg8[%swap3A_402, %swap3A_403], %swap3A_406 {strides = array<i32>} : memref<16x1024xf32, #tpu.memory_space<vmem>>, vector<1x16xf32>,
      %get3A_407 = arith.index_cast %scan3A_81 : i32 to index
      %get3A_408 = arith.constant 512 : index
      %get3A_409 = tpu.vector_load %arg6[%get3A_407, %get3A_408] {strides = array<i32>} : memref<16x1024xf32, #tpu.memory_space<vmem>>, vector<1x16xf32>,
      %get3A_410 = vector.shape_cast %get3A_409 : vector<1x16xf32> to vector<16xf32>
      %mul3A_411 = arith.mulf %get3A_410, %get3A_87 : vector<16xf32>
      %swap3A_412 = arith.index_cast %scan3A_81 : i32 to index
      %swap3A_413 = arith.constant 512 : index
      %swap3A_414 = tpu.vector_load %arg8[%swap3A_412, %swap3A_413] {strides = array<i32>} : memref<16x1024xf32, #tpu.memory_space<vmem>>, vector<1x16xf32>,
      %swap3A_415 = vector.shape_cast %swap3A_414 : vector<1x16xf32> to vector<16xf32>
      %swap3A_416 = vector.shape_cast %mul3A_411 : vector<16xf32> to vector<1x16xf32>
      tpu.vector_store %arg8[%swap3A_412, %swap3A_413], %swap3A_416 {strides = array<i32>} : memref<16x1024xf32, #tpu.memory_space<vmem>>, vector<1x16xf32>,
      %get3A_417 = arith.index_cast %scan3A_81 : i32 to index
      %get3A_418 = arith.constant 528 : index
      %get3A_419 = tpu.vector_load %arg6[%get3A_417, %get3A_418] {strides = array<i32>} : memref<16x1024xf32, #tpu.memory_space<vmem>>, vector<1x16xf32>,
      %get3A_420 = vector.shape_cast %get3A_419 : vector<1x16xf32> to vector<16xf32>
      %mul3A_421 = arith.mulf %get3A_420, %get3A_87 : vector<16xf32>
      %swap3A_422 = arith.index_cast %scan3A_81 : i32 to index
      %swap3A_423 = arith.constant 528 : index
      %swap3A_424 = tpu.vector_load %arg8[%swap3A_422, %swap3A_423] {strides = array<i32>} : memref<16x1024xf32, #tpu.memory_space<vmem>>, vector<1x16xf32>,
      %swap3A_425 = vector.shape_cast %swap3A_424 : vector<1x16xf32> to vector<16xf32>
      %swap3A_426 = vector.shape_cast %mul3A_421 : vector<16xf32> to vector<1x16xf32>
      tpu.vector_store %arg8[%swap3A_422, %swap3A_423], %swap3A_426 {strides = array<i32>} : memref<16x1024xf32, #tpu.memory_space<vmem>>, vector<1x16xf32>,
      %get3A_427 = arith.index_cast %scan3A_81 : i32 to index
      %get3A_428 = arith.constant 544 : index
      %get3A_429 = tpu.vector_load %arg6[%get3A_427, %get3A_428] {strides = array<i32>} : memref<16x1024xf32, #tpu.memory_space<vmem>>, vector<1x16xf32>,
      %get3A_430 = vector.shape_cast %get3A_429 : vector<1x16xf32> to vector<16xf32>
      %mul3A_431 = arith.mulf %get3A_430, %get3A_87 : vector<16xf32>
      %swap3A_432 = arith.index_cast %scan3A_81 : i32 to index
      %swap3A_433 = arith.constant 544 : index
      %swap3A_434 = tpu.vector_load %arg8[%swap3A_432, %swap3A_433] {strides = array<i32>} : memref<16x1024xf32, #tpu.memory_space<vmem>>, vector<1x16xf32>,
      %swap3A_435 = vector.shape_cast %swap3A_434 : vector<1x16xf32> to vector<16xf32>
      %swap3A_436 = vector.shape_cast %mul3A_431 : vector<16xf32> to vector<1x16xf32>
      tpu.vector_store %arg8[%swap3A_432, %swap3A_433], %swap3A_436 {strides = array<i32>} : memref<16x1024xf32, #tpu.memory_space<vmem>>, vector<1x16xf32>,
      %get3A_437 = arith.index_cast %scan3A_81 : i32 to index
      %get3A_438 = arith.constant 560 : index
      %get3A_439 = tpu.vector_load %arg6[%get3A_437, %get3A_438] {strides = array<i32>} : memref<16x1024xf32, #tpu.memory_space<vmem>>, vector<1x16xf32>,
      %get3A_440 = vector.shape_cast %get3A_439 : vector<1x16xf32> to vector<16xf32>
      %mul3A_441 = arith.mulf %get3A_440, %get3A_87 : vector<16xf32>
      %swap3A_442 = arith.index_cast %scan3A_81 : i32 to index
      %swap3A_443 = arith.constant 560 : index
      %swap3A_444 = tpu.vector_load %arg8[%swap3A_442, %swap3A_443] {strides = array<i32>} : memref<16x1024xf32, #tpu.memory_space<vmem>>, vector<1x16xf32>,
      %swap3A_445 = vector.shape_cast %swap3A_444 : vector<1x16xf32> to vector<16xf32>
      %swap3A_446 = vector.shape_cast %mul3A_441 : vector<16xf32> to vector<1x16xf32>
      tpu.vector_store %arg8[%swap3A_442, %swap3A_443], %swap3A_446 {strides = array<i32>} : memref<16x1024xf32, #tpu.memory_space<vmem>>, vector<1x16xf32>,
      %get3A_447 = arith.index_cast %scan3A_81 : i32 to index
      %get3A_448 = arith.constant 576 : index
      %get3A_449 = tpu.vector_load %arg6[%get3A_447, %get3A_448] {strides = array<i32>} : memref<16x1024xf32, #tpu.memory_space<vmem>>, vector<1x16xf32>,
      %get3A_450 = vector.shape_cast %get3A_449 : vector<1x16xf32> to vector<16xf32>
      %mul3A_451 = arith.mulf %get3A_450, %get3A_87 : vector<16xf32>
      %swap3A_452 = arith.index_cast %scan3A_81 : i32 to index
      %swap3A_453 = arith.constant 576 : index
      %swap3A_454 = tpu.vector_load %arg8[%swap3A_452, %swap3A_453] {strides = array<i32>} : memref<16x1024xf32, #tpu.memory_space<vmem>>, vector<1x16xf32>,
      %swap3A_455 = vector.shape_cast %swap3A_454 : vector<1x16xf32> to vector<16xf32>
      %swap3A_456 = vector.shape_cast %mul3A_451 : vector<16xf32> to vector<1x16xf32>
      tpu.vector_store %arg8[%swap3A_452, %swap3A_453], %swap3A_456 {strides = array<i32>} : memref<16x1024xf32, #tpu.memory_space<vmem>>, vector<1x16xf32>,
      %get3A_457 = arith.index_cast %scan3A_81 : i32 to index
      %get3A_458 = arith.constant 592 : index
      %get3A_459 = tpu.vector_load %arg6[%get3A_457, %get3A_458] {strides = array<i32>} : memref<16x1024xf32, #tpu.memory_space<vmem>>, vector<1x16xf32>,
      %get3A_460 = vector.shape_cast %get3A_459 : vector<1x16xf32> to vector<16xf32>
      %mul3A_461 = arith.mulf %get3A_460, %get3A_87 : vector<16xf32>
      %swap3A_462 = arith.index_cast %scan3A_81 : i32 to index
      %swap3A_463 = arith.constant 592 : index
      %swap3A_464 = tpu.vector_load %arg8[%swap3A_462, %swap3A_463] {strides = array<i32>} : memref<16x1024xf32, #tpu.memory_space<vmem>>, vector<1x16xf32>,
      %swap3A_465 = vector.shape_cast %swap3A_464 : vector<1x16xf32> to vector<16xf32>
      %swap3A_466 = vector.shape_cast %mul3A_461 : vector<16xf32> to vector<1x16xf32>
      tpu.vector_store %arg8[%swap3A_462, %swap3A_463], %swap3A_466 {strides = array<i32>} : memref<16x1024xf32, #tpu.memory_space<vmem>>, vector<1x16xf32>,
      %get3A_467 = arith.index_cast %scan3A_81 : i32 to index
      %get3A_468 = arith.constant 608 : index
      %get3A_469 = tpu.vector_load %arg6[%get3A_467, %get3A_468] {strides = array<i32>} : memref<16x1024xf32, #tpu.memory_space<vmem>>, vector<1x16xf32>,
      %get3A_470 = vector.shape_cast %get3A_469 : vector<1x16xf32> to vector<16xf32>
      %mul3A_471 = arith.mulf %get3A_470, %get3A_87 : vector<16xf32>
      %swap3A_472 = arith.index_cast %scan3A_81 : i32 to index
      %swap3A_473 = arith.constant 608 : index
      %swap3A_474 = tpu.vector_load %arg8[%swap3A_472, %swap3A_473] {strides = array<i32>} : memref<16x1024xf32, #tpu.memory_space<vmem>>, vector<1x16xf32>,
      %swap3A_475 = vector.shape_cast %swap3A_474 : vector<1x16xf32> to vector<16xf32>
      %swap3A_476 = vector.shape_cast %mul3A_471 : vector<16xf32> to vector<1x16xf32>
      tpu.vector_store %arg8[%swap3A_472, %swap3A_473], %swap3A_476 {strides = array<i32>} : memref<16x1024xf32, #tpu.memory_space<vmem>>, vector<1x16xf32>,
      %get3A_477 = arith.index_cast %scan3A_81 : i32 to index
      %get3A_478 = arith.constant 624 : index
      %get3A_479 = tpu.vector_load %arg6[%get3A_477, %get3A_478] {strides = array<i32>} : memref<16x1024xf32, #tpu.memory_space<vmem>>, vector<1x16xf32>,
      %get3A_480 = vector.shape_cast %get3A_479 : vector<1x16xf32> to vector<16xf32>
      %mul3A_481 = arith.mulf %get3A_480, %get3A_87 : vector<16xf32>
      %swap3A_482 = arith.index_cast %scan3A_81 : i32 to index
      %swap3A_483 = arith.constant 624 : index
      %swap3A_484 = tpu.vector_load %arg8[%swap3A_482, %swap3A_483] {strides = array<i32>} : memref<16x1024xf32, #tpu.memory_space<vmem>>, vector<1x16xf32>,
      %swap3A_485 = vector.shape_cast %swap3A_484 : vector<1x16xf32> to vector<16xf32>
      %swap3A_486 = vector.shape_cast %mul3A_481 : vector<16xf32> to vector<1x16xf32>
      tpu.vector_store %arg8[%swap3A_482, %swap3A_483], %swap3A_486 {strides = array<i32>} : memref<16x1024xf32, #tpu.memory_space<vmem>>, vector<1x16xf32>,
      %get3A_487 = arith.index_cast %scan3A_81 : i32 to index
      %get3A_488 = arith.constant 640 : index
      %get3A_489 = tpu.vector_load %arg6[%get3A_487, %get3A_488] {strides = array<i32>} : memref<16x1024xf32, #tpu.memory_space<vmem>>, vector<1x16xf32>,
      %get3A_490 = vector.shape_cast %get3A_489 : vector<1x16xf32> to vector<16xf32>
      %mul3A_491 = arith.mulf %get3A_490, %get3A_87 : vector<16xf32>
      %swap3A_492 = arith.index_cast %scan3A_81 : i32 to index
      %swap3A_493 = arith.constant 640 : index
      %swap3A_494 = tpu.vector_load %arg8[%swap3A_492, %swap3A_493] {strides = array<i32>} : memref<16x1024xf32, #tpu.memory_space<vmem>>, vector<1x16xf32>,
      %swap3A_495 = vector.shape_cast %swap3A_494 : vector<1x16xf32> to vector<16xf32>
      %swap3A_496 = vector.shape_cast %mul3A_491 : vector<16xf32> to vector<1x16xf32>
      tpu.vector_store %arg8[%swap3A_492, %swap3A_493], %swap3A_496 {strides = array<i32>} : memref<16x1024xf32, #tpu.memory_space<vmem>>, vector<1x16xf32>,
      %get3A_497 = arith.index_cast %scan3A_81 : i32 to index
      %get3A_498 = arith.constant 656 : index
      %get3A_499 = tpu.vector_load %arg6[%get3A_497, %get3A_498] {strides = array<i32>} : memref<16x1024xf32, #tpu.memory_space<vmem>>, vector<1x16xf32>,
      %get3A_500 = vector.shape_cast %get3A_499 : vector<1x16xf32> to vector<16xf32>
      %mul3A_501 = arith.mulf %get3A_500, %get3A_87 : vector<16xf32>
      %swap3A_502 = arith.index_cast %scan3A_81 : i32 to index
      %swap3A_503 = arith.constant 656 : index
      %swap3A_504 = tpu.vector_load %arg8[%swap3A_502, %swap3A_503] {strides = array<i32>} : memref<16x1024xf32, #tpu.memory_space<vmem>>, vector<1x16xf32>,
      %swap3A_505 = vector.shape_cast %swap3A_504 : vector<1x16xf32> to vector<16xf32>
      %swap3A_506 = vector.shape_cast %mul3A_501 : vector<16xf32> to vector<1x16xf32>
      tpu.vector_store %arg8[%swap3A_502, %swap3A_503], %swap3A_506 {strides = array<i32>} : memref<16x1024xf32, #tpu.memory_space<vmem>>, vector<1x16xf32>,
      %get3A_507 = arith.index_cast %scan3A_81 : i32 to index
      %get3A_508 = arith.constant 672 : index
      %get3A_509 = tpu.vector_load %arg6[%get3A_507, %get3A_508] {strides = array<i32>} : memref<16x1024xf32, #tpu.memory_space<vmem>>, vector<1x16xf32>,
      %get3A_510 = vector.shape_cast %get3A_509 : vector<1x16xf32> to vector<16xf32>
      %mul3A_511 = arith.mulf %get3A_510, %get3A_87 : vector<16xf32>
      %swap3A_512 = arith.index_cast %scan3A_81 : i32 to index
      %swap3A_513 = arith.constant 672 : index
      %swap3A_514 = tpu.vector_load %arg8[%swap3A_512, %swap3A_513] {strides = array<i32>} : memref<16x1024xf32, #tpu.memory_space<vmem>>, vector<1x16xf32>,
      %swap3A_515 = vector.shape_cast %swap3A_514 : vector<1x16xf32> to vector<16xf32>
      %swap3A_516 = vector.shape_cast %mul3A_511 : vector<16xf32> to vector<1x16xf32>
      tpu.vector_store %arg8[%swap3A_512, %swap3A_513], %swap3A_516 {strides = array<i32>} : memref<16x1024xf32, #tpu.memory_space<vmem>>, vector<1x16xf32>,
      %get3A_517 = arith.index_cast %scan3A_81 : i32 to index
      %get3A_518 = arith.constant 688 : index
      %get3A_519 = tpu.vector_load %arg6[%get3A_517, %get3A_518] {strides = array<i32>} : memref<16x1024xf32, #tpu.memory_space<vmem>>, vector<1x16xf32>,
      %get3A_520 = vector.shape_cast %get3A_519 : vector<1x16xf32> to vector<16xf32>
      %mul3A_521 = arith.mulf %get3A_520, %get3A_87 : vector<16xf32>
      %swap3A_522 = arith.index_cast %scan3A_81 : i32 to index
      %swap3A_523 = arith.constant 688 : index
      %swap3A_524 = tpu.vector_load %arg8[%swap3A_522, %swap3A_523] {strides = array<i32>} : memref<16x1024xf32, #tpu.memory_space<vmem>>, vector<1x16xf32>,
      %swap3A_525 = vector.shape_cast %swap3A_524 : vector<1x16xf32> to vector<16xf32>
      %swap3A_526 = vector.shape_cast %mul3A_521 : vector<16xf32> to vector<1x16xf32>
      tpu.vector_store %arg8[%swap3A_522, %swap3A_523], %swap3A_526 {strides = array<i32>} : memref<16x1024xf32, #tpu.memory_space<vmem>>, vector<1x16xf32>,
      %get3A_527 = arith.index_cast %scan3A_81 : i32 to index
      %get3A_528 = arith.constant 704 : index
      %get3A_529 = tpu.vector_load %arg6[%get3A_527, %get3A_528] {strides = array<i32>} : memref<16x1024xf32, #tpu.memory_space<vmem>>, vector<1x16xf32>,
      %get3A_530 = vector.shape_cast %get3A_529 : vector<1x16xf32> to vector<16xf32>
      %mul3A_531 = arith.mulf %get3A_530, %get3A_87 : vector<16xf32>
      %swap3A_532 = arith.index_cast %scan3A_81 : i32 to index
      %swap3A_533 = arith.constant 704 : index
      %swap3A_534 = tpu.vector_load %arg8[%swap3A_532, %swap3A_533] {strides = array<i32>} : memref<16x1024xf32, #tpu.memory_space<vmem>>, vector<1x16xf32>,
      %swap3A_535 = vector.shape_cast %swap3A_534 : vector<1x16xf32> to vector<16xf32>
      %swap3A_536 = vector.shape_cast %mul3A_531 : vector<16xf32> to vector<1x16xf32>
      tpu.vector_store %arg8[%swap3A_532, %swap3A_533], %swap3A_536 {strides = array<i32>} : memref<16x1024xf32, #tpu.memory_space<vmem>>, vector<1x16xf32>,
      %get3A_537 = arith.index_cast %scan3A_81 : i32 to index
      %get3A_538 = arith.constant 720 : index
      %get3A_539 = tpu.vector_load %arg6[%get3A_537, %get3A_538] {strides = array<i32>} : memref<16x1024xf32, #tpu.memory_space<vmem>>, vector<1x16xf32>,
      %get3A_540 = vector.shape_cast %get3A_539 : vector<1x16xf32> to vector<16xf32>
      %mul3A_541 = arith.mulf %get3A_540, %get3A_87 : vector<16xf32>
      %swap3A_542 = arith.index_cast %scan3A_81 : i32 to index
      %swap3A_543 = arith.constant 720 : index
      %swap3A_544 = tpu.vector_load %arg8[%swap3A_542, %swap3A_543] {strides = array<i32>} : memref<16x1024xf32, #tpu.memory_space<vmem>>, vector<1x16xf32>,
      %swap3A_545 = vector.shape_cast %swap3A_544 : vector<1x16xf32> to vector<16xf32>
      %swap3A_546 = vector.shape_cast %mul3A_541 : vector<16xf32> to vector<1x16xf32>
      tpu.vector_store %arg8[%swap3A_542, %swap3A_543], %swap3A_546 {strides = array<i32>} : memref<16x1024xf32, #tpu.memory_space<vmem>>, vector<1x16xf32>,
      %get3A_547 = arith.index_cast %scan3A_81 : i32 to index
      %get3A_548 = arith.constant 736 : index
      %get3A_549 = tpu.vector_load %arg6[%get3A_547, %get3A_548] {strides = array<i32>} : memref<16x1024xf32, #tpu.memory_space<vmem>>, vector<1x16xf32>,
      %get3A_550 = vector.shape_cast %get3A_549 : vector<1x16xf32> to vector<16xf32>
      %mul3A_551 = arith.mulf %get3A_550, %get3A_87 : vector<16xf32>
      %swap3A_552 = arith.index_cast %scan3A_81 : i32 to index
      %swap3A_553 = arith.constant 736 : index
      %swap3A_554 = tpu.vector_load %arg8[%swap3A_552, %swap3A_553] {strides = array<i32>} : memref<16x1024xf32, #tpu.memory_space<vmem>>, vector<1x16xf32>,
      %swap3A_555 = vector.shape_cast %swap3A_554 : vector<1x16xf32> to vector<16xf32>
      %swap3A_556 = vector.shape_cast %mul3A_551 : vector<16xf32> to vector<1x16xf32>
      tpu.vector_store %arg8[%swap3A_552, %swap3A_553], %swap3A_556 {strides = array<i32>} : memref<16x1024xf32, #tpu.memory_space<vmem>>, vector<1x16xf32>,
      %get3A_557 = arith.index_cast %scan3A_81 : i32 to index
      %get3A_558 = arith.constant 752 : index
      %get3A_559 = tpu.vector_load %arg6[%get3A_557, %get3A_558] {strides = array<i32>} : memref<16x1024xf32, #tpu.memory_space<vmem>>, vector<1x16xf32>,
      %get3A_560 = vector.shape_cast %get3A_559 : vector<1x16xf32> to vector<16xf32>
      %mul3A_561 = arith.mulf %get3A_560, %get3A_87 : vector<16xf32>
      %swap3A_562 = arith.index_cast %scan3A_81 : i32 to index
      %swap3A_563 = arith.constant 752 : index
      %swap3A_564 = tpu.vector_load %arg8[%swap3A_562, %swap3A_563] {strides = array<i32>} : memref<16x1024xf32, #tpu.memory_space<vmem>>, vector<1x16xf32>,
      %swap3A_565 = vector.shape_cast %swap3A_564 : vector<1x16xf32> to vector<16xf32>
      %swap3A_566 = vector.shape_cast %mul3A_561 : vector<16xf32> to vector<1x16xf32>
      tpu.vector_store %arg8[%swap3A_562, %swap3A_563], %swap3A_566 {strides = array<i32>} : memref<16x1024xf32, #tpu.memory_space<vmem>>, vector<1x16xf32>,
      %get3A_567 = arith.index_cast %scan3A_81 : i32 to index
      %get3A_568 = arith.constant 768 : index
      %get3A_569 = tpu.vector_load %arg6[%get3A_567, %get3A_568] {strides = array<i32>} : memref<16x1024xf32, #tpu.memory_space<vmem>>, vector<1x16xf32>,
      %get3A_570 = vector.shape_cast %get3A_569 : vector<1x16xf32> to vector<16xf32>
      %mul3A_571 = arith.mulf %get3A_570, %get3A_87 : vector<16xf32>
      %swap3A_572 = arith.index_cast %scan3A_81 : i32 to index
      %swap3A_573 = arith.constant 768 : index
      %swap3A_574 = tpu.vector_load %arg8[%swap3A_572, %swap3A_573] {strides = array<i32>} : memref<16x1024xf32, #tpu.memory_space<vmem>>, vector<1x16xf32>,
      %swap3A_575 = vector.shape_cast %swap3A_574 : vector<1x16xf32> to vector<16xf32>
      %swap3A_576 = vector.shape_cast %mul3A_571 : vector<16xf32> to vector<1x16xf32>
      tpu.vector_store %arg8[%swap3A_572, %swap3A_573], %swap3A_576 {strides = array<i32>} : memref<16x1024xf32, #tpu.memory_space<vmem>>, vector<1x16xf32>,
      %get3A_577 = arith.index_cast %scan3A_81 : i32 to index
      %get3A_578 = arith.constant 784 : index
      %get3A_579 = tpu.vector_load %arg6[%get3A_577, %get3A_578] {strides = array<i32>} : memref<16x1024xf32, #tpu.memory_space<vmem>>, vector<1x16xf32>,
      %get3A_580 = vector.shape_cast %get3A_579 : vector<1x16xf32> to vector<16xf32>
      %mul3A_581 = arith.mulf %get3A_580, %get3A_87 : vector<16xf32>
      %swap3A_582 = arith.index_cast %scan3A_81 : i32 to index
      %swap3A_583 = arith.constant 784 : index
      %swap3A_584 = tpu.vector_load %arg8[%swap3A_582, %swap3A_583] {strides = array<i32>} : memref<16x1024xf32, #tpu.memory_space<vmem>>, vector<1x16xf32>,
      %swap3A_585 = vector.shape_cast %swap3A_584 : vector<1x16xf32> to vector<16xf32>
      %swap3A_586 = vector.shape_cast %mul3A_581 : vector<16xf32> to vector<1x16xf32>
      tpu.vector_store %arg8[%swap3A_582, %swap3A_583], %swap3A_586 {strides = array<i32>} : memref<16x1024xf32, #tpu.memory_space<vmem>>, vector<1x16xf32>,
      %get3A_587 = arith.index_cast %scan3A_81 : i32 to index
      %get3A_588 = arith.constant 800 : index
      %get3A_589 = tpu.vector_load %arg6[%get3A_587, %get3A_588] {strides = array<i32>} : memref<16x1024xf32, #tpu.memory_space<vmem>>, vector<1x16xf32>,
      %get3A_590 = vector.shape_cast %get3A_589 : vector<1x16xf32> to vector<16xf32>
      %mul3A_591 = arith.mulf %get3A_590, %get3A_87 : vector<16xf32>
      %swap3A_592 = arith.index_cast %scan3A_81 : i32 to index
      %swap3A_593 = arith.constant 800 : index
      %swap3A_594 = tpu.vector_load %arg8[%swap3A_592, %swap3A_593] {strides = array<i32>} : memref<16x1024xf32, #tpu.memory_space<vmem>>, vector<1x16xf32>,
      %swap3A_595 = vector.shape_cast %swap3A_594 : vector<1x16xf32> to vector<16xf32>
      %swap3A_596 = vector.shape_cast %mul3A_591 : vector<16xf32> to vector<1x16xf32>
      tpu.vector_store %arg8[%swap3A_592, %swap3A_593], %swap3A_596 {strides = array<i32>} : memref<16x1024xf32, #tpu.memory_space<vmem>>, vector<1x16xf32>,
      %get3A_597 = arith.index_cast %scan3A_81 : i32 to index
      %get3A_598 = arith.constant 816 : index
      %get3A_599 = tpu.vector_load %arg6[%get3A_597, %get3A_598] {strides = array<i32>} : memref<16x1024xf32, #tpu.memory_space<vmem>>, vector<1x16xf32>,
      %get3A_600 = vector.shape_cast %get3A_599 : vector<1x16xf32> to vector<16xf32>
      %mul3A_601 = arith.mulf %get3A_600, %get3A_87 : vector<16xf32>
      %swap3A_602 = arith.index_cast %scan3A_81 : i32 to index
      %swap3A_603 = arith.constant 816 : index
      %swap3A_604 = tpu.vector_load %arg8[%swap3A_602, %swap3A_603] {strides = array<i32>} : memref<16x1024xf32, #tpu.memory_space<vmem>>, vector<1x16xf32>,
      %swap3A_605 = vector.shape_cast %swap3A_604 : vector<1x16xf32> to vector<16xf32>
      %swap3A_606 = vector.shape_cast %mul3A_601 : vector<16xf32> to vector<1x16xf32>
      tpu.vector_store %arg8[%swap3A_602, %swap3A_603], %swap3A_606 {strides = array<i32>} : memref<16x1024xf32, #tpu.memory_space<vmem>>, vector<1x16xf32>,
      %get3A_607 = arith.index_cast %scan3A_81 : i32 to index
      %get3A_608 = arith.constant 832 : index
      %get3A_609 = tpu.vector_load %arg6[%get3A_607, %get3A_608] {strides = array<i32>} : memref<16x1024xf32, #tpu.memory_space<vmem>>, vector<1x16xf32>,
      %get3A_610 = vector.shape_cast %get3A_609 : vector<1x16xf32> to vector<16xf32>
      %mul3A_611 = arith.mulf %get3A_610, %get3A_87 : vector<16xf32>
      %swap3A_612 = arith.index_cast %scan3A_81 : i32 to index
      %swap3A_613 = arith.constant 832 : index
      %swap3A_614 = tpu.vector_load %arg8[%swap3A_612, %swap3A_613] {strides = array<i32>} : memref<16x1024xf32, #tpu.memory_space<vmem>>, vector<1x16xf32>,
      %swap3A_615 = vector.shape_cast %swap3A_614 : vector<1x16xf32> to vector<16xf32>
      %swap3A_616 = vector.shape_cast %mul3A_611 : vector<16xf32> to vector<1x16xf32>
      tpu.vector_store %arg8[%swap3A_612, %swap3A_613], %swap3A_616 {strides = array<i32>} : memref<16x1024xf32, #tpu.memory_space<vmem>>, vector<1x16xf32>,
      %get3A_617 = arith.index_cast %scan3A_81 : i32 to index
      %get3A_618 = arith.constant 848 : index
      %get3A_619 = tpu.vector_load %arg6[%get3A_617, %get3A_618] {strides = array<i32>} : memref<16x1024xf32, #tpu.memory_space<vmem>>, vector<1x16xf32>,
      %get3A_620 = vector.shape_cast %get3A_619 : vector<1x16xf32> to vector<16xf32>
      %mul3A_621 = arith.mulf %get3A_620, %get3A_87 : vector<16xf32>
      %swap3A_622 = arith.index_cast %scan3A_81 : i32 to index
      %swap3A_623 = arith.constant 848 : index
      %swap3A_624 = tpu.vector_load %arg8[%swap3A_622, %swap3A_623] {strides = array<i32>} : memref<16x1024xf32, #tpu.memory_space<vmem>>, vector<1x16xf32>,
      %swap3A_625 = vector.shape_cast %swap3A_624 : vector<1x16xf32> to vector<16xf32>
      %swap3A_626 = vector.shape_cast %mul3A_621 : vector<16xf32> to vector<1x16xf32>
      tpu.vector_store %arg8[%swap3A_622, %swap3A_623], %swap3A_626 {strides = array<i32>} : memref<16x1024xf32, #tpu.memory_space<vmem>>, vector<1x16xf32>,
      %get3A_627 = arith.index_cast %scan3A_81 : i32 to index
      %get3A_628 = arith.constant 864 : index
      %get3A_629 = tpu.vector_load %arg6[%get3A_627, %get3A_628] {strides = array<i32>} : memref<16x1024xf32, #tpu.memory_space<vmem>>, vector<1x16xf32>,
      %get3A_630 = vector.shape_cast %get3A_629 : vector<1x16xf32> to vector<16xf32>
      %mul3A_631 = arith.mulf %get3A_630, %get3A_87 : vector<16xf32>
      %swap3A_632 = arith.index_cast %scan3A_81 : i32 to index
      %swap3A_633 = arith.constant 864 : index
      %swap3A_634 = tpu.vector_load %arg8[%swap3A_632, %swap3A_633] {strides = array<i32>} : memref<16x1024xf32, #tpu.memory_space<vmem>>, vector<1x16xf32>,
      %swap3A_635 = vector.shape_cast %swap3A_634 : vector<1x16xf32> to vector<16xf32>
      %swap3A_636 = vector.shape_cast %mul3A_631 : vector<16xf32> to vector<1x16xf32>
      tpu.vector_store %arg8[%swap3A_632, %swap3A_633], %swap3A_636 {strides = array<i32>} : memref<16x1024xf32, #tpu.memory_space<vmem>>, vector<1x16xf32>,
      %get3A_637 = arith.index_cast %scan3A_81 : i32 to index
      %get3A_638 = arith.constant 880 : index
      %get3A_639 = tpu.vector_load %arg6[%get3A_637, %get3A_638] {strides = array<i32>} : memref<16x1024xf32, #tpu.memory_space<vmem>>, vector<1x16xf32>,
      %get3A_640 = vector.shape_cast %get3A_639 : vector<1x16xf32> to vector<16xf32>
      %mul3A_641 = arith.mulf %get3A_640, %get3A_87 : vector<16xf32>
      %swap3A_642 = arith.index_cast %scan3A_81 : i32 to index
      %swap3A_643 = arith.constant 880 : index
      %swap3A_644 = tpu.vector_load %arg8[%swap3A_642, %swap3A_643] {strides = array<i32>} : memref<16x1024xf32, #tpu.memory_space<vmem>>, vector<1x16xf32>,
      %swap3A_645 = vector.shape_cast %swap3A_644 : vector<1x16xf32> to vector<16xf32>
      %swap3A_646 = vector.shape_cast %mul3A_641 : vector<16xf32> to vector<1x16xf32>
      tpu.vector_store %arg8[%swap3A_642, %swap3A_643], %swap3A_646 {strides = array<i32>} : memref<16x1024xf32, #tpu.memory_space<vmem>>, vector<1x16xf32>,
      %get3A_647 = arith.index_cast %scan3A_81 : i32 to index
      %get3A_648 = arith.constant 896 : index
      %get3A_649 = tpu.vector_load %arg6[%get3A_647, %get3A_648] {strides = array<i32>} : memref<16x1024xf32, #tpu.memory_space<vmem>>, vector<1x16xf32>,
      %get3A_650 = vector.shape_cast %get3A_649 : vector<1x16xf32> to vector<16xf32>
      %mul3A_651 = arith.mulf %get3A_650, %get3A_87 : vector<16xf32>
      %swap3A_652 = arith.index_cast %scan3A_81 : i32 to index
      %swap3A_653 = arith.constant 896 : index
      %swap3A_654 = tpu.vector_load %arg8[%swap3A_652, %swap3A_653] {strides = array<i32>} : memref<16x1024xf32, #tpu.memory_space<vmem>>, vector<1x16xf32>,
      %swap3A_655 = vector.shape_cast %swap3A_654 : vector<1x16xf32> to vector<16xf32>
      %swap3A_656 = vector.shape_cast %mul3A_651 : vector<16xf32> to vector<1x16xf32>
      tpu.vector_store %arg8[%swap3A_652, %swap3A_653], %swap3A_656 {strides = array<i32>} : memref<16x1024xf32, #tpu.memory_space<vmem>>, vector<1x16xf32>,
      %get3A_657 = arith.index_cast %scan3A_81 : i32 to index
      %get3A_658 = arith.constant 912 : index
      %get3A_659 = tpu.vector_load %arg6[%get3A_657, %get3A_658] {strides = array<i32>} : memref<16x1024xf32, #tpu.memory_space<vmem>>, vector<1x16xf32>,
      %get3A_660 = vector.shape_cast %get3A_659 : vector<1x16xf32> to vector<16xf32>
      %mul3A_661 = arith.mulf %get3A_660, %get3A_87 : vector<16xf32>
      %swap3A_662 = arith.index_cast %scan3A_81 : i32 to index
      %swap3A_663 = arith.constant 912 : index
      %swap3A_664 = tpu.vector_load %arg8[%swap3A_662, %swap3A_663] {strides = array<i32>} : memref<16x1024xf32, #tpu.memory_space<vmem>>, vector<1x16xf32>,
      %swap3A_665 = vector.shape_cast %swap3A_664 : vector<1x16xf32> to vector<16xf32>
      %swap3A_666 = vector.shape_cast %mul3A_661 : vector<16xf32> to vector<1x16xf32>
      tpu.vector_store %arg8[%swap3A_662, %swap3A_663], %swap3A_666 {strides = array<i32>} : memref<16x1024xf32, #tpu.memory_space<vmem>>, vector<1x16xf32>,
      %get3A_667 = arith.index_cast %scan3A_81 : i32 to index
      %get3A_668 = arith.constant 928 : index
      %get3A_669 = tpu.vector_load %arg6[%get3A_667, %get3A_668] {strides = array<i32>} : memref<16x1024xf32, #tpu.memory_space<vmem>>, vector<1x16xf32>,
      %get3A_670 = vector.shape_cast %get3A_669 : vector<1x16xf32> to vector<16xf32>
      %mul3A_671 = arith.mulf %get3A_670, %get3A_87 : vector<16xf32>
      %swap3A_672 = arith.index_cast %scan3A_81 : i32 to index
      %swap3A_673 = arith.constant 928 : index
      %swap3A_674 = tpu.vector_load %arg8[%swap3A_672, %swap3A_673] {strides = array<i32>} : memref<16x1024xf32, #tpu.memory_space<vmem>>, vector<1x16xf32>,
      %swap3A_675 = vector.shape_cast %swap3A_674 : vector<1x16xf32> to vector<16xf32>
      %swap3A_676 = vector.shape_cast %mul3A_671 : vector<16xf32> to vector<1x16xf32>
      tpu.vector_store %arg8[%swap3A_672, %swap3A_673], %swap3A_676 {strides = array<i32>} : memref<16x1024xf32, #tpu.memory_space<vmem>>, vector<1x16xf32>,
      %get3A_677 = arith.index_cast %scan3A_81 : i32 to index
      %get3A_678 = arith.constant 944 : index
      %get3A_679 = tpu.vector_load %arg6[%get3A_677, %get3A_678] {strides = array<i32>} : memref<16x1024xf32, #tpu.memory_space<vmem>>, vector<1x16xf32>,
      %get3A_680 = vector.shape_cast %get3A_679 : vector<1x16xf32> to vector<16xf32>
      %mul3A_681 = arith.mulf %get3A_680, %get3A_87 : vector<16xf32>
      %swap3A_682 = arith.index_cast %scan3A_81 : i32 to index
      %swap3A_683 = arith.constant 944 : index
      %swap3A_684 = tpu.vector_load %arg8[%swap3A_682, %swap3A_683] {strides = array<i32>} : memref<16x1024xf32, #tpu.memory_space<vmem>>, vector<1x16xf32>,
      %swap3A_685 = vector.shape_cast %swap3A_684 : vector<1x16xf32> to vector<16xf32>
      %swap3A_686 = vector.shape_cast %mul3A_681 : vector<16xf32> to vector<1x16xf32>
      tpu.vector_store %arg8[%swap3A_682, %swap3A_683], %swap3A_686 {strides = array<i32>} : memref<16x1024xf32, #tpu.memory_space<vmem>>, vector<1x16xf32>,
      %get3A_687 = arith.index_cast %scan3A_81 : i32 to index
      %get3A_688 = arith.constant 960 : index
      %get3A_689 = tpu.vector_load %arg6[%get3A_687, %get3A_688] {strides = array<i32>} : memref<16x1024xf32, #tpu.memory_space<vmem>>, vector<1x16xf32>,
      %get3A_690 = vector.shape_cast %get3A_689 : vector<1x16xf32> to vector<16xf32>
      %mul3A_691 = arith.mulf %get3A_690, %get3A_87 : vector<16xf32>
      %swap3A_692 = arith.index_cast %scan3A_81 : i32 to index
      %swap3A_693 = arith.constant 960 : index
      %swap3A_694 = tpu.vector_load %arg8[%swap3A_692, %swap3A_693] {strides = array<i32>} : memref<16x1024xf32, #tpu.memory_space<vmem>>, vector<1x16xf32>,
      %swap3A_695 = vector.shape_cast %swap3A_694 : vector<1x16xf32> to vector<16xf32>
      %swap3A_696 = vector.shape_cast %mul3A_691 : vector<16xf32> to vector<1x16xf32>
      tpu.vector_store %arg8[%swap3A_692, %swap3A_693], %swap3A_696 {strides = array<i32>} : memref<16x1024xf32, #tpu.memory_space<vmem>>, vector<1x16xf32>,
      %get3A_697 = arith.index_cast %scan3A_81 : i32 to index
      %get3A_698 = arith.constant 976 : index
      %get3A_699 = tpu.vector_load %arg6[%get3A_697, %get3A_698] {strides = array<i32>} : memref<16x1024xf32, #tpu.memory_space<vmem>>, vector<1x16xf32>,
      %get3A_700 = vector.shape_cast %get3A_699 : vector<1x16xf32> to vector<16xf32>
      %mul3A_701 = arith.mulf %get3A_700, %get3A_87 : vector<16xf32>
      %swap3A_702 = arith.index_cast %scan3A_81 : i32 to index
      %swap3A_703 = arith.constant 976 : index
      %swap3A_704 = tpu.vector_load %arg8[%swap3A_702, %swap3A_703] {strides = array<i32>} : memref<16x1024xf32, #tpu.memory_space<vmem>>, vector<1x16xf32>,
      %swap3A_705 = vector.shape_cast %swap3A_704 : vector<1x16xf32> to vector<16xf32>
      %swap3A_706 = vector.shape_cast %mul3A_701 : vector<16xf32> to vector<1x16xf32>
      tpu.vector_store %arg8[%swap3A_702, %swap3A_703], %swap3A_706 {strides = array<i32>} : memref<16x1024xf32, #tpu.memory_space<vmem>>, vector<1x16xf32>,
      %get3A_707 = arith.index_cast %scan3A_81 : i32 to index
      %get3A_708 = arith.constant 992 : index
      %get3A_709 = tpu.vector_load %arg6[%get3A_707, %get3A_708] {strides = array<i32>} : memref<16x1024xf32, #tpu.memory_space<vmem>>, vector<1x16xf32>,
      %get3A_710 = vector.shape_cast %get3A_709 : vector<1x16xf32> to vector<16xf32>
      %mul3A_711 = arith.mulf %get3A_710, %get3A_87 : vector<16xf32>
      %swap3A_712 = arith.index_cast %scan3A_81 : i32 to index
      %swap3A_713 = arith.constant 992 : index
      %swap3A_714 = tpu.vector_load %arg8[%swap3A_712, %swap3A_713] {strides = array<i32>} : memref<16x1024xf32, #tpu.memory_space<vmem>>, vector<1x16xf32>,
      %swap3A_715 = vector.shape_cast %swap3A_714 : vector<1x16xf32> to vector<16xf32>
      %swap3A_716 = vector.shape_cast %mul3A_711 : vector<16xf32> to vector<1x16xf32>
      tpu.vector_store %arg8[%swap3A_712, %swap3A_713], %swap3A_716 {strides = array<i32>} : memref<16x1024xf32, #tpu.memory_space<vmem>>, vector<1x16xf32>,
      %get3A_717 = arith.index_cast %scan3A_81 : i32 to index
      %get3A_718 = arith.constant 1008 : index
      %get3A_719 = tpu.vector_load %arg6[%get3A_717, %get3A_718] {strides = array<i32>} : memref<16x1024xf32, #tpu.memory_space<vmem>>, vector<1x16xf32>,
      %get3A_720 = vector.shape_cast %get3A_719 : vector<1x16xf32> to vector<16xf32>
      %mul3A_721 = arith.mulf %get3A_720, %get3A_87 : vector<16xf32>
      %swap3A_722 = arith.index_cast %scan3A_81 : i32 to index
      %swap3A_723 = arith.constant 1008 : index
      %swap3A_724 = tpu.vector_load %arg8[%swap3A_722, %swap3A_723] {strides = array<i32>} : memref<16x1024xf32, #tpu.memory_space<vmem>>, vector<1x16xf32>,
      %swap3A_725 = vector.shape_cast %swap3A_724 : vector<1x16xf32> to vector<16xf32>
      %swap3A_726 = vector.shape_cast %mul3A_721 : vector<16xf32> to vector<1x16xf32>
      tpu.vector_store %arg8[%swap3A_722, %swap3A_723], %swap3A_726 {strides = array<i32>} : memref<16x1024xf32, #tpu.memory_space<vmem>>, vector<1x16xf32>,
    }
    %scan3A_50 = arith.constant 16 : i32
    %add3A_51 = arith.constant 16 : i32
    %add3A_52 = arith.addi %mul3A_2, %add3A_51 : i32
    %dma_start3A_53 = arith.constant 0 : i32
    %dma_start3A_54 = tpu.memref_slice %arg4[%add3A_52, %dma_start3A_53] : memref<16384x1024xf32, #tpu.memory_space<hbm>> -> memref<16x1024xf32, #tpu.memory_space<hbm>>
    %dma_start3A_55 = arith.constant 0 : i32
    %dma_start3A_56 = tpu.memref_slice %arg4[%add3A_52, %dma_start3A_55] : memref<16384x1024xf32, #tpu.memory_space<hbm>> -> memref<16x1024xf32, #tpu.memory_space<hbm>>
    tpu.enqueue_dma source(%arg8 : memref<16x1024xf32, #tpu.memory_space<vmem>>) target(%dma_start3A_56 : memref<16x1024xf32, #tpu.memory_space<hbm>>) target_semaphore(%arg13 : memref<!tpu.dma_semaphore, #tpu.memory_space<semaphore_mem>>)
    %add3A_57 = arith.constant 48 : i32
    %add3A_58 = arith.addi %mul3A_2, %add3A_57 : i32
    %dma_start3A_59 = arith.constant 0 : i32
    %dma_start3A_60 = tpu.memref_slice %arg2[%add3A_58, %dma_start3A_59] : memref<16384x1024xf32, #tpu.memory_space<hbm>> -> memref<16x1024xf32, #tpu.memory_space<hbm>>
    %dma_start3A_61 = arith.constant 0 : i32
    %dma_start3A_62 = tpu.memref_slice %arg2[%add3A_58, %dma_start3A_61] : memref<16384x1024xf32, #tpu.memory_space<hbm>> -> memref<16x1024xf32, #tpu.memory_space<hbm>>
    tpu.enqueue_dma source(%dma_start3A_62 : memref<16x1024xf32, #tpu.memory_space<hbm>>) target(%arg6 : memref<16x1024xf32, #tpu.memory_space<vmem>>) target_semaphore(%arg11 : memref<!tpu.dma_semaphore, #tpu.memory_space<semaphore_mem>>)
    %scan3A_63 = arith.constant 0 : i32
    %scan3A_64 = arith.constant 1 : i32
    %scan3A_65 = arith.constant 15 : i32
    %scan3A_66 = arith.addi %scan3A_64, %scan3A_65 : i32
    %scan3A_67 = arith.constant 1 : i32
    scf.for %scan3A_81 = %scan3A_64 to %scan3A_66 step %scan3A_67  : i32 {
      %mul3A_82 = arith.constant 2 : i32
      %mul3A_83 = arith.muli %scan3A_81, %mul3A_82 : i32
      %add3A_84 = arith.constant 0 : i32
      %add3A_85 = arith.addi %mul3A_83, %add3A_84 : i32
      %mul3A_86 = arith.constant 16 : i32
      %mul3A_87 = arith.muli %add3A_85, %mul3A_86 : i32
      %add3A_88 = arith.addi %mul3A_2, %mul3A_87 : i32
      %dma_wait3A_89 = arith.constant 0 : i32
      %dma_wait3A_90 = tpu.memref_slice %arg2[%add3A_88, %dma_wait3A_89] : memref<16384x1024xf32, #tpu.memory_space<hbm>> -> memref<16x1024xf32, #tpu.memory_space<hbm>>
      %dma_wait3A_91 = arith.constant 0 : i32
      %dma_wait3A_92 = tpu.memref_slice %arg2[%add3A_88, %dma_wait3A_91] : memref<16384x1024xf32, #tpu.memory_space<hbm>> -> memref<16x1024xf32, #tpu.memory_space<hbm>>
      tpu.wait_dma2 semaphore(%arg10 : memref<!tpu.dma_semaphore, #tpu.memory_space<semaphore_mem>>) src(%dma_wait3A_92 : memref<16x1024xf32, #tpu.memory_space<hbm>>) dst(%arg5 : memref<16x1024xf32, #tpu.memory_space<vmem>>)
      %sub3A = arith.constant 2 : i32
      %sub3A_93 = arith.subi %add3A_85, %sub3A : i32
      %mul3A_94 = arith.constant 16 : i32
      %mul3A_95 = arith.muli %sub3A_93, %mul3A_94 : i32
      %add3A_96 = arith.addi %mul3A_2, %mul3A_95 : i32
      %dma_wait3A_97 = arith.constant 0 : i32
      %dma_wait3A_98 = tpu.memref_slice %arg4[%add3A_96, %dma_wait3A_97] : memref<16384x1024xf32, #tpu.memory_space<hbm>> -> memref<16x1024xf32, #tpu.memory_space<hbm>>
      %dma_wait3A_99 = arith.constant 0 : i32
      %dma_wait3A_100 = tpu.memref_slice %arg4[%add3A_96, %dma_wait3A_99] : memref<16384x1024xf32, #tpu.memory_space<hbm>> -> memref<16x1024xf32, #tpu.memory_space<hbm>>
      tpu.wait_dma2 semaphore(%arg12 : memref<!tpu.dma_semaphore, #tpu.memory_space<semaphore_mem>>) src(%arg7 : memref<16x1024xf32, #tpu.memory_space<vmem>>) dst(%dma_wait3A_100 : memref<16x1024xf32, #tpu.memory_space<hbm>>)
      %scan3A_101 = arith.constant 0 : i32
      %scan3A_102 = arith.constant 0 : i32
      %scan3A_103 = arith.constant 16 : i32
      %scan3A_104 = arith.addi %scan3A_102, %scan3A_103 : i32
      %scan3A_105 = arith.constant 1 : i32
      scf.for %scan3A_158 = %scan3A_102 to %scan3A_104 step %scan3A_105  : i32 {
        %mul3A_159 = arith.constant 16 : i32
        %mul3A_160 = arith.muli %add3A_85, %mul3A_159 : i32
        %add3A_161 = arith.addi %mul3A_160, %scan3A_158 : i32
        %mul3A_162 = arith.constant 16 : i32
        %mul3A_163 = arith.muli %add3A_161, %mul3A_162 : i32
        %get3A = arith.index_cast %mul3A_163 : i32 to index
        %get3A_164 = tpu.vector_load %arg9[%get3A] {strides = array<i32>} : memref<8192xf32, #tpu.memory_space<vmem>>, vector<16xf32>,
        %get3A_165 = vector.shape_cast %get3A_164 : vector<16xf32> to vector<16xf32>
        %get3A_166 = arith.index_cast %scan3A_158 : i32 to index
        %get3A_167 = arith.constant 0 : index
        %get3A_168 = tpu.vector_load %arg5[%get3A_166, %get3A_167] {strides = array<i32>} : memref<16x1024xf32, #tpu.memory_space<vmem>>, vector<1x16xf32>,
        %get3A_169 = vector.shape_cast %get3A_168 : vector<1x16xf32> to vector<16xf32>
        %mul3A_170 = arith.mulf %get3A_169, %get3A_165 : vector<16xf32>
        %swap3A = arith.index_cast %scan3A_158 : i32 to index
        %swap3A_171 = arith.constant 0 : index
        %swap3A_172 = tpu.vector_load %arg7[%swap3A, %swap3A_171] {strides = array<i32>} : memref<16x1024xf32, #tpu.memory_space<vmem>>, vector<1x16xf32>,
        %swap3A_173 = vector.shape_cast %swap3A_172 : vector<1x16xf32> to vector<16xf32>
        %swap3A_174 = vector.shape_cast %mul3A_170 : vector<16xf32> to vector<1x16xf32>
        tpu.vector_store %arg7[%swap3A, %swap3A_171], %swap3A_174 {strides = array<i32>} : memref<16x1024xf32, #tpu.memory_space<vmem>>, vector<1x16xf32>,
        %get3A_175 = arith.index_cast %scan3A_158 : i32 to index
        %get3A_176 = arith.constant 16 : index
        %get3A_177 = tpu.vector_load %arg5[%get3A_175, %get3A_176] {strides = array<i32>} : memref<16x1024xf32, #tpu.memory_space<vmem>>, vector<1x16xf32>,
        %get3A_178 = vector.shape_cast %get3A_177 : vector<1x16xf32> to vector<16xf32>
        %mul3A_179 = arith.mulf %get3A_178, %get3A_165 : vector<16xf32>
        %swap3A_180 = arith.index_cast %scan3A_158 : i32 to index
        %swap3A_181 = arith.constant 16 : index
        %swap3A_182 = tpu.vector_load %arg7[%swap3A_180, %swap3A_181] {strides = array<i32>} : memref<16x1024xf32, #tpu.memory_space<vmem>>, vector<1x16xf32>,
        %swap3A_183 = vector.shape_cast %swap3A_182 : vector<1x16xf32> to vector<16xf32>
        %swap3A_184 = vector.shape_cast %mul3A_179 : vector<16xf32> to vector<1x16xf32>
        tpu.vector_store %arg7[%swap3A_180, %swap3A_181], %swap3A_184 {strides = array<i32>} : memref<16x1024xf32, #tpu.memory_space<vmem>>, vector<1x16xf32>,
        %get3A_185 = arith.index_cast %scan3A_158 : i32 to index
        %get3A_186 = arith.constant 32 : index
        %get3A_187 = tpu.vector_load %arg5[%get3A_185, %get3A_186] {strides = array<i32>} : memref<16x1024xf32, #tpu.memory_space<vmem>>, vector<1x16xf32>,
        %get3A_188 = vector.shape_cast %get3A_187 : vector<1x16xf32> to vector<16xf32>
        %mul3A_189 = arith.mulf %get3A_188, %get3A_165 : vector<16xf32>
        %swap3A_190 = arith.index_cast %scan3A_158 : i32 to index
        %swap3A_191 = arith.constant 32 : index
        %swap3A_192 = tpu.vector_load %arg7[%swap3A_190, %swap3A_191] {strides = array<i32>} : memref<16x1024xf32, #tpu.memory_space<vmem>>, vector<1x16xf32>,
        %swap3A_193 = vector.shape_cast %swap3A_192 : vector<1x16xf32> to vector<16xf32>
        %swap3A_194 = vector.shape_cast %mul3A_189 : vector<16xf32> to vector<1x16xf32>
        tpu.vector_store %arg7[%swap3A_190, %swap3A_191], %swap3A_194 {strides = array<i32>} : memref<16x1024xf32, #tpu.memory_space<vmem>>, vector<1x16xf32>,
        %get3A_195 = arith.index_cast %scan3A_158 : i32 to index
        %get3A_196 = arith.constant 48 : index
        %get3A_197 = tpu.vector_load %arg5[%get3A_195, %get3A_196] {strides = array<i32>} : memref<16x1024xf32, #tpu.memory_space<vmem>>, vector<1x16xf32>,
        %get3A_198 = vector.shape_cast %get3A_197 : vector<1x16xf32> to vector<16xf32>
        %mul3A_199 = arith.mulf %get3A_198, %get3A_165 : vector<16xf32>
        %swap3A_200 = arith.index_cast %scan3A_158 : i32 to index
        %swap3A_201 = arith.constant 48 : index
        %swap3A_202 = tpu.vector_load %arg7[%swap3A_200, %swap3A_201] {strides = array<i32>} : memref<16x1024xf32, #tpu.memory_space<vmem>>, vector<1x16xf32>,
        %swap3A_203 = vector.shape_cast %swap3A_202 : vector<1x16xf32> to vector<16xf32>
        %swap3A_204 = vector.shape_cast %mul3A_199 : vector<16xf32> to vector<1x16xf32>
        tpu.vector_store %arg7[%swap3A_200, %swap3A_201], %swap3A_204 {strides = array<i32>} : memref<16x1024xf32, #tpu.memory_space<vmem>>, vector<1x16xf32>,
        %get3A_205 = arith.index_cast %scan3A_158 : i32 to index
        %get3A_206 = arith.constant 64 : index
        %get3A_207 = tpu.vector_load %arg5[%get3A_205, %get3A_206] {strides = array<i32>} : memref<16x1024xf32, #tpu.memory_space<vmem>>, vector<1x16xf32>,
        %get3A_208 = vector.shape_cast %get3A_207 : vector<1x16xf32> to vector<16xf32>
        %mul3A_209 = arith.mulf %get3A_208, %get3A_165 : vector<16xf32>
        %swap3A_210 = arith.index_cast %scan3A_158 : i32 to index
        %swap3A_211 = arith.constant 64 : index
        %swap3A_212 = tpu.vector_load %arg7[%swap3A_210, %swap3A_211] {strides = array<i32>} : memref<16x1024xf32, #tpu.memory_space<vmem>>, vector<1x16xf32>,
        %swap3A_213 = vector.shape_cast %swap3A_212 : vector<1x16xf32> to vector<16xf32>
        %swap3A_214 = vector.shape_cast %mul3A_209 : vector<16xf32> to vector<1x16xf32>
        tpu.vector_store %arg7[%swap3A_210, %swap3A_211], %swap3A_214 {strides = array<i32>} : memref<16x1024xf32, #tpu.memory_space<vmem>>, vector<1x16xf32>,
        %get3A_215 = arith.index_cast %scan3A_158 : i32 to index
        %get3A_216 = arith.constant 80 : index
        %get3A_217 = tpu.vector_load %arg5[%get3A_215, %get3A_216] {strides = array<i32>} : memref<16x1024xf32, #tpu.memory_space<vmem>>, vector<1x16xf32>,
        %get3A_218 = vector.shape_cast %get3A_217 : vector<1x16xf32> to vector<16xf32>
        %mul3A_219 = arith.mulf %get3A_218, %get3A_165 : vector<16xf32>
        %swap3A_220 = arith.index_cast %scan3A_158 : i32 to index
        %swap3A_221 = arith.constant 80 : index
        %swap3A_222 = tpu.vector_load %arg7[%swap3A_220, %swap3A_221] {strides = array<i32>} : memref<16x1024xf32, #tpu.memory_space<vmem>>, vector<1x16xf32>,
        %swap3A_223 = vector.shape_cast %swap3A_222 : vector<1x16xf32> to vector<16xf32>
        %swap3A_224 = vector.shape_cast %mul3A_219 : vector<16xf32> to vector<1x16xf32>
        tpu.vector_store %arg7[%swap3A_220, %swap3A_221], %swap3A_224 {strides = array<i32>} : memref<16x1024xf32, #tpu.memory_space<vmem>>, vector<1x16xf32>,
        %get3A_225 = arith.index_cast %scan3A_158 : i32 to index
        %get3A_226 = arith.constant 96 : index
        %get3A_227 = tpu.vector_load %arg5[%get3A_225, %get3A_226] {strides = array<i32>} : memref<16x1024xf32, #tpu.memory_space<vmem>>, vector<1x16xf32>,
        %get3A_228 = vector.shape_cast %get3A_227 : vector<1x16xf32> to vector<16xf32>
        %mul3A_229 = arith.mulf %get3A_228, %get3A_165 : vector<16xf32>
        %swap3A_230 = arith.index_cast %scan3A_158 : i32 to index
        %swap3A_231 = arith.constant 96 : index
        %swap3A_232 = tpu.vector_load %arg7[%swap3A_230, %swap3A_231] {strides = array<i32>} : memref<16x1024xf32, #tpu.memory_space<vmem>>, vector<1x16xf32>,
        %swap3A_233 = vector.shape_cast %swap3A_232 : vector<1x16xf32> to vector<16xf32>
        %swap3A_234 = vector.shape_cast %mul3A_229 : vector<16xf32> to vector<1x16xf32>
        tpu.vector_store %arg7[%swap3A_230, %swap3A_231], %swap3A_234 {strides = array<i32>} : memref<16x1024xf32, #tpu.memory_space<vmem>>, vector<1x16xf32>,
        %get3A_235 = arith.index_cast %scan3A_158 : i32 to index
        %get3A_236 = arith.constant 112 : index
        %get3A_237 = tpu.vector_load %arg5[%get3A_235, %get3A_236] {strides = array<i32>} : memref<16x1024xf32, #tpu.memory_space<vmem>>, vector<1x16xf32>,
        %get3A_238 = vector.shape_cast %get3A_237 : vector<1x16xf32> to vector<16xf32>
        %mul3A_239 = arith.mulf %get3A_238, %get3A_165 : vector<16xf32>
        %swap3A_240 = arith.index_cast %scan3A_158 : i32 to index
        %swap3A_241 = arith.constant 112 : index
        %swap3A_242 = tpu.vector_load %arg7[%swap3A_240, %swap3A_241] {strides = array<i32>} : memref<16x1024xf32, #tpu.memory_space<vmem>>, vector<1x16xf32>,
        %swap3A_243 = vector.shape_cast %swap3A_242 : vector<1x16xf32> to vector<16xf32>
        %swap3A_244 = vector.shape_cast %mul3A_239 : vector<16xf32> to vector<1x16xf32>
        tpu.vector_store %arg7[%swap3A_240, %swap3A_241], %swap3A_244 {strides = array<i32>} : memref<16x1024xf32, #tpu.memory_space<vmem>>, vector<1x16xf32>,
        %get3A_245 = arith.index_cast %scan3A_158 : i32 to index
        %get3A_246 = arith.constant 128 : index
        %get3A_247 = tpu.vector_load %arg5[%get3A_245, %get3A_246] {strides = array<i32>} : memref<16x1024xf32, #tpu.memory_space<vmem>>, vector<1x16xf32>,
        %get3A_248 = vector.shape_cast %get3A_247 : vector<1x16xf32> to vector<16xf32>
        %mul3A_249 = arith.mulf %get3A_248, %get3A_165 : vector<16xf32>
        %swap3A_250 = arith.index_cast %scan3A_158 : i32 to index
        %swap3A_251 = arith.constant 128 : index
        %swap3A_252 = tpu.vector_load %arg7[%swap3A_250, %swap3A_251] {strides = array<i32>} : memref<16x1024xf32, #tpu.memory_space<vmem>>, vector<1x16xf32>,
        %swap3A_253 = vector.shape_cast %swap3A_252 : vector<1x16xf32> to vector<16xf32>
        %swap3A_254 = vector.shape_cast %mul3A_249 : vector<16xf32> to vector<1x16xf32>
        tpu.vector_store %arg7[%swap3A_250, %swap3A_251], %swap3A_254 {strides = array<i32>} : memref<16x1024xf32, #tpu.memory_space<vmem>>, vector<1x16xf32>,
        %get3A_255 = arith.index_cast %scan3A_158 : i32 to index
        %get3A_256 = arith.constant 144 : index
        %get3A_257 = tpu.vector_load %arg5[%get3A_255, %get3A_256] {strides = array<i32>} : memref<16x1024xf32, #tpu.memory_space<vmem>>, vector<1x16xf32>,
        %get3A_258 = vector.shape_cast %get3A_257 : vector<1x16xf32> to vector<16xf32>
        %mul3A_259 = arith.mulf %get3A_258, %get3A_165 : vector<16xf32>
        %swap3A_260 = arith.index_cast %scan3A_158 : i32 to index
        %swap3A_261 = arith.constant 144 : index
        %swap3A_262 = tpu.vector_load %arg7[%swap3A_260, %swap3A_261] {strides = array<i32>} : memref<16x1024xf32, #tpu.memory_space<vmem>>, vector<1x16xf32>,
        %swap3A_263 = vector.shape_cast %swap3A_262 : vector<1x16xf32> to vector<16xf32>
        %swap3A_264 = vector.shape_cast %mul3A_259 : vector<16xf32> to vector<1x16xf32>
        tpu.vector_store %arg7[%swap3A_260, %swap3A_261], %swap3A_264 {strides = array<i32>} : memref<16x1024xf32, #tpu.memory_space<vmem>>, vector<1x16xf32>,
        %get3A_265 = arith.index_cast %scan3A_158 : i32 to index
        %get3A_266 = arith.constant 160 : index
        %get3A_267 = tpu.vector_load %arg5[%get3A_265, %get3A_266] {strides = array<i32>} : memref<16x1024xf32, #tpu.memory_space<vmem>>, vector<1x16xf32>,
        %get3A_268 = vector.shape_cast %get3A_267 : vector<1x16xf32> to vector<16xf32>
        %mul3A_269 = arith.mulf %get3A_268, %get3A_165 : vector<16xf32>
        %swap3A_270 = arith.index_cast %scan3A_158 : i32 to index
        %swap3A_271 = arith.constant 160 : index
        %swap3A_272 = tpu.vector_load %arg7[%swap3A_270, %swap3A_271] {strides = array<i32>} : memref<16x1024xf32, #tpu.memory_space<vmem>>, vector<1x16xf32>,
        %swap3A_273 = vector.shape_cast %swap3A_272 : vector<1x16xf32> to vector<16xf32>
        %swap3A_274 = vector.shape_cast %mul3A_269 : vector<16xf32> to vector<1x16xf32>
        tpu.vector_store %arg7[%swap3A_270, %swap3A_271], %swap3A_274 {strides = array<i32>} : memref<16x1024xf32, #tpu.memory_space<vmem>>, vector<1x16xf32>,
        %get3A_275 = arith.index_cast %scan3A_158 : i32 to index
        %get3A_276 = arith.constant 176 : index
        %get3A_277 = tpu.vector_load %arg5[%get3A_275, %get3A_276] {strides = array<i32>} : memref<16x1024xf32, #tpu.memory_space<vmem>>, vector<1x16xf32>,
        %get3A_278 = vector.shape_cast %get3A_277 : vector<1x16xf32> to vector<16xf32>
        %mul3A_279 = arith.mulf %get3A_278, %get3A_165 : vector<16xf32>
        %swap3A_280 = arith.index_cast %scan3A_158 : i32 to index
        %swap3A_281 = arith.constant 176 : index
        %swap3A_282 = tpu.vector_load %arg7[%swap3A_280, %swap3A_281] {strides = array<i32>} : memref<16x1024xf32, #tpu.memory_space<vmem>>, vector<1x16xf32>,
        %swap3A_283 = vector.shape_cast %swap3A_282 : vector<1x16xf32> to vector<16xf32>
        %swap3A_284 = vector.shape_cast %mul3A_279 : vector<16xf32> to vector<1x16xf32>
        tpu.vector_store %arg7[%swap3A_280, %swap3A_281], %swap3A_284 {strides = array<i32>} : memref<16x1024xf32, #tpu.memory_space<vmem>>, vector<1x16xf32>,
        %get3A_285 = arith.index_cast %scan3A_158 : i32 to index
        %get3A_286 = arith.constant 192 : index
        %get3A_287 = tpu.vector_load %arg5[%get3A_285, %get3A_286] {strides = array<i32>} : memref<16x1024xf32, #tpu.memory_space<vmem>>, vector<1x16xf32>,
        %get3A_288 = vector.shape_cast %get3A_287 : vector<1x16xf32> to vector<16xf32>
        %mul3A_289 = arith.mulf %get3A_288, %get3A_165 : vector<16xf32>
        %swap3A_290 = arith.index_cast %scan3A_158 : i32 to index
        %swap3A_291 = arith.constant 192 : index
        %swap3A_292 = tpu.vector_load %arg7[%swap3A_290, %swap3A_291] {strides = array<i32>} : memref<16x1024xf32, #tpu.memory_space<vmem>>, vector<1x16xf32>,
        %swap3A_293 = vector.shape_cast %swap3A_292 : vector<1x16xf32> to vector<16xf32>
        %swap3A_294 = vector.shape_cast %mul3A_289 : vector<16xf32> to vector<1x16xf32>
        tpu.vector_store %arg7[%swap3A_290, %swap3A_291], %swap3A_294 {strides = array<i32>} : memref<16x1024xf32, #tpu.memory_space<vmem>>, vector<1x16xf32>,
        %get3A_295 = arith.index_cast %scan3A_158 : i32 to index
        %get3A_296 = arith.constant 208 : index
        %get3A_297 = tpu.vector_load %arg5[%get3A_295, %get3A_296] {strides = array<i32>} : memref<16x1024xf32, #tpu.memory_space<vmem>>, vector<1x16xf32>,
        %get3A_298 = vector.shape_cast %get3A_297 : vector<1x16xf32> to vector<16xf32>
        %mul3A_299 = arith.mulf %get3A_298, %get3A_165 : vector<16xf32>
        %swap3A_300 = arith.index_cast %scan3A_158 : i32 to index
        %swap3A_301 = arith.constant 208 : index
        %swap3A_302 = tpu.vector_load %arg7[%swap3A_300, %swap3A_301] {strides = array<i32>} : memref<16x1024xf32, #tpu.memory_space<vmem>>, vector<1x16xf32>,
        %swap3A_303 = vector.shape_cast %swap3A_302 : vector<1x16xf32> to vector<16xf32>
        %swap3A_304 = vector.shape_cast %mul3A_299 : vector<16xf32> to vector<1x16xf32>
        tpu.vector_store %arg7[%swap3A_300, %swap3A_301], %swap3A_304 {strides = array<i32>} : memref<16x1024xf32, #tpu.memory_space<vmem>>, vector<1x16xf32>,
        %get3A_305 = arith.index_cast %scan3A_158 : i32 to index
        %get3A_306 = arith.constant 224 : index
        %get3A_307 = tpu.vector_load %arg5[%get3A_305, %get3A_306] {strides = array<i32>} : memref<16x1024xf32, #tpu.memory_space<vmem>>, vector<1x16xf32>,
        %get3A_308 = vector.shape_cast %get3A_307 : vector<1x16xf32> to vector<16xf32>
        %mul3A_309 = arith.mulf %get3A_308, %get3A_165 : vector<16xf32>
        %swap3A_310 = arith.index_cast %scan3A_158 : i32 to index
        %swap3A_311 = arith.constant 224 : index
        %swap3A_312 = tpu.vector_load %arg7[%swap3A_310, %swap3A_311] {strides = array<i32>} : memref<16x1024xf32, #tpu.memory_space<vmem>>, vector<1x16xf32>,
        %swap3A_313 = vector.shape_cast %swap3A_312 : vector<1x16xf32> to vector<16xf32>
        %swap3A_314 = vector.shape_cast %mul3A_309 : vector<16xf32> to vector<1x16xf32>
        tpu.vector_store %arg7[%swap3A_310, %swap3A_311], %swap3A_314 {strides = array<i32>} : memref<16x1024xf32, #tpu.memory_space<vmem>>, vector<1x16xf32>,
        %get3A_315 = arith.index_cast %scan3A_158 : i32 to index
        %get3A_316 = arith.constant 240 : index
        %get3A_317 = tpu.vector_load %arg5[%get3A_315, %get3A_316] {strides = array<i32>} : memref<16x1024xf32, #tpu.memory_space<vmem>>, vector<1x16xf32>,
        %get3A_318 = vector.shape_cast %get3A_317 : vector<1x16xf32> to vector<16xf32>
        %mul3A_319 = arith.mulf %get3A_318, %get3A_165 : vector<16xf32>
        %swap3A_320 = arith.index_cast %scan3A_158 : i32 to index
        %swap3A_321 = arith.constant 240 : index
        %swap3A_322 = tpu.vector_load %arg7[%swap3A_320, %swap3A_321] {strides = array<i32>} : memref<16x1024xf32, #tpu.memory_space<vmem>>, vector<1x16xf32>,
        %swap3A_323 = vector.shape_cast %swap3A_322 : vector<1x16xf32> to vector<16xf32>
        %swap3A_324 = vector.shape_cast %mul3A_319 : vector<16xf32> to vector<1x16xf32>
        tpu.vector_store %arg7[%swap3A_320, %swap3A_321], %swap3A_324 {strides = array<i32>} : memref<16x1024xf32, #tpu.memory_space<vmem>>, vector<1x16xf32>,
        %get3A_325 = arith.index_cast %scan3A_158 : i32 to index
        %get3A_326 = arith.constant 256 : index
        %get3A_327 = tpu.vector_load %arg5[%get3A_325, %get3A_326] {strides = array<i32>} : memref<16x1024xf32, #tpu.memory_space<vmem>>, vector<1x16xf32>,
        %get3A_328 = vector.shape_cast %get3A_327 : vector<1x16xf32> to vector<16xf32>
        %mul3A_329 = arith.mulf %get3A_328, %get3A_165 : vector<16xf32>
        %swap3A_330 = arith.index_cast %scan3A_158 : i32 to index
        %swap3A_331 = arith.constant 256 : index
        %swap3A_332 = tpu.vector_load %arg7[%swap3A_330, %swap3A_331] {strides = array<i32>} : memref<16x1024xf32, #tpu.memory_space<vmem>>, vector<1x16xf32>,
        %swap3A_333 = vector.shape_cast %swap3A_332 : vector<1x16xf32> to vector<16xf32>
        %swap3A_334 = vector.shape_cast %mul3A_329 : vector<16xf32> to vector<1x16xf32>
        tpu.vector_store %arg7[%swap3A_330, %swap3A_331], %swap3A_334 {strides = array<i32>} : memref<16x1024xf32, #tpu.memory_space<vmem>>, vector<1x16xf32>,
        %get3A_335 = arith.index_cast %scan3A_158 : i32 to index
        %get3A_336 = arith.constant 272 : index
        %get3A_337 = tpu.vector_load %arg5[%get3A_335, %get3A_336] {strides = array<i32>} : memref<16x1024xf32, #tpu.memory_space<vmem>>, vector<1x16xf32>,
        %get3A_338 = vector.shape_cast %get3A_337 : vector<1x16xf32> to vector<16xf32>
        %mul3A_339 = arith.mulf %get3A_338, %get3A_165 : vector<16xf32>
        %swap3A_340 = arith.index_cast %scan3A_158 : i32 to index
        %swap3A_341 = arith.constant 272 : index
        %swap3A_342 = tpu.vector_load %arg7[%swap3A_340, %swap3A_341] {strides = array<i32>} : memref<16x1024xf32, #tpu.memory_space<vmem>>, vector<1x16xf32>,
        %swap3A_343 = vector.shape_cast %swap3A_342 : vector<1x16xf32> to vector<16xf32>
        %swap3A_344 = vector.shape_cast %mul3A_339 : vector<16xf32> to vector<1x16xf32>
        tpu.vector_store %arg7[%swap3A_340, %swap3A_341], %swap3A_344 {strides = array<i32>} : memref<16x1024xf32, #tpu.memory_space<vmem>>, vector<1x16xf32>,
        %get3A_345 = arith.index_cast %scan3A_158 : i32 to index
        %get3A_346 = arith.constant 288 : index
        %get3A_347 = tpu.vector_load %arg5[%get3A_345, %get3A_346] {strides = array<i32>} : memref<16x1024xf32, #tpu.memory_space<vmem>>, vector<1x16xf32>,
        %get3A_348 = vector.shape_cast %get3A_347 : vector<1x16xf32> to vector<16xf32>
        %mul3A_349 = arith.mulf %get3A_348, %get3A_165 : vector<16xf32>
        %swap3A_350 = arith.index_cast %scan3A_158 : i32 to index
        %swap3A_351 = arith.constant 288 : index
        %swap3A_352 = tpu.vector_load %arg7[%swap3A_350, %swap3A_351] {strides = array<i32>} : memref<16x1024xf32, #tpu.memory_space<vmem>>, vector<1x16xf32>,
        %swap3A_353 = vector.shape_cast %swap3A_352 : vector<1x16xf32> to vector<16xf32>
        %swap3A_354 = vector.shape_cast %mul3A_349 : vector<16xf32> to vector<1x16xf32>
        tpu.vector_store %arg7[%swap3A_350, %swap3A_351], %swap3A_354 {strides = array<i32>} : memref<16x1024xf32, #tpu.memory_space<vmem>>, vector<1x16xf32>,
        %get3A_355 = arith.index_cast %scan3A_158 : i32 to index
        %get3A_356 = arith.constant 304 : index
        %get3A_357 = tpu.vector_load %arg5[%get3A_355, %get3A_356] {strides = array<i32>} : memref<16x1024xf32, #tpu.memory_space<vmem>>, vector<1x16xf32>,
        %get3A_358 = vector.shape_cast %get3A_357 : vector<1x16xf32> to vector<16xf32>
        %mul3A_359 = arith.mulf %get3A_358, %get3A_165 : vector<16xf32>
        %swap3A_360 = arith.index_cast %scan3A_158 : i32 to index
        %swap3A_361 = arith.constant 304 : index
        %swap3A_362 = tpu.vector_load %arg7[%swap3A_360, %swap3A_361] {strides = array<i32>} : memref<16x1024xf32, #tpu.memory_space<vmem>>, vector<1x16xf32>,
        %swap3A_363 = vector.shape_cast %swap3A_362 : vector<1x16xf32> to vector<16xf32>
        %swap3A_364 = vector.shape_cast %mul3A_359 : vector<16xf32> to vector<1x16xf32>
        tpu.vector_store %arg7[%swap3A_360, %swap3A_361], %swap3A_364 {strides = array<i32>} : memref<16x1024xf32, #tpu.memory_space<vmem>>, vector<1x16xf32>,
        %get3A_365 = arith.index_cast %scan3A_158 : i32 to index
        %get3A_366 = arith.constant 320 : index
        %get3A_367 = tpu.vector_load %arg5[%get3A_365, %get3A_366] {strides = array<i32>} : memref<16x1024xf32, #tpu.memory_space<vmem>>, vector<1x16xf32>,
        %get3A_368 = vector.shape_cast %get3A_367 : vector<1x16xf32> to vector<16xf32>
        %mul3A_369 = arith.mulf %get3A_368, %get3A_165 : vector<16xf32>
        %swap3A_370 = arith.index_cast %scan3A_158 : i32 to index
        %swap3A_371 = arith.constant 320 : index
        %swap3A_372 = tpu.vector_load %arg7[%swap3A_370, %swap3A_371] {strides = array<i32>} : memref<16x1024xf32, #tpu.memory_space<vmem>>, vector<1x16xf32>,
        %swap3A_373 = vector.shape_cast %swap3A_372 : vector<1x16xf32> to vector<16xf32>
        %swap3A_374 = vector.shape_cast %mul3A_369 : vector<16xf32> to vector<1x16xf32>
        tpu.vector_store %arg7[%swap3A_370, %swap3A_371], %swap3A_374 {strides = array<i32>} : memref<16x1024xf32, #tpu.memory_space<vmem>>, vector<1x16xf32>,
        %get3A_375 = arith.index_cast %scan3A_158 : i32 to index
        %get3A_376 = arith.constant 336 : index
        %get3A_377 = tpu.vector_load %arg5[%get3A_375, %get3A_376] {strides = array<i32>} : memref<16x1024xf32, #tpu.memory_space<vmem>>, vector<1x16xf32>,
        %get3A_378 = vector.shape_cast %get3A_377 : vector<1x16xf32> to vector<16xf32>
        %mul3A_379 = arith.mulf %get3A_378, %get3A_165 : vector<16xf32>
        %swap3A_380 = arith.index_cast %scan3A_158 : i32 to index
        %swap3A_381 = arith.constant 336 : index
        %swap3A_382 = tpu.vector_load %arg7[%swap3A_380, %swap3A_381] {strides = array<i32>} : memref<16x1024xf32, #tpu.memory_space<vmem>>, vector<1x16xf32>,
        %swap3A_383 = vector.shape_cast %swap3A_382 : vector<1x16xf32> to vector<16xf32>
        %swap3A_384 = vector.shape_cast %mul3A_379 : vector<16xf32> to vector<1x16xf32>
        tpu.vector_store %arg7[%swap3A_380, %swap3A_381], %swap3A_384 {strides = array<i32>} : memref<16x1024xf32, #tpu.memory_space<vmem>>, vector<1x16xf32>,
        %get3A_385 = arith.index_cast %scan3A_158 : i32 to index
        %get3A_386 = arith.constant 352 : index
        %get3A_387 = tpu.vector_load %arg5[%get3A_385, %get3A_386] {strides = array<i32>} : memref<16x1024xf32, #tpu.memory_space<vmem>>, vector<1x16xf32>,
        %get3A_388 = vector.shape_cast %get3A_387 : vector<1x16xf32> to vector<16xf32>
        %mul3A_389 = arith.mulf %get3A_388, %get3A_165 : vector<16xf32>
        %swap3A_390 = arith.index_cast %scan3A_158 : i32 to index
        %swap3A_391 = arith.constant 352 : index
        %swap3A_392 = tpu.vector_load %arg7[%swap3A_390, %swap3A_391] {strides = array<i32>} : memref<16x1024xf32, #tpu.memory_space<vmem>>, vector<1x16xf32>,
        %swap3A_393 = vector.shape_cast %swap3A_392 : vector<1x16xf32> to vector<16xf32>
        %swap3A_394 = vector.shape_cast %mul3A_389 : vector<16xf32> to vector<1x16xf32>
        tpu.vector_store %arg7[%swap3A_390, %swap3A_391], %swap3A_394 {strides = array<i32>} : memref<16x1024xf32, #tpu.memory_space<vmem>>, vector<1x16xf32>,
        %get3A_395 = arith.index_cast %scan3A_158 : i32 to index
        %get3A_396 = arith.constant 368 : index
        %get3A_397 = tpu.vector_load %arg5[%get3A_395, %get3A_396] {strides = array<i32>} : memref<16x1024xf32, #tpu.memory_space<vmem>>, vector<1x16xf32>,
        %get3A_398 = vector.shape_cast %get3A_397 : vector<1x16xf32> to vector<16xf32>
        %mul3A_399 = arith.mulf %get3A_398, %get3A_165 : vector<16xf32>
        %swap3A_400 = arith.index_cast %scan3A_158 : i32 to index
        %swap3A_401 = arith.constant 368 : index
        %swap3A_402 = tpu.vector_load %arg7[%swap3A_400, %swap3A_401] {strides = array<i32>} : memref<16x1024xf32, #tpu.memory_space<vmem>>, vector<1x16xf32>,
        %swap3A_403 = vector.shape_cast %swap3A_402 : vector<1x16xf32> to vector<16xf32>
        %swap3A_404 = vector.shape_cast %mul3A_399 : vector<16xf32> to vector<1x16xf32>
        tpu.vector_store %arg7[%swap3A_400, %swap3A_401], %swap3A_404 {strides = array<i32>} : memref<16x1024xf32, #tpu.memory_space<vmem>>, vector<1x16xf32>,
        %get3A_405 = arith.index_cast %scan3A_158 : i32 to index
        %get3A_406 = arith.constant 384 : index
        %get3A_407 = tpu.vector_load %arg5[%get3A_405, %get3A_406] {strides = array<i32>} : memref<16x1024xf32, #tpu.memory_space<vmem>>, vector<1x16xf32>,
        %get3A_408 = vector.shape_cast %get3A_407 : vector<1x16xf32> to vector<16xf32>
        %mul3A_409 = arith.mulf %get3A_408, %get3A_165 : vector<16xf32>
        %swap3A_410 = arith.index_cast %scan3A_158 : i32 to index
        %swap3A_411 = arith.constant 384 : index
        %swap3A_412 = tpu.vector_load %arg7[%swap3A_410, %swap3A_411] {strides = array<i32>} : memref<16x1024xf32, #tpu.memory_space<vmem>>, vector<1x16xf32>,
        %swap3A_413 = vector.shape_cast %swap3A_412 : vector<1x16xf32> to vector<16xf32>
        %swap3A_414 = vector.shape_cast %mul3A_409 : vector<16xf32> to vector<1x16xf32>
        tpu.vector_store %arg7[%swap3A_410, %swap3A_411], %swap3A_414 {strides = array<i32>} : memref<16x1024xf32, #tpu.memory_space<vmem>>, vector<1x16xf32>,
        %get3A_415 = arith.index_cast %scan3A_158 : i32 to index
        %get3A_416 = arith.constant 400 : index
        %get3A_417 = tpu.vector_load %arg5[%get3A_415, %get3A_416] {strides = array<i32>} : memref<16x1024xf32, #tpu.memory_space<vmem>>, vector<1x16xf32>,
        %get3A_418 = vector.shape_cast %get3A_417 : vector<1x16xf32> to vector<16xf32>
        %mul3A_419 = arith.mulf %get3A_418, %get3A_165 : vector<16xf32>
        %swap3A_420 = arith.index_cast %scan3A_158 : i32 to index
        %swap3A_421 = arith.constant 400 : index
        %swap3A_422 = tpu.vector_load %arg7[%swap3A_420, %swap3A_421] {strides = array<i32>} : memref<16x1024xf32, #tpu.memory_space<vmem>>, vector<1x16xf32>,
        %swap3A_423 = vector.shape_cast %swap3A_422 : vector<1x16xf32> to vector<16xf32>
        %swap3A_424 = vector.shape_cast %mul3A_419 : vector<16xf32> to vector<1x16xf32>
        tpu.vector_store %arg7[%swap3A_420, %swap3A_421], %swap3A_424 {strides = array<i32>} : memref<16x1024xf32, #tpu.memory_space<vmem>>, vector<1x16xf32>,
        %get3A_425 = arith.index_cast %scan3A_158 : i32 to index
        %get3A_426 = arith.constant 416 : index
        %get3A_427 = tpu.vector_load %arg5[%get3A_425, %get3A_426] {strides = array<i32>} : memref<16x1024xf32, #tpu.memory_space<vmem>>, vector<1x16xf32>,
        %get3A_428 = vector.shape_cast %get3A_427 : vector<1x16xf32> to vector<16xf32>
        %mul3A_429 = arith.mulf %get3A_428, %get3A_165 : vector<16xf32>
        %swap3A_430 = arith.index_cast %scan3A_158 : i32 to index
        %swap3A_431 = arith.constant 416 : index
        %swap3A_432 = tpu.vector_load %arg7[%swap3A_430, %swap3A_431] {strides = array<i32>} : memref<16x1024xf32, #tpu.memory_space<vmem>>, vector<1x16xf32>,
        %swap3A_433 = vector.shape_cast %swap3A_432 : vector<1x16xf32> to vector<16xf32>
        %swap3A_434 = vector.shape_cast %mul3A_429 : vector<16xf32> to vector<1x16xf32>
        tpu.vector_store %arg7[%swap3A_430, %swap3A_431], %swap3A_434 {strides = array<i32>} : memref<16x1024xf32, #tpu.memory_space<vmem>>, vector<1x16xf32>,
        %get3A_435 = arith.index_cast %scan3A_158 : i32 to index
        %get3A_436 = arith.constant 432 : index
        %get3A_437 = tpu.vector_load %arg5[%get3A_435, %get3A_436] {strides = array<i32>} : memref<16x1024xf32, #tpu.memory_space<vmem>>, vector<1x16xf32>,
        %get3A_438 = vector.shape_cast %get3A_437 : vector<1x16xf32> to vector<16xf32>
        %mul3A_439 = arith.mulf %get3A_438, %get3A_165 : vector<16xf32>
        %swap3A_440 = arith.index_cast %scan3A_158 : i32 to index
        %swap3A_441 = arith.constant 432 : index
        %swap3A_442 = tpu.vector_load %arg7[%swap3A_440, %swap3A_441] {strides = array<i32>} : memref<16x1024xf32, #tpu.memory_space<vmem>>, vector<1x16xf32>,
        %swap3A_443 = vector.shape_cast %swap3A_442 : vector<1x16xf32> to vector<16xf32>
        %swap3A_444 = vector.shape_cast %mul3A_439 : vector<16xf32> to vector<1x16xf32>
        tpu.vector_store %arg7[%swap3A_440, %swap3A_441], %swap3A_444 {strides = array<i32>} : memref<16x1024xf32, #tpu.memory_space<vmem>>, vector<1x16xf32>,
        %get3A_445 = arith.index_cast %scan3A_158 : i32 to index
        %get3A_446 = arith.constant 448 : index
        %get3A_447 = tpu.vector_load %arg5[%get3A_445, %get3A_446] {strides = array<i32>} : memref<16x1024xf32, #tpu.memory_space<vmem>>, vector<1x16xf32>,
        %get3A_448 = vector.shape_cast %get3A_447 : vector<1x16xf32> to vector<16xf32>
        %mul3A_449 = arith.mulf %get3A_448, %get3A_165 : vector<16xf32>
        %swap3A_450 = arith.index_cast %scan3A_158 : i32 to index
        %swap3A_451 = arith.constant 448 : index
        %swap3A_452 = tpu.vector_load %arg7[%swap3A_450, %swap3A_451] {strides = array<i32>} : memref<16x1024xf32, #tpu.memory_space<vmem>>, vector<1x16xf32>,
        %swap3A_453 = vector.shape_cast %swap3A_452 : vector<1x16xf32> to vector<16xf32>
        %swap3A_454 = vector.shape_cast %mul3A_449 : vector<16xf32> to vector<1x16xf32>
        tpu.vector_store %arg7[%swap3A_450, %swap3A_451], %swap3A_454 {strides = array<i32>} : memref<16x1024xf32, #tpu.memory_space<vmem>>, vector<1x16xf32>,
        %get3A_455 = arith.index_cast %scan3A_158 : i32 to index
        %get3A_456 = arith.constant 464 : index
        %get3A_457 = tpu.vector_load %arg5[%get3A_455, %get3A_456] {strides = array<i32>} : memref<16x1024xf32, #tpu.memory_space<vmem>>, vector<1x16xf32>,
        %get3A_458 = vector.shape_cast %get3A_457 : vector<1x16xf32> to vector<16xf32>
        %mul3A_459 = arith.mulf %get3A_458, %get3A_165 : vector<16xf32>
        %swap3A_460 = arith.index_cast %scan3A_158 : i32 to index
        %swap3A_461 = arith.constant 464 : index
        %swap3A_462 = tpu.vector_load %arg7[%swap3A_460, %swap3A_461] {strides = array<i32>} : memref<16x1024xf32, #tpu.memory_space<vmem>>, vector<1x16xf32>,
        %swap3A_463 = vector.shape_cast %swap3A_462 : vector<1x16xf32> to vector<16xf32>
        %swap3A_464 = vector.shape_cast %mul3A_459 : vector<16xf32> to vector<1x16xf32>
        tpu.vector_store %arg7[%swap3A_460, %swap3A_461], %swap3A_464 {strides = array<i32>} : memref<16x1024xf32, #tpu.memory_space<vmem>>, vector<1x16xf32>,
        %get3A_465 = arith.index_cast %scan3A_158 : i32 to index
        %get3A_466 = arith.constant 480 : index
        %get3A_467 = tpu.vector_load %arg5[%get3A_465, %get3A_466] {strides = array<i32>} : memref<16x1024xf32, #tpu.memory_space<vmem>>, vector<1x16xf32>,
        %get3A_468 = vector.shape_cast %get3A_467 : vector<1x16xf32> to vector<16xf32>
        %mul3A_469 = arith.mulf %get3A_468, %get3A_165 : vector<16xf32>
        %swap3A_470 = arith.index_cast %scan3A_158 : i32 to index
        %swap3A_471 = arith.constant 480 : index
        %swap3A_472 = tpu.vector_load %arg7[%swap3A_470, %swap3A_471] {strides = array<i32>} : memref<16x1024xf32, #tpu.memory_space<vmem>>, vector<1x16xf32>,
        %swap3A_473 = vector.shape_cast %swap3A_472 : vector<1x16xf32> to vector<16xf32>
        %swap3A_474 = vector.shape_cast %mul3A_469 : vector<16xf32> to vector<1x16xf32>
        tpu.vector_store %arg7[%swap3A_470, %swap3A_471], %swap3A_474 {strides = array<i32>} : memref<16x1024xf32, #tpu.memory_space<vmem>>, vector<1x16xf32>,
        %get3A_475 = arith.index_cast %scan3A_158 : i32 to index
        %get3A_476 = arith.constant 496 : index
        %get3A_477 = tpu.vector_load %arg5[%get3A_475, %get3A_476] {strides = array<i32>} : memref<16x1024xf32, #tpu.memory_space<vmem>>, vector<1x16xf32>,
        %get3A_478 = vector.shape_cast %get3A_477 : vector<1x16xf32> to vector<16xf32>
        %mul3A_479 = arith.mulf %get3A_478, %get3A_165 : vector<16xf32>
        %swap3A_480 = arith.index_cast %scan3A_158 : i32 to index
        %swap3A_481 = arith.constant 496 : index
        %swap3A_482 = tpu.vector_load %arg7[%swap3A_480, %swap3A_481] {strides = array<i32>} : memref<16x1024xf32, #tpu.memory_space<vmem>>, vector<1x16xf32>,
        %swap3A_483 = vector.shape_cast %swap3A_482 : vector<1x16xf32> to vector<16xf32>
        %swap3A_484 = vector.shape_cast %mul3A_479 : vector<16xf32> to vector<1x16xf32>
        tpu.vector_store %arg7[%swap3A_480, %swap3A_481], %swap3A_484 {strides = array<i32>} : memref<16x1024xf32, #tpu.memory_space<vmem>>, vector<1x16xf32>,
        %get3A_485 = arith.index_cast %scan3A_158 : i32 to index
        %get3A_486 = arith.constant 512 : index
        %get3A_487 = tpu.vector_load %arg5[%get3A_485, %get3A_486] {strides = array<i32>} : memref<16x1024xf32, #tpu.memory_space<vmem>>, vector<1x16xf32>,
        %get3A_488 = vector.shape_cast %get3A_487 : vector<1x16xf32> to vector<16xf32>
        %mul3A_489 = arith.mulf %get3A_488, %get3A_165 : vector<16xf32>
        %swap3A_490 = arith.index_cast %scan3A_158 : i32 to index
        %swap3A_491 = arith.constant 512 : index
        %swap3A_492 = tpu.vector_load %arg7[%swap3A_490, %swap3A_491] {strides = array<i32>} : memref<16x1024xf32, #tpu.memory_space<vmem>>, vector<1x16xf32>,
        %swap3A_493 = vector.shape_cast %swap3A_492 : vector<1x16xf32> to vector<16xf32>
        %swap3A_494 = vector.shape_cast %mul3A_489 : vector<16xf32> to vector<1x16xf32>
        tpu.vector_store %arg7[%swap3A_490, %swap3A_491], %swap3A_494 {strides = array<i32>} : memref<16x1024xf32, #tpu.memory_space<vmem>>, vector<1x16xf32>,
        %get3A_495 = arith.index_cast %scan3A_158 : i32 to index
        %get3A_496 = arith.constant 528 : index
        %get3A_497 = tpu.vector_load %arg5[%get3A_495, %get3A_496] {strides = array<i32>} : memref<16x1024xf32, #tpu.memory_space<vmem>>, vector<1x16xf32>,
        %get3A_498 = vector.shape_cast %get3A_497 : vector<1x16xf32> to vector<16xf32>
        %mul3A_499 = arith.mulf %get3A_498, %get3A_165 : vector<16xf32>
        %swap3A_500 = arith.index_cast %scan3A_158 : i32 to index
        %swap3A_501 = arith.constant 528 : index
        %swap3A_502 = tpu.vector_load %arg7[%swap3A_500, %swap3A_501] {strides = array<i32>} : memref<16x1024xf32, #tpu.memory_space<vmem>>, vector<1x16xf32>,
        %swap3A_503 = vector.shape_cast %swap3A_502 : vector<1x16xf32> to vector<16xf32>
        %swap3A_504 = vector.shape_cast %mul3A_499 : vector<16xf32> to vector<1x16xf32>
        tpu.vector_store %arg7[%swap3A_500, %swap3A_501], %swap3A_504 {strides = array<i32>} : memref<16x1024xf32, #tpu.memory_space<vmem>>, vector<1x16xf32>,
        %get3A_505 = arith.index_cast %scan3A_158 : i32 to index
        %get3A_506 = arith.constant 544 : index
        %get3A_507 = tpu.vector_load %arg5[%get3A_505, %get3A_506] {strides = array<i32>} : memref<16x1024xf32, #tpu.memory_space<vmem>>, vector<1x16xf32>,
        %get3A_508 = vector.shape_cast %get3A_507 : vector<1x16xf32> to vector<16xf32>
        %mul3A_509 = arith.mulf %get3A_508, %get3A_165 : vector<16xf32>
        %swap3A_510 = arith.index_cast %scan3A_158 : i32 to index
        %swap3A_511 = arith.constant 544 : index
        %swap3A_512 = tpu.vector_load %arg7[%swap3A_510, %swap3A_511] {strides = array<i32>} : memref<16x1024xf32, #tpu.memory_space<vmem>>, vector<1x16xf32>,
        %swap3A_513 = vector.shape_cast %swap3A_512 : vector<1x16xf32> to vector<16xf32>
        %swap3A_514 = vector.shape_cast %mul3A_509 : vector<16xf32> to vector<1x16xf32>
        tpu.vector_store %arg7[%swap3A_510, %swap3A_511], %swap3A_514 {strides = array<i32>} : memref<16x1024xf32, #tpu.memory_space<vmem>>, vector<1x16xf32>,
        %get3A_515 = arith.index_cast %scan3A_158 : i32 to index
        %get3A_516 = arith.constant 560 : index
        %get3A_517 = tpu.vector_load %arg5[%get3A_515, %get3A_516] {strides = array<i32>} : memref<16x1024xf32, #tpu.memory_space<vmem>>, vector<1x16xf32>,
        %get3A_518 = vector.shape_cast %get3A_517 : vector<1x16xf32> to vector<16xf32>
        %mul3A_519 = arith.mulf %get3A_518, %get3A_165 : vector<16xf32>
        %swap3A_520 = arith.index_cast %scan3A_158 : i32 to index
        %swap3A_521 = arith.constant 560 : index
        %swap3A_522 = tpu.vector_load %arg7[%swap3A_520, %swap3A_521] {strides = array<i32>} : memref<16x1024xf32, #tpu.memory_space<vmem>>, vector<1x16xf32>,
        %swap3A_523 = vector.shape_cast %swap3A_522 : vector<1x16xf32> to vector<16xf32>
        %swap3A_524 = vector.shape_cast %mul3A_519 : vector<16xf32> to vector<1x16xf32>
        tpu.vector_store %arg7[%swap3A_520, %swap3A_521], %swap3A_524 {strides = array<i32>} : memref<16x1024xf32, #tpu.memory_space<vmem>>, vector<1x16xf32>,
        %get3A_525 = arith.index_cast %scan3A_158 : i32 to index
        %get3A_526 = arith.constant 576 : index
        %get3A_527 = tpu.vector_load %arg5[%get3A_525, %get3A_526] {strides = array<i32>} : memref<16x1024xf32, #tpu.memory_space<vmem>>, vector<1x16xf32>,
        %get3A_528 = vector.shape_cast %get3A_527 : vector<1x16xf32> to vector<16xf32>
        %mul3A_529 = arith.mulf %get3A_528, %get3A_165 : vector<16xf32>
        %swap3A_530 = arith.index_cast %scan3A_158 : i32 to index
        %swap3A_531 = arith.constant 576 : index
        %swap3A_532 = tpu.vector_load %arg7[%swap3A_530, %swap3A_531] {strides = array<i32>} : memref<16x1024xf32, #tpu.memory_space<vmem>>, vector<1x16xf32>,
        %swap3A_533 = vector.shape_cast %swap3A_532 : vector<1x16xf32> to vector<16xf32>
        %swap3A_534 = vector.shape_cast %mul3A_529 : vector<16xf32> to vector<1x16xf32>
        tpu.vector_store %arg7[%swap3A_530, %swap3A_531], %swap3A_534 {strides = array<i32>} : memref<16x1024xf32, #tpu.memory_space<vmem>>, vector<1x16xf32>,
        %get3A_535 = arith.index_cast %scan3A_158 : i32 to index
        %get3A_536 = arith.constant 592 : index
        %get3A_537 = tpu.vector_load %arg5[%get3A_535, %get3A_536] {strides = array<i32>} : memref<16x1024xf32, #tpu.memory_space<vmem>>, vector<1x16xf32>,
        %get3A_538 = vector.shape_cast %get3A_537 : vector<1x16xf32> to vector<16xf32>
        %mul3A_539 = arith.mulf %get3A_538, %get3A_165 : vector<16xf32>
        %swap3A_540 = arith.index_cast %scan3A_158 : i32 to index
        %swap3A_541 = arith.constant 592 : index
        %swap3A_542 = tpu.vector_load %arg7[%swap3A_540, %swap3A_541] {strides = array<i32>} : memref<16x1024xf32, #tpu.memory_space<vmem>>, vector<1x16xf32>,
        %swap3A_543 = vector.shape_cast %swap3A_542 : vector<1x16xf32> to vector<16xf32>
        %swap3A_544 = vector.shape_cast %mul3A_539 : vector<16xf32> to vector<1x16xf32>
        tpu.vector_store %arg7[%swap3A_540, %swap3A_541], %swap3A_544 {strides = array<i32>} : memref<16x1024xf32, #tpu.memory_space<vmem>>, vector<1x16xf32>,
        %get3A_545 = arith.index_cast %scan3A_158 : i32 to index
        %get3A_546 = arith.constant 608 : index
        %get3A_547 = tpu.vector_load %arg5[%get3A_545, %get3A_546] {strides = array<i32>} : memref<16x1024xf32, #tpu.memory_space<vmem>>, vector<1x16xf32>,
        %get3A_548 = vector.shape_cast %get3A_547 : vector<1x16xf32> to vector<16xf32>
        %mul3A_549 = arith.mulf %get3A_548, %get3A_165 : vector<16xf32>
        %swap3A_550 = arith.index_cast %scan3A_158 : i32 to index
        %swap3A_551 = arith.constant 608 : index
        %swap3A_552 = tpu.vector_load %arg7[%swap3A_550, %swap3A_551] {strides = array<i32>} : memref<16x1024xf32, #tpu.memory_space<vmem>>, vector<1x16xf32>,
        %swap3A_553 = vector.shape_cast %swap3A_552 : vector<1x16xf32> to vector<16xf32>
        %swap3A_554 = vector.shape_cast %mul3A_549 : vector<16xf32> to vector<1x16xf32>
        tpu.vector_store %arg7[%swap3A_550, %swap3A_551], %swap3A_554 {strides = array<i32>} : memref<16x1024xf32, #tpu.memory_space<vmem>>, vector<1x16xf32>,
        %get3A_555 = arith.index_cast %scan3A_158 : i32 to index
        %get3A_556 = arith.constant 624 : index
        %get3A_557 = tpu.vector_load %arg5[%get3A_555, %get3A_556] {strides = array<i32>} : memref<16x1024xf32, #tpu.memory_space<vmem>>, vector<1x16xf32>,
        %get3A_558 = vector.shape_cast %get3A_557 : vector<1x16xf32> to vector<16xf32>
        %mul3A_559 = arith.mulf %get3A_558, %get3A_165 : vector<16xf32>
        %swap3A_560 = arith.index_cast %scan3A_158 : i32 to index
        %swap3A_561 = arith.constant 624 : index
        %swap3A_562 = tpu.vector_load %arg7[%swap3A_560, %swap3A_561] {strides = array<i32>} : memref<16x1024xf32, #tpu.memory_space<vmem>>, vector<1x16xf32>,
        %swap3A_563 = vector.shape_cast %swap3A_562 : vector<1x16xf32> to vector<16xf32>
        %swap3A_564 = vector.shape_cast %mul3A_559 : vector<16xf32> to vector<1x16xf32>
        tpu.vector_store %arg7[%swap3A_560, %swap3A_561], %swap3A_564 {strides = array<i32>} : memref<16x1024xf32, #tpu.memory_space<vmem>>, vector<1x16xf32>,
        %get3A_565 = arith.index_cast %scan3A_158 : i32 to index
        %get3A_566 = arith.constant 640 : index
        %get3A_567 = tpu.vector_load %arg5[%get3A_565, %get3A_566] {strides = array<i32>} : memref<16x1024xf32, #tpu.memory_space<vmem>>, vector<1x16xf32>,
        %get3A_568 = vector.shape_cast %get3A_567 : vector<1x16xf32> to vector<16xf32>
        %mul3A_569 = arith.mulf %get3A_568, %get3A_165 : vector<16xf32>
        %swap3A_570 = arith.index_cast %scan3A_158 : i32 to index
        %swap3A_571 = arith.constant 640 : index
        %swap3A_572 = tpu.vector_load %arg7[%swap3A_570, %swap3A_571] {strides = array<i32>} : memref<16x1024xf32, #tpu.memory_space<vmem>>, vector<1x16xf32>,
        %swap3A_573 = vector.shape_cast %swap3A_572 : vector<1x16xf32> to vector<16xf32>
        %swap3A_574 = vector.shape_cast %mul3A_569 : vector<16xf32> to vector<1x16xf32>
        tpu.vector_store %arg7[%swap3A_570, %swap3A_571], %swap3A_574 {strides = array<i32>} : memref<16x1024xf32, #tpu.memory_space<vmem>>, vector<1x16xf32>,
        %get3A_575 = arith.index_cast %scan3A_158 : i32 to index
        %get3A_576 = arith.constant 656 : index
        %get3A_577 = tpu.vector_load %arg5[%get3A_575, %get3A_576] {strides = array<i32>} : memref<16x1024xf32, #tpu.memory_space<vmem>>, vector<1x16xf32>,
        %get3A_578 = vector.shape_cast %get3A_577 : vector<1x16xf32> to vector<16xf32>
        %mul3A_579 = arith.mulf %get3A_578, %get3A_165 : vector<16xf32>
        %swap3A_580 = arith.index_cast %scan3A_158 : i32 to index
        %swap3A_581 = arith.constant 656 : index
        %swap3A_582 = tpu.vector_load %arg7[%swap3A_580, %swap3A_581] {strides = array<i32>} : memref<16x1024xf32, #tpu.memory_space<vmem>>, vector<1x16xf32>,
        %swap3A_583 = vector.shape_cast %swap3A_582 : vector<1x16xf32> to vector<16xf32>
        %swap3A_584 = vector.shape_cast %mul3A_579 : vector<16xf32> to vector<1x16xf32>
        tpu.vector_store %arg7[%swap3A_580, %swap3A_581], %swap3A_584 {strides = array<i32>} : memref<16x1024xf32, #tpu.memory_space<vmem>>, vector<1x16xf32>,
        %get3A_585 = arith.index_cast %scan3A_158 : i32 to index
        %get3A_586 = arith.constant 672 : index
        %get3A_587 = tpu.vector_load %arg5[%get3A_585, %get3A_586] {strides = array<i32>} : memref<16x1024xf32, #tpu.memory_space<vmem>>, vector<1x16xf32>,
        %get3A_588 = vector.shape_cast %get3A_587 : vector<1x16xf32> to vector<16xf32>
        %mul3A_589 = arith.mulf %get3A_588, %get3A_165 : vector<16xf32>
        %swap3A_590 = arith.index_cast %scan3A_158 : i32 to index
        %swap3A_591 = arith.constant 672 : index
        %swap3A_592 = tpu.vector_load %arg7[%swap3A_590, %swap3A_591] {strides = array<i32>} : memref<16x1024xf32, #tpu.memory_space<vmem>>, vector<1x16xf32>,
        %swap3A_593 = vector.shape_cast %swap3A_592 : vector<1x16xf32> to vector<16xf32>
        %swap3A_594 = vector.shape_cast %mul3A_589 : vector<16xf32> to vector<1x16xf32>
        tpu.vector_store %arg7[%swap3A_590, %swap3A_591], %swap3A_594 {strides = array<i32>} : memref<16x1024xf32, #tpu.memory_space<vmem>>, vector<1x16xf32>,
        %get3A_595 = arith.index_cast %scan3A_158 : i32 to index
        %get3A_596 = arith.constant 688 : index
        %get3A_597 = tpu.vector_load %arg5[%get3A_595, %get3A_596] {strides = array<i32>} : memref<16x1024xf32, #tpu.memory_space<vmem>>, vector<1x16xf32>,
        %get3A_598 = vector.shape_cast %get3A_597 : vector<1x16xf32> to vector<16xf32>
        %mul3A_599 = arith.mulf %get3A_598, %get3A_165 : vector<16xf32>
        %swap3A_600 = arith.index_cast %scan3A_158 : i32 to index
        %swap3A_601 = arith.constant 688 : index
        %swap3A_602 = tpu.vector_load %arg7[%swap3A_600, %swap3A_601] {strides = array<i32>} : memref<16x1024xf32, #tpu.memory_space<vmem>>, vector<1x16xf32>,
        %swap3A_603 = vector.shape_cast %swap3A_602 : vector<1x16xf32> to vector<16xf32>
        %swap3A_604 = vector.shape_cast %mul3A_599 : vector<16xf32> to vector<1x16xf32>
        tpu.vector_store %arg7[%swap3A_600, %swap3A_601], %swap3A_604 {strides = array<i32>} : memref<16x1024xf32, #tpu.memory_space<vmem>>, vector<1x16xf32>,
        %get3A_605 = arith.index_cast %scan3A_158 : i32 to index
        %get3A_606 = arith.constant 704 : index
        %get3A_607 = tpu.vector_load %arg5[%get3A_605, %get3A_606] {strides = array<i32>} : memref<16x1024xf32, #tpu.memory_space<vmem>>, vector<1x16xf32>,
        %get3A_608 = vector.shape_cast %get3A_607 : vector<1x16xf32> to vector<16xf32>
        %mul3A_609 = arith.mulf %get3A_608, %get3A_165 : vector<16xf32>
        %swap3A_610 = arith.index_cast %scan3A_158 : i32 to index
        %swap3A_611 = arith.constant 704 : index
        %swap3A_612 = tpu.vector_load %arg7[%swap3A_610, %swap3A_611] {strides = array<i32>} : memref<16x1024xf32, #tpu.memory_space<vmem>>, vector<1x16xf32>,
        %swap3A_613 = vector.shape_cast %swap3A_612 : vector<1x16xf32> to vector<16xf32>
        %swap3A_614 = vector.shape_cast %mul3A_609 : vector<16xf32> to vector<1x16xf32>
        tpu.vector_store %arg7[%swap3A_610, %swap3A_611], %swap3A_614 {strides = array<i32>} : memref<16x1024xf32, #tpu.memory_space<vmem>>, vector<1x16xf32>,
        %get3A_615 = arith.index_cast %scan3A_158 : i32 to index
        %get3A_616 = arith.constant 720 : index
        %get3A_617 = tpu.vector_load %arg5[%get3A_615, %get3A_616] {strides = array<i32>} : memref<16x1024xf32, #tpu.memory_space<vmem>>, vector<1x16xf32>,
        %get3A_618 = vector.shape_cast %get3A_617 : vector<1x16xf32> to vector<16xf32>
        %mul3A_619 = arith.mulf %get3A_618, %get3A_165 : vector<16xf32>
        %swap3A_620 = arith.index_cast %scan3A_158 : i32 to index
        %swap3A_621 = arith.constant 720 : index
        %swap3A_622 = tpu.vector_load %arg7[%swap3A_620, %swap3A_621] {strides = array<i32>} : memref<16x1024xf32, #tpu.memory_space<vmem>>, vector<1x16xf32>,
        %swap3A_623 = vector.shape_cast %swap3A_622 : vector<1x16xf32> to vector<16xf32>
        %swap3A_624 = vector.shape_cast %mul3A_619 : vector<16xf32> to vector<1x16xf32>
        tpu.vector_store %arg7[%swap3A_620, %swap3A_621], %swap3A_624 {strides = array<i32>} : memref<16x1024xf32, #tpu.memory_space<vmem>>, vector<1x16xf32>,
        %get3A_625 = arith.index_cast %scan3A_158 : i32 to index
        %get3A_626 = arith.constant 736 : index
        %get3A_627 = tpu.vector_load %arg5[%get3A_625, %get3A_626] {strides = array<i32>} : memref<16x1024xf32, #tpu.memory_space<vmem>>, vector<1x16xf32>,
        %get3A_628 = vector.shape_cast %get3A_627 : vector<1x16xf32> to vector<16xf32>
        %mul3A_629 = arith.mulf %get3A_628, %get3A_165 : vector<16xf32>
        %swap3A_630 = arith.index_cast %scan3A_158 : i32 to index
        %swap3A_631 = arith.constant 736 : index
        %swap3A_632 = tpu.vector_load %arg7[%swap3A_630, %swap3A_631] {strides = array<i32>} : memref<16x1024xf32, #tpu.memory_space<vmem>>, vector<1x16xf32>,
        %swap3A_633 = vector.shape_cast %swap3A_632 : vector<1x16xf32> to vector<16xf32>
        %swap3A_634 = vector.shape_cast %mul3A_629 : vector<16xf32> to vector<1x16xf32>
        tpu.vector_store %arg7[%swap3A_630, %swap3A_631], %swap3A_634 {strides = array<i32>} : memref<16x1024xf32, #tpu.memory_space<vmem>>, vector<1x16xf32>,
        %get3A_635 = arith.index_cast %scan3A_158 : i32 to index
        %get3A_636 = arith.constant 752 : index
        %get3A_637 = tpu.vector_load %arg5[%get3A_635, %get3A_636] {strides = array<i32>} : memref<16x1024xf32, #tpu.memory_space<vmem>>, vector<1x16xf32>,
        %get3A_638 = vector.shape_cast %get3A_637 : vector<1x16xf32> to vector<16xf32>
        %mul3A_639 = arith.mulf %get3A_638, %get3A_165 : vector<16xf32>
        %swap3A_640 = arith.index_cast %scan3A_158 : i32 to index
        %swap3A_641 = arith.constant 752 : index
        %swap3A_642 = tpu.vector_load %arg7[%swap3A_640, %swap3A_641] {strides = array<i32>} : memref<16x1024xf32, #tpu.memory_space<vmem>>, vector<1x16xf32>,
        %swap3A_643 = vector.shape_cast %swap3A_642 : vector<1x16xf32> to vector<16xf32>
        %swap3A_644 = vector.shape_cast %mul3A_639 : vector<16xf32> to vector<1x16xf32>
        tpu.vector_store %arg7[%swap3A_640, %swap3A_641], %swap3A_644 {strides = array<i32>} : memref<16x1024xf32, #tpu.memory_space<vmem>>, vector<1x16xf32>,
        %get3A_645 = arith.index_cast %scan3A_158 : i32 to index
        %get3A_646 = arith.constant 768 : index
        %get3A_647 = tpu.vector_load %arg5[%get3A_645, %get3A_646] {strides = array<i32>} : memref<16x1024xf32, #tpu.memory_space<vmem>>, vector<1x16xf32>,
        %get3A_648 = vector.shape_cast %get3A_647 : vector<1x16xf32> to vector<16xf32>
        %mul3A_649 = arith.mulf %get3A_648, %get3A_165 : vector<16xf32>
        %swap3A_650 = arith.index_cast %scan3A_158 : i32 to index
        %swap3A_651 = arith.constant 768 : index
        %swap3A_652 = tpu.vector_load %arg7[%swap3A_650, %swap3A_651] {strides = array<i32>} : memref<16x1024xf32, #tpu.memory_space<vmem>>, vector<1x16xf32>,
        %swap3A_653 = vector.shape_cast %swap3A_652 : vector<1x16xf32> to vector<16xf32>
        %swap3A_654 = vector.shape_cast %mul3A_649 : vector<16xf32> to vector<1x16xf32>
        tpu.vector_store %arg7[%swap3A_650, %swap3A_651], %swap3A_654 {strides = array<i32>} : memref<16x1024xf32, #tpu.memory_space<vmem>>, vector<1x16xf32>,
        %get3A_655 = arith.index_cast %scan3A_158 : i32 to index
        %get3A_656 = arith.constant 784 : index
        %get3A_657 = tpu.vector_load %arg5[%get3A_655, %get3A_656] {strides = array<i32>} : memref<16x1024xf32, #tpu.memory_space<vmem>>, vector<1x16xf32>,
        %get3A_658 = vector.shape_cast %get3A_657 : vector<1x16xf32> to vector<16xf32>
        %mul3A_659 = arith.mulf %get3A_658, %get3A_165 : vector<16xf32>
        %swap3A_660 = arith.index_cast %scan3A_158 : i32 to index
        %swap3A_661 = arith.constant 784 : index
        %swap3A_662 = tpu.vector_load %arg7[%swap3A_660, %swap3A_661] {strides = array<i32>} : memref<16x1024xf32, #tpu.memory_space<vmem>>, vector<1x16xf32>,
        %swap3A_663 = vector.shape_cast %swap3A_662 : vector<1x16xf32> to vector<16xf32>
        %swap3A_664 = vector.shape_cast %mul3A_659 : vector<16xf32> to vector<1x16xf32>
        tpu.vector_store %arg7[%swap3A_660, %swap3A_661], %swap3A_664 {strides = array<i32>} : memref<16x1024xf32, #tpu.memory_space<vmem>>, vector<1x16xf32>,
        %get3A_665 = arith.index_cast %scan3A_158 : i32 to index
        %get3A_666 = arith.constant 800 : index
        %get3A_667 = tpu.vector_load %arg5[%get3A_665, %get3A_666] {strides = array<i32>} : memref<16x1024xf32, #tpu.memory_space<vmem>>, vector<1x16xf32>,
        %get3A_668 = vector.shape_cast %get3A_667 : vector<1x16xf32> to vector<16xf32>
        %mul3A_669 = arith.mulf %get3A_668, %get3A_165 : vector<16xf32>
        %swap3A_670 = arith.index_cast %scan3A_158 : i32 to index
        %swap3A_671 = arith.constant 800 : index
        %swap3A_672 = tpu.vector_load %arg7[%swap3A_670, %swap3A_671] {strides = array<i32>} : memref<16x1024xf32, #tpu.memory_space<vmem>>, vector<1x16xf32>,
        %swap3A_673 = vector.shape_cast %swap3A_672 : vector<1x16xf32> to vector<16xf32>
        %swap3A_674 = vector.shape_cast %mul3A_669 : vector<16xf32> to vector<1x16xf32>
        tpu.vector_store %arg7[%swap3A_670, %swap3A_671], %swap3A_674 {strides = array<i32>} : memref<16x1024xf32, #tpu.memory_space<vmem>>, vector<1x16xf32>,
        %get3A_675 = arith.index_cast %scan3A_158 : i32 to index
        %get3A_676 = arith.constant 816 : index
        %get3A_677 = tpu.vector_load %arg5[%get3A_675, %get3A_676] {strides = array<i32>} : memref<16x1024xf32, #tpu.memory_space<vmem>>, vector<1x16xf32>,
        %get3A_678 = vector.shape_cast %get3A_677 : vector<1x16xf32> to vector<16xf32>
        %mul3A_679 = arith.mulf %get3A_678, %get3A_165 : vector<16xf32>
        %swap3A_680 = arith.index_cast %scan3A_158 : i32 to index
        %swap3A_681 = arith.constant 816 : index
        %swap3A_682 = tpu.vector_load %arg7[%swap3A_680, %swap3A_681] {strides = array<i32>} : memref<16x1024xf32, #tpu.memory_space<vmem>>, vector<1x16xf32>,
        %swap3A_683 = vector.shape_cast %swap3A_682 : vector<1x16xf32> to vector<16xf32>
        %swap3A_684 = vector.shape_cast %mul3A_679 : vector<16xf32> to vector<1x16xf32>
        tpu.vector_store %arg7[%swap3A_680, %swap3A_681], %swap3A_684 {strides = array<i32>} : memref<16x1024xf32, #tpu.memory_space<vmem>>, vector<1x16xf32>,
        %get3A_685 = arith.index_cast %scan3A_158 : i32 to index
        %get3A_686 = arith.constant 832 : index
        %get3A_687 = tpu.vector_load %arg5[%get3A_685, %get3A_686] {strides = array<i32>} : memref<16x1024xf32, #tpu.memory_space<vmem>>, vector<1x16xf32>,
        %get3A_688 = vector.shape_cast %get3A_687 : vector<1x16xf32> to vector<16xf32>
        %mul3A_689 = arith.mulf %get3A_688, %get3A_165 : vector<16xf32>
        %swap3A_690 = arith.index_cast %scan3A_158 : i32 to index
        %swap3A_691 = arith.constant 832 : index
        %swap3A_692 = tpu.vector_load %arg7[%swap3A_690, %swap3A_691] {strides = array<i32>} : memref<16x1024xf32, #tpu.memory_space<vmem>>, vector<1x16xf32>,
        %swap3A_693 = vector.shape_cast %swap3A_692 : vector<1x16xf32> to vector<16xf32>
        %swap3A_694 = vector.shape_cast %mul3A_689 : vector<16xf32> to vector<1x16xf32>
        tpu.vector_store %arg7[%swap3A_690, %swap3A_691], %swap3A_694 {strides = array<i32>} : memref<16x1024xf32, #tpu.memory_space<vmem>>, vector<1x16xf32>,
        %get3A_695 = arith.index_cast %scan3A_158 : i32 to index
        %get3A_696 = arith.constant 848 : index
        %get3A_697 = tpu.vector_load %arg5[%get3A_695, %get3A_696] {strides = array<i32>} : memref<16x1024xf32, #tpu.memory_space<vmem>>, vector<1x16xf32>,
        %get3A_698 = vector.shape_cast %get3A_697 : vector<1x16xf32> to vector<16xf32>
        %mul3A_699 = arith.mulf %get3A_698, %get3A_165 : vector<16xf32>
        %swap3A_700 = arith.index_cast %scan3A_158 : i32 to index
        %swap3A_701 = arith.constant 848 : index
        %swap3A_702 = tpu.vector_load %arg7[%swap3A_700, %swap3A_701] {strides = array<i32>} : memref<16x1024xf32, #tpu.memory_space<vmem>>, vector<1x16xf32>,
        %swap3A_703 = vector.shape_cast %swap3A_702 : vector<1x16xf32> to vector<16xf32>
        %swap3A_704 = vector.shape_cast %mul3A_699 : vector<16xf32> to vector<1x16xf32>
        tpu.vector_store %arg7[%swap3A_700, %swap3A_701], %swap3A_704 {strides = array<i32>} : memref<16x1024xf32, #tpu.memory_space<vmem>>, vector<1x16xf32>,
        %get3A_705 = arith.index_cast %scan3A_158 : i32 to index
        %get3A_706 = arith.constant 864 : index
        %get3A_707 = tpu.vector_load %arg5[%get3A_705, %get3A_706] {strides = array<i32>} : memref<16x1024xf32, #tpu.memory_space<vmem>>, vector<1x16xf32>,
        %get3A_708 = vector.shape_cast %get3A_707 : vector<1x16xf32> to vector<16xf32>
        %mul3A_709 = arith.mulf %get3A_708, %get3A_165 : vector<16xf32>
        %swap3A_710 = arith.index_cast %scan3A_158 : i32 to index
        %swap3A_711 = arith.constant 864 : index
        %swap3A_712 = tpu.vector_load %arg7[%swap3A_710, %swap3A_711] {strides = array<i32>} : memref<16x1024xf32, #tpu.memory_space<vmem>>, vector<1x16xf32>,
        %swap3A_713 = vector.shape_cast %swap3A_712 : vector<1x16xf32> to vector<16xf32>
        %swap3A_714 = vector.shape_cast %mul3A_709 : vector<16xf32> to vector<1x16xf32>
        tpu.vector_store %arg7[%swap3A_710, %swap3A_711], %swap3A_714 {strides = array<i32>} : memref<16x1024xf32, #tpu.memory_space<vmem>>, vector<1x16xf32>,
        %get3A_715 = arith.index_cast %scan3A_158 : i32 to index
        %get3A_716 = arith.constant 880 : index
        %get3A_717 = tpu.vector_load %arg5[%get3A_715, %get3A_716] {strides = array<i32>} : memref<16x1024xf32, #tpu.memory_space<vmem>>, vector<1x16xf32>,
        %get3A_718 = vector.shape_cast %get3A_717 : vector<1x16xf32> to vector<16xf32>
        %mul3A_719 = arith.mulf %get3A_718, %get3A_165 : vector<16xf32>
        %swap3A_720 = arith.index_cast %scan3A_158 : i32 to index
        %swap3A_721 = arith.constant 880 : index
        %swap3A_722 = tpu.vector_load %arg7[%swap3A_720, %swap3A_721] {strides = array<i32>} : memref<16x1024xf32, #tpu.memory_space<vmem>>, vector<1x16xf32>,
        %swap3A_723 = vector.shape_cast %swap3A_722 : vector<1x16xf32> to vector<16xf32>
        %swap3A_724 = vector.shape_cast %mul3A_719 : vector<16xf32> to vector<1x16xf32>
        tpu.vector_store %arg7[%swap3A_720, %swap3A_721], %swap3A_724 {strides = array<i32>} : memref<16x1024xf32, #tpu.memory_space<vmem>>, vector<1x16xf32>,
        %get3A_725 = arith.index_cast %scan3A_158 : i32 to index
        %get3A_726 = arith.constant 896 : index
        %get3A_727 = tpu.vector_load %arg5[%get3A_725, %get3A_726] {strides = array<i32>} : memref<16x1024xf32, #tpu.memory_space<vmem>>, vector<1x16xf32>,
        %get3A_728 = vector.shape_cast %get3A_727 : vector<1x16xf32> to vector<16xf32>
        %mul3A_729 = arith.mulf %get3A_728, %get3A_165 : vector<16xf32>
        %swap3A_730 = arith.index_cast %scan3A_158 : i32 to index
        %swap3A_731 = arith.constant 896 : index
        %swap3A_732 = tpu.vector_load %arg7[%swap3A_730, %swap3A_731] {strides = array<i32>} : memref<16x1024xf32, #tpu.memory_space<vmem>>, vector<1x16xf32>,
        %swap3A_733 = vector.shape_cast %swap3A_732 : vector<1x16xf32> to vector<16xf32>
        %swap3A_734 = vector.shape_cast %mul3A_729 : vector<16xf32> to vector<1x16xf32>
        tpu.vector_store %arg7[%swap3A_730, %swap3A_731], %swap3A_734 {strides = array<i32>} : memref<16x1024xf32, #tpu.memory_space<vmem>>, vector<1x16xf32>,
        %get3A_735 = arith.index_cast %scan3A_158 : i32 to index
        %get3A_736 = arith.constant 912 : index
        %get3A_737 = tpu.vector_load %arg5[%get3A_735, %get3A_736] {strides = array<i32>} : memref<16x1024xf32, #tpu.memory_space<vmem>>, vector<1x16xf32>,
        %get3A_738 = vector.shape_cast %get3A_737 : vector<1x16xf32> to vector<16xf32>
        %mul3A_739 = arith.mulf %get3A_738, %get3A_165 : vector<16xf32>
        %swap3A_740 = arith.index_cast %scan3A_158 : i32 to index
        %swap3A_741 = arith.constant 912 : index
        %swap3A_742 = tpu.vector_load %arg7[%swap3A_740, %swap3A_741] {strides = array<i32>} : memref<16x1024xf32, #tpu.memory_space<vmem>>, vector<1x16xf32>,
        %swap3A_743 = vector.shape_cast %swap3A_742 : vector<1x16xf32> to vector<16xf32>
        %swap3A_744 = vector.shape_cast %mul3A_739 : vector<16xf32> to vector<1x16xf32>
        tpu.vector_store %arg7[%swap3A_740, %swap3A_741], %swap3A_744 {strides = array<i32>} : memref<16x1024xf32, #tpu.memory_space<vmem>>, vector<1x16xf32>,
        %get3A_745 = arith.index_cast %scan3A_158 : i32 to index
        %get3A_746 = arith.constant 928 : index
        %get3A_747 = tpu.vector_load %arg5[%get3A_745, %get3A_746] {strides = array<i32>} : memref<16x1024xf32, #tpu.memory_space<vmem>>, vector<1x16xf32>,
        %get3A_748 = vector.shape_cast %get3A_747 : vector<1x16xf32> to vector<16xf32>
        %mul3A_749 = arith.mulf %get3A_748, %get3A_165 : vector<16xf32>
        %swap3A_750 = arith.index_cast %scan3A_158 : i32 to index
        %swap3A_751 = arith.constant 928 : index
        %swap3A_752 = tpu.vector_load %arg7[%swap3A_750, %swap3A_751] {strides = array<i32>} : memref<16x1024xf32, #tpu.memory_space<vmem>>, vector<1x16xf32>,
        %swap3A_753 = vector.shape_cast %swap3A_752 : vector<1x16xf32> to vector<16xf32>
        %swap3A_754 = vector.shape_cast %mul3A_749 : vector<16xf32> to vector<1x16xf32>
        tpu.vector_store %arg7[%swap3A_750, %swap3A_751], %swap3A_754 {strides = array<i32>} : memref<16x1024xf32, #tpu.memory_space<vmem>>, vector<1x16xf32>,
        %get3A_755 = arith.index_cast %scan3A_158 : i32 to index
        %get3A_756 = arith.constant 944 : index
        %get3A_757 = tpu.vector_load %arg5[%get3A_755, %get3A_756] {strides = array<i32>} : memref<16x1024xf32, #tpu.memory_space<vmem>>, vector<1x16xf32>,
        %get3A_758 = vector.shape_cast %get3A_757 : vector<1x16xf32> to vector<16xf32>
        %mul3A_759 = arith.mulf %get3A_758, %get3A_165 : vector<16xf32>
        %swap3A_760 = arith.index_cast %scan3A_158 : i32 to index
        %swap3A_761 = arith.constant 944 : index
        %swap3A_762 = tpu.vector_load %arg7[%swap3A_760, %swap3A_761] {strides = array<i32>} : memref<16x1024xf32, #tpu.memory_space<vmem>>, vector<1x16xf32>,
        %swap3A_763 = vector.shape_cast %swap3A_762 : vector<1x16xf32> to vector<16xf32>
        %swap3A_764 = vector.shape_cast %mul3A_759 : vector<16xf32> to vector<1x16xf32>
        tpu.vector_store %arg7[%swap3A_760, %swap3A_761], %swap3A_764 {strides = array<i32>} : memref<16x1024xf32, #tpu.memory_space<vmem>>, vector<1x16xf32>,
        %get3A_765 = arith.index_cast %scan3A_158 : i32 to index
        %get3A_766 = arith.constant 960 : index
        %get3A_767 = tpu.vector_load %arg5[%get3A_765, %get3A_766] {strides = array<i32>} : memref<16x1024xf32, #tpu.memory_space<vmem>>, vector<1x16xf32>,
        %get3A_768 = vector.shape_cast %get3A_767 : vector<1x16xf32> to vector<16xf32>
        %mul3A_769 = arith.mulf %get3A_768, %get3A_165 : vector<16xf32>
        %swap3A_770 = arith.index_cast %scan3A_158 : i32 to index
        %swap3A_771 = arith.constant 960 : index
        %swap3A_772 = tpu.vector_load %arg7[%swap3A_770, %swap3A_771] {strides = array<i32>} : memref<16x1024xf32, #tpu.memory_space<vmem>>, vector<1x16xf32>,
        %swap3A_773 = vector.shape_cast %swap3A_772 : vector<1x16xf32> to vector<16xf32>
        %swap3A_774 = vector.shape_cast %mul3A_769 : vector<16xf32> to vector<1x16xf32>
        tpu.vector_store %arg7[%swap3A_770, %swap3A_771], %swap3A_774 {strides = array<i32>} : memref<16x1024xf32, #tpu.memory_space<vmem>>, vector<1x16xf32>,
        %get3A_775 = arith.index_cast %scan3A_158 : i32 to index
        %get3A_776 = arith.constant 976 : index
        %get3A_777 = tpu.vector_load %arg5[%get3A_775, %get3A_776] {strides = array<i32>} : memref<16x1024xf32, #tpu.memory_space<vmem>>, vector<1x16xf32>,
        %get3A_778 = vector.shape_cast %get3A_777 : vector<1x16xf32> to vector<16xf32>
        %mul3A_779 = arith.mulf %get3A_778, %get3A_165 : vector<16xf32>
        %swap3A_780 = arith.index_cast %scan3A_158 : i32 to index
        %swap3A_781 = arith.constant 976 : index
        %swap3A_782 = tpu.vector_load %arg7[%swap3A_780, %swap3A_781] {strides = array<i32>} : memref<16x1024xf32, #tpu.memory_space<vmem>>, vector<1x16xf32>,
        %swap3A_783 = vector.shape_cast %swap3A_782 : vector<1x16xf32> to vector<16xf32>
        %swap3A_784 = vector.shape_cast %mul3A_779 : vector<16xf32> to vector<1x16xf32>
        tpu.vector_store %arg7[%swap3A_780, %swap3A_781], %swap3A_784 {strides = array<i32>} : memref<16x1024xf32, #tpu.memory_space<vmem>>, vector<1x16xf32>,
        %get3A_785 = arith.index_cast %scan3A_158 : i32 to index
        %get3A_786 = arith.constant 992 : index
        %get3A_787 = tpu.vector_load %arg5[%get3A_785, %get3A_786] {strides = array<i32>} : memref<16x1024xf32, #tpu.memory_space<vmem>>, vector<1x16xf32>,
        %get3A_788 = vector.shape_cast %get3A_787 : vector<1x16xf32> to vector<16xf32>
        %mul3A_789 = arith.mulf %get3A_788, %get3A_165 : vector<16xf32>
        %swap3A_790 = arith.index_cast %scan3A_158 : i32 to index
        %swap3A_791 = arith.constant 992 : index
        %swap3A_792 = tpu.vector_load %arg7[%swap3A_790, %swap3A_791] {strides = array<i32>} : memref<16x1024xf32, #tpu.memory_space<vmem>>, vector<1x16xf32>,
        %swap3A_793 = vector.shape_cast %swap3A_792 : vector<1x16xf32> to vector<16xf32>
        %swap3A_794 = vector.shape_cast %mul3A_789 : vector<16xf32> to vector<1x16xf32>
        tpu.vector_store %arg7[%swap3A_790, %swap3A_791], %swap3A_794 {strides = array<i32>} : memref<16x1024xf32, #tpu.memory_space<vmem>>, vector<1x16xf32>,
        %get3A_795 = arith.index_cast %scan3A_158 : i32 to index
        %get3A_796 = arith.constant 1008 : index
        %get3A_797 = tpu.vector_load %arg5[%get3A_795, %get3A_796] {strides = array<i32>} : memref<16x1024xf32, #tpu.memory_space<vmem>>, vector<1x16xf32>,
        %get3A_798 = vector.shape_cast %get3A_797 : vector<1x16xf32> to vector<16xf32>
        %mul3A_799 = arith.mulf %get3A_798, %get3A_165 : vector<16xf32>
        %swap3A_800 = arith.index_cast %scan3A_158 : i32 to index
        %swap3A_801 = arith.constant 1008 : index
        %swap3A_802 = tpu.vector_load %arg7[%swap3A_800, %swap3A_801] {strides = array<i32>} : memref<16x1024xf32, #tpu.memory_space<vmem>>, vector<1x16xf32>,
        %swap3A_803 = vector.shape_cast %swap3A_802 : vector<1x16xf32> to vector<16xf32>
        %swap3A_804 = vector.shape_cast %mul3A_799 : vector<16xf32> to vector<1x16xf32>
        tpu.vector_store %arg7[%swap3A_800, %swap3A_801], %swap3A_804 {strides = array<i32>} : memref<16x1024xf32, #tpu.memory_space<vmem>>, vector<1x16xf32>,
      }
      %scan3A_106 = arith.constant 16 : i32
      %mul3A_107 = arith.constant 16 : i32
      %mul3A_108 = arith.muli %add3A_85, %mul3A_107 : i32
      %add3A_109 = arith.addi %mul3A_2, %mul3A_108 : i32
      %dma_start3A_110 = arith.constant 0 : i32
      %dma_start3A_111 = tpu.memref_slice %arg4[%add3A_109, %dma_start3A_110] : memref<16384x1024xf32, #tpu.memory_space<hbm>> -> memref<16x1024xf32, #tpu.memory_space<hbm>>
      %dma_start3A_112 = arith.constant 0 : i32
      %dma_start3A_113 = tpu.memref_slice %arg4[%add3A_109, %dma_start3A_112] : memref<16384x1024xf32, #tpu.memory_space<hbm>> -> memref<16x1024xf32, #tpu.memory_space<hbm>>
      tpu.enqueue_dma source(%arg7 : memref<16x1024xf32, #tpu.memory_space<vmem>>) target(%dma_start3A_113 : memref<16x1024xf32, #tpu.memory_space<hbm>>) target_semaphore(%arg12 : memref<!tpu.dma_semaphore, #tpu.memory_space<semaphore_mem>>)
      %add3A_114 = arith.constant 2 : i32
      %add3A_115 = arith.addi %add3A_85, %add3A_114 : i32
      %lt3A = arith.constant 32 : i32
      %lt3A_116 = arith.cmpi slt, %add3A_115, %lt3A : i32
      %convert_element_type3A = arith.extui %lt3A_116 : i1 to i32
      %cond3A = arith.constant 0 : i32
      %cond3A_117 = arith.cmpi ne, %convert_element_type3A, %cond3A : i32
      scf.if %cond3A_117 {
        %add3A_158 = arith.constant 2 : i32
        %add3A_159 = arith.addi %add3A_85, %add3A_158 : i32
        %mul3A_160 = arith.constant 16 : i32
        %mul3A_161 = arith.muli %add3A_159, %mul3A_160 : i32
        %add3A_162 = arith.addi %mul3A_2, %mul3A_161 : i32
        %dma_start3A_163 = arith.constant 0 : i32
        %dma_start3A_164 = tpu.memref_slice %arg2[%add3A_162, %dma_start3A_163] : memref<16384x1024xf32, #tpu.memory_space<hbm>> -> memref<16x1024xf32, #tpu.memory_space<hbm>>
        %dma_start3A_165 = arith.constant 0 : i32
        %dma_start3A_166 = tpu.memref_slice %arg2[%add3A_162, %dma_start3A_165] : memref<16384x1024xf32, #tpu.memory_space<hbm>> -> memref<16x1024xf32, #tpu.memory_space<hbm>>
        tpu.enqueue_dma source(%dma_start3A_166 : memref<16x1024xf32, #tpu.memory_space<hbm>>) target(%arg5 : memref<16x1024xf32, #tpu.memory_space<vmem>>) target_semaphore(%arg10 : memref<!tpu.dma_semaphore, #tpu.memory_space<semaphore_mem>>)
      } else {
      }
      %mul3A_118 = arith.constant 2 : i32
      %mul3A_119 = arith.muli %scan3A_81, %mul3A_118 : i32
      %add3A_120 = arith.constant 1 : i32
      %add3A_121 = arith.addi %mul3A_119, %add3A_120 : i32
      %mul3A_122 = arith.constant 16 : i32
      %mul3A_123 = arith.muli %add3A_121, %mul3A_122 : i32
      %add3A_124 = arith.addi %mul3A_2, %mul3A_123 : i32
      %dma_wait3A_125 = arith.constant 0 : i32
      %dma_wait3A_126 = tpu.memref_slice %arg2[%add3A_124, %dma_wait3A_125] : memref<16384x1024xf32, #tpu.memory_space<hbm>> -> memref<16x1024xf32, #tpu.memory_space<hbm>>
      %dma_wait3A_127 = arith.constant 0 : i32
      %dma_wait3A_128 = tpu.memref_slice %arg2[%add3A_124, %dma_wait3A_127] : memref<16384x1024xf32, #tpu.memory_space<hbm>> -> memref<16x1024xf32, #tpu.memory_space<hbm>>
      tpu.wait_dma2 semaphore(%arg11 : memref<!tpu.dma_semaphore, #tpu.memory_space<semaphore_mem>>) src(%dma_wait3A_128 : memref<16x1024xf32, #tpu.memory_space<hbm>>) dst(%arg6 : memref<16x1024xf32, #tpu.memory_space<vmem>>)
      %sub3A_129 = arith.constant 2 : i32
      %sub3A_130 = arith.subi %add3A_121, %sub3A_129 : i32
      %mul3A_131 = arith.constant 16 : i32
      %mul3A_132 = arith.muli %sub3A_130, %mul3A_131 : i32
      %add3A_133 = arith.addi %mul3A_2, %mul3A_132 : i32
      %dma_wait3A_134 = arith.constant 0 : i32
      %dma_wait3A_135 = tpu.memref_slice %arg4[%add3A_133, %dma_wait3A_134] : memref<16384x1024xf32, #tpu.memory_space<hbm>> -> memref<16x1024xf32, #tpu.memory_space<hbm>>
      %dma_wait3A_136 = arith.constant 0 : i32
      %dma_wait3A_137 = tpu.memref_slice %arg4[%add3A_133, %dma_wait3A_136] : memref<16384x1024xf32, #tpu.memory_space<hbm>> -> memref<16x1024xf32, #tpu.memory_space<hbm>>
      tpu.wait_dma2 semaphore(%arg13 : memref<!tpu.dma_semaphore, #tpu.memory_space<semaphore_mem>>) src(%arg8 : memref<16x1024xf32, #tpu.memory_space<vmem>>) dst(%dma_wait3A_137 : memref<16x1024xf32, #tpu.memory_space<hbm>>)
      %scan3A_138 = arith.constant 0 : i32
      %scan3A_139 = arith.constant 0 : i32
      %scan3A_140 = arith.constant 16 : i32
      %scan3A_141 = arith.addi %scan3A_139, %scan3A_140 : i32
      %scan3A_142 = arith.constant 1 : i32
      scf.for %scan3A_158 = %scan3A_139 to %scan3A_141 step %scan3A_142  : i32 {
        %mul3A_159 = arith.constant 16 : i32
        %mul3A_160 = arith.muli %add3A_121, %mul3A_159 : i32
        %add3A_161 = arith.addi %mul3A_160, %scan3A_158 : i32
        %mul3A_162 = arith.constant 16 : i32
        %mul3A_163 = arith.muli %add3A_161, %mul3A_162 : i32
        %get3A = arith.index_cast %mul3A_163 : i32 to index
        %get3A_164 = tpu.vector_load %arg9[%get3A] {strides = array<i32>} : memref<8192xf32, #tpu.memory_space<vmem>>, vector<16xf32>,
        %get3A_165 = vector.shape_cast %get3A_164 : vector<16xf32> to vector<16xf32>
        %get3A_166 = arith.index_cast %scan3A_158 : i32 to index
        %get3A_167 = arith.constant 0 : index
        %get3A_168 = tpu.vector_load %arg6[%get3A_166, %get3A_167] {strides = array<i32>} : memref<16x1024xf32, #tpu.memory_space<vmem>>, vector<1x16xf32>,
        %get3A_169 = vector.shape_cast %get3A_168 : vector<1x16xf32> to vector<16xf32>
        %mul3A_170 = arith.mulf %get3A_169, %get3A_165 : vector<16xf32>
        %swap3A = arith.index_cast %scan3A_158 : i32 to index
        %swap3A_171 = arith.constant 0 : index
        %swap3A_172 = tpu.vector_load %arg8[%swap3A, %swap3A_171] {strides = array<i32>} : memref<16x1024xf32, #tpu.memory_space<vmem>>, vector<1x16xf32>,
        %swap3A_173 = vector.shape_cast %swap3A_172 : vector<1x16xf32> to vector<16xf32>
        %swap3A_174 = vector.shape_cast %mul3A_170 : vector<16xf32> to vector<1x16xf32>
        tpu.vector_store %arg8[%swap3A, %swap3A_171], %swap3A_174 {strides = array<i32>} : memref<16x1024xf32, #tpu.memory_space<vmem>>, vector<1x16xf32>,
        %get3A_175 = arith.index_cast %scan3A_158 : i32 to index
        %get3A_176 = arith.constant 16 : index
        %get3A_177 = tpu.vector_load %arg6[%get3A_175, %get3A_176] {strides = array<i32>} : memref<16x1024xf32, #tpu.memory_space<vmem>>, vector<1x16xf32>,
        %get3A_178 = vector.shape_cast %get3A_177 : vector<1x16xf32> to vector<16xf32>
        %mul3A_179 = arith.mulf %get3A_178, %get3A_165 : vector<16xf32>
        %swap3A_180 = arith.index_cast %scan3A_158 : i32 to index
        %swap3A_181 = arith.constant 16 : index
        %swap3A_182 = tpu.vector_load %arg8[%swap3A_180, %swap3A_181] {strides = array<i32>} : memref<16x1024xf32, #tpu.memory_space<vmem>>, vector<1x16xf32>,
        %swap3A_183 = vector.shape_cast %swap3A_182 : vector<1x16xf32> to vector<16xf32>
        %swap3A_184 = vector.shape_cast %mul3A_179 : vector<16xf32> to vector<1x16xf32>
        tpu.vector_store %arg8[%swap3A_180, %swap3A_181], %swap3A_184 {strides = array<i32>} : memref<16x1024xf32, #tpu.memory_space<vmem>>, vector<1x16xf32>,
        %get3A_185 = arith.index_cast %scan3A_158 : i32 to index
        %get3A_186 = arith.constant 32 : index
        %get3A_187 = tpu.vector_load %arg6[%get3A_185, %get3A_186] {strides = array<i32>} : memref<16x1024xf32, #tpu.memory_space<vmem>>, vector<1x16xf32>,
        %get3A_188 = vector.shape_cast %get3A_187 : vector<1x16xf32> to vector<16xf32>
        %mul3A_189 = arith.mulf %get3A_188, %get3A_165 : vector<16xf32>
        %swap3A_190 = arith.index_cast %scan3A_158 : i32 to index
        %swap3A_191 = arith.constant 32 : index
        %swap3A_192 = tpu.vector_load %arg8[%swap3A_190, %swap3A_191] {strides = array<i32>} : memref<16x1024xf32, #tpu.memory_space<vmem>>, vector<1x16xf32>,
        %swap3A_193 = vector.shape_cast %swap3A_192 : vector<1x16xf32> to vector<16xf32>
        %swap3A_194 = vector.shape_cast %mul3A_189 : vector<16xf32> to vector<1x16xf32>
        tpu.vector_store %arg8[%swap3A_190, %swap3A_191], %swap3A_194 {strides = array<i32>} : memref<16x1024xf32, #tpu.memory_space<vmem>>, vector<1x16xf32>,
        %get3A_195 = arith.index_cast %scan3A_158 : i32 to index
        %get3A_196 = arith.constant 48 : index
        %get3A_197 = tpu.vector_load %arg6[%get3A_195, %get3A_196] {strides = array<i32>} : memref<16x1024xf32, #tpu.memory_space<vmem>>, vector<1x16xf32>,
        %get3A_198 = vector.shape_cast %get3A_197 : vector<1x16xf32> to vector<16xf32>
        %mul3A_199 = arith.mulf %get3A_198, %get3A_165 : vector<16xf32>
        %swap3A_200 = arith.index_cast %scan3A_158 : i32 to index
        %swap3A_201 = arith.constant 48 : index
        %swap3A_202 = tpu.vector_load %arg8[%swap3A_200, %swap3A_201] {strides = array<i32>} : memref<16x1024xf32, #tpu.memory_space<vmem>>, vector<1x16xf32>,
        %swap3A_203 = vector.shape_cast %swap3A_202 : vector<1x16xf32> to vector<16xf32>
        %swap3A_204 = vector.shape_cast %mul3A_199 : vector<16xf32> to vector<1x16xf32>
        tpu.vector_store %arg8[%swap3A_200, %swap3A_201], %swap3A_204 {strides = array<i32>} : memref<16x1024xf32, #tpu.memory_space<vmem>>, vector<1x16xf32>,
        %get3A_205 = arith.index_cast %scan3A_158 : i32 to index
        %get3A_206 = arith.constant 64 : index
        %get3A_207 = tpu.vector_load %arg6[%get3A_205, %get3A_206] {strides = array<i32>} : memref<16x1024xf32, #tpu.memory_space<vmem>>, vector<1x16xf32>,
        %get3A_208 = vector.shape_cast %get3A_207 : vector<1x16xf32> to vector<16xf32>
        %mul3A_209 = arith.mulf %get3A_208, %get3A_165 : vector<16xf32>
        %swap3A_210 = arith.index_cast %scan3A_158 : i32 to index
        %swap3A_211 = arith.constant 64 : index
        %swap3A_212 = tpu.vector_load %arg8[%swap3A_210, %swap3A_211] {strides = array<i32>} : memref<16x1024xf32, #tpu.memory_space<vmem>>, vector<1x16xf32>,
        %swap3A_213 = vector.shape_cast %swap3A_212 : vector<1x16xf32> to vector<16xf32>
        %swap3A_214 = vector.shape_cast %mul3A_209 : vector<16xf32> to vector<1x16xf32>
        tpu.vector_store %arg8[%swap3A_210, %swap3A_211], %swap3A_214 {strides = array<i32>} : memref<16x1024xf32, #tpu.memory_space<vmem>>, vector<1x16xf32>,
        %get3A_215 = arith.index_cast %scan3A_158 : i32 to index
        %get3A_216 = arith.constant 80 : index
        %get3A_217 = tpu.vector_load %arg6[%get3A_215, %get3A_216] {strides = array<i32>} : memref<16x1024xf32, #tpu.memory_space<vmem>>, vector<1x16xf32>,
        %get3A_218 = vector.shape_cast %get3A_217 : vector<1x16xf32> to vector<16xf32>
        %mul3A_219 = arith.mulf %get3A_218, %get3A_165 : vector<16xf32>
        %swap3A_220 = arith.index_cast %scan3A_158 : i32 to index
        %swap3A_221 = arith.constant 80 : index
        %swap3A_222 = tpu.vector_load %arg8[%swap3A_220, %swap3A_221] {strides = array<i32>} : memref<16x1024xf32, #tpu.memory_space<vmem>>, vector<1x16xf32>,
        %swap3A_223 = vector.shape_cast %swap3A_222 : vector<1x16xf32> to vector<16xf32>
        %swap3A_224 = vector.shape_cast %mul3A_219 : vector<16xf32> to vector<1x16xf32>
        tpu.vector_store %arg8[%swap3A_220, %swap3A_221], %swap3A_224 {strides = array<i32>} : memref<16x1024xf32, #tpu.memory_space<vmem>>, vector<1x16xf32>,
        %get3A_225 = arith.index_cast %scan3A_158 : i32 to index
        %get3A_226 = arith.constant 96 : index
        %get3A_227 = tpu.vector_load %arg6[%get3A_225, %get3A_226] {strides = array<i32>} : memref<16x1024xf32, #tpu.memory_space<vmem>>, vector<1x16xf32>,
        %get3A_228 = vector.shape_cast %get3A_227 : vector<1x16xf32> to vector<16xf32>
        %mul3A_229 = arith.mulf %get3A_228, %get3A_165 : vector<16xf32>
        %swap3A_230 = arith.index_cast %scan3A_158 : i32 to index
        %swap3A_231 = arith.constant 96 : index
        %swap3A_232 = tpu.vector_load %arg8[%swap3A_230, %swap3A_231] {strides = array<i32>} : memref<16x1024xf32, #tpu.memory_space<vmem>>, vector<1x16xf32>,
        %swap3A_233 = vector.shape_cast %swap3A_232 : vector<1x16xf32> to vector<16xf32>
        %swap3A_234 = vector.shape_cast %mul3A_229 : vector<16xf32> to vector<1x16xf32>
        tpu.vector_store %arg8[%swap3A_230, %swap3A_231], %swap3A_234 {strides = array<i32>} : memref<16x1024xf32, #tpu.memory_space<vmem>>, vector<1x16xf32>,
        %get3A_235 = arith.index_cast %scan3A_158 : i32 to index
        %get3A_236 = arith.constant 112 : index
        %get3A_237 = tpu.vector_load %arg6[%get3A_235, %get3A_236] {strides = array<i32>} : memref<16x1024xf32, #tpu.memory_space<vmem>>, vector<1x16xf32>,
        %get3A_238 = vector.shape_cast %get3A_237 : vector<1x16xf32> to vector<16xf32>
        %mul3A_239 = arith.mulf %get3A_238, %get3A_165 : vector<16xf32>
        %swap3A_240 = arith.index_cast %scan3A_158 : i32 to index
        %swap3A_241 = arith.constant 112 : index
        %swap3A_242 = tpu.vector_load %arg8[%swap3A_240, %swap3A_241] {strides = array<i32>} : memref<16x1024xf32, #tpu.memory_space<vmem>>, vector<1x16xf32>,
        %swap3A_243 = vector.shape_cast %swap3A_242 : vector<1x16xf32> to vector<16xf32>
        %swap3A_244 = vector.shape_cast %mul3A_239 : vector<16xf32> to vector<1x16xf32>
        tpu.vector_store %arg8[%swap3A_240, %swap3A_241], %swap3A_244 {strides = array<i32>} : memref<16x1024xf32, #tpu.memory_space<vmem>>, vector<1x16xf32>,
        %get3A_245 = arith.index_cast %scan3A_158 : i32 to index
        %get3A_246 = arith.constant 128 : index
        %get3A_247 = tpu.vector_load %arg6[%get3A_245, %get3A_246] {strides = array<i32>} : memref<16x1024xf32, #tpu.memory_space<vmem>>, vector<1x16xf32>,
        %get3A_248 = vector.shape_cast %get3A_247 : vector<1x16xf32> to vector<16xf32>
        %mul3A_249 = arith.mulf %get3A_248, %get3A_165 : vector<16xf32>
        %swap3A_250 = arith.index_cast %scan3A_158 : i32 to index
        %swap3A_251 = arith.constant 128 : index
        %swap3A_252 = tpu.vector_load %arg8[%swap3A_250, %swap3A_251] {strides = array<i32>} : memref<16x1024xf32, #tpu.memory_space<vmem>>, vector<1x16xf32>,
        %swap3A_253 = vector.shape_cast %swap3A_252 : vector<1x16xf32> to vector<16xf32>
        %swap3A_254 = vector.shape_cast %mul3A_249 : vector<16xf32> to vector<1x16xf32>
        tpu.vector_store %arg8[%swap3A_250, %swap3A_251], %swap3A_254 {strides = array<i32>} : memref<16x1024xf32, #tpu.memory_space<vmem>>, vector<1x16xf32>,
        %get3A_255 = arith.index_cast %scan3A_158 : i32 to index
        %get3A_256 = arith.constant 144 : index
        %get3A_257 = tpu.vector_load %arg6[%get3A_255, %get3A_256] {strides = array<i32>} : memref<16x1024xf32, #tpu.memory_space<vmem>>, vector<1x16xf32>,
        %get3A_258 = vector.shape_cast %get3A_257 : vector<1x16xf32> to vector<16xf32>
        %mul3A_259 = arith.mulf %get3A_258, %get3A_165 : vector<16xf32>
        %swap3A_260 = arith.index_cast %scan3A_158 : i32 to index
        %swap3A_261 = arith.constant 144 : index
        %swap3A_262 = tpu.vector_load %arg8[%swap3A_260, %swap3A_261] {strides = array<i32>} : memref<16x1024xf32, #tpu.memory_space<vmem>>, vector<1x16xf32>,
        %swap3A_263 = vector.shape_cast %swap3A_262 : vector<1x16xf32> to vector<16xf32>
        %swap3A_264 = vector.shape_cast %mul3A_259 : vector<16xf32> to vector<1x16xf32>
        tpu.vector_store %arg8[%swap3A_260, %swap3A_261], %swap3A_264 {strides = array<i32>} : memref<16x1024xf32, #tpu.memory_space<vmem>>, vector<1x16xf32>,
        %get3A_265 = arith.index_cast %scan3A_158 : i32 to index
        %get3A_266 = arith.constant 160 : index
        %get3A_267 = tpu.vector_load %arg6[%get3A_265, %get3A_266] {strides = array<i32>} : memref<16x1024xf32, #tpu.memory_space<vmem>>, vector<1x16xf32>,
        %get3A_268 = vector.shape_cast %get3A_267 : vector<1x16xf32> to vector<16xf32>
        %mul3A_269 = arith.mulf %get3A_268, %get3A_165 : vector<16xf32>
        %swap3A_270 = arith.index_cast %scan3A_158 : i32 to index
        %swap3A_271 = arith.constant 160 : index
        %swap3A_272 = tpu.vector_load %arg8[%swap3A_270, %swap3A_271] {strides = array<i32>} : memref<16x1024xf32, #tpu.memory_space<vmem>>, vector<1x16xf32>,
        %swap3A_273 = vector.shape_cast %swap3A_272 : vector<1x16xf32> to vector<16xf32>
        %swap3A_274 = vector.shape_cast %mul3A_269 : vector<16xf32> to vector<1x16xf32>
        tpu.vector_store %arg8[%swap3A_270, %swap3A_271], %swap3A_274 {strides = array<i32>} : memref<16x1024xf32, #tpu.memory_space<vmem>>, vector<1x16xf32>,
        %get3A_275 = arith.index_cast %scan3A_158 : i32 to index
        %get3A_276 = arith.constant 176 : index
        %get3A_277 = tpu.vector_load %arg6[%get3A_275, %get3A_276] {strides = array<i32>} : memref<16x1024xf32, #tpu.memory_space<vmem>>, vector<1x16xf32>,
        %get3A_278 = vector.shape_cast %get3A_277 : vector<1x16xf32> to vector<16xf32>
        %mul3A_279 = arith.mulf %get3A_278, %get3A_165 : vector<16xf32>
        %swap3A_280 = arith.index_cast %scan3A_158 : i32 to index
        %swap3A_281 = arith.constant 176 : index
        %swap3A_282 = tpu.vector_load %arg8[%swap3A_280, %swap3A_281] {strides = array<i32>} : memref<16x1024xf32, #tpu.memory_space<vmem>>, vector<1x16xf32>,
        %swap3A_283 = vector.shape_cast %swap3A_282 : vector<1x16xf32> to vector<16xf32>
        %swap3A_284 = vector.shape_cast %mul3A_279 : vector<16xf32> to vector<1x16xf32>
        tpu.vector_store %arg8[%swap3A_280, %swap3A_281], %swap3A_284 {strides = array<i32>} : memref<16x1024xf32, #tpu.memory_space<vmem>>, vector<1x16xf32>,
        %get3A_285 = arith.index_cast %scan3A_158 : i32 to index
        %get3A_286 = arith.constant 192 : index
        %get3A_287 = tpu.vector_load %arg6[%get3A_285, %get3A_286] {strides = array<i32>} : memref<16x1024xf32, #tpu.memory_space<vmem>>, vector<1x16xf32>,
        %get3A_288 = vector.shape_cast %get3A_287 : vector<1x16xf32> to vector<16xf32>
        %mul3A_289 = arith.mulf %get3A_288, %get3A_165 : vector<16xf32>
        %swap3A_290 = arith.index_cast %scan3A_158 : i32 to index
        %swap3A_291 = arith.constant 192 : index
        %swap3A_292 = tpu.vector_load %arg8[%swap3A_290, %swap3A_291] {strides = array<i32>} : memref<16x1024xf32, #tpu.memory_space<vmem>>, vector<1x16xf32>,
        %swap3A_293 = vector.shape_cast %swap3A_292 : vector<1x16xf32> to vector<16xf32>
        %swap3A_294 = vector.shape_cast %mul3A_289 : vector<16xf32> to vector<1x16xf32>
        tpu.vector_store %arg8[%swap3A_290, %swap3A_291], %swap3A_294 {strides = array<i32>} : memref<16x1024xf32, #tpu.memory_space<vmem>>, vector<1x16xf32>,
        %get3A_295 = arith.index_cast %scan3A_158 : i32 to index
        %get3A_296 = arith.constant 208 : index
        %get3A_297 = tpu.vector_load %arg6[%get3A_295, %get3A_296] {strides = array<i32>} : memref<16x1024xf32, #tpu.memory_space<vmem>>, vector<1x16xf32>,
        %get3A_298 = vector.shape_cast %get3A_297 : vector<1x16xf32> to vector<16xf32>
        %mul3A_299 = arith.mulf %get3A_298, %get3A_165 : vector<16xf32>
        %swap3A_300 = arith.index_cast %scan3A_158 : i32 to index
        %swap3A_301 = arith.constant 208 : index
        %swap3A_302 = tpu.vector_load %arg8[%swap3A_300, %swap3A_301] {strides = array<i32>} : memref<16x1024xf32, #tpu.memory_space<vmem>>, vector<1x16xf32>,
        %swap3A_303 = vector.shape_cast %swap3A_302 : vector<1x16xf32> to vector<16xf32>
        %swap3A_304 = vector.shape_cast %mul3A_299 : vector<16xf32> to vector<1x16xf32>
        tpu.vector_store %arg8[%swap3A_300, %swap3A_301], %swap3A_304 {strides = array<i32>} : memref<16x1024xf32, #tpu.memory_space<vmem>>, vector<1x16xf32>,
        %get3A_305 = arith.index_cast %scan3A_158 : i32 to index
        %get3A_306 = arith.constant 224 : index
        %get3A_307 = tpu.vector_load %arg6[%get3A_305, %get3A_306] {strides = array<i32>} : memref<16x1024xf32, #tpu.memory_space<vmem>>, vector<1x16xf32>,
        %get3A_308 = vector.shape_cast %get3A_307 : vector<1x16xf32> to vector<16xf32>
        %mul3A_309 = arith.mulf %get3A_308, %get3A_165 : vector<16xf32>
        %swap3A_310 = arith.index_cast %scan3A_158 : i32 to index
        %swap3A_311 = arith.constant 224 : index
        %swap3A_312 = tpu.vector_load %arg8[%swap3A_310, %swap3A_311] {strides = array<i32>} : memref<16x1024xf32, #tpu.memory_space<vmem>>, vector<1x16xf32>,
        %swap3A_313 = vector.shape_cast %swap3A_312 : vector<1x16xf32> to vector<16xf32>
        %swap3A_314 = vector.shape_cast %mul3A_309 : vector<16xf32> to vector<1x16xf32>
        tpu.vector_store %arg8[%swap3A_310, %swap3A_311], %swap3A_314 {strides = array<i32>} : memref<16x1024xf32, #tpu.memory_space<vmem>>, vector<1x16xf32>,
        %get3A_315 = arith.index_cast %scan3A_158 : i32 to index
        %get3A_316 = arith.constant 240 : index
        %get3A_317 = tpu.vector_load %arg6[%get3A_315, %get3A_316] {strides = array<i32>} : memref<16x1024xf32, #tpu.memory_space<vmem>>, vector<1x16xf32>,
        %get3A_318 = vector.shape_cast %get3A_317 : vector<1x16xf32> to vector<16xf32>
        %mul3A_319 = arith.mulf %get3A_318, %get3A_165 : vector<16xf32>
        %swap3A_320 = arith.index_cast %scan3A_158 : i32 to index
        %swap3A_321 = arith.constant 240 : index
        %swap3A_322 = tpu.vector_load %arg8[%swap3A_320, %swap3A_321] {strides = array<i32>} : memref<16x1024xf32, #tpu.memory_space<vmem>>, vector<1x16xf32>,
        %swap3A_323 = vector.shape_cast %swap3A_322 : vector<1x16xf32> to vector<16xf32>
        %swap3A_324 = vector.shape_cast %mul3A_319 : vector<16xf32> to vector<1x16xf32>
        tpu.vector_store %arg8[%swap3A_320, %swap3A_321], %swap3A_324 {strides = array<i32>} : memref<16x1024xf32, #tpu.memory_space<vmem>>, vector<1x16xf32>,
        %get3A_325 = arith.index_cast %scan3A_158 : i32 to index
        %get3A_326 = arith.constant 256 : index
        %get3A_327 = tpu.vector_load %arg6[%get3A_325, %get3A_326] {strides = array<i32>} : memref<16x1024xf32, #tpu.memory_space<vmem>>, vector<1x16xf32>,
        %get3A_328 = vector.shape_cast %get3A_327 : vector<1x16xf32> to vector<16xf32>
        %mul3A_329 = arith.mulf %get3A_328, %get3A_165 : vector<16xf32>
        %swap3A_330 = arith.index_cast %scan3A_158 : i32 to index
        %swap3A_331 = arith.constant 256 : index
        %swap3A_332 = tpu.vector_load %arg8[%swap3A_330, %swap3A_331] {strides = array<i32>} : memref<16x1024xf32, #tpu.memory_space<vmem>>, vector<1x16xf32>,
        %swap3A_333 = vector.shape_cast %swap3A_332 : vector<1x16xf32> to vector<16xf32>
        %swap3A_334 = vector.shape_cast %mul3A_329 : vector<16xf32> to vector<1x16xf32>
        tpu.vector_store %arg8[%swap3A_330, %swap3A_331], %swap3A_334 {strides = array<i32>} : memref<16x1024xf32, #tpu.memory_space<vmem>>, vector<1x16xf32>,
        %get3A_335 = arith.index_cast %scan3A_158 : i32 to index
        %get3A_336 = arith.constant 272 : index
        %get3A_337 = tpu.vector_load %arg6[%get3A_335, %get3A_336] {strides = array<i32>} : memref<16x1024xf32, #tpu.memory_space<vmem>>, vector<1x16xf32>,
        %get3A_338 = vector.shape_cast %get3A_337 : vector<1x16xf32> to vector<16xf32>
        %mul3A_339 = arith.mulf %get3A_338, %get3A_165 : vector<16xf32>
        %swap3A_340 = arith.index_cast %scan3A_158 : i32 to index
        %swap3A_341 = arith.constant 272 : index
        %swap3A_342 = tpu.vector_load %arg8[%swap3A_340, %swap3A_341] {strides = array<i32>} : memref<16x1024xf32, #tpu.memory_space<vmem>>, vector<1x16xf32>,
        %swap3A_343 = vector.shape_cast %swap3A_342 : vector<1x16xf32> to vector<16xf32>
        %swap3A_344 = vector.shape_cast %mul3A_339 : vector<16xf32> to vector<1x16xf32>
        tpu.vector_store %arg8[%swap3A_340, %swap3A_341], %swap3A_344 {strides = array<i32>} : memref<16x1024xf32, #tpu.memory_space<vmem>>, vector<1x16xf32>,
        %get3A_345 = arith.index_cast %scan3A_158 : i32 to index
        %get3A_346 = arith.constant 288 : index
        %get3A_347 = tpu.vector_load %arg6[%get3A_345, %get3A_346] {strides = array<i32>} : memref<16x1024xf32, #tpu.memory_space<vmem>>, vector<1x16xf32>,
        %get3A_348 = vector.shape_cast %get3A_347 : vector<1x16xf32> to vector<16xf32>
        %mul3A_349 = arith.mulf %get3A_348, %get3A_165 : vector<16xf32>
        %swap3A_350 = arith.index_cast %scan3A_158 : i32 to index
        %swap3A_351 = arith.constant 288 : index
        %swap3A_352 = tpu.vector_load %arg8[%swap3A_350, %swap3A_351] {strides = array<i32>} : memref<16x1024xf32, #tpu.memory_space<vmem>>, vector<1x16xf32>,
        %swap3A_353 = vector.shape_cast %swap3A_352 : vector<1x16xf32> to vector<16xf32>
        %swap3A_354 = vector.shape_cast %mul3A_349 : vector<16xf32> to vector<1x16xf32>
        tpu.vector_store %arg8[%swap3A_350, %swap3A_351], %swap3A_354 {strides = array<i32>} : memref<16x1024xf32, #tpu.memory_space<vmem>>, vector<1x16xf32>,
        %get3A_355 = arith.index_cast %scan3A_158 : i32 to index
        %get3A_356 = arith.constant 304 : index
        %get3A_357 = tpu.vector_load %arg6[%get3A_355, %get3A_356] {strides = array<i32>} : memref<16x1024xf32, #tpu.memory_space<vmem>>, vector<1x16xf32>,
        %get3A_358 = vector.shape_cast %get3A_357 : vector<1x16xf32> to vector<16xf32>
        %mul3A_359 = arith.mulf %get3A_358, %get3A_165 : vector<16xf32>
        %swap3A_360 = arith.index_cast %scan3A_158 : i32 to index
        %swap3A_361 = arith.constant 304 : index
        %swap3A_362 = tpu.vector_load %arg8[%swap3A_360, %swap3A_361] {strides = array<i32>} : memref<16x1024xf32, #tpu.memory_space<vmem>>, vector<1x16xf32>,
        %swap3A_363 = vector.shape_cast %swap3A_362 : vector<1x16xf32> to vector<16xf32>
        %swap3A_364 = vector.shape_cast %mul3A_359 : vector<16xf32> to vector<1x16xf32>
        tpu.vector_store %arg8[%swap3A_360, %swap3A_361], %swap3A_364 {strides = array<i32>} : memref<16x1024xf32, #tpu.memory_space<vmem>>, vector<1x16xf32>,
        %get3A_365 = arith.index_cast %scan3A_158 : i32 to index
        %get3A_366 = arith.constant 320 : index
        %get3A_367 = tpu.vector_load %arg6[%get3A_365, %get3A_366] {strides = array<i32>} : memref<16x1024xf32, #tpu.memory_space<vmem>>, vector<1x16xf32>,
        %get3A_368 = vector.shape_cast %get3A_367 : vector<1x16xf32> to vector<16xf32>
        %mul3A_369 = arith.mulf %get3A_368, %get3A_165 : vector<16xf32>
        %swap3A_370 = arith.index_cast %scan3A_158 : i32 to index
        %swap3A_371 = arith.constant 320 : index
        %swap3A_372 = tpu.vector_load %arg8[%swap3A_370, %swap3A_371] {strides = array<i32>} : memref<16x1024xf32, #tpu.memory_space<vmem>>, vector<1x16xf32>,
        %swap3A_373 = vector.shape_cast %swap3A_372 : vector<1x16xf32> to vector<16xf32>
        %swap3A_374 = vector.shape_cast %mul3A_369 : vector<16xf32> to vector<1x16xf32>
        tpu.vector_store %arg8[%swap3A_370, %swap3A_371], %swap3A_374 {strides = array<i32>} : memref<16x1024xf32, #tpu.memory_space<vmem>>, vector<1x16xf32>,
        %get3A_375 = arith.index_cast %scan3A_158 : i32 to index
        %get3A_376 = arith.constant 336 : index
        %get3A_377 = tpu.vector_load %arg6[%get3A_375, %get3A_376] {strides = array<i32>} : memref<16x1024xf32, #tpu.memory_space<vmem>>, vector<1x16xf32>,
        %get3A_378 = vector.shape_cast %get3A_377 : vector<1x16xf32> to vector<16xf32>
        %mul3A_379 = arith.mulf %get3A_378, %get3A_165 : vector<16xf32>
        %swap3A_380 = arith.index_cast %scan3A_158 : i32 to index
        %swap3A_381 = arith.constant 336 : index
        %swap3A_382 = tpu.vector_load %arg8[%swap3A_380, %swap3A_381] {strides = array<i32>} : memref<16x1024xf32, #tpu.memory_space<vmem>>, vector<1x16xf32>,
        %swap3A_383 = vector.shape_cast %swap3A_382 : vector<1x16xf32> to vector<16xf32>
        %swap3A_384 = vector.shape_cast %mul3A_379 : vector<16xf32> to vector<1x16xf32>
        tpu.vector_store %arg8[%swap3A_380, %swap3A_381], %swap3A_384 {strides = array<i32>} : memref<16x1024xf32, #tpu.memory_space<vmem>>, vector<1x16xf32>,
        %get3A_385 = arith.index_cast %scan3A_158 : i32 to index
        %get3A_386 = arith.constant 352 : index
        %get3A_387 = tpu.vector_load %arg6[%get3A_385, %get3A_386] {strides = array<i32>} : memref<16x1024xf32, #tpu.memory_space<vmem>>, vector<1x16xf32>,
        %get3A_388 = vector.shape_cast %get3A_387 : vector<1x16xf32> to vector<16xf32>
        %mul3A_389 = arith.mulf %get3A_388, %get3A_165 : vector<16xf32>
        %swap3A_390 = arith.index_cast %scan3A_158 : i32 to index
        %swap3A_391 = arith.constant 352 : index
        %swap3A_392 = tpu.vector_load %arg8[%swap3A_390, %swap3A_391] {strides = array<i32>} : memref<16x1024xf32, #tpu.memory_space<vmem>>, vector<1x16xf32>,
        %swap3A_393 = vector.shape_cast %swap3A_392 : vector<1x16xf32> to vector<16xf32>
        %swap3A_394 = vector.shape_cast %mul3A_389 : vector<16xf32> to vector<1x16xf32>
        tpu.vector_store %arg8[%swap3A_390, %swap3A_391], %swap3A_394 {strides = array<i32>} : memref<16x1024xf32, #tpu.memory_space<vmem>>, vector<1x16xf32>,
        %get3A_395 = arith.index_cast %scan3A_158 : i32 to index
        %get3A_396 = arith.constant 368 : index
        %get3A_397 = tpu.vector_load %arg6[%get3A_395, %get3A_396] {strides = array<i32>} : memref<16x1024xf32, #tpu.memory_space<vmem>>, vector<1x16xf32>,
        %get3A_398 = vector.shape_cast %get3A_397 : vector<1x16xf32> to vector<16xf32>
        %mul3A_399 = arith.mulf %get3A_398, %get3A_165 : vector<16xf32>
        %swap3A_400 = arith.index_cast %scan3A_158 : i32 to index
        %swap3A_401 = arith.constant 368 : index
        %swap3A_402 = tpu.vector_load %arg8[%swap3A_400, %swap3A_401] {strides = array<i32>} : memref<16x1024xf32, #tpu.memory_space<vmem>>, vector<1x16xf32>,
        %swap3A_403 = vector.shape_cast %swap3A_402 : vector<1x16xf32> to vector<16xf32>
        %swap3A_404 = vector.shape_cast %mul3A_399 : vector<16xf32> to vector<1x16xf32>
        tpu.vector_store %arg8[%swap3A_400, %swap3A_401], %swap3A_404 {strides = array<i32>} : memref<16x1024xf32, #tpu.memory_space<vmem>>, vector<1x16xf32>,
        %get3A_405 = arith.index_cast %scan3A_158 : i32 to index
        %get3A_406 = arith.constant 384 : index
        %get3A_407 = tpu.vector_load %arg6[%get3A_405, %get3A_406] {strides = array<i32>} : memref<16x1024xf32, #tpu.memory_space<vmem>>, vector<1x16xf32>,
        %get3A_408 = vector.shape_cast %get3A_407 : vector<1x16xf32> to vector<16xf32>
        %mul3A_409 = arith.mulf %get3A_408, %get3A_165 : vector<16xf32>
        %swap3A_410 = arith.index_cast %scan3A_158 : i32 to index
        %swap3A_411 = arith.constant 384 : index
        %swap3A_412 = tpu.vector_load %arg8[%swap3A_410, %swap3A_411] {strides = array<i32>} : memref<16x1024xf32, #tpu.memory_space<vmem>>, vector<1x16xf32>,
        %swap3A_413 = vector.shape_cast %swap3A_412 : vector<1x16xf32> to vector<16xf32>
        %swap3A_414 = vector.shape_cast %mul3A_409 : vector<16xf32> to vector<1x16xf32>
        tpu.vector_store %arg8[%swap3A_410, %swap3A_411], %swap3A_414 {strides = array<i32>} : memref<16x1024xf32, #tpu.memory_space<vmem>>, vector<1x16xf32>,
        %get3A_415 = arith.index_cast %scan3A_158 : i32 to index
        %get3A_416 = arith.constant 400 : index
        %get3A_417 = tpu.vector_load %arg6[%get3A_415, %get3A_416] {strides = array<i32>} : memref<16x1024xf32, #tpu.memory_space<vmem>>, vector<1x16xf32>,
        %get3A_418 = vector.shape_cast %get3A_417 : vector<1x16xf32> to vector<16xf32>
        %mul3A_419 = arith.mulf %get3A_418, %get3A_165 : vector<16xf32>
        %swap3A_420 = arith.index_cast %scan3A_158 : i32 to index
        %swap3A_421 = arith.constant 400 : index
        %swap3A_422 = tpu.vector_load %arg8[%swap3A_420, %swap3A_421] {strides = array<i32>} : memref<16x1024xf32, #tpu.memory_space<vmem>>, vector<1x16xf32>,
        %swap3A_423 = vector.shape_cast %swap3A_422 : vector<1x16xf32> to vector<16xf32>
        %swap3A_424 = vector.shape_cast %mul3A_419 : vector<16xf32> to vector<1x16xf32>
        tpu.vector_store %arg8[%swap3A_420, %swap3A_421], %swap3A_424 {strides = array<i32>} : memref<16x1024xf32, #tpu.memory_space<vmem>>, vector<1x16xf32>,
        %get3A_425 = arith.index_cast %scan3A_158 : i32 to index
        %get3A_426 = arith.constant 416 : index
        %get3A_427 = tpu.vector_load %arg6[%get3A_425, %get3A_426] {strides = array<i32>} : memref<16x1024xf32, #tpu.memory_space<vmem>>, vector<1x16xf32>,
        %get3A_428 = vector.shape_cast %get3A_427 : vector<1x16xf32> to vector<16xf32>
        %mul3A_429 = arith.mulf %get3A_428, %get3A_165 : vector<16xf32>
        %swap3A_430 = arith.index_cast %scan3A_158 : i32 to index
        %swap3A_431 = arith.constant 416 : index
        %swap3A_432 = tpu.vector_load %arg8[%swap3A_430, %swap3A_431] {strides = array<i32>} : memref<16x1024xf32, #tpu.memory_space<vmem>>, vector<1x16xf32>,
        %swap3A_433 = vector.shape_cast %swap3A_432 : vector<1x16xf32> to vector<16xf32>
        %swap3A_434 = vector.shape_cast %mul3A_429 : vector<16xf32> to vector<1x16xf32>
        tpu.vector_store %arg8[%swap3A_430, %swap3A_431], %swap3A_434 {strides = array<i32>} : memref<16x1024xf32, #tpu.memory_space<vmem>>, vector<1x16xf32>,
        %get3A_435 = arith.index_cast %scan3A_158 : i32 to index
        %get3A_436 = arith.constant 432 : index
        %get3A_437 = tpu.vector_load %arg6[%get3A_435, %get3A_436] {strides = array<i32>} : memref<16x1024xf32, #tpu.memory_space<vmem>>, vector<1x16xf32>,
        %get3A_438 = vector.shape_cast %get3A_437 : vector<1x16xf32> to vector<16xf32>
        %mul3A_439 = arith.mulf %get3A_438, %get3A_165 : vector<16xf32>
        %swap3A_440 = arith.index_cast %scan3A_158 : i32 to index
        %swap3A_441 = arith.constant 432 : index
        %swap3A_442 = tpu.vector_load %arg8[%swap3A_440, %swap3A_441] {strides = array<i32>} : memref<16x1024xf32, #tpu.memory_space<vmem>>, vector<1x16xf32>,
        %swap3A_443 = vector.shape_cast %swap3A_442 : vector<1x16xf32> to vector<16xf32>
        %swap3A_444 = vector.shape_cast %mul3A_439 : vector<16xf32> to vector<1x16xf32>
        tpu.vector_store %arg8[%swap3A_440, %swap3A_441], %swap3A_444 {strides = array<i32>} : memref<16x1024xf32, #tpu.memory_space<vmem>>, vector<1x16xf32>,
        %get3A_445 = arith.index_cast %scan3A_158 : i32 to index
        %get3A_446 = arith.constant 448 : index
        %get3A_447 = tpu.vector_load %arg6[%get3A_445, %get3A_446] {strides = array<i32>} : memref<16x1024xf32, #tpu.memory_space<vmem>>, vector<1x16xf32>,
        %get3A_448 = vector.shape_cast %get3A_447 : vector<1x16xf32> to vector<16xf32>
        %mul3A_449 = arith.mulf %get3A_448, %get3A_165 : vector<16xf32>
        %swap3A_450 = arith.index_cast %scan3A_158 : i32 to index
        %swap3A_451 = arith.constant 448 : index
        %swap3A_452 = tpu.vector_load %arg8[%swap3A_450, %swap3A_451] {strides = array<i32>} : memref<16x1024xf32, #tpu.memory_space<vmem>>, vector<1x16xf32>,
        %swap3A_453 = vector.shape_cast %swap3A_452 : vector<1x16xf32> to vector<16xf32>
        %swap3A_454 = vector.shape_cast %mul3A_449 : vector<16xf32> to vector<1x16xf32>
        tpu.vector_store %arg8[%swap3A_450, %swap3A_451], %swap3A_454 {strides = array<i32>} : memref<16x1024xf32, #tpu.memory_space<vmem>>, vector<1x16xf32>,
        %get3A_455 = arith.index_cast %scan3A_158 : i32 to index
        %get3A_456 = arith.constant 464 : index
        %get3A_457 = tpu.vector_load %arg6[%get3A_455, %get3A_456] {strides = array<i32>} : memref<16x1024xf32, #tpu.memory_space<vmem>>, vector<1x16xf32>,
        %get3A_458 = vector.shape_cast %get3A_457 : vector<1x16xf32> to vector<16xf32>
        %mul3A_459 = arith.mulf %get3A_458, %get3A_165 : vector<16xf32>
        %swap3A_460 = arith.index_cast %scan3A_158 : i32 to index
        %swap3A_461 = arith.constant 464 : index
        %swap3A_462 = tpu.vector_load %arg8[%swap3A_460, %swap3A_461] {strides = array<i32>} : memref<16x1024xf32, #tpu.memory_space<vmem>>, vector<1x16xf32>,
        %swap3A_463 = vector.shape_cast %swap3A_462 : vector<1x16xf32> to vector<16xf32>
        %swap3A_464 = vector.shape_cast %mul3A_459 : vector<16xf32> to vector<1x16xf32>
        tpu.vector_store %arg8[%swap3A_460, %swap3A_461], %swap3A_464 {strides = array<i32>} : memref<16x1024xf32, #tpu.memory_space<vmem>>, vector<1x16xf32>,
        %get3A_465 = arith.index_cast %scan3A_158 : i32 to index
        %get3A_466 = arith.constant 480 : index
        %get3A_467 = tpu.vector_load %arg6[%get3A_465, %get3A_466] {strides = array<i32>} : memref<16x1024xf32, #tpu.memory_space<vmem>>, vector<1x16xf32>,
        %get3A_468 = vector.shape_cast %get3A_467 : vector<1x16xf32> to vector<16xf32>
        %mul3A_469 = arith.mulf %get3A_468, %get3A_165 : vector<16xf32>
        %swap3A_470 = arith.index_cast %scan3A_158 : i32 to index
        %swap3A_471 = arith.constant 480 : index
        %swap3A_472 = tpu.vector_load %arg8[%swap3A_470, %swap3A_471] {strides = array<i32>} : memref<16x1024xf32, #tpu.memory_space<vmem>>, vector<1x16xf32>,
        %swap3A_473 = vector.shape_cast %swap3A_472 : vector<1x16xf32> to vector<16xf32>
        %swap3A_474 = vector.shape_cast %mul3A_469 : vector<16xf32> to vector<1x16xf32>
        tpu.vector_store %arg8[%swap3A_470, %swap3A_471], %swap3A_474 {strides = array<i32>} : memref<16x1024xf32, #tpu.memory_space<vmem>>, vector<1x16xf32>,
        %get3A_475 = arith.index_cast %scan3A_158 : i32 to index
        %get3A_476 = arith.constant 496 : index
        %get3A_477 = tpu.vector_load %arg6[%get3A_475, %get3A_476] {strides = array<i32>} : memref<16x1024xf32, #tpu.memory_space<vmem>>, vector<1x16xf32>,
        %get3A_478 = vector.shape_cast %get3A_477 : vector<1x16xf32> to vector<16xf32>
        %mul3A_479 = arith.mulf %get3A_478, %get3A_165 : vector<16xf32>
        %swap3A_480 = arith.index_cast %scan3A_158 : i32 to index
        %swap3A_481 = arith.constant 496 : index
        %swap3A_482 = tpu.vector_load %arg8[%swap3A_480, %swap3A_481] {strides = array<i32>} : memref<16x1024xf32, #tpu.memory_space<vmem>>, vector<1x16xf32>,
        %swap3A_483 = vector.shape_cast %swap3A_482 : vector<1x16xf32> to vector<16xf32>
        %swap3A_484 = vector.shape_cast %mul3A_479 : vector<16xf32> to vector<1x16xf32>
        tpu.vector_store %arg8[%swap3A_480, %swap3A_481], %swap3A_484 {strides = array<i32>} : memref<16x1024xf32, #tpu.memory_space<vmem>>, vector<1x16xf32>,
        %get3A_485 = arith.index_cast %scan3A_158 : i32 to index
        %get3A_486 = arith.constant 512 : index
        %get3A_487 = tpu.vector_load %arg6[%get3A_485, %get3A_486] {strides = array<i32>} : memref<16x1024xf32, #tpu.memory_space<vmem>>, vector<1x16xf32>,
        %get3A_488 = vector.shape_cast %get3A_487 : vector<1x16xf32> to vector<16xf32>
        %mul3A_489 = arith.mulf %get3A_488, %get3A_165 : vector<16xf32>
        %swap3A_490 = arith.index_cast %scan3A_158 : i32 to index
        %swap3A_491 = arith.constant 512 : index
        %swap3A_492 = tpu.vector_load %arg8[%swap3A_490, %swap3A_491] {strides = array<i32>} : memref<16x1024xf32, #tpu.memory_space<vmem>>, vector<1x16xf32>,
        %swap3A_493 = vector.shape_cast %swap3A_492 : vector<1x16xf32> to vector<16xf32>
        %swap3A_494 = vector.shape_cast %mul3A_489 : vector<16xf32> to vector<1x16xf32>
        tpu.vector_store %arg8[%swap3A_490, %swap3A_491], %swap3A_494 {strides = array<i32>} : memref<16x1024xf32, #tpu.memory_space<vmem>>, vector<1x16xf32>,
        %get3A_495 = arith.index_cast %scan3A_158 : i32 to index
        %get3A_496 = arith.constant 528 : index
        %get3A_497 = tpu.vector_load %arg6[%get3A_495, %get3A_496] {strides = array<i32>} : memref<16x1024xf32, #tpu.memory_space<vmem>>, vector<1x16xf32>,
        %get3A_498 = vector.shape_cast %get3A_497 : vector<1x16xf32> to vector<16xf32>
        %mul3A_499 = arith.mulf %get3A_498, %get3A_165 : vector<16xf32>
        %swap3A_500 = arith.index_cast %scan3A_158 : i32 to index
        %swap3A_501 = arith.constant 528 : index
        %swap3A_502 = tpu.vector_load %arg8[%swap3A_500, %swap3A_501] {strides = array<i32>} : memref<16x1024xf32, #tpu.memory_space<vmem>>, vector<1x16xf32>,
        %swap3A_503 = vector.shape_cast %swap3A_502 : vector<1x16xf32> to vector<16xf32>
        %swap3A_504 = vector.shape_cast %mul3A_499 : vector<16xf32> to vector<1x16xf32>
        tpu.vector_store %arg8[%swap3A_500, %swap3A_501], %swap3A_504 {strides = array<i32>} : memref<16x1024xf32, #tpu.memory_space<vmem>>, vector<1x16xf32>,
        %get3A_505 = arith.index_cast %scan3A_158 : i32 to index
        %get3A_506 = arith.constant 544 : index
        %get3A_507 = tpu.vector_load %arg6[%get3A_505, %get3A_506] {strides = array<i32>} : memref<16x1024xf32, #tpu.memory_space<vmem>>, vector<1x16xf32>,
        %get3A_508 = vector.shape_cast %get3A_507 : vector<1x16xf32> to vector<16xf32>
        %mul3A_509 = arith.mulf %get3A_508, %get3A_165 : vector<16xf32>
        %swap3A_510 = arith.index_cast %scan3A_158 : i32 to index
        %swap3A_511 = arith.constant 544 : index
        %swap3A_512 = tpu.vector_load %arg8[%swap3A_510, %swap3A_511] {strides = array<i32>} : memref<16x1024xf32, #tpu.memory_space<vmem>>, vector<1x16xf32>,
        %swap3A_513 = vector.shape_cast %swap3A_512 : vector<1x16xf32> to vector<16xf32>
        %swap3A_514 = vector.shape_cast %mul3A_509 : vector<16xf32> to vector<1x16xf32>
        tpu.vector_store %arg8[%swap3A_510, %swap3A_511], %swap3A_514 {strides = array<i32>} : memref<16x1024xf32, #tpu.memory_space<vmem>>, vector<1x16xf32>,
        %get3A_515 = arith.index_cast %scan3A_158 : i32 to index
        %get3A_516 = arith.constant 560 : index
        %get3A_517 = tpu.vector_load %arg6[%get3A_515, %get3A_516] {strides = array<i32>} : memref<16x1024xf32, #tpu.memory_space<vmem>>, vector<1x16xf32>,
        %get3A_518 = vector.shape_cast %get3A_517 : vector<1x16xf32> to vector<16xf32>
        %mul3A_519 = arith.mulf %get3A_518, %get3A_165 : vector<16xf32>
        %swap3A_520 = arith.index_cast %scan3A_158 : i32 to index
        %swap3A_521 = arith.constant 560 : index
        %swap3A_522 = tpu.vector_load %arg8[%swap3A_520, %swap3A_521] {strides = array<i32>} : memref<16x1024xf32, #tpu.memory_space<vmem>>, vector<1x16xf32>,
        %swap3A_523 = vector.shape_cast %swap3A_522 : vector<1x16xf32> to vector<16xf32>
        %swap3A_524 = vector.shape_cast %mul3A_519 : vector<16xf32> to vector<1x16xf32>
        tpu.vector_store %arg8[%swap3A_520, %swap3A_521], %swap3A_524 {strides = array<i32>} : memref<16x1024xf32, #tpu.memory_space<vmem>>, vector<1x16xf32>,
        %get3A_525 = arith.index_cast %scan3A_158 : i32 to index
        %get3A_526 = arith.constant 576 : index
        %get3A_527 = tpu.vector_load %arg6[%get3A_525, %get3A_526] {strides = array<i32>} : memref<16x1024xf32, #tpu.memory_space<vmem>>, vector<1x16xf32>,
        %get3A_528 = vector.shape_cast %get3A_527 : vector<1x16xf32> to vector<16xf32>
        %mul3A_529 = arith.mulf %get3A_528, %get3A_165 : vector<16xf32>
        %swap3A_530 = arith.index_cast %scan3A_158 : i32 to index
        %swap3A_531 = arith.constant 576 : index
        %swap3A_532 = tpu.vector_load %arg8[%swap3A_530, %swap3A_531] {strides = array<i32>} : memref<16x1024xf32, #tpu.memory_space<vmem>>, vector<1x16xf32>,
        %swap3A_533 = vector.shape_cast %swap3A_532 : vector<1x16xf32> to vector<16xf32>
        %swap3A_534 = vector.shape_cast %mul3A_529 : vector<16xf32> to vector<1x16xf32>
        tpu.vector_store %arg8[%swap3A_530, %swap3A_531], %swap3A_534 {strides = array<i32>} : memref<16x1024xf32, #tpu.memory_space<vmem>>, vector<1x16xf32>,
        %get3A_535 = arith.index_cast %scan3A_158 : i32 to index
        %get3A_536 = arith.constant 592 : index
        %get3A_537 = tpu.vector_load %arg6[%get3A_535, %get3A_536] {strides = array<i32>} : memref<16x1024xf32, #tpu.memory_space<vmem>>, vector<1x16xf32>,
        %get3A_538 = vector.shape_cast %get3A_537 : vector<1x16xf32> to vector<16xf32>
        %mul3A_539 = arith.mulf %get3A_538, %get3A_165 : vector<16xf32>
        %swap3A_540 = arith.index_cast %scan3A_158 : i32 to index
        %swap3A_541 = arith.constant 592 : index
        %swap3A_542 = tpu.vector_load %arg8[%swap3A_540, %swap3A_541] {strides = array<i32>} : memref<16x1024xf32, #tpu.memory_space<vmem>>, vector<1x16xf32>,
        %swap3A_543 = vector.shape_cast %swap3A_542 : vector<1x16xf32> to vector<16xf32>
        %swap3A_544 = vector.shape_cast %mul3A_539 : vector<16xf32> to vector<1x16xf32>
        tpu.vector_store %arg8[%swap3A_540, %swap3A_541], %swap3A_544 {strides = array<i32>} : memref<16x1024xf32, #tpu.memory_space<vmem>>, vector<1x16xf32>,
        %get3A_545 = arith.index_cast %scan3A_158 : i32 to index
        %get3A_546 = arith.constant 608 : index
        %get3A_547 = tpu.vector_load %arg6[%get3A_545, %get3A_546] {strides = array<i32>} : memref<16x1024xf32, #tpu.memory_space<vmem>>, vector<1x16xf32>,
        %get3A_548 = vector.shape_cast %get3A_547 : vector<1x16xf32> to vector<16xf32>
        %mul3A_549 = arith.mulf %get3A_548, %get3A_165 : vector<16xf32>
        %swap3A_550 = arith.index_cast %scan3A_158 : i32 to index
        %swap3A_551 = arith.constant 608 : index
        %swap3A_552 = tpu.vector_load %arg8[%swap3A_550, %swap3A_551] {strides = array<i32>} : memref<16x1024xf32, #tpu.memory_space<vmem>>, vector<1x16xf32>,
        %swap3A_553 = vector.shape_cast %swap3A_552 : vector<1x16xf32> to vector<16xf32>
        %swap3A_554 = vector.shape_cast %mul3A_549 : vector<16xf32> to vector<1x16xf32>
        tpu.vector_store %arg8[%swap3A_550, %swap3A_551], %swap3A_554 {strides = array<i32>} : memref<16x1024xf32, #tpu.memory_space<vmem>>, vector<1x16xf32>,
        %get3A_555 = arith.index_cast %scan3A_158 : i32 to index
        %get3A_556 = arith.constant 624 : index
        %get3A_557 = tpu.vector_load %arg6[%get3A_555, %get3A_556] {strides = array<i32>} : memref<16x1024xf32, #tpu.memory_space<vmem>>, vector<1x16xf32>,
        %get3A_558 = vector.shape_cast %get3A_557 : vector<1x16xf32> to vector<16xf32>
        %mul3A_559 = arith.mulf %get3A_558, %get3A_165 : vector<16xf32>
        %swap3A_560 = arith.index_cast %scan3A_158 : i32 to index
        %swap3A_561 = arith.constant 624 : index
        %swap3A_562 = tpu.vector_load %arg8[%swap3A_560, %swap3A_561] {strides = array<i32>} : memref<16x1024xf32, #tpu.memory_space<vmem>>, vector<1x16xf32>,
        %swap3A_563 = vector.shape_cast %swap3A_562 : vector<1x16xf32> to vector<16xf32>
        %swap3A_564 = vector.shape_cast %mul3A_559 : vector<16xf32> to vector<1x16xf32>
        tpu.vector_store %arg8[%swap3A_560, %swap3A_561], %swap3A_564 {strides = array<i32>} : memref<16x1024xf32, #tpu.memory_space<vmem>>, vector<1x16xf32>,
        %get3A_565 = arith.index_cast %scan3A_158 : i32 to index
        %get3A_566 = arith.constant 640 : index
        %get3A_567 = tpu.vector_load %arg6[%get3A_565, %get3A_566] {strides = array<i32>} : memref<16x1024xf32, #tpu.memory_space<vmem>>, vector<1x16xf32>,
        %get3A_568 = vector.shape_cast %get3A_567 : vector<1x16xf32> to vector<16xf32>
        %mul3A_569 = arith.mulf %get3A_568, %get3A_165 : vector<16xf32>
        %swap3A_570 = arith.index_cast %scan3A_158 : i32 to index
        %swap3A_571 = arith.constant 640 : index
        %swap3A_572 = tpu.vector_load %arg8[%swap3A_570, %swap3A_571] {strides = array<i32>} : memref<16x1024xf32, #tpu.memory_space<vmem>>, vector<1x16xf32>,
        %swap3A_573 = vector.shape_cast %swap3A_572 : vector<1x16xf32> to vector<16xf32>
        %swap3A_574 = vector.shape_cast %mul3A_569 : vector<16xf32> to vector<1x16xf32>
        tpu.vector_store %arg8[%swap3A_570, %swap3A_571], %swap3A_574 {strides = array<i32>} : memref<16x1024xf32, #tpu.memory_space<vmem>>, vector<1x16xf32>,
        %get3A_575 = arith.index_cast %scan3A_158 : i32 to index
        %get3A_576 = arith.constant 656 : index
        %get3A_577 = tpu.vector_load %arg6[%get3A_575, %get3A_576] {strides = array<i32>} : memref<16x1024xf32, #tpu.memory_space<vmem>>, vector<1x16xf32>,
        %get3A_578 = vector.shape_cast %get3A_577 : vector<1x16xf32> to vector<16xf32>
        %mul3A_579 = arith.mulf %get3A_578, %get3A_165 : vector<16xf32>
        %swap3A_580 = arith.index_cast %scan3A_158 : i32 to index
        %swap3A_581 = arith.constant 656 : index
        %swap3A_582 = tpu.vector_load %arg8[%swap3A_580, %swap3A_581] {strides = array<i32>} : memref<16x1024xf32, #tpu.memory_space<vmem>>, vector<1x16xf32>,
        %swap3A_583 = vector.shape_cast %swap3A_582 : vector<1x16xf32> to vector<16xf32>
        %swap3A_584 = vector.shape_cast %mul3A_579 : vector<16xf32> to vector<1x16xf32>
        tpu.vector_store %arg8[%swap3A_580, %swap3A_581], %swap3A_584 {strides = array<i32>} : memref<16x1024xf32, #tpu.memory_space<vmem>>, vector<1x16xf32>,
        %get3A_585 = arith.index_cast %scan3A_158 : i32 to index
        %get3A_586 = arith.constant 672 : index
        %get3A_587 = tpu.vector_load %arg6[%get3A_585, %get3A_586] {strides = array<i32>} : memref<16x1024xf32, #tpu.memory_space<vmem>>, vector<1x16xf32>,
        %get3A_588 = vector.shape_cast %get3A_587 : vector<1x16xf32> to vector<16xf32>
        %mul3A_589 = arith.mulf %get3A_588, %get3A_165 : vector<16xf32>
        %swap3A_590 = arith.index_cast %scan3A_158 : i32 to index
        %swap3A_591 = arith.constant 672 : index
        %swap3A_592 = tpu.vector_load %arg8[%swap3A_590, %swap3A_591] {strides = array<i32>} : memref<16x1024xf32, #tpu.memory_space<vmem>>, vector<1x16xf32>,
        %swap3A_593 = vector.shape_cast %swap3A_592 : vector<1x16xf32> to vector<16xf32>
        %swap3A_594 = vector.shape_cast %mul3A_589 : vector<16xf32> to vector<1x16xf32>
        tpu.vector_store %arg8[%swap3A_590, %swap3A_591], %swap3A_594 {strides = array<i32>} : memref<16x1024xf32, #tpu.memory_space<vmem>>, vector<1x16xf32>,
        %get3A_595 = arith.index_cast %scan3A_158 : i32 to index
        %get3A_596 = arith.constant 688 : index
        %get3A_597 = tpu.vector_load %arg6[%get3A_595, %get3A_596] {strides = array<i32>} : memref<16x1024xf32, #tpu.memory_space<vmem>>, vector<1x16xf32>,
        %get3A_598 = vector.shape_cast %get3A_597 : vector<1x16xf32> to vector<16xf32>
        %mul3A_599 = arith.mulf %get3A_598, %get3A_165 : vector<16xf32>
        %swap3A_600 = arith.index_cast %scan3A_158 : i32 to index
        %swap3A_601 = arith.constant 688 : index
        %swap3A_602 = tpu.vector_load %arg8[%swap3A_600, %swap3A_601] {strides = array<i32>} : memref<16x1024xf32, #tpu.memory_space<vmem>>, vector<1x16xf32>,
        %swap3A_603 = vector.shape_cast %swap3A_602 : vector<1x16xf32> to vector<16xf32>
        %swap3A_604 = vector.shape_cast %mul3A_599 : vector<16xf32> to vector<1x16xf32>
        tpu.vector_store %arg8[%swap3A_600, %swap3A_601], %swap3A_604 {strides = array<i32>} : memref<16x1024xf32, #tpu.memory_space<vmem>>, vector<1x16xf32>,
        %get3A_605 = arith.index_cast %scan3A_158 : i32 to index
        %get3A_606 = arith.constant 704 : index
        %get3A_607 = tpu.vector_load %arg6[%get3A_605, %get3A_606] {strides = array<i32>} : memref<16x1024xf32, #tpu.memory_space<vmem>>, vector<1x16xf32>,
        %get3A_608 = vector.shape_cast %get3A_607 : vector<1x16xf32> to vector<16xf32>
        %mul3A_609 = arith.mulf %get3A_608, %get3A_165 : vector<16xf32>
        %swap3A_610 = arith.index_cast %scan3A_158 : i32 to index
        %swap3A_611 = arith.constant 704 : index
        %swap3A_612 = tpu.vector_load %arg8[%swap3A_610, %swap3A_611] {strides = array<i32>} : memref<16x1024xf32, #tpu.memory_space<vmem>>, vector<1x16xf32>,
        %swap3A_613 = vector.shape_cast %swap3A_612 : vector<1x16xf32> to vector<16xf32>
        %swap3A_614 = vector.shape_cast %mul3A_609 : vector<16xf32> to vector<1x16xf32>
        tpu.vector_store %arg8[%swap3A_610, %swap3A_611], %swap3A_614 {strides = array<i32>} : memref<16x1024xf32, #tpu.memory_space<vmem>>, vector<1x16xf32>,
        %get3A_615 = arith.index_cast %scan3A_158 : i32 to index
        %get3A_616 = arith.constant 720 : index
        %get3A_617 = tpu.vector_load %arg6[%get3A_615, %get3A_616] {strides = array<i32>} : memref<16x1024xf32, #tpu.memory_space<vmem>>, vector<1x16xf32>,
        %get3A_618 = vector.shape_cast %get3A_617 : vector<1x16xf32> to vector<16xf32>
        %mul3A_619 = arith.mulf %get3A_618, %get3A_165 : vector<16xf32>
        %swap3A_620 = arith.index_cast %scan3A_158 : i32 to index
        %swap3A_621 = arith.constant 720 : index
        %swap3A_622 = tpu.vector_load %arg8[%swap3A_620, %swap3A_621] {strides = array<i32>} : memref<16x1024xf32, #tpu.memory_space<vmem>>, vector<1x16xf32>,
        %swap3A_623 = vector.shape_cast %swap3A_622 : vector<1x16xf32> to vector<16xf32>
        %swap3A_624 = vector.shape_cast %mul3A_619 : vector<16xf32> to vector<1x16xf32>
        tpu.vector_store %arg8[%swap3A_620, %swap3A_621], %swap3A_624 {strides = array<i32>} : memref<16x1024xf32, #tpu.memory_space<vmem>>, vector<1x16xf32>,
        %get3A_625 = arith.index_cast %scan3A_158 : i32 to index
        %get3A_626 = arith.constant 736 : index
        %get3A_627 = tpu.vector_load %arg6[%get3A_625, %get3A_626] {strides = array<i32>} : memref<16x1024xf32, #tpu.memory_space<vmem>>, vector<1x16xf32>,
        %get3A_628 = vector.shape_cast %get3A_627 : vector<1x16xf32> to vector<16xf32>
        %mul3A_629 = arith.mulf %get3A_628, %get3A_165 : vector<16xf32>
        %swap3A_630 = arith.index_cast %scan3A_158 : i32 to index
        %swap3A_631 = arith.constant 736 : index
        %swap3A_632 = tpu.vector_load %arg8[%swap3A_630, %swap3A_631] {strides = array<i32>} : memref<16x1024xf32, #tpu.memory_space<vmem>>, vector<1x16xf32>,
        %swap3A_633 = vector.shape_cast %swap3A_632 : vector<1x16xf32> to vector<16xf32>
        %swap3A_634 = vector.shape_cast %mul3A_629 : vector<16xf32> to vector<1x16xf32>
        tpu.vector_store %arg8[%swap3A_630, %swap3A_631], %swap3A_634 {strides = array<i32>} : memref<16x1024xf32, #tpu.memory_space<vmem>>, vector<1x16xf32>,
        %get3A_635 = arith.index_cast %scan3A_158 : i32 to index
        %get3A_636 = arith.constant 752 : index
        %get3A_637 = tpu.vector_load %arg6[%get3A_635, %get3A_636] {strides = array<i32>} : memref<16x1024xf32, #tpu.memory_space<vmem>>, vector<1x16xf32>,
        %get3A_638 = vector.shape_cast %get3A_637 : vector<1x16xf32> to vector<16xf32>
        %mul3A_639 = arith.mulf %get3A_638, %get3A_165 : vector<16xf32>
        %swap3A_640 = arith.index_cast %scan3A_158 : i32 to index
        %swap3A_641 = arith.constant 752 : index
        %swap3A_642 = tpu.vector_load %arg8[%swap3A_640, %swap3A_641] {strides = array<i32>} : memref<16x1024xf32, #tpu.memory_space<vmem>>, vector<1x16xf32>,
        %swap3A_643 = vector.shape_cast %swap3A_642 : vector<1x16xf32> to vector<16xf32>
        %swap3A_644 = vector.shape_cast %mul3A_639 : vector<16xf32> to vector<1x16xf32>
        tpu.vector_store %arg8[%swap3A_640, %swap3A_641], %swap3A_644 {strides = array<i32>} : memref<16x1024xf32, #tpu.memory_space<vmem>>, vector<1x16xf32>,
        %get3A_645 = arith.index_cast %scan3A_158 : i32 to index
        %get3A_646 = arith.constant 768 : index
        %get3A_647 = tpu.vector_load %arg6[%get3A_645, %get3A_646] {strides = array<i32>} : memref<16x1024xf32, #tpu.memory_space<vmem>>, vector<1x16xf32>,
        %get3A_648 = vector.shape_cast %get3A_647 : vector<1x16xf32> to vector<16xf32>
        %mul3A_649 = arith.mulf %get3A_648, %get3A_165 : vector<16xf32>
        %swap3A_650 = arith.index_cast %scan3A_158 : i32 to index
        %swap3A_651 = arith.constant 768 : index
        %swap3A_652 = tpu.vector_load %arg8[%swap3A_650, %swap3A_651] {strides = array<i32>} : memref<16x1024xf32, #tpu.memory_space<vmem>>, vector<1x16xf32>,
        %swap3A_653 = vector.shape_cast %swap3A_652 : vector<1x16xf32> to vector<16xf32>
        %swap3A_654 = vector.shape_cast %mul3A_649 : vector<16xf32> to vector<1x16xf32>
        tpu.vector_store %arg8[%swap3A_650, %swap3A_651], %swap3A_654 {strides = array<i32>} : memref<16x1024xf32, #tpu.memory_space<vmem>>, vector<1x16xf32>,
        %get3A_655 = arith.index_cast %scan3A_158 : i32 to index
        %get3A_656 = arith.constant 784 : index
        %get3A_657 = tpu.vector_load %arg6[%get3A_655, %get3A_656] {strides = array<i32>} : memref<16x1024xf32, #tpu.memory_space<vmem>>, vector<1x16xf32>,
        %get3A_658 = vector.shape_cast %get3A_657 : vector<1x16xf32> to vector<16xf32>
        %mul3A_659 = arith.mulf %get3A_658, %get3A_165 : vector<16xf32>
        %swap3A_660 = arith.index_cast %scan3A_158 : i32 to index
        %swap3A_661 = arith.constant 784 : index
        %swap3A_662 = tpu.vector_load %arg8[%swap3A_660, %swap3A_661] {strides = array<i32>} : memref<16x1024xf32, #tpu.memory_space<vmem>>, vector<1x16xf32>,
        %swap3A_663 = vector.shape_cast %swap3A_662 : vector<1x16xf32> to vector<16xf32>
        %swap3A_664 = vector.shape_cast %mul3A_659 : vector<16xf32> to vector<1x16xf32>
        tpu.vector_store %arg8[%swap3A_660, %swap3A_661], %swap3A_664 {strides = array<i32>} : memref<16x1024xf32, #tpu.memory_space<vmem>>, vector<1x16xf32>,
        %get3A_665 = arith.index_cast %scan3A_158 : i32 to index
        %get3A_666 = arith.constant 800 : index
        %get3A_667 = tpu.vector_load %arg6[%get3A_665, %get3A_666] {strides = array<i32>} : memref<16x1024xf32, #tpu.memory_space<vmem>>, vector<1x16xf32>,
        %get3A_668 = vector.shape_cast %get3A_667 : vector<1x16xf32> to vector<16xf32>
        %mul3A_669 = arith.mulf %get3A_668, %get3A_165 : vector<16xf32>
        %swap3A_670 = arith.index_cast %scan3A_158 : i32 to index
        %swap3A_671 = arith.constant 800 : index
        %swap3A_672 = tpu.vector_load %arg8[%swap3A_670, %swap3A_671] {strides = array<i32>} : memref<16x1024xf32, #tpu.memory_space<vmem>>, vector<1x16xf32>,
        %swap3A_673 = vector.shape_cast %swap3A_672 : vector<1x16xf32> to vector<16xf32>
        %swap3A_674 = vector.shape_cast %mul3A_669 : vector<16xf32> to vector<1x16xf32>
        tpu.vector_store %arg8[%swap3A_670, %swap3A_671], %swap3A_674 {strides = array<i32>} : memref<16x1024xf32, #tpu.memory_space<vmem>>, vector<1x16xf32>,
        %get3A_675 = arith.index_cast %scan3A_158 : i32 to index
        %get3A_676 = arith.constant 816 : index
        %get3A_677 = tpu.vector_load %arg6[%get3A_675, %get3A_676] {strides = array<i32>} : memref<16x1024xf32, #tpu.memory_space<vmem>>, vector<1x16xf32>,
        %get3A_678 = vector.shape_cast %get3A_677 : vector<1x16xf32> to vector<16xf32>
        %mul3A_679 = arith.mulf %get3A_678, %get3A_165 : vector<16xf32>
        %swap3A_680 = arith.index_cast %scan3A_158 : i32 to index
        %swap3A_681 = arith.constant 816 : index
        %swap3A_682 = tpu.vector_load %arg8[%swap3A_680, %swap3A_681] {strides = array<i32>} : memref<16x1024xf32, #tpu.memory_space<vmem>>, vector<1x16xf32>,
        %swap3A_683 = vector.shape_cast %swap3A_682 : vector<1x16xf32> to vector<16xf32>
        %swap3A_684 = vector.shape_cast %mul3A_679 : vector<16xf32> to vector<1x16xf32>
        tpu.vector_store %arg8[%swap3A_680, %swap3A_681], %swap3A_684 {strides = array<i32>} : memref<16x1024xf32, #tpu.memory_space<vmem>>, vector<1x16xf32>,
        %get3A_685 = arith.index_cast %scan3A_158 : i32 to index
        %get3A_686 = arith.constant 832 : index
        %get3A_687 = tpu.vector_load %arg6[%get3A_685, %get3A_686] {strides = array<i32>} : memref<16x1024xf32, #tpu.memory_space<vmem>>, vector<1x16xf32>,
        %get3A_688 = vector.shape_cast %get3A_687 : vector<1x16xf32> to vector<16xf32>
        %mul3A_689 = arith.mulf %get3A_688, %get3A_165 : vector<16xf32>
        %swap3A_690 = arith.index_cast %scan3A_158 : i32 to index
        %swap3A_691 = arith.constant 832 : index
        %swap3A_692 = tpu.vector_load %arg8[%swap3A_690, %swap3A_691] {strides = array<i32>} : memref<16x1024xf32, #tpu.memory_space<vmem>>, vector<1x16xf32>,
        %swap3A_693 = vector.shape_cast %swap3A_692 : vector<1x16xf32> to vector<16xf32>
        %swap3A_694 = vector.shape_cast %mul3A_689 : vector<16xf32> to vector<1x16xf32>
        tpu.vector_store %arg8[%swap3A_690, %swap3A_691], %swap3A_694 {strides = array<i32>} : memref<16x1024xf32, #tpu.memory_space<vmem>>, vector<1x16xf32>,
        %get3A_695 = arith.index_cast %scan3A_158 : i32 to index
        %get3A_696 = arith.constant 848 : index
        %get3A_697 = tpu.vector_load %arg6[%get3A_695, %get3A_696] {strides = array<i32>} : memref<16x1024xf32, #tpu.memory_space<vmem>>, vector<1x16xf32>,
        %get3A_698 = vector.shape_cast %get3A_697 : vector<1x16xf32> to vector<16xf32>
        %mul3A_699 = arith.mulf %get3A_698, %get3A_165 : vector<16xf32>
        %swap3A_700 = arith.index_cast %scan3A_158 : i32 to index
        %swap3A_701 = arith.constant 848 : index
        %swap3A_702 = tpu.vector_load %arg8[%swap3A_700, %swap3A_701] {strides = array<i32>} : memref<16x1024xf32, #tpu.memory_space<vmem>>, vector<1x16xf32>,
        %swap3A_703 = vector.shape_cast %swap3A_702 : vector<1x16xf32> to vector<16xf32>
        %swap3A_704 = vector.shape_cast %mul3A_699 : vector<16xf32> to vector<1x16xf32>
        tpu.vector_store %arg8[%swap3A_700, %swap3A_701], %swap3A_704 {strides = array<i32>} : memref<16x1024xf32, #tpu.memory_space<vmem>>, vector<1x16xf32>,
        %get3A_705 = arith.index_cast %scan3A_158 : i32 to index
        %get3A_706 = arith.constant 864 : index
        %get3A_707 = tpu.vector_load %arg6[%get3A_705, %get3A_706] {strides = array<i32>} : memref<16x1024xf32, #tpu.memory_space<vmem>>, vector<1x16xf32>,
        %get3A_708 = vector.shape_cast %get3A_707 : vector<1x16xf32> to vector<16xf32>
        %mul3A_709 = arith.mulf %get3A_708, %get3A_165 : vector<16xf32>
        %swap3A_710 = arith.index_cast %scan3A_158 : i32 to index
        %swap3A_711 = arith.constant 864 : index
        %swap3A_712 = tpu.vector_load %arg8[%swap3A_710, %swap3A_711] {strides = array<i32>} : memref<16x1024xf32, #tpu.memory_space<vmem>>, vector<1x16xf32>,
        %swap3A_713 = vector.shape_cast %swap3A_712 : vector<1x16xf32> to vector<16xf32>
        %swap3A_714 = vector.shape_cast %mul3A_709 : vector<16xf32> to vector<1x16xf32>
        tpu.vector_store %arg8[%swap3A_710, %swap3A_711], %swap3A_714 {strides = array<i32>} : memref<16x1024xf32, #tpu.memory_space<vmem>>, vector<1x16xf32>,
        %get3A_715 = arith.index_cast %scan3A_158 : i32 to index
        %get3A_716 = arith.constant 880 : index
        %get3A_717 = tpu.vector_load %arg6[%get3A_715, %get3A_716] {strides = array<i32>} : memref<16x1024xf32, #tpu.memory_space<vmem>>, vector<1x16xf32>,
        %get3A_718 = vector.shape_cast %get3A_717 : vector<1x16xf32> to vector<16xf32>
        %mul3A_719 = arith.mulf %get3A_718, %get3A_165 : vector<16xf32>
        %swap3A_720 = arith.index_cast %scan3A_158 : i32 to index
        %swap3A_721 = arith.constant 880 : index
        %swap3A_722 = tpu.vector_load %arg8[%swap3A_720, %swap3A_721] {strides = array<i32>} : memref<16x1024xf32, #tpu.memory_space<vmem>>, vector<1x16xf32>,
        %swap3A_723 = vector.shape_cast %swap3A_722 : vector<1x16xf32> to vector<16xf32>
        %swap3A_724 = vector.shape_cast %mul3A_719 : vector<16xf32> to vector<1x16xf32>
        tpu.vector_store %arg8[%swap3A_720, %swap3A_721], %swap3A_724 {strides = array<i32>} : memref<16x1024xf32, #tpu.memory_space<vmem>>, vector<1x16xf32>,
        %get3A_725 = arith.index_cast %scan3A_158 : i32 to index
        %get3A_726 = arith.constant 896 : index
        %get3A_727 = tpu.vector_load %arg6[%get3A_725, %get3A_726] {strides = array<i32>} : memref<16x1024xf32, #tpu.memory_space<vmem>>, vector<1x16xf32>,
        %get3A_728 = vector.shape_cast %get3A_727 : vector<1x16xf32> to vector<16xf32>
        %mul3A_729 = arith.mulf %get3A_728, %get3A_165 : vector<16xf32>
        %swap3A_730 = arith.index_cast %scan3A_158 : i32 to index
        %swap3A_731 = arith.constant 896 : index
        %swap3A_732 = tpu.vector_load %arg8[%swap3A_730, %swap3A_731] {strides = array<i32>} : memref<16x1024xf32, #tpu.memory_space<vmem>>, vector<1x16xf32>,
        %swap3A_733 = vector.shape_cast %swap3A_732 : vector<1x16xf32> to vector<16xf32>
        %swap3A_734 = vector.shape_cast %mul3A_729 : vector<16xf32> to vector<1x16xf32>
        tpu.vector_store %arg8[%swap3A_730, %swap3A_731], %swap3A_734 {strides = array<i32>} : memref<16x1024xf32, #tpu.memory_space<vmem>>, vector<1x16xf32>,
        %get3A_735 = arith.index_cast %scan3A_158 : i32 to index
        %get3A_736 = arith.constant 912 : index
        %get3A_737 = tpu.vector_load %arg6[%get3A_735, %get3A_736] {strides = array<i32>} : memref<16x1024xf32, #tpu.memory_space<vmem>>, vector<1x16xf32>,
        %get3A_738 = vector.shape_cast %get3A_737 : vector<1x16xf32> to vector<16xf32>
        %mul3A_739 = arith.mulf %get3A_738, %get3A_165 : vector<16xf32>
        %swap3A_740 = arith.index_cast %scan3A_158 : i32 to index
        %swap3A_741 = arith.constant 912 : index
        %swap3A_742 = tpu.vector_load %arg8[%swap3A_740, %swap3A_741] {strides = array<i32>} : memref<16x1024xf32, #tpu.memory_space<vmem>>, vector<1x16xf32>,
        %swap3A_743 = vector.shape_cast %swap3A_742 : vector<1x16xf32> to vector<16xf32>
        %swap3A_744 = vector.shape_cast %mul3A_739 : vector<16xf32> to vector<1x16xf32>
        tpu.vector_store %arg8[%swap3A_740, %swap3A_741], %swap3A_744 {strides = array<i32>} : memref<16x1024xf32, #tpu.memory_space<vmem>>, vector<1x16xf32>,
        %get3A_745 = arith.index_cast %scan3A_158 : i32 to index
        %get3A_746 = arith.constant 928 : index
        %get3A_747 = tpu.vector_load %arg6[%get3A_745, %get3A_746] {strides = array<i32>} : memref<16x1024xf32, #tpu.memory_space<vmem>>, vector<1x16xf32>,
        %get3A_748 = vector.shape_cast %get3A_747 : vector<1x16xf32> to vector<16xf32>
        %mul3A_749 = arith.mulf %get3A_748, %get3A_165 : vector<16xf32>
        %swap3A_750 = arith.index_cast %scan3A_158 : i32 to index
        %swap3A_751 = arith.constant 928 : index
        %swap3A_752 = tpu.vector_load %arg8[%swap3A_750, %swap3A_751] {strides = array<i32>} : memref<16x1024xf32, #tpu.memory_space<vmem>>, vector<1x16xf32>,
        %swap3A_753 = vector.shape_cast %swap3A_752 : vector<1x16xf32> to vector<16xf32>
        %swap3A_754 = vector.shape_cast %mul3A_749 : vector<16xf32> to vector<1x16xf32>
        tpu.vector_store %arg8[%swap3A_750, %swap3A_751], %swap3A_754 {strides = array<i32>} : memref<16x1024xf32, #tpu.memory_space<vmem>>, vector<1x16xf32>,
        %get3A_755 = arith.index_cast %scan3A_158 : i32 to index
        %get3A_756 = arith.constant 944 : index
        %get3A_757 = tpu.vector_load %arg6[%get3A_755, %get3A_756] {strides = array<i32>} : memref<16x1024xf32, #tpu.memory_space<vmem>>, vector<1x16xf32>,
        %get3A_758 = vector.shape_cast %get3A_757 : vector<1x16xf32> to vector<16xf32>
        %mul3A_759 = arith.mulf %get3A_758, %get3A_165 : vector<16xf32>
        %swap3A_760 = arith.index_cast %scan3A_158 : i32 to index
        %swap3A_761 = arith.constant 944 : index
        %swap3A_762 = tpu.vector_load %arg8[%swap3A_760, %swap3A_761] {strides = array<i32>} : memref<16x1024xf32, #tpu.memory_space<vmem>>, vector<1x16xf32>,
        %swap3A_763 = vector.shape_cast %swap3A_762 : vector<1x16xf32> to vector<16xf32>
        %swap3A_764 = vector.shape_cast %mul3A_759 : vector<16xf32> to vector<1x16xf32>
        tpu.vector_store %arg8[%swap3A_760, %swap3A_761], %swap3A_764 {strides = array<i32>} : memref<16x1024xf32, #tpu.memory_space<vmem>>, vector<1x16xf32>,
        %get3A_765 = arith.index_cast %scan3A_158 : i32 to index
        %get3A_766 = arith.constant 960 : index
        %get3A_767 = tpu.vector_load %arg6[%get3A_765, %get3A_766] {strides = array<i32>} : memref<16x1024xf32, #tpu.memory_space<vmem>>, vector<1x16xf32>,
        %get3A_768 = vector.shape_cast %get3A_767 : vector<1x16xf32> to vector<16xf32>
        %mul3A_769 = arith.mulf %get3A_768, %get3A_165 : vector<16xf32>
        %swap3A_770 = arith.index_cast %scan3A_158 : i32 to index
        %swap3A_771 = arith.constant 960 : index
        %swap3A_772 = tpu.vector_load %arg8[%swap3A_770, %swap3A_771] {strides = array<i32>} : memref<16x1024xf32, #tpu.memory_space<vmem>>, vector<1x16xf32>,
        %swap3A_773 = vector.shape_cast %swap3A_772 : vector<1x16xf32> to vector<16xf32>
        %swap3A_774 = vector.shape_cast %mul3A_769 : vector<16xf32> to vector<1x16xf32>
        tpu.vector_store %arg8[%swap3A_770, %swap3A_771], %swap3A_774 {strides = array<i32>} : memref<16x1024xf32, #tpu.memory_space<vmem>>, vector<1x16xf32>,
        %get3A_775 = arith.index_cast %scan3A_158 : i32 to index
        %get3A_776 = arith.constant 976 : index
        %get3A_777 = tpu.vector_load %arg6[%get3A_775, %get3A_776] {strides = array<i32>} : memref<16x1024xf32, #tpu.memory_space<vmem>>, vector<1x16xf32>,
        %get3A_778 = vector.shape_cast %get3A_777 : vector<1x16xf32> to vector<16xf32>
        %mul3A_779 = arith.mulf %get3A_778, %get3A_165 : vector<16xf32>
        %swap3A_780 = arith.index_cast %scan3A_158 : i32 to index
        %swap3A_781 = arith.constant 976 : index
        %swap3A_782 = tpu.vector_load %arg8[%swap3A_780, %swap3A_781] {strides = array<i32>} : memref<16x1024xf32, #tpu.memory_space<vmem>>, vector<1x16xf32>,
        %swap3A_783 = vector.shape_cast %swap3A_782 : vector<1x16xf32> to vector<16xf32>
        %swap3A_784 = vector.shape_cast %mul3A_779 : vector<16xf32> to vector<1x16xf32>
        tpu.vector_store %arg8[%swap3A_780, %swap3A_781], %swap3A_784 {strides = array<i32>} : memref<16x1024xf32, #tpu.memory_space<vmem>>, vector<1x16xf32>,
        %get3A_785 = arith.index_cast %scan3A_158 : i32 to index
        %get3A_786 = arith.constant 992 : index
        %get3A_787 = tpu.vector_load %arg6[%get3A_785, %get3A_786] {strides = array<i32>} : memref<16x1024xf32, #tpu.memory_space<vmem>>, vector<1x16xf32>,
        %get3A_788 = vector.shape_cast %get3A_787 : vector<1x16xf32> to vector<16xf32>
        %mul3A_789 = arith.mulf %get3A_788, %get3A_165 : vector<16xf32>
        %swap3A_790 = arith.index_cast %scan3A_158 : i32 to index
        %swap3A_791 = arith.constant 992 : index
        %swap3A_792 = tpu.vector_load %arg8[%swap3A_790, %swap3A_791] {strides = array<i32>} : memref<16x1024xf32, #tpu.memory_space<vmem>>, vector<1x16xf32>,
        %swap3A_793 = vector.shape_cast %swap3A_792 : vector<1x16xf32> to vector<16xf32>
        %swap3A_794 = vector.shape_cast %mul3A_789 : vector<16xf32> to vector<1x16xf32>
        tpu.vector_store %arg8[%swap3A_790, %swap3A_791], %swap3A_794 {strides = array<i32>} : memref<16x1024xf32, #tpu.memory_space<vmem>>, vector<1x16xf32>,
        %get3A_795 = arith.index_cast %scan3A_158 : i32 to index
        %get3A_796 = arith.constant 1008 : index
        %get3A_797 = tpu.vector_load %arg6[%get3A_795, %get3A_796] {strides = array<i32>} : memref<16x1024xf32, #tpu.memory_space<vmem>>, vector<1x16xf32>,
        %get3A_798 = vector.shape_cast %get3A_797 : vector<1x16xf32> to vector<16xf32>
        %mul3A_799 = arith.mulf %get3A_798, %get3A_165 : vector<16xf32>
        %swap3A_800 = arith.index_cast %scan3A_158 : i32 to index
        %swap3A_801 = arith.constant 1008 : index
        %swap3A_802 = tpu.vector_load %arg8[%swap3A_800, %swap3A_801] {strides = array<i32>} : memref<16x1024xf32, #tpu.memory_space<vmem>>, vector<1x16xf32>,
        %swap3A_803 = vector.shape_cast %swap3A_802 : vector<1x16xf32> to vector<16xf32>
        %swap3A_804 = vector.shape_cast %mul3A_799 : vector<16xf32> to vector<1x16xf32>
        tpu.vector_store %arg8[%swap3A_800, %swap3A_801], %swap3A_804 {strides = array<i32>} : memref<16x1024xf32, #tpu.memory_space<vmem>>, vector<1x16xf32>,
      }
      %scan3A_143 = arith.constant 16 : i32
      %mul3A_144 = arith.constant 16 : i32
      %mul3A_145 = arith.muli %add3A_121, %mul3A_144 : i32
      %add3A_146 = arith.addi %mul3A_2, %mul3A_145 : i32
      %dma_start3A_147 = arith.constant 0 : i32
      %dma_start3A_148 = tpu.memref_slice %arg4[%add3A_146, %dma_start3A_147] : memref<16384x1024xf32, #tpu.memory_space<hbm>> -> memref<16x1024xf32, #tpu.memory_space<hbm>>
      %dma_start3A_149 = arith.constant 0 : i32
      %dma_start3A_150 = tpu.memref_slice %arg4[%add3A_146, %dma_start3A_149] : memref<16384x1024xf32, #tpu.memory_space<hbm>> -> memref<16x1024xf32, #tpu.memory_space<hbm>>
      tpu.enqueue_dma source(%arg8 : memref<16x1024xf32, #tpu.memory_space<vmem>>) target(%dma_start3A_150 : memref<16x1024xf32, #tpu.memory_space<hbm>>) target_semaphore(%arg13 : memref<!tpu.dma_semaphore, #tpu.memory_space<semaphore_mem>>)
      %add3A_151 = arith.constant 2 : i32
      %add3A_152 = arith.addi %add3A_121, %add3A_151 : i32
      %lt3A_153 = arith.constant 32 : i32
      %lt3A_154 = arith.cmpi slt, %add3A_152, %lt3A_153 : i32
      %convert_element_type3A_155 = arith.extui %lt3A_154 : i1 to i32
      %cond3A_156 = arith.constant 0 : i32
      %cond3A_157 = arith.cmpi ne, %convert_element_type3A_155, %cond3A_156 : i32
      scf.if %cond3A_157 {
        %add3A_158 = arith.constant 2 : i32
        %add3A_159 = arith.addi %add3A_121, %add3A_158 : i32
        %mul3A_160 = arith.constant 16 : i32
        %mul3A_161 = arith.muli %add3A_159, %mul3A_160 : i32
        %add3A_162 = arith.addi %mul3A_2, %mul3A_161 : i32
        %dma_start3A_163 = arith.constant 0 : i32
        %dma_start3A_164 = tpu.memref_slice %arg2[%add3A_162, %dma_start3A_163] : memref<16384x1024xf32, #tpu.memory_space<hbm>> -> memref<16x1024xf32, #tpu.memory_space<hbm>>
        %dma_start3A_165 = arith.constant 0 : i32
        %dma_start3A_166 = tpu.memref_slice %arg2[%add3A_162, %dma_start3A_165] : memref<16384x1024xf32, #tpu.memory_space<hbm>> -> memref<16x1024xf32, #tpu.memory_space<hbm>>
        tpu.enqueue_dma source(%dma_start3A_166 : memref<16x1024xf32, #tpu.memory_space<hbm>>) target(%arg6 : memref<16x1024xf32, #tpu.memory_space<vmem>>) target_semaphore(%arg11 : memref<!tpu.dma_semaphore, #tpu.memory_space<semaphore_mem>>)
      } else {
      }
    }
    %scan3A_68 = arith.constant 15 : i32
    %add3A_69 = arith.constant 480 : i32
    %add3A_70 = arith.addi %mul3A_2, %add3A_69 : i32
    %dma_wait3A_71 = arith.constant 0 : i32
    %dma_wait3A_72 = tpu.memref_slice %arg4[%add3A_70, %dma_wait3A_71] : memref<16384x1024xf32, #tpu.memory_space<hbm>> -> memref<16x1024xf32, #tpu.memory_space<hbm>>
    %dma_wait3A_73 = arith.constant 0 : i32
    %dma_wait3A_74 = tpu.memref_slice %arg4[%add3A_70, %dma_wait3A_73] : memref<16384x1024xf32, #tpu.memory_space<hbm>> -> memref<16x1024xf32, #tpu.memory_space<hbm>>
    tpu.wait_dma2 semaphore(%arg12 : memref<!tpu.dma_semaphore, #tpu.memory_space<semaphore_mem>>) src(%arg7 : memref<16x1024xf32, #tpu.memory_space<vmem>>) dst(%dma_wait3A_74 : memref<16x1024xf32, #tpu.memory_space<hbm>>)
    %add3A_75 = arith.constant 496 : i32
    %add3A_76 = arith.addi %mul3A_2, %add3A_75 : i32
    %dma_wait3A_77 = arith.constant 0 : i32
    %dma_wait3A_78 = tpu.memref_slice %arg4[%add3A_76, %dma_wait3A_77] : memref<16384x1024xf32, #tpu.memory_space<hbm>> -> memref<16x1024xf32, #tpu.memory_space<hbm>>
    %dma_wait3A_79 = arith.constant 0 : i32
    %dma_wait3A_80 = tpu.memref_slice %arg4[%add3A_76, %dma_wait3A_79] : memref<16384x1024xf32, #tpu.memory_space<hbm>> -> memref<16x1024xf32, #tpu.memory_space<hbm>>
    tpu.wait_dma2 semaphore(%arg13 : memref<!tpu.dma_semaphore, #tpu.memory_space<semaphore_mem>>) src(%arg8 : memref<16x1024xf32, #tpu.memory_space<vmem>>) dst(%dma_wait3A_80 : memref<16x1024xf32, #tpu.memory_space<hbm>>)
    return
  }
}

module attributes {stable_mosaic.version = 14 : i64} {
  func.func @_mask_kernel(%arg0: i32, %arg1: memref<1x4096xf32, #tpu.memory_space<vmem>>, %arg2: memref<1x256xf32, #tpu.memory_space<vmem>>, %arg3: memref<256x16xf32, #tpu.memory_space<vmem>>) attributes {dimension_semantics = [#tpu.dimension_semantics<arbitrary>], iteration_bounds = array<i64: 16>, scalar_prefetch = 0 : i64, scratch_operands = 0 : i64, tpu.core_type = #tpu.core_type<tc>, window_params = [{pipeline_mode = #tpu.pipeline_mode<synchronous>, transform_indices = @transform_0, window_bounds = array<i64: 1, 4096>}, {transform_indices = @transform_1, window_bounds = array<i64: 1, 256>}, {transform_indices = @transform_2, window_bounds = array<i64: 256, 16>}]} {
    %get3A = arith.constant 0 : index
    %get3A_0 = arith.constant 0 : index
    %get3A_1 = vector.load %arg1[%get3A, %get3A_0] : memref<1x4096xf32, #tpu.memory_space<vmem>>, vector<1x4096xf32>
    %get3A_2 = vector.shape_cast %get3A_1 : vector<1x4096xf32> to vector<4096xf32>
    %mul3A = arith.constant 256 : i32
    %mul3A_3 = arith.muli %arg0, %mul3A : i32
    %get3A_4 = arith.constant 0 : index
    %get3A_5 = arith.index_cast %mul3A_3 : i32 to index
    %get3A_6 = vector.load %arg1[%get3A_4, %get3A_5] : memref<1x4096xf32, #tpu.memory_space<vmem>>, vector<1x256xf32>
    %get3A_7 = vector.shape_cast %get3A_6 : vector<1x256xf32> to vector<256xf32>
    %broadcast_in_dim3A = vector.shape_cast %get3A_2 : vector<4096xf32> to vector<1x4096xf32>
    %broadcast_in_dim3A_8 = vector.shape_cast %get3A_7 : vector<256xf32> to vector<256x1xf32>
    %iota3A = tpu.iota {dimensions = array<i32: 1>} : vector<256x4096xi32>
    %mul3A_9 = arith.constant 256 : i32
    %mul3A_10 = arith.muli %arg0, %mul3A_9 : i32
    %iota3A_11 = tpu.iota {dimensions = array<i32: 0>} : vector<256x4096xi32>
    %add3A = vector.broadcast %mul3A_10 : i32 to vector<256x4096xi32>
    %add3A_12 = arith.addi %add3A, %iota3A_11 : vector<256x4096xi32>
    %lt3A = vector.broadcast %broadcast_in_dim3A : vector<1x4096xf32> to vector<256x4096xf32>
    %lt3A_13 = vector.broadcast %broadcast_in_dim3A_8 : vector<256x1xf32> to vector<256x4096xf32>
    %lt3A_14 = arith.cmpf olt, %lt3A, %lt3A_13 : vector<256x4096xf32>
    %eq3A = vector.broadcast %broadcast_in_dim3A : vector<1x4096xf32> to vector<256x4096xf32>
    %eq3A_15 = vector.broadcast %broadcast_in_dim3A_8 : vector<256x1xf32> to vector<256x4096xf32>
    %eq3A_16 = arith.cmpf oeq, %eq3A, %eq3A_15 : vector<256x4096xf32>
    %lt3A_17 = arith.cmpi slt, %iota3A, %add3A_12 : vector<256x4096xi32>
    %and3A = arith.andi %eq3A_16, %lt3A_17 : vector<256x4096xi1>
    %or3A = arith.ori %lt3A_14, %and3A : vector<256x4096xi1>
    %convert_element_type3A = arith.extui %or3A : vector<256x4096xi1> to vector<256x4096xi32>
    %reduce_sum3A = arith.constant dense<0> : vector<256xi32>
    %reduce_sum3A_18 = vector.multi_reduction <add>, %convert_element_type3A, %reduce_sum3A [1] : vector<256x4096xi32> to vector<256xi32>
    %broadcast_in_dim3A_19 = vector.shape_cast %reduce_sum3A_18 : vector<256xi32> to vector<256x1xi32>
    %lt3A_20 = arith.constant 1639 : i32
    %lt3A_21 = vector.broadcast %lt3A_20 : i32 to vector<256x1xi32>
    %lt3A_22 = arith.cmpi slt, %broadcast_in_dim3A_19, %lt3A_21 : vector<256x1xi32>
    %jit3A = arith.constant 0.000000e+00 : f32
    %jit3A_23 = arith.constant 1.000000e+00 : f32
    %broadcast_in_dim3A_24 = vector.broadcast %jit3A : f32 to vector<256x1xf32>
    %broadcast_in_dim3A_25 = vector.broadcast %jit3A_23 : f32 to vector<256x1xf32>
    %select_n3A = arith.select %lt3A_22, %broadcast_in_dim3A_24, %broadcast_in_dim3A_25 : vector<256x1xi1>, vector<256x1xf32>
    %squeeze3A = vector.shape_cast %select_n3A : vector<256x1xf32> to vector<256xf32>
    %sub3A = arith.constant 1.000000e+00 : f32
    %sub3A_26 = vector.broadcast %sub3A : f32 to vector<256xf32>
    %sub3A_27 = arith.subf %sub3A_26, %squeeze3A : vector<256xf32>
    %swap3A = arith.constant 0 : index
    %swap3A_28 = arith.constant 0 : index
    %swap3A_29 = vector.load %arg2[%swap3A, %swap3A_28] : memref<1x256xf32, #tpu.memory_space<vmem>>, vector<1x256xf32>
    %swap3A_30 = vector.shape_cast %swap3A_29 : vector<1x256xf32> to vector<256xf32>
    %swap3A_31 = vector.shape_cast %sub3A_27 : vector<256xf32> to vector<1x256xf32>
    tpu.vector_store %arg2[%swap3A, %swap3A_28], %swap3A_31 {strides = array<i32>} : memref<1x256xf32, #tpu.memory_space<vmem>>, vector<1x256xf32>,
    %broadcast_in_dim3A_32 = vector.shape_cast %select_n3A : vector<256x1xf32> to vector<256x1xf32>
    %broadcast_in_dim3A_33 = vector.broadcast %broadcast_in_dim3A_32 : vector<256x1xf32> to vector<256x16xf32>
    %swap3A_34 = arith.constant 0 : index
    %swap3A_35 = arith.constant 0 : index
    %swap3A_36 = vector.load %arg3[%swap3A_34, %swap3A_35] : memref<256x16xf32, #tpu.memory_space<vmem>>, vector<256x16xf32>
    tpu.vector_store %arg3[%swap3A_34, %swap3A_35], %broadcast_in_dim3A_33 {strides = array<i32>} : memref<256x16xf32, #tpu.memory_space<vmem>>, vector<256x16xf32>,
    return
  }
  func.func @transform_0(%arg0: i32) -> (i32, i32) {
    %c0_i32 = arith.constant 0 : i32
    %c0_i32_0 = arith.constant 0 : i32
    %c0_i32_1 = arith.constant 0 : i32
    return %c0_i32, %c0_i32_0 : i32, i32
  }
  func.func @transform_1(%arg0: i32) -> (i32, i32) {
    %c0_i32 = arith.constant 0 : i32
    %c0_i32_0 = arith.constant 0 : i32
    return %c0_i32, %arg0 : i32, i32
  }
  func.func @transform_2(%arg0: i32) -> (i32, i32) {
    %c0_i32 = arith.constant 0 : i32
    %c0_i32_0 = arith.constant 0 : i32
    return %arg0, %c0_i32 : i32, i32
  }
}

</mosaic_0001>

<sc_bundles>
// kernel: kernel.4.cloned.1.call-start
scs
__scs_entry_jumppad:
0x0: {  	(pc) =	sbr.rel $0x88, $3  }
0x1: {  	(tag) =	ssettag $0x0;
	lr =	simm.s32 $0x1  }
0x2: {  	[smem:$0x3F9E] =	sst lr;
	_ =	strace $0xD0000000  }
0x3: {  	_ = 	snop  }
0x4: {  	_ = 	snop  }
0x5: {  	_ = 	snop  }
0x6: {  	_ = 	snop  }
0x7: {  	_ = 	snop  }
__scs_overlays_trampoline_lowered:
0x8: {  	[smem:$0x3FAD] =	sst s0  }
0x9: {  	[smem:$0x3FAE] =	sst s1  }
0xa: {  	[smem:$0x3FAF] =	sst s2  }
0xb: {  	[smem:$0x3FB0] =	sst s3  }
0xc: {  	[smem:$0x3FB1] =	sst s4  }
0xd: {  	[smem:$0x3FB2] =	sst s5  }
0xe: {  	[smem:$0x3FB3] =	sst s6  }
0xf: {  	[smem:$0x3FB4] =	sst s7  }
0x10: {  	[smem:$0x3FB5] =	sst s8  }
0x11: {  	[smem:$0x3FB6] =	sst s9;
	s0 =	simm.s32 @!p0 $0x0  }
0x12: {  	s1 =	sld [smem:$0x3F9C];
	s0 =	simm.s32 @p0 $0x1  }
0x13: {  	[smem:$0x3FB7] =	sst s0;
	s0 =	simm.s32 @!p1 $0x0  }
0x14: {  	s2 =	sld [smem:$0x3F9B];
	s0 =	simm.s32 @p1 $0x1  }
0x15: {  	[smem:$0x3FB8] =	sst s0;
	s0 =	simm.s32 @!p2 $0x0  }
0x16: {  	s3 =	sld [smem:$0x3FDB];
	s0 =	simm.s32 @p2 $0x1  }
0x17: {  	s4 =	simm.s32 $0x1BF5;
	[smem:$0x3FBA] =	sst s0  }
0x18: {  	s0 =	sld [smem:$0x3F9D];
	_ =	swait.ge [sflag:s4], $0x0  }
0x19: {  	s7 =	sld [smem:$0x3F9E]  }
0x1a: {  	s8 =	sadd.s32 $0xFFFFE003, lr  }
0x1b: {  	s9 =	sadd.s32 $0xFFFFFEF7, lr;
	s5 =	simm.s32 $0xFFFFFFFF;
	p2 =	slt.u32 s8, $0xFFFFF086  }
0x1c: {  	p1 =	slt.u32 s9, $0xF7A;
	s5 =	simm.s32 @!p2 $0x0  }
0x1d: {  	s5 =	simm.s32 @p1 $0x1;
	p0 =	seq.s32 s7, s2  }
0x1e: {  	s7 =	smul.u32 @!p0 $0xF7A, s2;
	p2 =	seq.s32 @!p0 s5, $0x0  }
0x1f: {  	s9 =	smul.u32 $0xF7A, s1;
	s8 =	simm.s32 @!p0 $0x1BF5;
	p2 =	por !p2, p0  }
0x20: {  	[sflag:s8] =	ssyncset.s32 @!p0 $0xFFFFF086;
	s6 =	sadd.s32 @!p0 s3, s7;
	s7 =	simm.s32 @!p0 $0x108  }
0x21: {  	s3 =	sadd.s32 s3, s9;
	s6 =	sadd.s32 @!p0 $0x88, s6;
	s7 =	simm.s32 @p2 $0x1082  }
0x22: {  	[simem:s7], [sflag:s8] =	dma.local @!p0 [hbm:s6], $0xF7A  }
0x23: {  	s9 =	sor.u32 $0xD0000000, s2;
	s6 =	simm.s32 $0x108;
	_ =	swait.ge @!p0 [sflag:s8], $0x0  }
0x24: {  	s3 =	sadd.s32 $0x88, s3;
	s6 =	simm.s32 @!p1 $0x1082;
	[sflag:s4] =	ssyncset.s32 $0xFFFFF086  }
0x25: {  	[simem:s6], [sflag:s4] =	dma.local [hbm:s3], $0xF7A  }
0x26: {  	[smem:$0x3F9E] =	sst s1;
	(tag) =	ssettag s2;
	_ =	strace s9  }
0x27: {  	s1 =	sld [smem:$0x3FAE]  }
0x28: {  	s2 =	sld [smem:$0x3FAF]  }
0x29: {  	s4 =	sld [smem:$0x3FB1]  }
0x2a: {  	p0 =	seq.s32 s5, $0x0;
	s5 =	sld [smem:$0x3FB2]  }
0x2b: {  	s6 =	sld [smem:$0x3FB3]  }
0x2c: {  	s7 =	sld [smem:$0x3FB4]  }
0x2d: {  	s3 =	simm.s32 $0x108;
	s8 =	sld [smem:$0x3FB5]  }
0x2e: {  	s3 =	simm.s32 @!p0 $0x1082;
	s9 =	sld [smem:$0x3FB6]  }
0x2f: {  	lr =	sadd.s32 s0, s3;
	s0 =	sld [smem:$0x3FAD]  }
0x30: {  	s3 =	sld [smem:$0x3FB0]  }
0x31: {  	[smem:$0x3FB9] =	sst s10  }
0x32: {  	s10 =	sld [smem:$0x3FB7];
	_ =	sdelay $0x3  }
0x33: {  	p0 =	seq.s32 s10, $0x1;
	s10 =	sld [smem:$0x3FB9];
	_ =	sdelay $0x3  }
0x34: {  	[smem:$0x3FB9] =	sst s10  }
0x35: {  	s10 =	sld [smem:$0x3FB8];
	_ =	sdelay $0x3  }
0x36: {  	p1 =	seq.s32 s10, $0x1;
	s10 =	sld [smem:$0x3FB9];
	_ =	sdelay $0x3  }
0x37: {  	[smem:$0x3FB9] =	sst s10  }
0x38: {  	s10 =	sld [smem:$0x3FBA]  }
0x39: {  	_ = 	snop;
	(pc) =	sbr.ind lr, $3  }
0x3a: {  	_ = 	snop  }
0x3b: {  	_ = 	snop  }
0x3c: {  	p2 =	seq.s32 s10, $0x1;
	s10 =	sld [smem:$0x3FB9]  }
0x3d: {  	_ =	shalt  }
0x3e: {  	_ =	shalt  }
0x3f: {  	_ =	shalt  }
0x40: {  	_ =	shalt  }
0x41: {  	_ =	shalt  }
0x42: {  	_ =	shalt  }
0x43: {  	_ =	shalt  }
0x44: {  	_ =	shalt  }
0x45: {  	_ =	shalt  }
0x46: {  	_ =	shalt  }
0x47: {  	_ =	shalt  }
0x48: {  	_ =	shalt  }
0x49: {  	_ =	shalt  }
0x4a: {  	_ =	shalt  }
0x4b: {  	_ =	shalt  }
0x4c: {  	_ =	shalt  }
0x4d: {  	_ =	shalt  }
0x4e: {  	_ =	shalt  }
0x4f: {  	_ =	shalt  }
0x50: {  	_ =	shalt  }
0x51: {  	_ =	shalt  }
0x52: {  	_ =	shalt  }
0x53: {  	_ =	shalt  }
0x54: {  	_ =	shalt  }
0x55: {  	_ =	shalt  }
0x56: {  	_ =	shalt  }
0x57: {  	_ =	shalt  }
0x58: {  	_ =	shalt  }
0x59: {  	_ =	shalt  }
0x5a: {  	_ =	shalt  }
0x5b: {  	_ =	shalt  }
0x5c: {  	_ =	shalt  }
0x5d: {  	_ =	shalt  }
0x5e: {  	_ =	shalt  }
0x5f: {  	_ =	shalt  }
0x60: {  	_ =	shalt  }
0x61: {  	_ =	shalt  }
0x62: {  	_ =	shalt  }
0x63: {  	_ =	shalt  }
0x64: {  	_ =	shalt  }
0x65: {  	_ =	shalt  }
0x66: {  	_ =	shalt  }
0x67: {  	_ =	shalt  }
0x68: {  	_ =	shalt  }
0x69: {  	_ =	shalt  }
0x6a: {  	_ =	shalt  }
0x6b: {  	_ =	shalt  }
0x6c: {  	_ =	shalt  }
0x6d: {  	_ =	shalt  }
0x6e: {  	_ =	shalt  }
0x6f: {  	_ =	shalt  }
0x70: {  	_ =	shalt  }
0x71: {  	_ =	shalt  }
0x72: {  	_ =	shalt  }
0x73: {  	_ =	shalt  }
0x74: {  	_ =	shalt  }
0x75: {  	_ =	shalt  }
0x76: {  	_ =	shalt  }
0x77: {  	_ =	shalt  }
0x78: {  	_ =	shalt  }
0x79: {  	_ =	shalt  }
0x7a: {  	_ =	shalt  }
0x7b: {  	_ =	shalt  }
0x7c: {  	_ =	shalt  }
0x7d: {  	_ =	shalt  }
0x7e: {  	_ =	shalt  }
0x7f: {  	_ =	shalt  }
0x80: {  	_ =	shalt  }
0x81: {  	_ =	shalt  }
0x82: {  	_ =	shalt  }
0x83: {  	_ =	shalt  }
0x84: {  	_ =	shalt  }
0x85: {  	_ =	shalt  }
0x86: {  	_ =	shalt  }
0x87: {  	_ =	shalt  }
.Lfunc_end0:
.L_simem_size_0:
called_computation_lowered:
.L_overlay_start_0:
0x88: {  	s2 =	sld [smem:$0x3FD9]  }
0x89: {  	s3 =	sld [smem:$0x3FFE];
	_ =	sdelay $0x1  }
0x8a: {  	s1 =	srdreg.scid  }
0x8b: {  	s0 =	sand.u32 $0x1, s1  }
0x8c: {  	s14 =	sshll.u32 s0, $0xA;
	s2 =	sadd.s32 s3, s2  }
0x8d: {  	s2 =	sadd.s32 s2, s14  }
0x8e: {  	[smem:$0x3FC5] =	sst s2  }
0x8f: {  	_ = 	snop  }
0x90: {  	s2 =	sld [smem:$0x3FD0];
	_ =	sdelay $0x2  }
0x91: {  	s4 =	simm.s32 $0xA;
	s5 =	simm.s32 $0x10;
	s15 =	sld [smem:$0x3FC7]  }
0x92: {  	[smem:s5], [sflag:s4] =	dma.local [hbm:s2], $0x1  }
0x93: {  	_ =	swait.eq [sflag:s4], $0x1  }
0x94: {  	[sflag:s4] =	ssyncset.done $0x0  }
0x95: {  	[sflag:s4] =	ssyncadd.s32 $0xFFFFFFFF  }
0x96: {  	s16 =	sld [smem:$0x12];
	(tm) =	ssettm $0x1  }
0x97: {  	s17 =	sld [smem:$0x3FFB];
	_ =	sdelay $0x3  }
0x98: {  	_ =	strace s17  }
0x99: {  	s4 =	sld [smem:$0x3FFC];
	_ =	sdelay $0x3  }
0x9a: {  	_ =	strace s4  }
0x9b: {  	s4 =	sld [smem:$0x3FFD];
	_ =	sdelay $0x3  }
0x9c: {  	_ =	strace s4  }
0x9d: {  	_ =	strace $0x8FFFFFFF  }
0x9e: {  	s18 =	sld [smem:$0x3FDB];
	_ =	sdelay $0x1  }
0x9f: {  	s19 =	simm.s32 $_scs_section_size  }
0xa0: {  	s6 =	simm.s32 $_size__tile_overlayer_lowered;
	s7 =	simm.s32 $_tile_overlayer_lowered  }
0xa1: {  	s22 =	simm.s32 $0x1BFF;
	s21 =	sshll.u32 s7, $0x1;
	s4 =	sadd.s32 s19, s18  }
0xa2: {  	s8 =	simm.s32 $0x0;
	s20 =	sshll.u32 s6, $0x1;
	s6 =	sadd.s32 s21, s4  }
0xa3: {  	[timem:s8], [sflag:s22] =	dma.local [hbm:s6], s20  }
0xa4: {  	_ =	swait.ge [sflag:s22], s20  }
0xa5: {  	s5 =	ssub.s32 $0x0, s20;
	[sflag:s22] =	ssyncset.done $0x0  }
0xa6: {  	[sflag:s22] =	ssyncadd.s32 s5;
	_ =	sdelay $0x1  }
0xa7: {  	s23 =	simm.s32 $0x1B8B  }
0xa8: {  	_ =	swait.ge [sflag:s23], $0x1  }
0xa9: {  	[sflag:s23] =	ssyncset.done $0x0  }
0xaa: {  	s25 =	simm.s32 $0x1B8E;
	s24 =	sld [smem:$0x3FFE];
	[sflag:s23] =	ssyncadd.s32 $0xFFFFFFFF  }
0xab: {  	s26 =	simm.s32 $execute0_lowered;
	[smem:$0x3FD2] =	sst s25  }
0xac: {  	s6 =	sshll.u32 s26, $0x1;
	_ =	strace $0x80000046;
	[dreg:$0x1] =	wrdreg $0xFFFFFFFF  }
0xad: {  	s28 =	simm.s32 $_size_execute0_lowered;
	s4 =	sadd.s32 s4, s6;
	[dreg:$0x0] =	wrdreg $0x0  }
0xae: {  	s6 =	sshll.u32 s28, $0x1;
	[dreg:$0x2] =	wrdreg s4  }
0xaf: {  	[dreg:$0x3] =	wrdreg s6  }
0xb0: {  	[dreg:$0x4] =	wrdreg $0xC0  }
0xb1: {  	_ =	task [dreg:s8], $0x5FFFF  }
0xb2: {  	[dreg:$0x1] =	wrdreg $0xFFFFFFFF  }
0xb3: {  	[dreg:$0x0] =	wrdreg $0x60  }
0xb4: {  	[dreg:$0x2] =	wrdreg s15  }
0xb5: {  	[dreg:$0x3] =	wrdreg s24  }
0xb6: {  	[dreg:$0x4] =	wrdreg s16  }
0xb7: {  	[dreg:$0x5] =	wrdreg $0x9  }
0xb8: {  	_ =	task.clear_ibuf [dreg:s8], $0x6FFFF;
	_ =	strace $0x90000046  }
0xb9: {  	s29 =	simm.s32 $0x9;
	_ =	strace $0x80000048  }
0xba: {  	_ =	swait.ge [sflag:s29], $0x1  }
0xbb: {  	[sflag:s29] =	ssyncadd.s32 $0xFFFFFFFF  }
0xbc: {  	_ =	strace $0x90000048  }
0xbd: {  	_ =	sfence  }
0xbe: {  	s30 =	sld [smem:$0x0];
	_ =	sdelay $0x2  }
0xbf: {  	s31 =	sshll.u32 s1, $0xD;
	s1 =	sshrl.u32 s1, $0x2  }
0xc0: {  	s3 =	sand.u32 $0x4000, s31;
	s1 =	sadd.s32 s1, s30  }
0xc1: {  	s0 =	sor.u32 s3, s0;
	s1 =	sshll.u32 s1, $0x11  }
0xc2: {  	s0 =	sor.u32 s1, s0  }
0xc3: {  	s0 =	sadd.s32 $0x8F2B, s0  }
0xc4: {  	[sflag:s0] =	ssyncadd.remote.s32 $0x1  }
0xc5: {  	_ =	sfence.sel $0xFFFF  }
0xc6: {  	[dreg:$0x0] =	wrdreg $0xFFFFFFFF;
	(pc) =	sbr.abs _section_cstart, $3  }
0xc7: {  	[dreg:$0x1] =	wrdreg $0xFFFFFFFF  }
0xc8: {  	_ =	task.clear_ibuf [dreg:s8], $0x2FFFF;
	_ =	strace $0x9FFFFFFF  }
0xc9: {  	(tm) =	ssettm $0x7FFFFFFF  }
tec
execute0_lowered:
.L_overlay_start_1:
0x0: {  	(tag) =	ssettag $0x1  }
0x1: {  	s0 =	rddreg [dreg:$0x0]  }
0x2: {  	s1 =	srdreg.scid;
	s5 =	rddreg [dreg:$0x1]  }
0x3: {  	s3 =	stileid.u32;
	s2 =	rddreg [dreg:$0x2];
	s13 =	simm.s32 $0x5  }
0x4: {  	s14 =	simm.s32 $0x4000;
	s15 =	simm.s32 $0x1;
	s16 =	simm.s32 $0x8000  }
0x5: {  	s17 =	simm.s32 $0x2;
	s18 =	simm.s32 $0xC000;
	s19 =	simm.s32 $0x3  }
0x6: {  	s20 =	simm.s32 $0x4;
	s21 =	simm.s32 $0x0;
	s1 =	sand.u32 $0x1, s1  }
0x7: {  	s4 =	sshll.u32 s3, $0xA;
	s3 =	simm.s32 $0x0;
	s6 =	sshll.u32 s1, $0x9  }
0x8: {  	[smem:$0x7FF] =	sst s3;
	s1 =	ssub.s32 $0x2, s1;
	s4 =	sor.u32 s6, s4  }
0x9: {  	_ =	strace $0x80000047;
	s7 =	sshrl.u32 s1, $0x1;
	s6 =	sshll.u32 s4, $0x1  }
.Ltmp0:
0xa: {  	s1 =	ssub.s32 s1, s7;
	s8 =	sshll.u32 s4, $0x7;
	(pc) =	sbr.rel .LBB2_1-.Ltmp0, $4  }
0xb: {  	s6 =	sand.u32 $0x1C00, s6;
	s10 =	sor.u32 $0x800, s8;
	s12 =	smax.u32 s1, $0x1  }
0xc: {  	s5 =	sadd.s32 s6, s5;
	s6 =	sadd.s32 s0, s8;
	s7 =	sadd.s32 s0, s10  }
0xd: {  	s8 =	sadd.s32 s2, s8;
	s10 =	sadd.s32 s2, s10;
	s5 =	sadd.s32 $0x600, s5  }
0xe: {  	s9 =	sadd.s32 $0x1000, s6;
	s11 =	sadd.s32 $0x1800, s6;
	[dreg:$0x4] =	wrdreg s5  }
.LBB2_12:
0xf: {  	s21 =	sadd.s32 $0x1, s21  }
0x10: {  	_ =	swait.ge [sflag:s19], $0x4000;
	p0 =	sne.s32 s21, s12  }
.Ltmp1:
0x11: {  	[sflag:s19] =	ssyncset.done $0x0;
	(pc) =	sbr.rel @!p0 .LBB2_13-.Ltmp1, $4  }
0x12: {  	[sflag:s19] =	ssyncadd.s32 $0xFFFFC000  }
0x13: {  	_ =	swait.ge [sflag:s20], $0x4000  }
0x14: {  	[sflag:s20] =	ssyncset.done $0x0  }
0x15: {  	[sflag:s20] =	ssyncadd.s32 $0xFFFFC000  }
.LBB2_1:
0x16: {  	s22 =	simm.s32 $0x10000;
	s0 =	rddreg [dreg:$0x4]  }
0x17: {  	[tilespmem:s22], [sflag:$0x5] =	stream.linear.gather [hbm4b:s0+s3], $0x2000, $0x38;
	[tilespmem:$0x12000] =	vst v63  }
0x18: {  	_ =	swait.ge [sflag:s13], $0x2000  }
0x19: {  	[sflag:s13] =	ssyncset.done $0x0  }
0x1a: {  	[sflag:s13] =	ssyncadd.s32 $0xFFFFE000  }
0x1b: {  	[tilespmem:s3], [sflag:$0x1] =	stream.linear.gather [hbm4b:s6+s3], $0x4000, $0x38;
	[tilespmem:$0x12000] =	vst v63  }
0x1c: {  	_ = 	snop  }
0x1d: {  	[tilespmem:s14], [sflag:$0x2] =	stream.linear.gather [hbm4b:s7+s3], $0x4000, $0x38;
	[tilespmem:$0x12000] =	vst v63  }
0x1e: {  	_ =	swait.ge [sflag:s15], $0x4000  }
0x1f: {  	s23 =	simm.s32 $0xFFFFC000;
	s24 =	simm.s32 $0x0;
	[sflag:s15] =	ssyncset.done $0x0  }
0x20: {  	s25 =	simm.s32 $0x0;
	s26 =	simm.s32 $0x0;
	[sflag:s15] =	ssyncadd.s32 $0xFFFFC000  }
.LBB2_2:
0x21: {  	s0 =	sadd.s32 $0x4000, s23  }
0x22: {  	s1 =	sand.u32 $0x380, s26;
	s0 =	sand.u32 $0x2000, s0  }
0x23: {  	v0 =	vld [tilespmem:s22+$0x0];
	s1 =	sor.u32 s1, s0  }
0x24: {  	v1 =	vld [tilespmem:s1+$0x0]  }
0x25: {  	v2 =	vld [tilespmem:s1+$0x10]  }
0x26: {  	v3 =	vld [tilespmem:s1+$0x20]  }
0x27: {  	v4 =	vld [tilespmem:s1+$0x30]  }
0x28: {  	v5 =	vld [tilespmem:s1+$0x40]  }
0x29: {  	v6 =	vld [tilespmem:s1+$0x50];
	v1 =	vmul.f32 v1, v0  }
0x2a: {  	v7 =	vld [tilespmem:s1+$0x60];
	v2 =	vmul.f32 v2, v0  }
0x2b: {  	v17 =	vld [tilespmem:s1+$0x70];
	v16 =	vmul.f32 v3, v0;
	[tilespmem:s1+$0x8000] =	vst v1  }
0x2c: {  	v19 =	vld [tilespmem:s1+$0x400];
	v18 =	vmul.f32 v4, v0;
	[tilespmem:s1+$0x8010] =	vst v2  }
0x2d: {  	v21 =	vld [tilespmem:s1+$0x410];
	v20 =	vmul.f32 v5, v0;
	[tilespmem:s1+$0x8020] =	vst v16  }
0x2e: {  	v23 =	vld [tilespmem:s1+$0x420];
	v22 =	vmul.f32 v6, v0;
	[tilespmem:s1+$0x8030] =	vst v18  }
0x2f: {  	v25 =	vld [tilespmem:s1+$0x430];
	v24 =	vmul.f32 v7, v0;
	[tilespmem:s1+$0x8040] =	vst v20  }
0x30: {  	v27 =	vld [tilespmem:s1+$0x440];
	v26 =	vmul.f32 v17, v0;
	[tilespmem:s1+$0x8050] =	vst v22  }
0x31: {  	v29 =	vld [tilespmem:s1+$0x450];
	v28 =	vmul.f32 v19, v0;
	[tilespmem:s1+$0x8060] =	vst v24  }
0x32: {  	v31 =	vld [tilespmem:s1+$0x460];
	v30 =	vmul.f32 v21, v0;
	[tilespmem:s1+$0x8070] =	vst v26  }
0x33: {  	v33 =	vld [tilespmem:s1+$0x470];
	v32 =	vmul.f32 v23, v0;
	[tilespmem:s1+$0x8400] =	vst v28  }
0x34: {  	v35 =	vld [tilespmem:s1+$0x800];
	v34 =	vmul.f32 v25, v0;
	[tilespmem:s1+$0x8410] =	vst v30  }
0x35: {  	v37 =	vld [tilespmem:s1+$0x810];
	v36 =	vmul.f32 v27, v0;
	[tilespmem:s1+$0x8420] =	vst v32  }
0x36: {  	v39 =	vld [tilespmem:s1+$0x820];
	v38 =	vmul.f32 v29, v0;
	[tilespmem:s1+$0x8430] =	vst v34  }
0x37: {  	v41 =	vld [tilespmem:s1+$0x830];
	v40 =	vmul.f32 v31, v0;
	[tilespmem:s1+$0x8440] =	vst v36  }
0x38: {  	v43 =	vld [tilespmem:s1+$0x840];
	v42 =	vmul.f32 v33, v0;
	[tilespmem:s1+$0x8450] =	vst v38  }
0x39: {  	v45 =	vld [tilespmem:s1+$0x850];
	v44 =	vmul.f32 v35, v0;
	[tilespmem:s1+$0x8460] =	vst v40  }
0x3a: {  	v47 =	vld [tilespmem:s1+$0x860];
	v46 =	vmul.f32 v37, v0;
	[tilespmem:s1+$0x8470] =	vst v42  }
0x3b: {  	v49 =	vld [tilespmem:s1+$0x870];
	v48 =	vmul.f32 v39, v0;
	[tilespmem:s1+$0x8800] =	vst v44  }
0x3c: {  	v51 =	vld [tilespmem:s1+$0xC00];
	v50 =	vmul.f32 v41, v0;
	[tilespmem:s1+$0x8810] =	vst v46  }
0x3d: {  	v53 =	vld [tilespmem:s1+$0xC10];
	v52 =	vmul.f32 v43, v0;
	[tilespmem:s1+$0x8820] =	vst v48  }
0x3e: {  	v55 =	vld [tilespmem:s1+$0xC20];
	v54 =	vmul.f32 v45, v0;
	[tilespmem:s1+$0x8830] =	vst v50  }
0x3f: {  	v57 =	vld [tilespmem:s1+$0xC30];
	v56 =	vmul.f32 v47, v0;
	[tilespmem:s1+$0x8840] =	vst v52  }
0x40: {  	v59 =	vld [tilespmem:s1+$0xC40];
	v58 =	vmul.f32 v49, v0;
	[tilespmem:s1+$0x8850] =	vst v54  }
0x41: {  	v61 =	vld [tilespmem:s1+$0xC50];
	v60 =	vmul.f32 v51, v0;
	[tilespmem:s1+$0x8860] =	vst v56  }
0x42: {  	v63 =	vld [tilespmem:s1+$0xC60];
	v62 =	vmul.f32 v53, v0;
	[tilespmem:s1+$0x8870] =	vst v58  }
0x43: {  	v10 =	vld [tilespmem:s1+$0xC70];
	v9 =	vmul.f32 v55, v0;
	[tilespmem:s1+$0x8C00] =	vst v60  }
0x44: {  	v12 =	vld [tilespmem:s1+$0x1000];
	v11 =	vmul.f32 v57, v0;
	[tilespmem:s1+$0x8C10] =	vst v62  }
0x45: {  	v14 =	vld [tilespmem:s1+$0x1010];
	v13 =	vmul.f32 v59, v0;
	[tilespmem:s1+$0x8C20] =	vst v9  }
0x46: {  	v15 =	vmul.f32 v61, v0;
	[tilespmem:s1+$0x8C30] =	vst v11;
	v16 =	vld [tilespmem:s1+$0x1020]  }
0x47: {  	v17 =	vmul.f32 v63, v0;
	[tilespmem:s1+$0x8C40] =	vst v13;
	v18 =	vld [tilespmem:s1+$0x1030]  }
0x48: {  	v19 =	vmul.f32 v10, v0;
	[tilespmem:s1+$0x8C50] =	vst v15;
	v20 =	vld [tilespmem:s1+$0x1040]  }
0x49: {  	v21 =	vmul.f32 v12, v0;
	[tilespmem:s1+$0x8C60] =	vst v17;
	v22 =	vld [tilespmem:s1+$0x1050]  }
0x4a: {  	v23 =	vmul.f32 v14, v0;
	[tilespmem:s1+$0x8C70] =	vst v19;
	v24 =	vld [tilespmem:s1+$0x1060]  }
0x4b: {  	[tilespmem:s1+$0x9000] =	vst v21;
	v26 =	vld [tilespmem:s1+$0x1070];
	v25 =	vmul.f32 v16, v0  }
0x4c: {  	[tilespmem:s1+$0x9010] =	vst v23;
	v28 =	vld [tilespmem:s1+$0x1400];
	v27 =	vmul.f32 v18, v0  }
0x4d: {  	v30 =	vld [tilespmem:s1+$0x1410];
	v29 =	vmul.f32 v20, v0;
	[tilespmem:s1+$0x9020] =	vst v25  }
0x4e: {  	v32 =	vld [tilespmem:s1+$0x1420];
	v31 =	vmul.f32 v22, v0;
	[tilespmem:s1+$0x9030] =	vst v27  }
0x4f: {  	v34 =	vld [tilespmem:s1+$0x1430];
	v33 =	vmul.f32 v24, v0;
	[tilespmem:s1+$0x9040] =	vst v29  }
0x50: {  	v36 =	vld [tilespmem:s1+$0x1440];
	v35 =	vmul.f32 v26, v0;
	[tilespmem:s1+$0x9050] =	vst v31  }
0x51: {  	v38 =	vld [tilespmem:s1+$0x1450];
	v37 =	vmul.f32 v28, v0;
	[tilespmem:s1+$0x9060] =	vst v33  }
0x52: {  	v40 =	vld [tilespmem:s1+$0x1460];
	v39 =	vmul.f32 v30, v0;
	[tilespmem:s1+$0x9070] =	vst v35  }
0x53: {  	v42 =	vld [tilespmem:s1+$0x1470];
	v41 =	vmul.f32 v32, v0;
	[tilespmem:s1+$0x9400] =	vst v37  }
0x54: {  	v44 =	vld [tilespmem:s1+$0x1800];
	v43 =	vmul.f32 v34, v0;
	[tilespmem:s1+$0x9410] =	vst v39  }
0x55: {  	v46 =	vld [tilespmem:s1+$0x1810];
	v45 =	vmul.f32 v36, v0;
	[tilespmem:s1+$0x9420] =	vst v41  }
0x56: {  	v48 =	vld [tilespmem:s1+$0x1820];
	v47 =	vmul.f32 v38, v0;
	[tilespmem:s1+$0x9430] =	vst v43  }
0x57: {  	v50 =	vld [tilespmem:s1+$0x1830];
	v49 =	vmul.f32 v40, v0;
	[tilespmem:s1+$0x9440] =	vst v45  }
0x58: {  	v52 =	vld [tilespmem:s1+$0x1840];
	v51 =	vmul.f32 v42, v0;
	[tilespmem:s1+$0x9450] =	vst v47  }
0x59: {  	v54 =	vld [tilespmem:s1+$0x1850];
	v53 =	vmul.f32 v44, v0;
	[tilespmem:s1+$0x9460] =	vst v49  }
0x5a: {  	v56 =	vld [tilespmem:s1+$0x1860];
	v55 =	vmul.f32 v46, v0;
	[tilespmem:s1+$0x9470] =	vst v51  }
0x5b: {  	v58 =	vld [tilespmem:s1+$0x1870];
	v57 =	vmul.f32 v48, v0;
	[tilespmem:s1+$0x9800] =	vst v53  }
0x5c: {  	v59 =	vmul.f32 v50, v0;
	[tilespmem:s1+$0x9810] =	vst v55  }
0x5d: {  	v60 =	vmul.f32 v52, v0;
	[tilespmem:s1+$0x9820] =	vst v57  }
0x5e: {  	v61 =	vmul.f32 v54, v0;
	[tilespmem:s1+$0x9830] =	vst v59  }
0x5f: {  	s29 =	sand.u32 $0x7, s24;
	v62 =	vmul.f32 v56, v0;
	[tilespmem:s1+$0x9840] =	vst v60  }
0x60: {  	s0 =	sshll.u32 s29, $0x7;
	v63 =	vmul.f32 v58, v0;
	[tilespmem:s1+$0x9850] =	vst v61  }
0x61: {  	s0 =	sadd.s32 s0, s25;
	[tilespmem:s1+$0x9860] =	vst v62  }
0x62: {  	s30 =	sor.u32 $0x1C00, s0;
	[tilespmem:s1+$0x9870] =	vst v63  }
0x63: {  	v1 =	vld [tilespmem:s30+$0x0];
	_ =	sdelay $0x4  }
0x64: {  	v1 =	vmul.f32 v1, v0;
	_ =	sdelay $0x1  }
0x65: {  	s31 =	sor.u32 $0x1C10, s0;
	[tilespmem:s30+$0x8000] =	vst v1  }
0x66: {  	v1 =	vld [tilespmem:s31+$0x0];
	_ =	sdelay $0x4  }
0x67: {  	v1 =	vmul.f32 v1, v0;
	_ =	sdelay $0x1  }
0x68: {  	s5 =	sor.u32 $0x1C20, s0;
	[tilespmem:s31+$0x8000] =	vst v1  }
0x69: {  	v1 =	vld [tilespmem:s5+$0x0];
	_ =	sdelay $0x4  }
0x6a: {  	v1 =	vmul.f32 v1, v0;
	_ =	sdelay $0x1  }
0x6b: {  	s28 =	sor.u32 $0x1C30, s0;
	[tilespmem:s5+$0x8000] =	vst v1  }
0x6c: {  	v1 =	vld [tilespmem:s28+$0x0];
	_ =	sdelay $0x4  }
0x6d: {  	v1 =	vmul.f32 v1, v0;
	_ =	sdelay $0x1  }
0x6e: {  	s29 =	sor.u32 $0x1C40, s0;
	[tilespmem:s28+$0x8000] =	vst v1  }
0x6f: {  	v1 =	vld [tilespmem:s29+$0x0];
	_ =	sdelay $0x4  }
0x70: {  	v1 =	vmul.f32 v1, v0;
	_ =	sdelay $0x1  }
0x71: {  	s30 =	sor.u32 $0x1C50, s0;
	[tilespmem:s29+$0x8000] =	vst v1  }
0x72: {  	v1 =	vld [tilespmem:s30+$0x0];
	_ =	sdelay $0x4  }
0x73: {  	v1 =	vmul.f32 v1, v0;
	_ =	sdelay $0x1  }
0x74: {  	s31 =	sor.u32 $0x1C60, s0;
	[tilespmem:s30+$0x8000] =	vst v1  }
0x75: {  	v1 =	vld [tilespmem:s31+$0x0];
	_ =	sdelay $0x4  }
0x76: {  	v1 =	vmul.f32 v1, v0;
	_ =	sdelay $0x1  }
0x77: {  	s0 =	sor.u32 $0x1C70, s0;
	[tilespmem:s31+$0x8000] =	vst v1  }
0x78: {  	v1 =	vld [tilespmem:s0+$0x0];
	_ =	sdelay $0x1  }
0x79: {  	p0 =	sne.s32 s26, $0x780  }
.Ltmp2:
0x7a: {  	_ = 	snop;
	(pc) =	sbr.rel @p0 .LBB2_2-.Ltmp2, $4  }
0x7b: {  	_ = 	snop  }
0x7c: {  	v0 =	vmul.f32 v1, v0  }
0x7d: {  	s24 =	sadd.s32 $0x1, s24;
	s23 =	sadd.s32 $0x400, s23  }
0x7e: {  	s22 =	sadd.s32 $0x10, s22;
	s26 =	sadd.s32 $0x80, s26;
	s25 =	sadd.s32 $0x400, s25;
	[tilespmem:s0+$0x8000] =	vst v0  }
0x7f: {  	s22 =	simm.s32 $0x0  }
0x80: {  	[hbm4b:s8+s22] =	stream.linear.scatter [tilespmem:s16], [sflag:$0x3], $0x4000, $0x38;
	[tilespmem:$0x12000] =	vst v63  }
0x81: {  	_ = 	snop  }
0x82: {  	[tilespmem:s22], [sflag:$0x1] =	stream.linear.gather [hbm4b:s9+s22], $0x4000, $0x38;
	[tilespmem:$0x12000] =	vst v63  }
0x83: {  	_ =	swait.ge [sflag:s17], $0x4000  }
0x84: {  	s23 =	simm.s32 $0x0;
	[sflag:s17] =	ssyncset.done $0x0  }
0x85: {  	s24 =	simm.s32 $0x0;
	s1 =	simm.s32 $0x0;
	[sflag:s17] =	ssyncadd.s32 $0xFFFFC000  }
.LBB2_4:
0x86: {  	s0 =	sand.u32 $0xF0, s1;
	s25 =	sand.u32 $0x2000, s23;
	s26 =	sand.u32 $0x380, s24  }
0x87: {  	v0 =	vld [tilespmem:s0+$0x10100];
	s25 =	sor.u32 s26, s25  }
0x88: {  	v1 =	vld [tilespmem:s25+$0x4000]  }
0x89: {  	v2 =	vld [tilespmem:s25+$0x4010]  }
0x8a: {  	v3 =	vld [tilespmem:s25+$0x4020]  }
0x8b: {  	v4 =	vld [tilespmem:s25+$0x4030]  }
0x8c: {  	v5 =	vld [tilespmem:s25+$0x4040]  }
0x8d: {  	v6 =	vld [tilespmem:s25+$0x4050];
	v1 =	vmul.f32 v1, v0  }
0x8e: {  	v7 =	vld [tilespmem:s25+$0x4060];
	v2 =	vmul.f32 v2, v0  }
0x8f: {  	v17 =	vld [tilespmem:s25+$0x4070];
	v16 =	vmul.f32 v3, v0;
	[tilespmem:s25+$0xC000] =	vst v1  }
0x90: {  	v19 =	vld [tilespmem:s25+$0x4400];
	v18 =	vmul.f32 v4, v0;
	[tilespmem:s25+$0xC010] =	vst v2  }
0x91: {  	v21 =	vld [tilespmem:s25+$0x4410];
	v20 =	vmul.f32 v5, v0;
	[tilespmem:s25+$0xC020] =	vst v16  }
0x92: {  	v23 =	vld [tilespmem:s25+$0x4420];
	v22 =	vmul.f32 v6, v0;
	[tilespmem:s25+$0xC030] =	vst v18  }
0x93: {  	v25 =	vld [tilespmem:s25+$0x4430];
	v24 =	vmul.f32 v7, v0;
	[tilespmem:s25+$0xC040] =	vst v20  }
0x94: {  	v27 =	vld [tilespmem:s25+$0x4440];
	v26 =	vmul.f32 v17, v0;
	[tilespmem:s25+$0xC050] =	vst v22  }
0x95: {  	v29 =	vld [tilespmem:s25+$0x4450];
	v28 =	vmul.f32 v19, v0;
	[tilespmem:s25+$0xC060] =	vst v24  }
0x96: {  	v31 =	vld [tilespmem:s25+$0x4460];
	v30 =	vmul.f32 v21, v0;
	[tilespmem:s25+$0xC070] =	vst v26  }
0x97: {  	v33 =	vld [tilespmem:s25+$0x4470];
	v32 =	vmul.f32 v23, v0;
	[tilespmem:s25+$0xC400] =	vst v28  }
0x98: {  	v35 =	vld [tilespmem:s25+$0x4800];
	v34 =	vmul.f32 v25, v0;
	[tilespmem:s25+$0xC410] =	vst v30  }
0x99: {  	v37 =	vld [tilespmem:s25+$0x4810];
	v36 =	vmul.f32 v27, v0;
	[tilespmem:s25+$0xC420] =	vst v32  }
0x9a: {  	v39 =	vld [tilespmem:s25+$0x4820];
	v38 =	vmul.f32 v29, v0;
	[tilespmem:s25+$0xC430] =	vst v34  }
0x9b: {  	v41 =	vld [tilespmem:s25+$0x4830];
	v40 =	vmul.f32 v31, v0;
	[tilespmem:s25+$0xC440] =	vst v36  }
0x9c: {  	v43 =	vld [tilespmem:s25+$0x4840];
	v42 =	vmul.f32 v33, v0;
	[tilespmem:s25+$0xC450] =	vst v38  }
0x9d: {  	v45 =	vld [tilespmem:s25+$0x4850];
	v44 =	vmul.f32 v35, v0;
	[tilespmem:s25+$0xC460] =	vst v40  }
0x9e: {  	v47 =	vld [tilespmem:s25+$0x4860];
	v46 =	vmul.f32 v37, v0;
	[tilespmem:s25+$0xC470] =	vst v42  }
0x9f: {  	v49 =	vld [tilespmem:s25+$0x4870];
	v48 =	vmul.f32 v39, v0;
	[tilespmem:s25+$0xC800] =	vst v44  }
0xa0: {  	v51 =	vld [tilespmem:s25+$0x4C00];
	v50 =	vmul.f32 v41, v0;
	[tilespmem:s25+$0xC810] =	vst v46  }
0xa1: {  	v53 =	vld [tilespmem:s25+$0x4C10];
	v52 =	vmul.f32 v43, v0;
	[tilespmem:s25+$0xC820] =	vst v48  }
0xa2: {  	v55 =	vld [tilespmem:s25+$0x4C20];
	v54 =	vmul.f32 v45, v0;
	[tilespmem:s25+$0xC830] =	vst v50  }
0xa3: {  	v57 =	vld [tilespmem:s25+$0x4C30];
	v56 =	vmul.f32 v47, v0;
	[tilespmem:s25+$0xC840] =	vst v52  }
0xa4: {  	v59 =	vld [tilespmem:s25+$0x4C40];
	v58 =	vmul.f32 v49, v0;
	[tilespmem:s25+$0xC850] =	vst v54  }
0xa5: {  	v61 =	vld [tilespmem:s25+$0x4C50];
	v60 =	vmul.f32 v51, v0;
	[tilespmem:s25+$0xC860] =	vst v56  }
0xa6: {  	v63 =	vld [tilespmem:s25+$0x4C60];
	v62 =	vmul.f32 v53, v0;
	[tilespmem:s25+$0xC870] =	vst v58  }
0xa7: {  	v10 =	vld [tilespmem:s25+$0x4C70];
	v9 =	vmul.f32 v55, v0;
	[tilespmem:s25+$0xCC00] =	vst v60  }
0xa8: {  	v12 =	vld [tilespmem:s25+$0x5000];
	v11 =	vmul.f32 v57, v0;
	[tilespmem:s25+$0xCC10] =	vst v62  }
0xa9: {  	v14 =	vld [tilespmem:s25+$0x5010];
	v13 =	vmul.f32 v59, v0;
	[tilespmem:s25+$0xCC20] =	vst v9  }
0xaa: {  	v15 =	vmul.f32 v61, v0;
	[tilespmem:s25+$0xCC30] =	vst v11;
	v16 =	vld [tilespmem:s25+$0x5020]  }
0xab: {  	v17 =	vmul.f32 v63, v0;
	[tilespmem:s25+$0xCC40] =	vst v13;
	v18 =	vld [tilespmem:s25+$0x5030]  }
0xac: {  	v19 =	vmul.f32 v10, v0;
	[tilespmem:s25+$0xCC50] =	vst v15;
	v20 =	vld [tilespmem:s25+$0x5040]  }
0xad: {  	v21 =	vmul.f32 v12, v0;
	[tilespmem:s25+$0xCC60] =	vst v17;
	v22 =	vld [tilespmem:s25+$0x5050]  }
0xae: {  	v23 =	vmul.f32 v14, v0;
	[tilespmem:s25+$0xCC70] =	vst v19;
	v24 =	vld [tilespmem:s25+$0x5060]  }
0xaf: {  	[tilespmem:s25+$0xD000] =	vst v21;
	v26 =	vld [tilespmem:s25+$0x5070];
	v25 =	vmul.f32 v16, v0  }
0xb0: {  	[tilespmem:s25+$0xD010] =	vst v23;
	v28 =	vld [tilespmem:s25+$0x5400];
	v27 =	vmul.f32 v18, v0  }
0xb1: {  	v30 =	vld [tilespmem:s25+$0x5410];
	v29 =	vmul.f32 v20, v0;
	[tilespmem:s25+$0xD020] =	vst v25  }
0xb2: {  	v32 =	vld [tilespmem:s25+$0x5420];
	v31 =	vmul.f32 v22, v0;
	[tilespmem:s25+$0xD030] =	vst v27  }
0xb3: {  	v34 =	vld [tilespmem:s25+$0x5430];
	v33 =	vmul.f32 v24, v0;
	[tilespmem:s25+$0xD040] =	vst v29  }
0xb4: {  	v36 =	vld [tilespmem:s25+$0x5440];
	v35 =	vmul.f32 v26, v0;
	[tilespmem:s25+$0xD050] =	vst v31  }
0xb5: {  	v38 =	vld [tilespmem:s25+$0x5450];
	v37 =	vmul.f32 v28, v0;
	[tilespmem:s25+$0xD060] =	vst v33  }
0xb6: {  	v40 =	vld [tilespmem:s25+$0x5460];
	v39 =	vmul.f32 v30, v0;
	[tilespmem:s25+$0xD070] =	vst v35  }
0xb7: {  	v42 =	vld [tilespmem:s25+$0x5470];
	v41 =	vmul.f32 v32, v0;
	[tilespmem:s25+$0xD400] =	vst v37  }
0xb8: {  	v44 =	vld [tilespmem:s25+$0x5800];
	v43 =	vmul.f32 v34, v0;
	[tilespmem:s25+$0xD410] =	vst v39  }
0xb9: {  	v46 =	vld [tilespmem:s25+$0x5810];
	v45 =	vmul.f32 v36, v0;
	[tilespmem:s25+$0xD420] =	vst v41  }
0xba: {  	v48 =	vld [tilespmem:s25+$0x5820];
	v47 =	vmul.f32 v38, v0;
	[tilespmem:s25+$0xD430] =	vst v43  }
0xbb: {  	v50 =	vld [tilespmem:s25+$0x5830];
	v49 =	vmul.f32 v40, v0;
	[tilespmem:s25+$0xD440] =	vst v45  }
0xbc: {  	v52 =	vld [tilespmem:s25+$0x5840];
	v51 =	vmul.f32 v42, v0;
	[tilespmem:s25+$0xD450] =	vst v47  }
0xbd: {  	v54 =	vld [tilespmem:s25+$0x5850];
	v53 =	vmul.f32 v44, v0;
	[tilespmem:s25+$0xD460] =	vst v49  }
0xbe: {  	v56 =	vld [tilespmem:s25+$0x5860];
	v55 =	vmul.f32 v46, v0;
	[tilespmem:s25+$0xD470] =	vst v51  }
0xbf: {  	v58 =	vld [tilespmem:s25+$0x5870];
	v57 =	vmul.f32 v48, v0;
	[tilespmem:s25+$0xD800] =	vst v53  }
0xc0: {  	v59 =	vmul.f32 v50, v0;
	[tilespmem:s25+$0xD810] =	vst v55  }
0xc1: {  	v60 =	vmul.f32 v52, v0;
	[tilespmem:s25+$0xD820] =	vst v57  }
0xc2: {  	v61 =	vmul.f32 v54, v0;
	[tilespmem:s25+$0xD830] =	vst v59  }
0xc3: {  	s30 =	sand.u32 $0x7, s22;
	v62 =	vmul.f32 v56, v0;
	[tilespmem:s25+$0xD840] =	vst v60  }
0xc4: {  	s0 =	sshll.u32 s30, $0x7;
	v63 =	vmul.f32 v58, v0;
	[tilespmem:s25+$0xD850] =	vst v61  }
0xc5: {  	s0 =	sadd.s32 s0, s23;
	[tilespmem:s25+$0xD860] =	vst v62  }
0xc6: {  	s31 =	sor.u32 $0x1C00, s0;
	[tilespmem:s25+$0xD870] =	vst v63  }
0xc7: {  	v1 =	vld [tilespmem:s31+$0x4000];
	_ =	sdelay $0x4  }
0xc8: {  	v1 =	vmul.f32 v1, v0;
	_ =	sdelay $0x1  }
0xc9: {  	s5 =	sor.u32 $0x1C10, s0;
	[tilespmem:s31+$0xC000] =	vst v1  }
0xca: {  	v1 =	vld [tilespmem:s5+$0x4000];
	_ =	sdelay $0x4  }
0xcb: {  	v1 =	vmul.f32 v1, v0;
	_ =	sdelay $0x1  }
0xcc: {  	s26 =	sor.u32 $0x1C20, s0;
	[tilespmem:s5+$0xC000] =	vst v1  }
0xcd: {  	v1 =	vld [tilespmem:s26+$0x4000];
	_ =	sdelay $0x4  }
0xce: {  	v1 =	vmul.f32 v1, v0;
	_ =	sdelay $0x1  }
0xcf: {  	s28 =	sor.u32 $0x1C30, s0;
	[tilespmem:s26+$0xC000] =	vst v1  }
0xd0: {  	v1 =	vld [tilespmem:s28+$0x4000];
	_ =	sdelay $0x4  }
0xd1: {  	v1 =	vmul.f32 v1, v0;
	_ =	sdelay $0x1  }
0xd2: {  	s29 =	sor.u32 $0x1C40, s0;
	[tilespmem:s28+$0xC000] =	vst v1  }
0xd3: {  	v1 =	vld [tilespmem:s29+$0x4000];
	_ =	sdelay $0x4  }
0xd4: {  	v1 =	vmul.f32 v1, v0;
	_ =	sdelay $0x1  }
0xd5: {  	s30 =	sor.u32 $0x1C50, s0;
	[tilespmem:s29+$0xC000] =	vst v1  }
0xd6: {  	v1 =	vld [tilespmem:s30+$0x4000];
	_ =	sdelay $0x4  }
0xd7: {  	v1 =	vmul.f32 v1, v0;
	_ =	sdelay $0x1  }
0xd8: {  	s31 =	sor.u32 $0x1C60, s0;
	[tilespmem:s30+$0xC000] =	vst v1  }
0xd9: {  	v1 =	vld [tilespmem:s31+$0x4000];
	_ =	sdelay $0x4  }
0xda: {  	v1 =	vmul.f32 v1, v0;
	_ =	sdelay $0x1  }
0xdb: {  	s0 =	sor.u32 $0x1C70, s0;
	[tilespmem:s31+$0xC000] =	vst v1  }
0xdc: {  	v1 =	vld [tilespmem:s0+$0x4000];
	_ =	sdelay $0x1  }
0xdd: {  	p0 =	sne.s32 s1, $0xF0  }
.Ltmp3:
0xde: {  	_ = 	snop;
	(pc) =	sbr.rel @p0 .LBB2_4-.Ltmp3, $4  }
0xdf: {  	_ = 	snop  }
0xe0: {  	v0 =	vmul.f32 v1, v0  }
0xe1: {  	s24 =	sadd.s32 $0x80, s24  }
0xe2: {  	s22 =	sadd.s32 $0x1, s22;
	s1 =	sadd.s32 $0x10, s1;
	s23 =	sadd.s32 $0x400, s23;
	[tilespmem:s0+$0xC000] =	vst v0  }
0xe3: {  	[hbm4b:s10+s3] =	stream.linear.scatter [tilespmem:s18], [sflag:$0x4], $0x4000, $0x38;
	[tilespmem:$0x12000] =	vst v63  }
0xe4: {  	s22 =	simm.s32 $0x1;
	s23 =	simm.s32 $0x10200;
	s24 =	simm.s32 $0x10300  }
0xe5: {  	[tilespmem:s14], [sflag:$0x2] =	stream.linear.gather [hbm4b:s11+s3], $0x4000, $0x38;
	[tilespmem:$0x12000] =	vst v63  }
.LBB2_6:
0xe6: {  	_ =	swait.ge [sflag:s15], $0x4000  }
0xe7: {  	[sflag:s15] =	ssyncset.done $0x0  }
0xe8: {  	[sflag:s15] =	ssyncadd.s32 $0xFFFFC000  }
0xe9: {  	s26 =	sshll.u32 s22, $0x5;
	s25 =	simm.s32 $0x0;
	_ =	swait.ge [sflag:s19], $0x4000  }
0xea: {  	s28 =	simm.s32 $0xFFFFC000;
	s29 =	smov.u32 s23;
	[sflag:s19] =	ssyncset.done $0x0  }
0xeb: {  	s30 =	simm.s32 $0x0;
	s31 =	simm.s32 $0x0;
	[sflag:s19] =	ssyncadd.s32 $0xFFFFC000  }
.LBB2_7:
0xec: {  	s0 =	sadd.s32 $0x4000, s28  }
0xed: {  	s1 =	sand.u32 $0x380, s31;
	s0 =	sand.u32 $0x2000, s0  }
0xee: {  	v0 =	vld [tilespmem:s29+$0x0];
	s1 =	sor.u32 s1, s0  }
0xef: {  	v1 =	vld [tilespmem:s1+$0x0]  }
0xf0: {  	v2 =	vld [tilespmem:s1+$0x10]  }
0xf1: {  	v3 =	vld [tilespmem:s1+$0x20]  }
0xf2: {  	v4 =	vld [tilespmem:s1+$0x30]  }
0xf3: {  	v5 =	vld [tilespmem:s1+$0x40]  }
0xf4: {  	v6 =	vld [tilespmem:s1+$0x50];
	v1 =	vmul.f32 v1, v0  }
0xf5: {  	v7 =	vld [tilespmem:s1+$0x60];
	v2 =	vmul.f32 v2, v0  }
0xf6: {  	v17 =	vld [tilespmem:s1+$0x70];
	v16 =	vmul.f32 v3, v0;
	[tilespmem:s1+$0x8000] =	vst v1  }
0xf7: {  	v19 =	vld [tilespmem:s1+$0x400];
	v18 =	vmul.f32 v4, v0;
	[tilespmem:s1+$0x8010] =	vst v2  }
0xf8: {  	v21 =	vld [tilespmem:s1+$0x410];
	v20 =	vmul.f32 v5, v0;
	[tilespmem:s1+$0x8020] =	vst v16  }
0xf9: {  	v23 =	vld [tilespmem:s1+$0x420];
	v22 =	vmul.f32 v6, v0;
	[tilespmem:s1+$0x8030] =	vst v18  }
0xfa: {  	v25 =	vld [tilespmem:s1+$0x430];
	v24 =	vmul.f32 v7, v0;
	[tilespmem:s1+$0x8040] =	vst v20  }
0xfb: {  	v27 =	vld [tilespmem:s1+$0x440];
	v26 =	vmul.f32 v17, v0;
	[tilespmem:s1+$0x8050] =	vst v22  }
0xfc: {  	v29 =	vld [tilespmem:s1+$0x450];
	v28 =	vmul.f32 v19, v0;
	[tilespmem:s1+$0x8060] =	vst v24  }
0xfd: {  	v31 =	vld [tilespmem:s1+$0x460];
	v30 =	vmul.f32 v21, v0;
	[tilespmem:s1+$0x8070] =	vst v26  }
0xfe: {  	v33 =	vld [tilespmem:s1+$0x470];
	v32 =	vmul.f32 v23, v0;
	[tilespmem:s1+$0x8400] =	vst v28  }
0xff: {  	v35 =	vld [tilespmem:s1+$0x800];
	v34 =	vmul.f32 v25, v0;
	[tilespmem:s1+$0x8410] =	vst v30  }
0x100: {  	v37 =	vld [tilespmem:s1+$0x810];
	v36 =	vmul.f32 v27, v0;
	[tilespmem:s1+$0x8420] =	vst v32  }
0x101: {  	v39 =	vld [tilespmem:s1+$0x820];
	v38 =	vmul.f32 v29, v0;
	[tilespmem:s1+$0x8430] =	vst v34  }
0x102: {  	v41 =	vld [tilespmem:s1+$0x830];
	v40 =	vmul.f32 v31, v0;
	[tilespmem:s1+$0x8440] =	vst v36  }
0x103: {  	v43 =	vld [tilespmem:s1+$0x840];
	v42 =	vmul.f32 v33, v0;
	[tilespmem:s1+$0x8450] =	vst v38  }
0x104: {  	v45 =	vld [tilespmem:s1+$0x850];
	v44 =	vmul.f32 v35, v0;
	[tilespmem:s1+$0x8460] =	vst v40  }
0x105: {  	v47 =	vld [tilespmem:s1+$0x860];
	v46 =	vmul.f32 v37, v0;
	[tilespmem:s1+$0x8470] =	vst v42  }
0x106: {  	v49 =	vld [tilespmem:s1+$0x870];
	v48 =	vmul.f32 v39, v0;
	[tilespmem:s1+$0x8800] =	vst v44  }
0x107: {  	v51 =	vld [tilespmem:s1+$0xC00];
	v50 =	vmul.f32 v41, v0;
	[tilespmem:s1+$0x8810] =	vst v46  }
0x108: {  	v53 =	vld [tilespmem:s1+$0xC10];
	v52 =	vmul.f32 v43, v0;
	[tilespmem:s1+$0x8820] =	vst v48  }
0x109: {  	v55 =	vld [tilespmem:s1+$0xC20];
	v54 =	vmul.f32 v45, v0;
	[tilespmem:s1+$0x8830] =	vst v50  }
0x10a: {  	v57 =	vld [tilespmem:s1+$0xC30];
	v56 =	vmul.f32 v47, v0;
	[tilespmem:s1+$0x8840] =	vst v52  }
0x10b: {  	v59 =	vld [tilespmem:s1+$0xC40];
	v58 =	vmul.f32 v49, v0;
	[tilespmem:s1+$0x8850] =	vst v54  }
0x10c: {  	v61 =	vld [tilespmem:s1+$0xC50];
	v60 =	vmul.f32 v51, v0;
	[tilespmem:s1+$0x8860] =	vst v56  }
0x10d: {  	v63 =	vld [tilespmem:s1+$0xC60];
	v62 =	vmul.f32 v53, v0;
	[tilespmem:s1+$0x8870] =	vst v58  }
0x10e: {  	v10 =	vld [tilespmem:s1+$0xC70];
	v9 =	vmul.f32 v55, v0;
	[tilespmem:s1+$0x8C00] =	vst v60  }
0x10f: {  	v12 =	vld [tilespmem:s1+$0x1000];
	v11 =	vmul.f32 v57, v0;
	[tilespmem:s1+$0x8C10] =	vst v62  }
0x110: {  	v14 =	vld [tilespmem:s1+$0x1010];
	v13 =	vmul.f32 v59, v0;
	[tilespmem:s1+$0x8C20] =	vst v9  }
0x111: {  	v15 =	vmul.f32 v61, v0;
	[tilespmem:s1+$0x8C30] =	vst v11;
	v16 =	vld [tilespmem:s1+$0x1020]  }
0x112: {  	v17 =	vmul.f32 v63, v0;
	[tilespmem:s1+$0x8C40] =	vst v13;
	v18 =	vld [tilespmem:s1+$0x1030]  }
0x113: {  	v19 =	vmul.f32 v10, v0;
	[tilespmem:s1+$0x8C50] =	vst v15;
	v20 =	vld [tilespmem:s1+$0x1040]  }
0x114: {  	v21 =	vmul.f32 v12, v0;
	[tilespmem:s1+$0x8C60] =	vst v17;
	v22 =	vld [tilespmem:s1+$0x1050]  }
0x115: {  	v23 =	vmul.f32 v14, v0;
	[tilespmem:s1+$0x8C70] =	vst v19;
	v24 =	vld [tilespmem:s1+$0x1060]  }
0x116: {  	[tilespmem:s1+$0x9000] =	vst v21;
	v26 =	vld [tilespmem:s1+$0x1070];
	v25 =	vmul.f32 v16, v0  }
0x117: {  	[tilespmem:s1+$0x9010] =	vst v23;
	v28 =	vld [tilespmem:s1+$0x1400];
	v27 =	vmul.f32 v18, v0  }
0x118: {  	v30 =	vld [tilespmem:s1+$0x1410];
	v29 =	vmul.f32 v20, v0;
	[tilespmem:s1+$0x9020] =	vst v25  }
0x119: {  	v32 =	vld [tilespmem:s1+$0x1420];
	v31 =	vmul.f32 v22, v0;
	[tilespmem:s1+$0x9030] =	vst v27  }
0x11a: {  	v34 =	vld [tilespmem:s1+$0x1430];
	v33 =	vmul.f32 v24, v0;
	[tilespmem:s1+$0x9040] =	vst v29  }
0x11b: {  	v36 =	vld [tilespmem:s1+$0x1440];
	v35 =	vmul.f32 v26, v0;
	[tilespmem:s1+$0x9050] =	vst v31  }
0x11c: {  	v38 =	vld [tilespmem:s1+$0x1450];
	v37 =	vmul.f32 v28, v0;
	[tilespmem:s1+$0x9060] =	vst v33  }
0x11d: {  	v40 =	vld [tilespmem:s1+$0x1460];
	v39 =	vmul.f32 v30, v0;
	[tilespmem:s1+$0x9070] =	vst v35  }
0x11e: {  	v42 =	vld [tilespmem:s1+$0x1470];
	v41 =	vmul.f32 v32, v0;
	[tilespmem:s1+$0x9400] =	vst v37  }
0x11f: {  	v44 =	vld [tilespmem:s1+$0x1800];
	v43 =	vmul.f32 v34, v0;
	[tilespmem:s1+$0x9410] =	vst v39  }
0x120: {  	v46 =	vld [tilespmem:s1+$0x1810];
	v45 =	vmul.f32 v36, v0;
	[tilespmem:s1+$0x9420] =	vst v41  }
0x121: {  	v48 =	vld [tilespmem:s1+$0x1820];
	v47 =	vmul.f32 v38, v0;
	[tilespmem:s1+$0x9430] =	vst v43  }
0x122: {  	v50 =	vld [tilespmem:s1+$0x1830];
	v49 =	vmul.f32 v40, v0;
	[tilespmem:s1+$0x9440] =	vst v45  }
0x123: {  	v52 =	vld [tilespmem:s1+$0x1840];
	v51 =	vmul.f32 v42, v0;
	[tilespmem:s1+$0x9450] =	vst v47  }
0x124: {  	v54 =	vld [tilespmem:s1+$0x1850];
	v53 =	vmul.f32 v44, v0;
	[tilespmem:s1+$0x9460] =	vst v49  }
0x125: {  	v56 =	vld [tilespmem:s1+$0x1860];
	v55 =	vmul.f32 v46, v0;
	[tilespmem:s1+$0x9470] =	vst v51  }
0x126: {  	v58 =	vld [tilespmem:s1+$0x1870];
	v57 =	vmul.f32 v48, v0;
	[tilespmem:s1+$0x9800] =	vst v53  }
0x127: {  	v59 =	vmul.f32 v50, v0;
	[tilespmem:s1+$0x9810] =	vst v55  }
0x128: {  	v60 =	vmul.f32 v52, v0;
	[tilespmem:s1+$0x9820] =	vst v57  }
0x129: {  	v61 =	vmul.f32 v54, v0;
	[tilespmem:s1+$0x9830] =	vst v59  }
0x12a: {  	s5 =	sand.u32 $0x7, s25;
	v62 =	vmul.f32 v56, v0;
	[tilespmem:s1+$0x9840] =	vst v60  }
0x12b: {  	s0 =	sshll.u32 s5, $0x7;
	v63 =	vmul.f32 v58, v0;
	[tilespmem:s1+$0x9850] =	vst v61  }
0x12c: {  	s0 =	sadd.s32 s0, s30;
	[tilespmem:s1+$0x9860] =	vst v62  }
0x12d: {  	s5 =	sor.u32 $0x1C00, s0;
	[tilespmem:s1+$0x9870] =	vst v63  }
0x12e: {  	v1 =	vld [tilespmem:s5+$0x0];
	_ =	sdelay $0x4  }
0x12f: {  	v1 =	vmul.f32 v1, v0;
	_ =	sdelay $0x1  }
0x130: {  	[tilespmem:s5+$0x8000] =	vst v1;
	s5 =	sor.u32 $0x1C10, s0  }
0x131: {  	v1 =	vld [tilespmem:s5+$0x0];
	_ =	sdelay $0x4  }
0x132: {  	v1 =	vmul.f32 v1, v0;
	_ =	sdelay $0x1  }
0x133: {  	[tilespmem:s5+$0x8000] =	vst v1;
	s5 =	sor.u32 $0x1C20, s0  }
0x134: {  	v1 =	vld [tilespmem:s5+$0x0];
	_ =	sdelay $0x4  }
0x135: {  	v1 =	vmul.f32 v1, v0;
	_ =	sdelay $0x1  }
0x136: {  	[tilespmem:s5+$0x8000] =	vst v1;
	s5 =	sor.u32 $0x1C30, s0  }
0x137: {  	v1 =	vld [tilespmem:s5+$0x0];
	_ =	sdelay $0x4  }
0x138: {  	v1 =	vmul.f32 v1, v0;
	_ =	sdelay $0x1  }
0x139: {  	[tilespmem:s5+$0x8000] =	vst v1;
	s5 =	sor.u32 $0x1C40, s0  }
0x13a: {  	v1 =	vld [tilespmem:s5+$0x0];
	_ =	sdelay $0x4  }
0x13b: {  	v1 =	vmul.f32 v1, v0;
	_ =	sdelay $0x1  }
0x13c: {  	[tilespmem:s5+$0x8000] =	vst v1;
	s5 =	sor.u32 $0x1C50, s0  }
0x13d: {  	v1 =	vld [tilespmem:s5+$0x0];
	_ =	sdelay $0x4  }
0x13e: {  	v1 =	vmul.f32 v1, v0;
	_ =	sdelay $0x1  }
0x13f: {  	[tilespmem:s5+$0x8000] =	vst v1;
	s5 =	sor.u32 $0x1C60, s0  }
0x140: {  	v1 =	vld [tilespmem:s5+$0x0];
	_ =	sdelay $0x4  }
0x141: {  	v1 =	vmul.f32 v1, v0;
	_ =	sdelay $0x1  }
0x142: {  	s0 =	sor.u32 $0x1C70, s0;
	[tilespmem:s5+$0x8000] =	vst v1  }
0x143: {  	v1 =	vld [tilespmem:s0+$0x0];
	_ =	sdelay $0x1  }
0x144: {  	p0 =	sne.s32 s31, $0x780  }
.Ltmp4:
0x145: {  	_ = 	snop;
	(pc) =	sbr.rel @p0 .LBB2_7-.Ltmp4, $4  }
0x146: {  	_ = 	snop  }
0x147: {  	v0 =	vmul.f32 v1, v0  }
0x148: {  	s25 =	sadd.s32 $0x1, s25;
	s28 =	sadd.s32 $0x400, s28  }
0x149: {  	s29 =	sadd.s32 $0x10, s29;
	s31 =	sadd.s32 $0x80, s31;
	s30 =	sadd.s32 $0x400, s30;
	[tilespmem:s0+$0x8000] =	vst v0  }
0x14a: {  	s0 =	sadd.s32 s4, s26  }
0x14b: {  	s0 =	sshll.u32 s0, $0x7  }
0x14c: {  	s25 =	sshll.u32 s22, $0xC;
	p0 =	seq.s32 s22, $0xF;
	s0 =	sadd.s32 s2, s0  }
0x14d: {  	[hbm4b:s0+s3] =	stream.linear.scatter [tilespmem:s16], [sflag:$0x3], $0x4000, $0x38;
	[tilespmem:$0x12000] =	vst v63  }
0x14e: {  	s1 =	simm.s32 @!p0 $0x0;
	s0 =	sadd.s32 @!p0 s25, s9  }
0x14f: {  	[tilespmem:s1], [sflag:$0x1] =	stream.linear.gather @!p0 [hbm4b:s0+s1], $0x4000, $0x38;
	[tilespmem:$0x12000] =	vst v63  }
0x150: {  	_ =	swait.ge [sflag:s17], $0x4000  }
0x151: {  	[sflag:s17] =	ssyncset.done $0x0  }
0x152: {  	[sflag:s17] =	ssyncadd.s32 $0xFFFFC000  }
0x153: {  	s26 =	sor.u32 $0x10, s26;
	s28 =	simm.s32 $0x0;
	_ =	swait.ge [sflag:s20], $0x4000  }
0x154: {  	s29 =	simm.s32 $0xFFFFC000;
	s30 =	smov.u32 s24;
	[sflag:s20] =	ssyncset.done $0x0  }
0x155: {  	s31 =	simm.s32 $0x0;
	s1 =	simm.s32 $0x0;
	[sflag:s20] =	ssyncadd.s32 $0xFFFFC000  }
.LBB2_9:
0x156: {  	s0 =	sadd.s32 $0x4000, s29  }
0x157: {  	s5 =	sand.u32 $0x380, s1;
	s0 =	sand.u32 $0x2000, s0  }
0x158: {  	v0 =	vld [tilespmem:s30+$0x0];
	s0 =	sor.u32 s5, s0  }
0x159: {  	v1 =	vld [tilespmem:s0+$0x4000]  }
0x15a: {  	v2 =	vld [tilespmem:s0+$0x4010]  }
0x15b: {  	v3 =	vld [tilespmem:s0+$0x4020]  }
0x15c: {  	v4 =	vld [tilespmem:s0+$0x4030]  }
0x15d: {  	v5 =	vld [tilespmem:s0+$0x4040]  }
0x15e: {  	v6 =	vld [tilespmem:s0+$0x4050];
	v1 =	vmul.f32 v1, v0  }
0x15f: {  	v7 =	vld [tilespmem:s0+$0x4060];
	v2 =	vmul.f32 v2, v0  }
0x160: {  	v17 =	vld [tilespmem:s0+$0x4070];
	v16 =	vmul.f32 v3, v0;
	[tilespmem:s0+$0xC000] =	vst v1  }
0x161: {  	v19 =	vld [tilespmem:s0+$0x4400];
	v18 =	vmul.f32 v4, v0;
	[tilespmem:s0+$0xC010] =	vst v2  }
0x162: {  	v21 =	vld [tilespmem:s0+$0x4410];
	v20 =	vmul.f32 v5, v0;
	[tilespmem:s0+$0xC020] =	vst v16  }
0x163: {  	v23 =	vld [tilespmem:s0+$0x4420];
	v22 =	vmul.f32 v6, v0;
	[tilespmem:s0+$0xC030] =	vst v18  }
0x164: {  	v25 =	vld [tilespmem:s0+$0x4430];
	v24 =	vmul.f32 v7, v0;
	[tilespmem:s0+$0xC040] =	vst v20  }
0x165: {  	v27 =	vld [tilespmem:s0+$0x4440];
	v26 =	vmul.f32 v17, v0;
	[tilespmem:s0+$0xC050] =	vst v22  }
0x166: {  	v29 =	vld [tilespmem:s0+$0x4450];
	v28 =	vmul.f32 v19, v0;
	[tilespmem:s0+$0xC060] =	vst v24  }
0x167: {  	v31 =	vld [tilespmem:s0+$0x4460];
	v30 =	vmul.f32 v21, v0;
	[tilespmem:s0+$0xC070] =	vst v26  }
0x168: {  	v33 =	vld [tilespmem:s0+$0x4470];
	v32 =	vmul.f32 v23, v0;
	[tilespmem:s0+$0xC400] =	vst v28  }
0x169: {  	v35 =	vld [tilespmem:s0+$0x4800];
	v34 =	vmul.f32 v25, v0;
	[tilespmem:s0+$0xC410] =	vst v30  }
0x16a: {  	v37 =	vld [tilespmem:s0+$0x4810];
	v36 =	vmul.f32 v27, v0;
	[tilespmem:s0+$0xC420] =	vst v32  }
0x16b: {  	v39 =	vld [tilespmem:s0+$0x4820];
	v38 =	vmul.f32 v29, v0;
	[tilespmem:s0+$0xC430] =	vst v34  }
0x16c: {  	v41 =	vld [tilespmem:s0+$0x4830];
	v40 =	vmul.f32 v31, v0;
	[tilespmem:s0+$0xC440] =	vst v36  }
0x16d: {  	v43 =	vld [tilespmem:s0+$0x4840];
	v42 =	vmul.f32 v33, v0;
	[tilespmem:s0+$0xC450] =	vst v38  }
0x16e: {  	v45 =	vld [tilespmem:s0+$0x4850];
	v44 =	vmul.f32 v35, v0;
	[tilespmem:s0+$0xC460] =	vst v40  }
0x16f: {  	v47 =	vld [tilespmem:s0+$0x4860];
	v46 =	vmul.f32 v37, v0;
	[tilespmem:s0+$0xC470] =	vst v42  }
0x170: {  	v49 =	vld [tilespmem:s0+$0x4870];
	v48 =	vmul.f32 v39, v0;
	[tilespmem:s0+$0xC800] =	vst v44  }
0x171: {  	v51 =	vld [tilespmem:s0+$0x4C00];
	v50 =	vmul.f32 v41, v0;
	[tilespmem:s0+$0xC810] =	vst v46  }
0x172: {  	v53 =	vld [tilespmem:s0+$0x4C10];
	v52 =	vmul.f32 v43, v0;
	[tilespmem:s0+$0xC820] =	vst v48  }
0x173: {  	v55 =	vld [tilespmem:s0+$0x4C20];
	v54 =	vmul.f32 v45, v0;
	[tilespmem:s0+$0xC830] =	vst v50  }
0x174: {  	v57 =	vld [tilespmem:s0+$0x4C30];
	v56 =	vmul.f32 v47, v0;
	[tilespmem:s0+$0xC840] =	vst v52  }
0x175: {  	v59 =	vld [tilespmem:s0+$0x4C40];
	v58 =	vmul.f32 v49, v0;
	[tilespmem:s0+$0xC850] =	vst v54  }
0x176: {  	v61 =	vld [tilespmem:s0+$0x4C50];
	v60 =	vmul.f32 v51, v0;
	[tilespmem:s0+$0xC860] =	vst v56  }
0x177: {  	v63 =	vld [tilespmem:s0+$0x4C60];
	v62 =	vmul.f32 v53, v0;
	[tilespmem:s0+$0xC870] =	vst v58  }
0x178: {  	v10 =	vld [tilespmem:s0+$0x4C70];
	v9 =	vmul.f32 v55, v0;
	[tilespmem:s0+$0xCC00] =	vst v60  }
0x179: {  	v12 =	vld [tilespmem:s0+$0x5000];
	v11 =	vmul.f32 v57, v0;
	[tilespmem:s0+$0xCC10] =	vst v62  }
0x17a: {  	v14 =	vld [tilespmem:s0+$0x5010];
	v13 =	vmul.f32 v59, v0;
	[tilespmem:s0+$0xCC20] =	vst v9  }
0x17b: {  	v15 =	vmul.f32 v61, v0;
	[tilespmem:s0+$0xCC30] =	vst v11;
	v16 =	vld [tilespmem:s0+$0x5020]  }
0x17c: {  	v17 =	vmul.f32 v63, v0;
	[tilespmem:s0+$0xCC40] =	vst v13;
	v18 =	vld [tilespmem:s0+$0x5030]  }
0x17d: {  	v19 =	vmul.f32 v10, v0;
	[tilespmem:s0+$0xCC50] =	vst v15;
	v20 =	vld [tilespmem:s0+$0x5040]  }
0x17e: {  	v21 =	vmul.f32 v12, v0;
	[tilespmem:s0+$0xCC60] =	vst v17;
	v22 =	vld [tilespmem:s0+$0x5050]  }
0x17f: {  	v23 =	vmul.f32 v14, v0;
	[tilespmem:s0+$0xCC70] =	vst v19;
	v24 =	vld [tilespmem:s0+$0x5060]  }
0x180: {  	[tilespmem:s0+$0xD000] =	vst v21;
	v26 =	vld [tilespmem:s0+$0x5070];
	v25 =	vmul.f32 v16, v0  }
0x181: {  	[tilespmem:s0+$0xD010] =	vst v23;
	v28 =	vld [tilespmem:s0+$0x5400];
	v27 =	vmul.f32 v18, v0  }
0x182: {  	v30 =	vld [tilespmem:s0+$0x5410];
	v29 =	vmul.f32 v20, v0;
	[tilespmem:s0+$0xD020] =	vst v25  }
0x183: {  	v32 =	vld [tilespmem:s0+$0x5420];
	v31 =	vmul.f32 v22, v0;
	[tilespmem:s0+$0xD030] =	vst v27  }
0x184: {  	v34 =	vld [tilespmem:s0+$0x5430];
	v33 =	vmul.f32 v24, v0;
	[tilespmem:s0+$0xD040] =	vst v29  }
0x185: {  	v36 =	vld [tilespmem:s0+$0x5440];
	v35 =	vmul.f32 v26, v0;
	[tilespmem:s0+$0xD050] =	vst v31  }
0x186: {  	v38 =	vld [tilespmem:s0+$0x5450];
	v37 =	vmul.f32 v28, v0;
	[tilespmem:s0+$0xD060] =	vst v33  }
0x187: {  	v40 =	vld [tilespmem:s0+$0x5460];
	v39 =	vmul.f32 v30, v0;
	[tilespmem:s0+$0xD070] =	vst v35  }
0x188: {  	v42 =	vld [tilespmem:s0+$0x5470];
	v41 =	vmul.f32 v32, v0;
	[tilespmem:s0+$0xD400] =	vst v37  }
0x189: {  	v44 =	vld [tilespmem:s0+$0x5800];
	v43 =	vmul.f32 v34, v0;
	[tilespmem:s0+$0xD410] =	vst v39  }
0x18a: {  	v46 =	vld [tilespmem:s0+$0x5810];
	v45 =	vmul.f32 v36, v0;
	[tilespmem:s0+$0xD420] =	vst v41  }
0x18b: {  	v48 =	vld [tilespmem:s0+$0x5820];
	v47 =	vmul.f32 v38, v0;
	[tilespmem:s0+$0xD430] =	vst v43  }
0x18c: {  	v50 =	vld [tilespmem:s0+$0x5830];
	v49 =	vmul.f32 v40, v0;
	[tilespmem:s0+$0xD440] =	vst v45  }
0x18d: {  	v52 =	vld [tilespmem:s0+$0x5840];
	v51 =	vmul.f32 v42, v0;
	[tilespmem:s0+$0xD450] =	vst v47  }
0x18e: {  	v54 =	vld [tilespmem:s0+$0x5850];
	v53 =	vmul.f32 v44, v0;
	[tilespmem:s0+$0xD460] =	vst v49  }
0x18f: {  	v56 =	vld [tilespmem:s0+$0x5860];
	v55 =	vmul.f32 v46, v0;
	[tilespmem:s0+$0xD470] =	vst v51  }
0x190: {  	v58 =	vld [tilespmem:s0+$0x5870];
	v57 =	vmul.f32 v48, v0;
	[tilespmem:s0+$0xD800] =	vst v53  }
0x191: {  	v59 =	vmul.f32 v50, v0;
	[tilespmem:s0+$0xD810] =	vst v55  }
0x192: {  	v60 =	vmul.f32 v52, v0;
	[tilespmem:s0+$0xD820] =	vst v57  }
0x193: {  	v61 =	vmul.f32 v54, v0;
	[tilespmem:s0+$0xD830] =	vst v59  }
0x194: {  	s5 =	sand.u32 $0x7, s28;
	v62 =	vmul.f32 v56, v0;
	[tilespmem:s0+$0xD840] =	vst v60  }
0x195: {  	s5 =	sshll.u32 s5, $0x7;
	v63 =	vmul.f32 v58, v0;
	[tilespmem:s0+$0xD850] =	vst v61  }
0x196: {  	s5 =	sadd.s32 s5, s31;
	[tilespmem:s0+$0xD860] =	vst v62  }
0x197: {  	[tilespmem:s0+$0xD870] =	vst v63;
	s0 =	sor.u32 $0x1C00, s5  }
0x198: {  	v1 =	vld [tilespmem:s0+$0x4000];
	_ =	sdelay $0x4  }
0x199: {  	v1 =	vmul.f32 v1, v0;
	_ =	sdelay $0x1  }
0x19a: {  	[tilespmem:s0+$0xC000] =	vst v1;
	s0 =	sor.u32 $0x1C10, s5  }
0x19b: {  	v1 =	vld [tilespmem:s0+$0x4000];
	_ =	sdelay $0x4  }
0x19c: {  	v1 =	vmul.f32 v1, v0;
	_ =	sdelay $0x1  }
0x19d: {  	[tilespmem:s0+$0xC000] =	vst v1;
	s0 =	sor.u32 $0x1C20, s5  }
0x19e: {  	v1 =	vld [tilespmem:s0+$0x4000];
	_ =	sdelay $0x4  }
0x19f: {  	v1 =	vmul.f32 v1, v0;
	_ =	sdelay $0x1  }
0x1a0: {  	[tilespmem:s0+$0xC000] =	vst v1;
	s0 =	sor.u32 $0x1C30, s5  }
0x1a1: {  	v1 =	vld [tilespmem:s0+$0x4000];
	_ =	sdelay $0x4  }
0x1a2: {  	v1 =	vmul.f32 v1, v0;
	_ =	sdelay $0x1  }
0x1a3: {  	[tilespmem:s0+$0xC000] =	vst v1;
	s0 =	sor.u32 $0x1C40, s5  }
0x1a4: {  	v1 =	vld [tilespmem:s0+$0x4000];
	_ =	sdelay $0x4  }
0x1a5: {  	v1 =	vmul.f32 v1, v0;
	_ =	sdelay $0x1  }
0x1a6: {  	[tilespmem:s0+$0xC000] =	vst v1;
	s0 =	sor.u32 $0x1C50, s5  }
0x1a7: {  	v1 =	vld [tilespmem:s0+$0x4000];
	_ =	sdelay $0x4  }
0x1a8: {  	v1 =	vmul.f32 v1, v0;
	_ =	sdelay $0x1  }
0x1a9: {  	[tilespmem:s0+$0xC000] =	vst v1;
	s0 =	sor.u32 $0x1C60, s5  }
0x1aa: {  	v1 =	vld [tilespmem:s0+$0x4000];
	_ =	sdelay $0x4  }
0x1ab: {  	v1 =	vmul.f32 v1, v0;
	_ =	sdelay $0x1  }
0x1ac: {  	s5 =	sor.u32 $0x1C70, s5;
	[tilespmem:s0+$0xC000] =	vst v1  }
0x1ad: {  	v1 =	vld [tilespmem:s5+$0x4000];
	_ =	sdelay $0x1  }
0x1ae: {  	p1 =	sne.s32 s1, $0x780  }
.Ltmp5:
0x1af: {  	_ = 	snop;
	(pc) =	sbr.rel @p1 .LBB2_9-.Ltmp5, $4  }
0x1b0: {  	_ = 	snop  }
0x1b1: {  	v0 =	vmul.f32 v1, v0  }
0x1b2: {  	s29 =	sadd.s32 $0x400, s29;
	s30 =	sadd.s32 $0x10, s30  }
0x1b3: {  	s1 =	sadd.s32 $0x80, s1;
	s28 =	sadd.s32 $0x1, s28;
	s31 =	sadd.s32 $0x400, s31;
	[tilespmem:s5+$0xC000] =	vst v0  }
.Ltmp6:
0x1b4: {  	(pc) =	sbr.rel @p0 .LBB2_12-.Ltmp6, $4  }
0x1b5: {  	s0 =	sadd.s32 s4, s26  }
0x1b6: {  	s0 =	sshll.u32 s0, $0x7  }
0x1b7: {  	s0 =	sadd.s32 s2, s0  }
0x1b8: {  	[hbm4b:s0+s3] =	stream.linear.scatter [tilespmem:s18], [sflag:$0x4], $0x4000, $0x38;
	[tilespmem:$0x12000] =	vst v63  }
.Ltmp7:
0x1b9: {  	(pc) =	sbr.rel .LBB2_6-.Ltmp7, $4  }
0x1ba: {  	_ = 	snop  }
0x1bb: {  	s0 =	sadd.s32 s25, s11  }
0x1bc: {  	s22 =	sadd.s32 $0x1, s22;
	s23 =	sadd.s32 $0x200, s23;
	s24 =	sadd.s32 $0x200, s24  }
0x1bd: {  	[tilespmem:s14], [sflag:$0x2] =	stream.linear.gather [hbm4b:s0+s3], $0x4000, $0x38;
	[tilespmem:$0x12000] =	vst v63  }
.LBB2_13:
0x1be: {  	_ =	sfence.sel $0x180000  }
0x1bf: {  	[bflag:$0x0] =	sbarrier.arrive $0xFFFF  }
0x1c0: {  	_ =	strace $0x90000047  }
0x1c1: {  	s0 =	stileid.u32;
	[bflag:$0x2] =	sbarrier.arrive $0xFFFF  }
0x1c2: {  	p0 =	sne.s32 s0, $0x0;
	s0 =	rddreg [dreg:$0x3]  }
0x1c3: {  	s0 =	sadd.s32 @!p0 $0x100000, s0  }
0x1c4: {  	[sflag:s0] =	ssyncadd.tile.s32 @!p0 $0x1;
	_ =	shalt  }
.Lfunc_end2:
_tile_overlayer_lowered:
.L_overlay_start_2:
0x1c5: {  	(tag) =	ssettag $0x2  }
0x1c6: {  	s0 =	rddreg [dreg:$0x0];
	s2 =	stileid.u32  }
0x1c7: {  	s1 =	rddreg [dreg:$0x1];
	p0 =	sne.s32 s2, $0x0  }
0x1c8: {  	s3 =	rddreg [dreg:$0x2];
	[bflag:$0x3] =	sbarrier.arrive $0xFFFF;
	s2 =	simm.s32 @!p0 $0x1C05  }
0x1c9: {  	[timem:s3], [sflag:s2] =	dma.local @!p0 [hbm:s0], s1  }
0x1ca: {  	s0 =	simm.s32 @!p0 $0x5  }
0x1cb: {  	_ =	swait.ge @!p0 [sflag:s0], s1  }
0x1cc: {  	s1 =	ssub.s32 @!p0 $0x0, s1;
	[sflag:s0] =	ssyncset.done @!p0 $0x0  }
0x1cd: {  	[sflag:s0] =	ssyncadd.s32 @!p0 s1  }
0x1ce: {  	[bflag:$0x3] =	sbarrier.arrive $0xFFFF  }
0x1cf: {  	_ =	shalt  }

</sc_bundles>
